<compile_context>
chip_gen: v7x
topology: tpu7x:2x2x1
jax: 0.10.2.dev20260603
libtpu: 0.0.44.dev20260713+nightly
codegen_flags: <defaults>
</compile_context>

<pallas_src>
import numpy as np
import jax
import jax.numpy as jnp
from jax import lax
from jax.experimental import pallas as pl
from jax.experimental.pallas import tpu as pltpu
from jax.experimental.pallas import tpu_sc as plsc

N = 10000
E = 320000
DIM = 128
G = 1024
BLK = 1024
NBLK = (N + BLK - 1) // BLK

NC = 2
NS = 16
NW = NC * NS
LANES = 16
EPT = E // NW
BATCH = 96
CAP = EPT + 2 * BATCH
SROWS = G + LANES
ZR = SROWS // NS

_half = 32
_om = 1.0 / (10000.0 ** (np.arange(_half, dtype=np.float32) / _half))
_OM2 = np.concatenate([_om, _om, _om, _om]).reshape(1, DIM).astype(np.float32)
_SEL = np.concatenate([np.zeros(64), np.ones(64)]).reshape(1, DIM).astype(np.float32)
_PH = np.concatenate([np.zeros(32), np.full(32, np.pi / 2),
                      np.zeros(32), np.full(32, np.pi / 2)]).reshape(1, DIM)
_PH = _PH.astype(np.float32)


def _silu(v):
    return v * (1.0 / (1.0 + jnp.exp(-v)))


def _prep_body(x_ref, pos_ref, om_ref, sel_ref, ph_ref,
               pW_ref, pb_ref, w1_ref, b1_ref, w2_ref, b2_ref,
               wa_ref, wb_ref, gb1_ref,
               a_ref, b_ref, hg_ref, h_s):
    pid = pl.program_id(0)
    x = x_ref[...]
    pos = pos_ref[...]
    sel = sel_ref[...]
    posc = pos[:, 0:1] * (1.0 - sel) + pos[:, 1:2] * sel
    pe = jnp.sin(posc * om_ref[...] + ph_ref[...])

    @pl.when(pid < 1)
    def _():
        t = _silu(jnp.dot(pe, w1_ref[...], preferred_element_type=jnp.float32)
                  + b1_ref[...])
        u = (jnp.dot(t, w2_ref[...], preferred_element_type=jnp.float32)
             + b2_ref[...])
        h = u + pe
        h_s[...] = h
        b_ref[...] = (jnp.dot(h, wb_ref[...], preferred_element_type=jnp.float32)
                      + gb1_ref[...])
        hg_ref[...] = h

    @pl.when(pid >= 1)
    def _():
        h_s[...] = (x[:, 0:1] * pW_ref[0:1, :] + x[:, 1:2] * pW_ref[1:2, :]
                    + x[:, 2:3] * pW_ref[2:3, :] + pb_ref[...]) + pe

    a_ref[...] = jnp.dot(h_s[...], wa_ref[...],
                         preferred_element_type=jnp.float32)


def _prep(x, pos, proj_W, proj_b, pm_W1, pm_b1, pm_W2, pm_b2, W1a, W1b, g_bm1):
    full = pl.BlockSpec((1, DIM), lambda i: (0, 0))
    mat = pl.BlockSpec((DIM, DIM), lambda i: (0, 0))
    return pl.pallas_call(
        _prep_body,
        grid=(NBLK,),
        in_specs=[
            pl.BlockSpec((BLK, 3), lambda i: (i, 0)),
            pl.BlockSpec((BLK, 2), lambda i: (i, 0)),
            full, full, full,
            pl.BlockSpec((3, DIM), lambda i: (0, 0)), full,
            mat, full, mat, full,
            mat, mat, full,
        ],
        out_specs=[
            pl.BlockSpec((BLK, DIM), lambda i: (i, 0)),
            pl.BlockSpec((BLK, DIM), lambda i: (0, 0)),
            pl.BlockSpec((BLK, DIM), lambda i: (0, 0)),
        ],
        out_shape=[
            jax.ShapeDtypeStruct((N, DIM), jnp.float32),
            jax.ShapeDtypeStruct((SROWS, DIM), jnp.float32),
            jax.ShapeDtypeStruct((G, DIM), jnp.float32),
        ],
        scratch_shapes=[pltpu.VMEM((BLK, DIM), jnp.float32)],
    )(x, pos, jnp.asarray(_OM2), jnp.asarray(_SEL), jnp.asarray(_PH),
      proj_W, proj_b.reshape(1, DIM),
      pm_W1, pm_b1.reshape(1, DIM), pm_W2, pm_b2.reshape(1, DIM),
      W1a, W1b, g_bm1.reshape(1, DIM))


def _edges_body(ei_hbm, a_hbm, b_hbm, s_out, c_out,
                src_v, dst_v, csrc, cdst, sidx0, didx0, sidx1, didx1,
                arow0, brow0, arow1, brow1, ones_r, s_sp, c_sp, b_sp,
                sem_s0, sem_s1, sa0, sb0, sa1, sb1):
    c = lax.axis_index("c")
    s = lax.axis_index("s")
    wid = c * NS + s

    st0 = pltpu.async_copy(ei_hbm.at[pl.ds(wid * EPT, EPT)], src_v, sem_s0)
    st1 = pltpu.async_copy(ei_hbm.at[pl.ds(E + wid * EPT, EPT)], dst_v, sem_s1)

    @plsc.parallel_loop(0, BATCH, 1, unroll=2)
    def _fill(r):
        for k in range(DIM // LANES):
            arow0[r, pl.ds(k * LANES, LANES)] = jnp.zeros((LANES,), jnp.float32)
            ones_r[r, pl.ds(k * LANES, LANES)] = jnp.ones((LANES,), jnp.float32)
    pltpu.sync_copy(arow0.at[pl.ds(0, ZR)], s_sp.at[pl.ds(s * ZR, ZR)])
    pltpu.sync_copy(arow0.at[pl.ds(0, ZR)], c_sp.at[pl.ds(s * ZR, ZR)])
    WB = G // NS
    pltpu.sync_copy(b_hbm.at[pl.ds(s * WB, WB)], b_sp.at[pl.ds(s * WB, WB)])

    @pl.when(s == 0)
    def _():
        pltpu.sync_copy(b_hbm.at[pl.ds(G, SROWS - G)], b_sp.at[pl.ds(G, SROWS - G)])
    st0.wait()
    st1.wait()

    plsc.subcore_barrier()

    def _filt(i, offv):
        d = dst_v[pl.ds(i * LANES, LANES)]
        sv = src_v[pl.ds(i * LANES, LANES)]
        m = d < G
        idx = offv + plsc.cumsum(m.astype(jnp.int32)) - 1
        plsc.store_scatter(cdst, [idx], d, mask=m)
        plsc.store_scatter(csrc, [idx], sv, mask=m)
        return offv + plsc.all_reduce_population_count(m)
    offv = plsc.parallel_loop(0, EPT // LANES, 1, unroll=4,
                              carry=jnp.zeros((LANES,), jnp.int32))(_filt)
    n = jnp.sum(offv) // LANES

    for j in range(BATCH // LANES):
        cdst[pl.ds(n + j * LANES, LANES)] = jnp.full((LANES,), G, jnp.int32)
        csrc[pl.ds(n + j * LANES, LANES)] = jnp.zeros((LANES,), jnp.int32)
    nb = (n + BATCH - 1) // BATCH

    def _fire(b, sidx, didx, ar, br, sa, sb):
        for k in range(BATCH // LANES):
            sidx[pl.ds(k * LANES, LANES)] = csrc[pl.ds(b * BATCH + k * LANES, LANES)]
            didx[pl.ds(k * LANES, LANES)] = cdst[pl.ds(b * BATCH + k * LANES, LANES)]
        pltpu.async_copy(a_hbm.at[sidx], ar, sa)
        pltpu.async_copy(b_sp.at[didx], br, sb)

    def _wait(sidx, didx, ar, br, sa, sb):
        pltpu.make_async_copy(a_hbm.at[sidx], ar, sa).wait()
        pltpu.make_async_copy(b_sp.at[didx], br, sb).wait()

    def _compute_scat(didx, ar, br):
        @plsc.parallel_loop(0, BATCH, 1, unroll=2)
        def _row(r):
            for k in range(DIM // LANES):
                av = ar[r, pl.ds(k * LANES, LANES)]
                bv = br[r, pl.ds(k * LANES, LANES)]
                v = av + bv
                ar[r, pl.ds(k * LANES, LANES)] = v / (1.0 + jnp.exp(-v))
        pltpu.sync_copy(ar, s_sp.at[didx], add=True)
        pltpu.sync_copy(ones_r, c_sp.at[didx], add=True)

    @pl.when(nb > 0)
    def _():
        _fire(0, sidx0, didx0, arow0, brow0, sa0, sb0)

    @pl.when(nb > 1)
    def _():
        _fire(1, sidx1, didx1, arow1, brow1, sa1, sb1)

    def _pair(t, _):
        b0 = 2 * t
        _wait(sidx0, didx0, arow0, brow0, sa0, sb0)
        _compute_scat(didx0, arow0, brow0)

        @pl.when(b0 + 2 < nb)
        def _():
            _fire(b0 + 2, sidx0, didx0, arow0, brow0, sa0, sb0)

        @pl.when(b0 + 1 < nb)
        def _():
            _wait(sidx1, didx1, arow1, brow1, sa1, sb1)
            _compute_scat(didx1, arow1, brow1)

            @pl.when(b0 + 3 < nb)
            def _():
                _fire(b0 + 3, sidx1, didx1, arow1, brow1, sa1, sb1)
        return 0
    lax.fori_loop(0, (nb + 1) // 2, _pair, 0)

    plsc.subcore_barrier()

    WR = G // NS
    pltpu.sync_copy(s_sp.at[pl.ds(s * WR, WR)], s_out.at[c, pl.ds(s * WR, WR)])
    pltpu.sync_copy(c_sp.at[pl.ds(s * WR, WR)], c_out.at[c, pl.ds(s * WR, WR)])


def _edges(ei, A, Bpad):
    mesh = plsc.VectorSubcoreMesh(core_axis_name="c", subcore_axis_name="s")
    fn = pl.kernel(
        _edges_body,
        out_type=[
            jax.ShapeDtypeStruct((NC, G, DIM), jnp.float32),
            jax.ShapeDtypeStruct((NC, G, DIM), jnp.float32),
        ],
        mesh=mesh,
        compiler_params=pltpu.CompilerParams(needs_layout_passes=False),
        scratch_types=[
            pltpu.VMEM((EPT,), jnp.int32),
            pltpu.VMEM((EPT,), jnp.int32),
            pltpu.VMEM((CAP,), jnp.int32),
            pltpu.VMEM((CAP,), jnp.int32),
            pltpu.VMEM((BATCH,), jnp.int32),
            pltpu.VMEM((BATCH,), jnp.int32),
            pltpu.VMEM((BATCH,), jnp.int32),
            pltpu.VMEM((BATCH,), jnp.int32),
            pltpu.VMEM((BATCH, DIM), jnp.float32),
            pltpu.VMEM((BATCH, DIM), jnp.float32),
            pltpu.VMEM((BATCH, DIM), jnp.float32),
            pltpu.VMEM((BATCH, DIM), jnp.float32),
            pltpu.VMEM((BATCH, DIM), jnp.float32),
            pltpu.VMEM_SHARED((SROWS, DIM), jnp.float32),
            pltpu.VMEM_SHARED((SROWS, DIM), jnp.float32),
            pltpu.VMEM_SHARED((SROWS, DIM), jnp.float32),
            pltpu.SemaphoreType.DMA,
            pltpu.SemaphoreType.DMA,
            pltpu.SemaphoreType.DMA,
            pltpu.SemaphoreType.DMA,
            pltpu.SemaphoreType.DMA,
            pltpu.SemaphoreType.DMA,
        ],
    )
    return fn(ei, A, Bpad)


def _finish_body(hg_ref, s_ref, c_ref, w2_ref, b2_ref, o_ref):
    S = s_ref[0] + s_ref[1]
    C = c_ref[0] + c_ref[1]
    agg = jnp.dot(S, w2_ref[...], preferred_element_type=jnp.float32) + C * b2_ref[...]
    o_ref[...] = hg_ref[...] + agg / jnp.maximum(C, 1.0)


def _finish(hg, S2, C2, g_Wm2, g_bm2):
    return pl.pallas_call(
        _finish_body,
        out_shape=jax.ShapeDtypeStruct((G, DIM), jnp.float32),
    )(hg, S2, C2, g_Wm2, g_bm2.reshape(1, DIM))


def kernel(x, pos, batch_idx, edge_index, proj_W, proj_b,
           pm_W1, pm_b1, pm_W2, pm_b2, g_Wm1, g_bm1, g_Wm2, g_bm2):
    ei = edge_index.astype(jnp.int32).reshape(2 * E)
    W1a = g_Wm1[:DIM]
    W1b = g_Wm1[DIM:]
    A, Bpad, hg = _prep(x, pos, proj_W, proj_b,
                        pm_W1, pm_b1, pm_W2, pm_b2, W1a, W1b, g_bm1)
    S2, C2 = _edges(ei, A, Bpad)
    out = _finish(hg, S2, C2, g_Wm2, g_bm2)
    return out.reshape(1, G, DIM)

# --- scband reference (transcript-rebuilt; emitter-appended) ---
"""Pipeline reference for scband-baseline-mesh-embed-49744311222701 (READ-ONLY COPY).

The authoritative reference and input builder live on the scoring server;
editing this copy changes nothing except your own understanding.
"""

import jax, jax.numpy as jnp
import numpy as np

N = 10000
E = 320000
DIM = 128
INPUT_DIM = 3
NDIM = 2
NUM_GRID = 32 * 32  # resolution[0]*resolution[1]


def _silu(x):
    return x * jax.nn.sigmoid(x)


def _sincos_embed(pos):
    # ContinuousSincosEmbed(dim=DIM, ndim=NDIM): split dim across ndim coords,
    # sin/cos frequency embedding per coordinate.
    dim_per = DIM // NDIM          # 64
    half = dim_per // 2            # 32
    omega = 1.0 / (10000.0 ** (jnp.arange(half, dtype=jnp.float32) / half))
    parts = []
    for i in range(NDIM):
        freqs = pos[:, i:i + 1] * omega[None, :]
        parts.append(jnp.concatenate([jnp.sin(freqs), jnp.cos(freqs)], axis=-1))
    return jnp.concatenate(parts, axis=-1)


def setup_inputs(seed: int = 0) -> dict:
    key = jax.random.key(seed)
    ks = jax.random.split(key, 12)
    x = jax.random.normal(ks[0], (N, INPUT_DIM), dtype=jnp.float32)
    pos = jax.random.uniform(ks[1], (N, NDIM), dtype=jnp.float32)
    batch_idx = jnp.zeros((N,), dtype=jnp.int64)
    edge_index = jax.random.randint(ks[2], (2, E), 0, N, dtype=jnp.int64)

    def xavier(k, shape):
        fan_in, fan_out = shape[0], shape[1]
        lim = float(np.sqrt(6.0 / (fan_in + fan_out)))
        return jax.random.uniform(k, shape, dtype=jnp.float32, minval=-lim, maxval=lim)

    proj_W = xavier(ks[3], (INPUT_DIM, DIM))
    proj_b = jnp.zeros((DIM,), dtype=jnp.float32)
    pm_W1 = xavier(ks[4], (DIM, DIM))
    pm_b1 = jnp.zeros((DIM,), dtype=jnp.float32)
    pm_W2 = xavier(ks[5], (DIM, DIM))
    pm_b2 = jnp.zeros((DIM,), dtype=jnp.float32)
    g_Wm1 = xavier(ks[6], (2 * DIM, DIM))
    g_bm1 = jnp.zeros((DIM,), dtype=jnp.float32)
    g_Wm2 = xavier(ks[7], (DIM, DIM))
    g_bm2 = jnp.zeros((DIM,), dtype=jnp.float32)
    return {
        'x': x, 'pos': pos, 'batch_idx': batch_idx, 'edge_index': edge_index,
        'proj_W': proj_W, 'proj_b': proj_b,
        'pm_W1': pm_W1, 'pm_b1': pm_b1, 'pm_W2': pm_W2, 'pm_b2': pm_b2,
        'g_Wm1': g_Wm1, 'g_bm1': g_bm1, 'g_Wm2': g_Wm2, 'g_bm2': g_bm2,
    }


def reference(x, pos, batch_idx, edge_index, proj_W, proj_b,
              pm_W1, pm_b1, pm_W2, pm_b2,
              g_Wm1, g_bm1, g_Wm2, g_bm2):
    counts = jax.ops.segment_sum(jnp.ones_like(batch_idx), batch_idx, num_segments=1)
    start = jnp.repeat(jnp.cumsum(counts) - counts[0], NUM_GRID)
    grid_pos_idx = jnp.tile(jnp.arange(NUM_GRID), counts.shape[0]) + start

    h = x @ proj_W + proj_b
    pe = _sincos_embed(pos)
    pe_grid = pe[grid_pos_idx]
    upd = _silu(pe_grid @ pm_W1 + pm_b1) @ pm_W2 + pm_b2
    h = h.at[grid_pos_idx].set(upd)
    h = h + pe

    # depth=1 GNN layer: message MLP over (x_src, x_dst), mean-aggregated at dst, residual update
    ei = edge_index.T  # [E, 2]
    src = ei[:, 0]
    dst = ei[:, 1]
    m = jnp.concatenate([h[src], h[dst]], axis=-1)
    m = _silu(m @ g_Wm1 + g_bm1) @ g_Wm2 + g_bm2
    agg = jax.ops.segment_sum(m, dst, num_segments=h.shape[0])
    cnt = jax.ops.segment_sum(jnp.ones((dst.shape[0],), dtype=h.dtype), dst, num_segments=h.shape[0])
    h = h + agg / jnp.clip(cnt, 1.0)[:, None]

    out = h[grid_pos_idx]
    out = out.reshape(counts.shape[0], NUM_GRID, DIM)
    return out

if __name__ == "__main__":
    import jax
    _d = setup_inputs()
    print(jax.jit(kernel)(*tuple(_d.values())))

</pallas_src>

<mosaic_0001>
#map = affine_map<(d0, d1) -> (0)>
#map1 = affine_map<(d0, d1) -> (0, 0)>
#map2 = affine_map<(d0, d1) -> (0, 0, 0)>
module attributes {stable_mosaic.version = 14 : i64} {
  func.func @_edges_body(%arg0: i32, %arg1: i32, %arg2: memref<640000xi32, #tpu.memory_space<hbm>>, %arg3: memref<10000x128xf32, #tpu.memory_space<hbm>>, %arg4: memref<1040x128xf32, #tpu.memory_space<hbm>>, %arg5: memref<2x1024x128xf32, #tpu.memory_space<hbm>>, %arg6: memref<2x1024x128xf32, #tpu.memory_space<hbm>>, %arg7: memref<10000xi32, #tpu.memory_space<vmem>>, %arg8: memref<10000xi32, #tpu.memory_space<vmem>>, %arg9: memref<10192xi32, #tpu.memory_space<vmem>>, %arg10: memref<10192xi32, #tpu.memory_space<vmem>>, %arg11: memref<96xi32, #tpu.memory_space<vmem>>, %arg12: memref<96xi32, #tpu.memory_space<vmem>>, %arg13: memref<96xi32, #tpu.memory_space<vmem>>, %arg14: memref<96xi32, #tpu.memory_space<vmem>>, %arg15: memref<96x128xf32, #tpu.memory_space<vmem>>, %arg16: memref<96x128xf32, #tpu.memory_space<vmem>>, %arg17: memref<96x128xf32, #tpu.memory_space<vmem>>, %arg18: memref<96x128xf32, #tpu.memory_space<vmem>>, %arg19: memref<96x128xf32, #tpu.memory_space<vmem>>, %arg20: memref<1040x128xf32, #tpu.memory_space<vmem_shared>>, %arg21: memref<1040x128xf32, #tpu.memory_space<vmem_shared>>, %arg22: memref<1040x128xf32, #tpu.memory_space<vmem_shared>>, %arg23: memref<!tpu.dma_semaphore, #tpu.memory_space<semaphore_mem>>, %arg24: memref<!tpu.dma_semaphore, #tpu.memory_space<semaphore_mem>>, %arg25: memref<!tpu.dma_semaphore, #tpu.memory_space<semaphore_mem>>, %arg26: memref<!tpu.dma_semaphore, #tpu.memory_space<semaphore_mem>>, %arg27: memref<!tpu.dma_semaphore, #tpu.memory_space<semaphore_mem>>, %arg28: memref<!tpu.dma_semaphore, #tpu.memory_space<semaphore_mem>>) attributes {dimension_semantics = [#tpu.dimension_semantics<core_parallel>, #tpu.dimension_semantics<subcore_parallel>], iteration_bounds = array<i64: 2, 16>, scalar_prefetch = 0 : i64, scratch_operands = 22 : i64, tpu.core_type = #tpu.core_type<sc_vector_subcore>, window_params = [{transform_indices = #map}, {transform_indices = #map1}, {transform_indices = #map1}, {transform_indices = #map2}, {transform_indices = #map2}]} {
    %mul3A = arith.constant 16 : i32
    %mul3A_0 = arith.muli %arg0, %mul3A : i32
    %add3A = arith.addi %mul3A_0, %arg1 : i32
    %mul3A_1 = arith.constant 10000 : i32
    %mul3A_2 = arith.muli %add3A, %mul3A_1 : i32
    %dma_start3A = tpu.memref_slice %arg2[%mul3A_2] : memref<640000xi32, #tpu.memory_space<hbm>> -> memref<10000xi32, #tpu.memory_space<hbm>>
    %dma_start3A_3 = tpu.memref_slice %arg2[%mul3A_2] : memref<640000xi32, #tpu.memory_space<hbm>> -> memref<10000xi32, #tpu.memory_space<hbm>>
    tpu.enqueue_dma source(%dma_start3A_3 : memref<10000xi32, #tpu.memory_space<hbm>>) target(%arg7 : memref<10000xi32, #tpu.memory_space<vmem>>) target_semaphore(%arg23 : memref<!tpu.dma_semaphore, #tpu.memory_space<semaphore_mem>>)
    %mul3A_4 = arith.constant 10000 : i32
    %mul3A_5 = arith.muli %add3A, %mul3A_4 : i32
    %add3A_6 = arith.constant 320000 : i32
    %add3A_7 = arith.addi %add3A_6, %mul3A_5 : i32
    %dma_start3A_8 = tpu.memref_slice %arg2[%add3A_7] : memref<640000xi32, #tpu.memory_space<hbm>> -> memref<10000xi32, #tpu.memory_space<hbm>>
    %dma_start3A_9 = tpu.memref_slice %arg2[%add3A_7] : memref<640000xi32, #tpu.memory_space<hbm>> -> memref<10000xi32, #tpu.memory_space<hbm>>
    tpu.enqueue_dma source(%dma_start3A_9 : memref<10000xi32, #tpu.memory_space<hbm>>) target(%arg8 : memref<10000xi32, #tpu.memory_space<vmem>>) target_semaphore(%arg24 : memref<!tpu.dma_semaphore, #tpu.memory_space<semaphore_mem>>)
    %parallel_loop3A = arith.constant 0 : i32
    %parallel_loop3A_10 = arith.constant 96 : i32
    %parallel_loop3A_11 = arith.constant 1 : i32
    scf.for %parallel_loop3A_203 = %parallel_loop3A to %parallel_loop3A_10 step %parallel_loop3A_11  : i32 {
      %parallel_loop3A_204 = arith.constant 0.000000e+00 : f32
      %parallel_loop3A_205 = vector.broadcast %parallel_loop3A_204 : f32 to vector<16xf32>
      %parallel_loop3A_206 = arith.index_cast %parallel_loop3A_203 : i32 to index
      %parallel_loop3A_207 = arith.constant 0 : index
      %parallel_loop3A_208 = tpu.vector_load %arg15[%parallel_loop3A_206, %parallel_loop3A_207] {strides = array<i32>} : memref<96x128xf32, #tpu.memory_space<vmem>>, vector<16xf32>,
      tpu.vector_store %arg15[%parallel_loop3A_206, %parallel_loop3A_207], %parallel_loop3A_205 {strides = array<i32>} : memref<96x128xf32, #tpu.memory_space<vmem>>, vector<16xf32>,
      %parallel_loop3A_209 = arith.constant 1.000000e+00 : f32
      %parallel_loop3A_210 = vector.broadcast %parallel_loop3A_209 : f32 to vector<16xf32>
      %parallel_loop3A_211 = arith.index_cast %parallel_loop3A_203 : i32 to index
      %parallel_loop3A_212 = arith.constant 0 : index
      %parallel_loop3A_213 = tpu.vector_load %arg19[%parallel_loop3A_211, %parallel_loop3A_212] {strides = array<i32>} : memref<96x128xf32, #tpu.memory_space<vmem>>, vector<16xf32>,
      tpu.vector_store %arg19[%parallel_loop3A_211, %parallel_loop3A_212], %parallel_loop3A_210 {strides = array<i32>} : memref<96x128xf32, #tpu.memory_space<vmem>>, vector<16xf32>,
      %parallel_loop3A_214 = arith.constant 0.000000e+00 : f32
      %parallel_loop3A_215 = vector.broadcast %parallel_loop3A_214 : f32 to vector<16xf32>
      %parallel_loop3A_216 = arith.index_cast %parallel_loop3A_203 : i32 to index
      %parallel_loop3A_217 = arith.constant 16 : index
      %parallel_loop3A_218 = tpu.vector_load %arg15[%parallel_loop3A_216, %parallel_loop3A_217] {strides = array<i32>} : memref<96x128xf32, #tpu.memory_space<vmem>>, vector<16xf32>,
      tpu.vector_store %arg15[%parallel_loop3A_216, %parallel_loop3A_217], %parallel_loop3A_215 {strides = array<i32>} : memref<96x128xf32, #tpu.memory_space<vmem>>, vector<16xf32>,
      %parallel_loop3A_219 = arith.constant 1.000000e+00 : f32
      %parallel_loop3A_220 = vector.broadcast %parallel_loop3A_219 : f32 to vector<16xf32>
      %parallel_loop3A_221 = arith.index_cast %parallel_loop3A_203 : i32 to index
      %parallel_loop3A_222 = arith.constant 16 : index
      %parallel_loop3A_223 = tpu.vector_load %arg19[%parallel_loop3A_221, %parallel_loop3A_222] {strides = array<i32>} : memref<96x128xf32, #tpu.memory_space<vmem>>, vector<16xf32>,
      tpu.vector_store %arg19[%parallel_loop3A_221, %parallel_loop3A_222], %parallel_loop3A_220 {strides = array<i32>} : memref<96x128xf32, #tpu.memory_space<vmem>>, vector<16xf32>,
      %parallel_loop3A_224 = arith.constant 0.000000e+00 : f32
      %parallel_loop3A_225 = vector.broadcast %parallel_loop3A_224 : f32 to vector<16xf32>
      %parallel_loop3A_226 = arith.index_cast %parallel_loop3A_203 : i32 to index
      %parallel_loop3A_227 = arith.constant 32 : index
      %parallel_loop3A_228 = tpu.vector_load %arg15[%parallel_loop3A_226, %parallel_loop3A_227] {strides = array<i32>} : memref<96x128xf32, #tpu.memory_space<vmem>>, vector<16xf32>,
      tpu.vector_store %arg15[%parallel_loop3A_226, %parallel_loop3A_227], %parallel_loop3A_225 {strides = array<i32>} : memref<96x128xf32, #tpu.memory_space<vmem>>, vector<16xf32>,
      %parallel_loop3A_229 = arith.constant 1.000000e+00 : f32
      %parallel_loop3A_230 = vector.broadcast %parallel_loop3A_229 : f32 to vector<16xf32>
      %parallel_loop3A_231 = arith.index_cast %parallel_loop3A_203 : i32 to index
      %parallel_loop3A_232 = arith.constant 32 : index
      %parallel_loop3A_233 = tpu.vector_load %arg19[%parallel_loop3A_231, %parallel_loop3A_232] {strides = array<i32>} : memref<96x128xf32, #tpu.memory_space<vmem>>, vector<16xf32>,
      tpu.vector_store %arg19[%parallel_loop3A_231, %parallel_loop3A_232], %parallel_loop3A_230 {strides = array<i32>} : memref<96x128xf32, #tpu.memory_space<vmem>>, vector<16xf32>,
      %parallel_loop3A_234 = arith.constant 0.000000e+00 : f32
      %parallel_loop3A_235 = vector.broadcast %parallel_loop3A_234 : f32 to vector<16xf32>
      %parallel_loop3A_236 = arith.index_cast %parallel_loop3A_203 : i32 to index
      %parallel_loop3A_237 = arith.constant 48 : index
      %parallel_loop3A_238 = tpu.vector_load %arg15[%parallel_loop3A_236, %parallel_loop3A_237] {strides = array<i32>} : memref<96x128xf32, #tpu.memory_space<vmem>>, vector<16xf32>,
      tpu.vector_store %arg15[%parallel_loop3A_236, %parallel_loop3A_237], %parallel_loop3A_235 {strides = array<i32>} : memref<96x128xf32, #tpu.memory_space<vmem>>, vector<16xf32>,
      %parallel_loop3A_239 = arith.constant 1.000000e+00 : f32
      %parallel_loop3A_240 = vector.broadcast %parallel_loop3A_239 : f32 to vector<16xf32>
      %parallel_loop3A_241 = arith.index_cast %parallel_loop3A_203 : i32 to index
      %parallel_loop3A_242 = arith.constant 48 : index
      %parallel_loop3A_243 = tpu.vector_load %arg19[%parallel_loop3A_241, %parallel_loop3A_242] {strides = array<i32>} : memref<96x128xf32, #tpu.memory_space<vmem>>, vector<16xf32>,
      tpu.vector_store %arg19[%parallel_loop3A_241, %parallel_loop3A_242], %parallel_loop3A_240 {strides = array<i32>} : memref<96x128xf32, #tpu.memory_space<vmem>>, vector<16xf32>,
      %parallel_loop3A_244 = arith.constant 0.000000e+00 : f32
      %parallel_loop3A_245 = vector.broadcast %parallel_loop3A_244 : f32 to vector<16xf32>
      %parallel_loop3A_246 = arith.index_cast %parallel_loop3A_203 : i32 to index
      %parallel_loop3A_247 = arith.constant 64 : index
      %parallel_loop3A_248 = tpu.vector_load %arg15[%parallel_loop3A_246, %parallel_loop3A_247] {strides = array<i32>} : memref<96x128xf32, #tpu.memory_space<vmem>>, vector<16xf32>,
      tpu.vector_store %arg15[%parallel_loop3A_246, %parallel_loop3A_247], %parallel_loop3A_245 {strides = array<i32>} : memref<96x128xf32, #tpu.memory_space<vmem>>, vector<16xf32>,
      %parallel_loop3A_249 = arith.constant 1.000000e+00 : f32
      %parallel_loop3A_250 = vector.broadcast %parallel_loop3A_249 : f32 to vector<16xf32>
      %parallel_loop3A_251 = arith.index_cast %parallel_loop3A_203 : i32 to index
      %parallel_loop3A_252 = arith.constant 64 : index
      %parallel_loop3A_253 = tpu.vector_load %arg19[%parallel_loop3A_251, %parallel_loop3A_252] {strides = array<i32>} : memref<96x128xf32, #tpu.memory_space<vmem>>, vector<16xf32>,
      tpu.vector_store %arg19[%parallel_loop3A_251, %parallel_loop3A_252], %parallel_loop3A_250 {strides = array<i32>} : memref<96x128xf32, #tpu.memory_space<vmem>>, vector<16xf32>,
      %parallel_loop3A_254 = arith.constant 0.000000e+00 : f32
      %parallel_loop3A_255 = vector.broadcast %parallel_loop3A_254 : f32 to vector<16xf32>
      %parallel_loop3A_256 = arith.index_cast %parallel_loop3A_203 : i32 to index
      %parallel_loop3A_257 = arith.constant 80 : index
      %parallel_loop3A_258 = tpu.vector_load %arg15[%parallel_loop3A_256, %parallel_loop3A_257] {strides = array<i32>} : memref<96x128xf32, #tpu.memory_space<vmem>>, vector<16xf32>,
      tpu.vector_store %arg15[%parallel_loop3A_256, %parallel_loop3A_257], %parallel_loop3A_255 {strides = array<i32>} : memref<96x128xf32, #tpu.memory_space<vmem>>, vector<16xf32>,
      %parallel_loop3A_259 = arith.constant 1.000000e+00 : f32
      %parallel_loop3A_260 = vector.broadcast %parallel_loop3A_259 : f32 to vector<16xf32>
      %parallel_loop3A_261 = arith.index_cast %parallel_loop3A_203 : i32 to index
      %parallel_loop3A_262 = arith.constant 80 : index
      %parallel_loop3A_263 = tpu.vector_load %arg19[%parallel_loop3A_261, %parallel_loop3A_262] {strides = array<i32>} : memref<96x128xf32, #tpu.memory_space<vmem>>, vector<16xf32>,
      tpu.vector_store %arg19[%parallel_loop3A_261, %parallel_loop3A_262], %parallel_loop3A_260 {strides = array<i32>} : memref<96x128xf32, #tpu.memory_space<vmem>>, vector<16xf32>,
      %parallel_loop3A_264 = arith.constant 0.000000e+00 : f32
      %parallel_loop3A_265 = vector.broadcast %parallel_loop3A_264 : f32 to vector<16xf32>
      %parallel_loop3A_266 = arith.index_cast %parallel_loop3A_203 : i32 to index
      %parallel_loop3A_267 = arith.constant 96 : index
      %parallel_loop3A_268 = tpu.vector_load %arg15[%parallel_loop3A_266, %parallel_loop3A_267] {strides = array<i32>} : memref<96x128xf32, #tpu.memory_space<vmem>>, vector<16xf32>,
      tpu.vector_store %arg15[%parallel_loop3A_266, %parallel_loop3A_267], %parallel_loop3A_265 {strides = array<i32>} : memref<96x128xf32, #tpu.memory_space<vmem>>, vector<16xf32>,
      %parallel_loop3A_269 = arith.constant 1.000000e+00 : f32
      %parallel_loop3A_270 = vector.broadcast %parallel_loop3A_269 : f32 to vector<16xf32>
      %parallel_loop3A_271 = arith.index_cast %parallel_loop3A_203 : i32 to index
      %parallel_loop3A_272 = arith.constant 96 : index
      %parallel_loop3A_273 = tpu.vector_load %arg19[%parallel_loop3A_271, %parallel_loop3A_272] {strides = array<i32>} : memref<96x128xf32, #tpu.memory_space<vmem>>, vector<16xf32>,
      tpu.vector_store %arg19[%parallel_loop3A_271, %parallel_loop3A_272], %parallel_loop3A_270 {strides = array<i32>} : memref<96x128xf32, #tpu.memory_space<vmem>>, vector<16xf32>,
      %parallel_loop3A_274 = arith.constant 0.000000e+00 : f32
      %parallel_loop3A_275 = vector.broadcast %parallel_loop3A_274 : f32 to vector<16xf32>
      %parallel_loop3A_276 = arith.index_cast %parallel_loop3A_203 : i32 to index
      %parallel_loop3A_277 = arith.constant 112 : index
      %parallel_loop3A_278 = tpu.vector_load %arg15[%parallel_loop3A_276, %parallel_loop3A_277] {strides = array<i32>} : memref<96x128xf32, #tpu.memory_space<vmem>>, vector<16xf32>,
      tpu.vector_store %arg15[%parallel_loop3A_276, %parallel_loop3A_277], %parallel_loop3A_275 {strides = array<i32>} : memref<96x128xf32, #tpu.memory_space<vmem>>, vector<16xf32>,
      %parallel_loop3A_279 = arith.constant 1.000000e+00 : f32
      %parallel_loop3A_280 = vector.broadcast %parallel_loop3A_279 : f32 to vector<16xf32>
      %parallel_loop3A_281 = arith.index_cast %parallel_loop3A_203 : i32 to index
      %parallel_loop3A_282 = arith.constant 112 : index
      %parallel_loop3A_283 = tpu.vector_load %arg19[%parallel_loop3A_281, %parallel_loop3A_282] {strides = array<i32>} : memref<96x128xf32, #tpu.memory_space<vmem>>, vector<16xf32>,
      tpu.vector_store %arg19[%parallel_loop3A_281, %parallel_loop3A_282], %parallel_loop3A_280 {strides = array<i32>} : memref<96x128xf32, #tpu.memory_space<vmem>>, vector<16xf32>,
    } {sc.loop_unroll_factor = 2 : i64, sc.parallel_access}
    %mul3A_12 = arith.constant 65 : i32
    %mul3A_13 = arith.muli %arg1, %mul3A_12 : i32
    "tpu.region"() ({
      %run_scoped3A = tpu.sem_alloc : memref<!tpu.dma_semaphore, #tpu.memory_space<semaphore_mem>>
      %dma_start3A_203 = arith.constant 0 : i32
      %dma_start3A_204 = arith.constant 0 : i32
      %dma_start3A_205 = tpu.memref_slice %arg15[%dma_start3A_203, %dma_start3A_204] : memref<96x128xf32, #tpu.memory_space<vmem>> -> memref<65x128xf32, #tpu.memory_space<vmem>>
      %dma_start3A_206 = arith.constant 0 : i32
      %dma_start3A_207 = tpu.memref_slice %arg20[%mul3A_13, %dma_start3A_206] : memref<1040x128xf32, #tpu.memory_space<vmem_shared>> -> memref<65x128xf32, #tpu.memory_space<vmem_shared>>
      %dma_start3A_208 = arith.constant 0 : i32
      %dma_start3A_209 = tpu.memref_slice %arg20[%mul3A_13, %dma_start3A_208] : memref<1040x128xf32, #tpu.memory_space<vmem_shared>> -> memref<65x128xf32, #tpu.memory_space<vmem_shared>>
      %dma_start3A_210 = arith.constant 0 : i32
      %dma_start3A_211 = arith.constant 0 : i32
      %dma_start3A_212 = tpu.memref_slice %arg15[%dma_start3A_210, %dma_start3A_211] : memref<96x128xf32, #tpu.memory_space<vmem>> -> memref<65x128xf32, #tpu.memory_space<vmem>>
      tpu.enqueue_dma source(%dma_start3A_212 : memref<65x128xf32, #tpu.memory_space<vmem>>) target(%dma_start3A_209 : memref<65x128xf32, #tpu.memory_space<vmem_shared>>) target_semaphore(%run_scoped3A : memref<!tpu.dma_semaphore, #tpu.memory_space<semaphore_mem>>)
      %dma_wait3A_213 = arith.constant 0 : i32
      %dma_wait3A_214 = arith.constant 0 : i32
      %dma_wait3A_215 = tpu.memref_slice %arg15[%dma_wait3A_213, %dma_wait3A_214] : memref<96x128xf32, #tpu.memory_space<vmem>> -> memref<65x128xf32, #tpu.memory_space<vmem>>
      %dma_wait3A_216 = arith.constant 0 : i32
      %dma_wait3A_217 = tpu.memref_slice %arg20[%mul3A_13, %dma_wait3A_216] : memref<1040x128xf32, #tpu.memory_space<vmem_shared>> -> memref<65x128xf32, #tpu.memory_space<vmem_shared>>
      %dma_wait3A_218 = arith.constant 0 : i32
      %dma_wait3A_219 = tpu.memref_slice %arg20[%mul3A_13, %dma_wait3A_218] : memref<1040x128xf32, #tpu.memory_space<vmem_shared>> -> memref<65x128xf32, #tpu.memory_space<vmem_shared>>
      %dma_wait3A_220 = arith.constant 0 : i32
      %dma_wait3A_221 = arith.constant 0 : i32
      %dma_wait3A_222 = tpu.memref_slice %arg15[%dma_wait3A_220, %dma_wait3A_221] : memref<96x128xf32, #tpu.memory_space<vmem>> -> memref<65x128xf32, #tpu.memory_space<vmem>>
      tpu.wait_dma2 semaphore(%run_scoped3A : memref<!tpu.dma_semaphore, #tpu.memory_space<semaphore_mem>>) src(%dma_wait3A_222 : memref<65x128xf32, #tpu.memory_space<vmem>>) dst(%dma_wait3A_219 : memref<65x128xf32, #tpu.memory_space<vmem_shared>>)
      tpu.yield
    }) : () -> ()
    %mul3A_14 = arith.constant 65 : i32
    %mul3A_15 = arith.muli %arg1, %mul3A_14 : i32
    "tpu.region"() ({
      %run_scoped3A = tpu.sem_alloc : memref<!tpu.dma_semaphore, #tpu.memory_space<semaphore_mem>>
      %dma_start3A_203 = arith.constant 0 : i32
      %dma_start3A_204 = arith.constant 0 : i32
      %dma_start3A_205 = tpu.memref_slice %arg15[%dma_start3A_203, %dma_start3A_204] : memref<96x128xf32, #tpu.memory_space<vmem>> -> memref<65x128xf32, #tpu.memory_space<vmem>>
      %dma_start3A_206 = arith.constant 0 : i32
      %dma_start3A_207 = tpu.memref_slice %arg21[%mul3A_15, %dma_start3A_206] : memref<1040x128xf32, #tpu.memory_space<vmem_shared>> -> memref<65x128xf32, #tpu.memory_space<vmem_shared>>
      %dma_start3A_208 = arith.constant 0 : i32
      %dma_start3A_209 = tpu.memref_slice %arg21[%mul3A_15, %dma_start3A_208] : memref<1040x128xf32, #tpu.memory_space<vmem_shared>> -> memref<65x128xf32, #tpu.memory_space<vmem_shared>>
      %dma_start3A_210 = arith.constant 0 : i32
      %dma_start3A_211 = arith.constant 0 : i32
      %dma_start3A_212 = tpu.memref_slice %arg15[%dma_start3A_210, %dma_start3A_211] : memref<96x128xf32, #tpu.memory_space<vmem>> -> memref<65x128xf32, #tpu.memory_space<vmem>>
      tpu.enqueue_dma source(%dma_start3A_212 : memref<65x128xf32, #tpu.memory_space<vmem>>) target(%dma_start3A_209 : memref<65x128xf32, #tpu.memory_space<vmem_shared>>) target_semaphore(%run_scoped3A : memref<!tpu.dma_semaphore, #tpu.memory_space<semaphore_mem>>)
      %dma_wait3A_213 = arith.constant 0 : i32
      %dma_wait3A_214 = arith.constant 0 : i32
      %dma_wait3A_215 = tpu.memref_slice %arg15[%dma_wait3A_213, %dma_wait3A_214] : memref<96x128xf32, #tpu.memory_space<vmem>> -> memref<65x128xf32, #tpu.memory_space<vmem>>
      %dma_wait3A_216 = arith.constant 0 : i32
      %dma_wait3A_217 = tpu.memref_slice %arg21[%mul3A_15, %dma_wait3A_216] : memref<1040x128xf32, #tpu.memory_space<vmem_shared>> -> memref<65x128xf32, #tpu.memory_space<vmem_shared>>
      %dma_wait3A_218 = arith.constant 0 : i32
      %dma_wait3A_219 = tpu.memref_slice %arg21[%mul3A_15, %dma_wait3A_218] : memref<1040x128xf32, #tpu.memory_space<vmem_shared>> -> memref<65x128xf32, #tpu.memory_space<vmem_shared>>
      %dma_wait3A_220 = arith.constant 0 : i32
      %dma_wait3A_221 = arith.constant 0 : i32
      %dma_wait3A_222 = tpu.memref_slice %arg15[%dma_wait3A_220, %dma_wait3A_221] : memref<96x128xf32, #tpu.memory_space<vmem>> -> memref<65x128xf32, #tpu.memory_space<vmem>>
      tpu.wait_dma2 semaphore(%run_scoped3A : memref<!tpu.dma_semaphore, #tpu.memory_space<semaphore_mem>>) src(%dma_wait3A_222 : memref<65x128xf32, #tpu.memory_space<vmem>>) dst(%dma_wait3A_219 : memref<65x128xf32, #tpu.memory_space<vmem_shared>>)
      tpu.yield
    }) : () -> ()
    %mul3A_16 = arith.constant 64 : i32
    %mul3A_17 = arith.muli %arg1, %mul3A_16 : i32
    %mul3A_18 = arith.constant 64 : i32
    %mul3A_19 = arith.muli %arg1, %mul3A_18 : i32
    "tpu.region"() ({
      %run_scoped3A = tpu.sem_alloc : memref<!tpu.dma_semaphore, #tpu.memory_space<semaphore_mem>>
      %dma_start3A_203 = arith.constant 0 : i32
      %dma_start3A_204 = tpu.memref_slice %arg22[%mul3A_19, %dma_start3A_203] : memref<1040x128xf32, #tpu.memory_space<vmem_shared>> -> memref<64x128xf32, #tpu.memory_space<vmem_shared>>
      %dma_start3A_205 = arith.constant 0 : i32
      %dma_start3A_206 = tpu.memref_slice %arg4[%mul3A_17, %dma_start3A_205] : memref<1040x128xf32, #tpu.memory_space<hbm>> -> memref<64x128xf32, #tpu.memory_space<hbm>>
      tpu.enqueue_dma source(%dma_start3A_206 : memref<64x128xf32, #tpu.memory_space<hbm>>) target(%dma_start3A_204 : memref<64x128xf32, #tpu.memory_space<vmem_shared>>) target_semaphore(%run_scoped3A : memref<!tpu.dma_semaphore, #tpu.memory_space<semaphore_mem>>)
      %dma_wait3A_207 = arith.constant 0 : i32
      %dma_wait3A_208 = tpu.memref_slice %arg22[%mul3A_19, %dma_wait3A_207] : memref<1040x128xf32, #tpu.memory_space<vmem_shared>> -> memref<64x128xf32, #tpu.memory_space<vmem_shared>>
      %dma_wait3A_209 = arith.constant 0 : i32
      %dma_wait3A_210 = tpu.memref_slice %arg4[%mul3A_17, %dma_wait3A_209] : memref<1040x128xf32, #tpu.memory_space<hbm>> -> memref<64x128xf32, #tpu.memory_space<hbm>>
      tpu.wait_dma2 semaphore(%run_scoped3A : memref<!tpu.dma_semaphore, #tpu.memory_space<semaphore_mem>>) src(%dma_wait3A_210 : memref<64x128xf32, #tpu.memory_space<hbm>>) dst(%dma_wait3A_208 : memref<64x128xf32, #tpu.memory_space<vmem_shared>>)
      tpu.yield
    }) : () -> ()
    %eq3A = arith.constant 0 : i32
    %eq3A_20 = arith.cmpi eq, %arg1, %eq3A : i32
    %convert_element_type3A = arith.extui %eq3A_20 : i1 to i32
    %cond3A = arith.constant 0 : i32
    %cond3A_21 = arith.cmpi ne, %convert_element_type3A, %cond3A : i32
    scf.if %cond3A_21 {
      "tpu.region"() ({
        %run_scoped3A = tpu.sem_alloc : memref<!tpu.dma_semaphore, #tpu.memory_space<semaphore_mem>>
        %dma_start3A_203 = arith.constant 1024 : i32
        %dma_start3A_204 = arith.constant 0 : i32
        %dma_start3A_205 = tpu.memref_slice %arg22[%dma_start3A_203, %dma_start3A_204] : memref<1040x128xf32, #tpu.memory_space<vmem_shared>> -> memref<16x128xf32, #tpu.memory_space<vmem_shared>>
        %dma_start3A_206 = arith.constant 1024 : i32
        %dma_start3A_207 = arith.constant 0 : i32
        %dma_start3A_208 = tpu.memref_slice %arg4[%dma_start3A_206, %dma_start3A_207] : memref<1040x128xf32, #tpu.memory_space<hbm>> -> memref<16x128xf32, #tpu.memory_space<hbm>>
        tpu.enqueue_dma source(%dma_start3A_208 : memref<16x128xf32, #tpu.memory_space<hbm>>) target(%dma_start3A_205 : memref<16x128xf32, #tpu.memory_space<vmem_shared>>) target_semaphore(%run_scoped3A : memref<!tpu.dma_semaphore, #tpu.memory_space<semaphore_mem>>)
        %dma_wait3A_209 = arith.constant 1024 : i32
        %dma_wait3A_210 = arith.constant 0 : i32
        %dma_wait3A_211 = tpu.memref_slice %arg22[%dma_wait3A_209, %dma_wait3A_210] : memref<1040x128xf32, #tpu.memory_space<vmem_shared>> -> memref<16x128xf32, #tpu.memory_space<vmem_shared>>
        %dma_wait3A_212 = arith.constant 1024 : i32
        %dma_wait3A_213 = arith.constant 0 : i32
        %dma_wait3A_214 = tpu.memref_slice %arg4[%dma_wait3A_212, %dma_wait3A_213] : memref<1040x128xf32, #tpu.memory_space<hbm>> -> memref<16x128xf32, #tpu.memory_space<hbm>>
        tpu.wait_dma2 semaphore(%run_scoped3A : memref<!tpu.dma_semaphore, #tpu.memory_space<semaphore_mem>>) src(%dma_wait3A_214 : memref<16x128xf32, #tpu.memory_space<hbm>>) dst(%dma_wait3A_211 : memref<16x128xf32, #tpu.memory_space<vmem_shared>>)
        tpu.yield
      }) : () -> ()
    } else {
    }
    %dma_wait3A = tpu.memref_slice %arg2[%mul3A_2] : memref<640000xi32, #tpu.memory_space<hbm>> -> memref<10000xi32, #tpu.memory_space<hbm>>
    %dma_wait3A_22 = tpu.memref_slice %arg2[%mul3A_2] : memref<640000xi32, #tpu.memory_space<hbm>> -> memref<10000xi32, #tpu.memory_space<hbm>>
    tpu.wait_dma2 semaphore(%arg23 : memref<!tpu.dma_semaphore, #tpu.memory_space<semaphore_mem>>) src(%dma_wait3A_22 : memref<10000xi32, #tpu.memory_space<hbm>>) dst(%arg7 : memref<10000xi32, #tpu.memory_space<vmem>>)
    %dma_wait3A_23 = tpu.memref_slice %arg2[%add3A_7] : memref<640000xi32, #tpu.memory_space<hbm>> -> memref<10000xi32, #tpu.memory_space<hbm>>
    %dma_wait3A_24 = tpu.memref_slice %arg2[%add3A_7] : memref<640000xi32, #tpu.memory_space<hbm>> -> memref<10000xi32, #tpu.memory_space<hbm>>
    tpu.wait_dma2 semaphore(%arg24 : memref<!tpu.dma_semaphore, #tpu.memory_space<semaphore_mem>>) src(%dma_wait3A_24 : memref<10000xi32, #tpu.memory_space<hbm>>) dst(%arg8 : memref<10000xi32, #tpu.memory_space<vmem>>)
    %barrier3A = arith.constant 0 : index
    tpu.barrier barrier_id(%barrier3A)
    %broadcast_in_dim3A = arith.constant 0 : i32
    %broadcast_in_dim3A_25 = vector.broadcast %broadcast_in_dim3A : i32 to vector<16xi32>
    %parallel_loop3A_26 = arith.constant 0 : i32
    %parallel_loop3A_27 = arith.constant 625 : i32
    %parallel_loop3A_28 = arith.constant 1 : i32
    %parallel_loop3A_29 = scf.for %parallel_loop3A_203 = %parallel_loop3A_26 to %parallel_loop3A_27 step %parallel_loop3A_28 iter_args(%parallel_loop3A_204 = %broadcast_in_dim3A_25) -> (vector<16xi32>)  : i32 {
      %parallel_loop3A_205 = arith.constant 16 : i32
      %parallel_loop3A_206 = arith.muli %parallel_loop3A_203, %parallel_loop3A_205 : i32
      %parallel_loop3A_207 = arith.index_cast %parallel_loop3A_206 : i32 to index
      %parallel_loop3A_208 = tpu.vector_load %arg8[%parallel_loop3A_207] {strides = array<i32>} : memref<10000xi32, #tpu.memory_space<vmem>>, vector<16xi32>,
      %parallel_loop3A_209 = arith.constant 16 : i32
      %parallel_loop3A_210 = arith.muli %parallel_loop3A_203, %parallel_loop3A_209 : i32
      %parallel_loop3A_211 = arith.index_cast %parallel_loop3A_210 : i32 to index
      %parallel_loop3A_212 = tpu.vector_load %arg7[%parallel_loop3A_211] {strides = array<i32>} : memref<10000xi32, #tpu.memory_space<vmem>>, vector<16xi32>,
      %parallel_loop3A_213 = arith.constant 1024 : i32
      %parallel_loop3A_214 = vector.broadcast %parallel_loop3A_213 : i32 to vector<16xi32>
      %parallel_loop3A_215 = arith.cmpi slt, %parallel_loop3A_208, %parallel_loop3A_214 : vector<16xi32>
      %parallel_loop3A_216 = arith.extui %parallel_loop3A_215 : vector<16xi1> to vector<16xi32>
      %parallel_loop3A_217 = arith.constant true
      %parallel_loop3A_218 = vector.broadcast %parallel_loop3A_217 : i1 to vector<16xi1>
      %parallel_loop3A_219 = tpu.scan <sum>, %parallel_loop3A_216 masked %parallel_loop3A_218 : vector<16xi32>, vector<16xi1> -> vector<16xi32>
      %parallel_loop3A_220 = arith.addi %parallel_loop3A_204, %parallel_loop3A_219 : vector<16xi32>
      %parallel_loop3A_221 = arith.constant 1 : i32
      %parallel_loop3A_222 = vector.broadcast %parallel_loop3A_221 : i32 to vector<16xi32>
      %parallel_loop3A_223 = arith.subi %parallel_loop3A_220, %parallel_loop3A_222 : vector<16xi32>
      tpu.vector_store_idx %arg10[%parallel_loop3A_223], %parallel_loop3A_208 masked %parallel_loop3A_215 : memref<10192xi32, #tpu.memory_space<vmem>>[vector<16xi32>], vector<16xi32>, vector<16xi1>
      tpu.vector_store_idx %arg9[%parallel_loop3A_223], %parallel_loop3A_212 masked %parallel_loop3A_215 : memref<10192xi32, #tpu.memory_space<vmem>>[vector<16xi32>], vector<16xi32>, vector<16xi1>
      %parallel_loop3A_224 = tpu.all_reduce %parallel_loop3A_215 {dim = 0 : i64, kind = #tpu.reduction_kind<sum>} : vector<16xi1> -> vector<16xi32>
      %parallel_loop3A_225 = arith.addi %parallel_loop3A_204, %parallel_loop3A_224 : vector<16xi32>
      scf.yield %parallel_loop3A_225 : vector<16xi32>
    } {sc.loop_unroll_factor = 4 : i64, sc.parallel_access}
    %reduce_sum3A = arith.constant true
    %reduce_sum3A_30 = vector.broadcast %reduce_sum3A : i1 to vector<16xi1>
    %reduce_sum3A_31 = tpu.scan <sum>, %parallel_loop3A_29 masked %reduce_sum3A_30 : vector<16xi32>, vector<16xi1> -> vector<16xi32>
    %reduce_sum3A_32 = vector.extract %reduce_sum3A_31[15] : i32 from vector<16xi32>
    %jit3A = arith.constant 16 : i32
    %div3A = arith.divsi %reduce_sum3A_32, %jit3A : i32
    %sign3A = arith.constant 0 : i32
    %sign3A_33 = arith.cmpi sgt, %reduce_sum3A_32, %sign3A : i32
    %sign3A_34 = arith.extui %sign3A_33 : i1 to i32
    %sign3A_35 = arith.constant 0 : i32
    %sign3A_36 = arith.cmpi slt, %reduce_sum3A_32, %sign3A_35 : i32
    %sign3A_37 = arith.extui %sign3A_36 : i1 to i32
    %sign3A_38 = arith.subi %sign3A_34, %sign3A_37 : i32
    %sign3A_39 = arith.constant 0 : i32
    %sign3A_40 = arith.cmpi sgt, %jit3A, %sign3A_39 : i32
    %sign3A_41 = arith.extui %sign3A_40 : i1 to i32
    %sign3A_42 = arith.constant 0 : i32
    %sign3A_43 = arith.cmpi slt, %jit3A, %sign3A_42 : i32
    %sign3A_44 = arith.extui %sign3A_43 : i1 to i32
    %sign3A_45 = arith.subi %sign3A_41, %sign3A_44 : i32
    %ne3A = arith.cmpi ne, %sign3A_38, %sign3A_45 : i32
    %rem3A = arith.remsi %reduce_sum3A_32, %jit3A : i32
    %ne3A_46 = arith.constant 0 : i32
    %ne3A_47 = arith.cmpi ne, %rem3A, %ne3A_46 : i32
    %and3A = arith.andi %ne3A, %ne3A_47 : i1
    %sub3A = arith.constant 1 : i32
    %sub3A_48 = arith.subi %div3A, %sub3A : i32
    %select_n3A = arith.select %and3A, %sub3A_48, %div3A : i32
    %broadcast_in_dim3A_49 = arith.constant 1024 : i32
    %broadcast_in_dim3A_50 = vector.broadcast %broadcast_in_dim3A_49 : i32 to vector<16xi32>
    %add3A_51 = arith.constant 0 : i32
    %add3A_52 = arith.addi %select_n3A, %add3A_51 : i32
    %swap3A = arith.index_cast %add3A_52 : i32 to index
    %swap3A_53 = tpu.vector_load %arg10[%swap3A] {strides = array<i32>} : memref<10192xi32, #tpu.memory_space<vmem>>, vector<16xi32>,
    tpu.vector_store %arg10[%swap3A], %broadcast_in_dim3A_50 {strides = array<i32>} : memref<10192xi32, #tpu.memory_space<vmem>>, vector<16xi32>,
    %broadcast_in_dim3A_54 = arith.constant 0 : i32
    %broadcast_in_dim3A_55 = vector.broadcast %broadcast_in_dim3A_54 : i32 to vector<16xi32>
    %add3A_56 = arith.constant 0 : i32
    %add3A_57 = arith.addi %select_n3A, %add3A_56 : i32
    %swap3A_58 = arith.index_cast %add3A_57 : i32 to index
    %swap3A_59 = tpu.vector_load %arg9[%swap3A_58] {strides = array<i32>} : memref<10192xi32, #tpu.memory_space<vmem>>, vector<16xi32>,
    tpu.vector_store %arg9[%swap3A_58], %broadcast_in_dim3A_55 {strides = array<i32>} : memref<10192xi32, #tpu.memory_space<vmem>>, vector<16xi32>,
    %broadcast_in_dim3A_60 = arith.constant 1024 : i32
    %broadcast_in_dim3A_61 = vector.broadcast %broadcast_in_dim3A_60 : i32 to vector<16xi32>
    %add3A_62 = arith.constant 16 : i32
    %add3A_63 = arith.addi %select_n3A, %add3A_62 : i32
    %swap3A_64 = arith.index_cast %add3A_63 : i32 to index
    %swap3A_65 = tpu.vector_load %arg10[%swap3A_64] {strides = array<i32>} : memref<10192xi32, #tpu.memory_space<vmem>>, vector<16xi32>,
    tpu.vector_store %arg10[%swap3A_64], %broadcast_in_dim3A_61 {strides = array<i32>} : memref<10192xi32, #tpu.memory_space<vmem>>, vector<16xi32>,
    %broadcast_in_dim3A_66 = arith.constant 0 : i32
    %broadcast_in_dim3A_67 = vector.broadcast %broadcast_in_dim3A_66 : i32 to vector<16xi32>
    %add3A_68 = arith.constant 16 : i32
    %add3A_69 = arith.addi %select_n3A, %add3A_68 : i32
    %swap3A_70 = arith.index_cast %add3A_69 : i32 to index
    %swap3A_71 = tpu.vector_load %arg9[%swap3A_70] {strides = array<i32>} : memref<10192xi32, #tpu.memory_space<vmem>>, vector<16xi32>,
    tpu.vector_store %arg9[%swap3A_70], %broadcast_in_dim3A_67 {strides = array<i32>} : memref<10192xi32, #tpu.memory_space<vmem>>, vector<16xi32>,
    %broadcast_in_dim3A_72 = arith.constant 1024 : i32
    %broadcast_in_dim3A_73 = vector.broadcast %broadcast_in_dim3A_72 : i32 to vector<16xi32>
    %add3A_74 = arith.constant 32 : i32
    %add3A_75 = arith.addi %select_n3A, %add3A_74 : i32
    %swap3A_76 = arith.index_cast %add3A_75 : i32 to index
    %swap3A_77 = tpu.vector_load %arg10[%swap3A_76] {strides = array<i32>} : memref<10192xi32, #tpu.memory_space<vmem>>, vector<16xi32>,
    tpu.vector_store %arg10[%swap3A_76], %broadcast_in_dim3A_73 {strides = array<i32>} : memref<10192xi32, #tpu.memory_space<vmem>>, vector<16xi32>,
    %broadcast_in_dim3A_78 = arith.constant 0 : i32
    %broadcast_in_dim3A_79 = vector.broadcast %broadcast_in_dim3A_78 : i32 to vector<16xi32>
    %add3A_80 = arith.constant 32 : i32
    %add3A_81 = arith.addi %select_n3A, %add3A_80 : i32
    %swap3A_82 = arith.index_cast %add3A_81 : i32 to index
    %swap3A_83 = tpu.vector_load %arg9[%swap3A_82] {strides = array<i32>} : memref<10192xi32, #tpu.memory_space<vmem>>, vector<16xi32>,
    tpu.vector_store %arg9[%swap3A_82], %broadcast_in_dim3A_79 {strides = array<i32>} : memref<10192xi32, #tpu.memory_space<vmem>>, vector<16xi32>,
    %broadcast_in_dim3A_84 = arith.constant 1024 : i32
    %broadcast_in_dim3A_85 = vector.broadcast %broadcast_in_dim3A_84 : i32 to vector<16xi32>
    %add3A_86 = arith.constant 48 : i32
    %add3A_87 = arith.addi %select_n3A, %add3A_86 : i32
    %swap3A_88 = arith.index_cast %add3A_87 : i32 to index
    %swap3A_89 = tpu.vector_load %arg10[%swap3A_88] {strides = array<i32>} : memref<10192xi32, #tpu.memory_space<vmem>>, vector<16xi32>,
    tpu.vector_store %arg10[%swap3A_88], %broadcast_in_dim3A_85 {strides = array<i32>} : memref<10192xi32, #tpu.memory_space<vmem>>, vector<16xi32>,
    %broadcast_in_dim3A_90 = arith.constant 0 : i32
    %broadcast_in_dim3A_91 = vector.broadcast %broadcast_in_dim3A_90 : i32 to vector<16xi32>
    %add3A_92 = arith.constant 48 : i32
    %add3A_93 = arith.addi %select_n3A, %add3A_92 : i32
    %swap3A_94 = arith.index_cast %add3A_93 : i32 to index
    %swap3A_95 = tpu.vector_load %arg9[%swap3A_94] {strides = array<i32>} : memref<10192xi32, #tpu.memory_space<vmem>>, vector<16xi32>,
    tpu.vector_store %arg9[%swap3A_94], %broadcast_in_dim3A_91 {strides = array<i32>} : memref<10192xi32, #tpu.memory_space<vmem>>, vector<16xi32>,
    %broadcast_in_dim3A_96 = arith.constant 1024 : i32
    %broadcast_in_dim3A_97 = vector.broadcast %broadcast_in_dim3A_96 : i32 to vector<16xi32>
    %add3A_98 = arith.constant 64 : i32
    %add3A_99 = arith.addi %select_n3A, %add3A_98 : i32
    %swap3A_100 = arith.index_cast %add3A_99 : i32 to index
    %swap3A_101 = tpu.vector_load %arg10[%swap3A_100] {strides = array<i32>} : memref<10192xi32, #tpu.memory_space<vmem>>, vector<16xi32>,
    tpu.vector_store %arg10[%swap3A_100], %broadcast_in_dim3A_97 {strides = array<i32>} : memref<10192xi32, #tpu.memory_space<vmem>>, vector<16xi32>,
    %broadcast_in_dim3A_102 = arith.constant 0 : i32
    %broadcast_in_dim3A_103 = vector.broadcast %broadcast_in_dim3A_102 : i32 to vector<16xi32>
    %add3A_104 = arith.constant 64 : i32
    %add3A_105 = arith.addi %select_n3A, %add3A_104 : i32
    %swap3A_106 = arith.index_cast %add3A_105 : i32 to index
    %swap3A_107 = tpu.vector_load %arg9[%swap3A_106] {strides = array<i32>} : memref<10192xi32, #tpu.memory_space<vmem>>, vector<16xi32>,
    tpu.vector_store %arg9[%swap3A_106], %broadcast_in_dim3A_103 {strides = array<i32>} : memref<10192xi32, #tpu.memory_space<vmem>>, vector<16xi32>,
    %broadcast_in_dim3A_108 = arith.constant 1024 : i32
    %broadcast_in_dim3A_109 = vector.broadcast %broadcast_in_dim3A_108 : i32 to vector<16xi32>
    %add3A_110 = arith.constant 80 : i32
    %add3A_111 = arith.addi %select_n3A, %add3A_110 : i32
    %swap3A_112 = arith.index_cast %add3A_111 : i32 to index
    %swap3A_113 = tpu.vector_load %arg10[%swap3A_112] {strides = array<i32>} : memref<10192xi32, #tpu.memory_space<vmem>>, vector<16xi32>,
    tpu.vector_store %arg10[%swap3A_112], %broadcast_in_dim3A_109 {strides = array<i32>} : memref<10192xi32, #tpu.memory_space<vmem>>, vector<16xi32>,
    %broadcast_in_dim3A_114 = arith.constant 0 : i32
    %broadcast_in_dim3A_115 = vector.broadcast %broadcast_in_dim3A_114 : i32 to vector<16xi32>
    %add3A_116 = arith.constant 80 : i32
    %add3A_117 = arith.addi %select_n3A, %add3A_116 : i32
    %swap3A_118 = arith.index_cast %add3A_117 : i32 to index
    %swap3A_119 = tpu.vector_load %arg9[%swap3A_118] {strides = array<i32>} : memref<10192xi32, #tpu.memory_space<vmem>>, vector<16xi32>,
    tpu.vector_store %arg9[%swap3A_118], %broadcast_in_dim3A_115 {strides = array<i32>} : memref<10192xi32, #tpu.memory_space<vmem>>, vector<16xi32>,
    %add3A_120 = arith.constant 96 : i32
    %add3A_121 = arith.addi %select_n3A, %add3A_120 : i32
    %sub3A_122 = arith.constant 1 : i32
    %sub3A_123 = arith.subi %add3A_121, %sub3A_122 : i32
    %jit3A_124 = arith.constant 96 : i32
    %div3A_125 = arith.divsi %sub3A_123, %jit3A_124 : i32
    %sign3A_126 = arith.constant 0 : i32
    %sign3A_127 = arith.cmpi sgt, %sub3A_123, %sign3A_126 : i32
    %sign3A_128 = arith.extui %sign3A_127 : i1 to i32
    %sign3A_129 = arith.constant 0 : i32
    %sign3A_130 = arith.cmpi slt, %sub3A_123, %sign3A_129 : i32
    %sign3A_131 = arith.extui %sign3A_130 : i1 to i32
    %sign3A_132 = arith.subi %sign3A_128, %sign3A_131 : i32
    %sign3A_133 = arith.constant 0 : i32
    %sign3A_134 = arith.cmpi sgt, %jit3A_124, %sign3A_133 : i32
    %sign3A_135 = arith.extui %sign3A_134 : i1 to i32
    %sign3A_136 = arith.constant 0 : i32
    %sign3A_137 = arith.cmpi slt, %jit3A_124, %sign3A_136 : i32
    %sign3A_138 = arith.extui %sign3A_137 : i1 to i32
    %sign3A_139 = arith.subi %sign3A_135, %sign3A_138 : i32
    %ne3A_140 = arith.cmpi ne, %sign3A_132, %sign3A_139 : i32
    %rem3A_141 = arith.remsi %sub3A_123, %jit3A_124 : i32
    %ne3A_142 = arith.constant 0 : i32
    %ne3A_143 = arith.cmpi ne, %rem3A_141, %ne3A_142 : i32
    %and3A_144 = arith.andi %ne3A_140, %ne3A_143 : i1
    %sub3A_145 = arith.constant 1 : i32
    %sub3A_146 = arith.subi %div3A_125, %sub3A_145 : i32
    %select_n3A_147 = arith.select %and3A_144, %sub3A_146, %div3A_125 : i32
    %gt3A = arith.constant 0 : i32
    %gt3A_148 = arith.cmpi sgt, %select_n3A_147, %gt3A : i32
    %convert_element_type3A_149 = arith.extui %gt3A_148 : i1 to i32
    %cond3A_150 = arith.constant 0 : i32
    %cond3A_151 = arith.cmpi ne, %convert_element_type3A_149, %cond3A_150 : i32
    scf.if %cond3A_151 {
      %get3A = arith.constant 0 : index
      %get3A_203 = tpu.vector_load %arg9[%get3A] {strides = array<i32>} : memref<10192xi32, #tpu.memory_space<vmem>>, vector<16xi32>,
      %swap3A_204 = arith.constant 0 : index
      %swap3A_205 = tpu.vector_load %arg11[%swap3A_204] {strides = array<i32>} : memref<96xi32, #tpu.memory_space<vmem>>, vector<16xi32>,
      tpu.vector_store %arg11[%swap3A_204], %get3A_203 {strides = array<i32>} : memref<96xi32, #tpu.memory_space<vmem>>, vector<16xi32>,
      %get3A_206 = arith.constant 0 : index
      %get3A_207 = tpu.vector_load %arg10[%get3A_206] {strides = array<i32>} : memref<10192xi32, #tpu.memory_space<vmem>>, vector<16xi32>,
      %swap3A_208 = arith.constant 0 : index
      %swap3A_209 = tpu.vector_load %arg12[%swap3A_208] {strides = array<i32>} : memref<96xi32, #tpu.memory_space<vmem>>, vector<16xi32>,
      tpu.vector_store %arg12[%swap3A_208], %get3A_207 {strides = array<i32>} : memref<96xi32, #tpu.memory_space<vmem>>, vector<16xi32>,
      %get3A_210 = arith.constant 16 : index
      %get3A_211 = tpu.vector_load %arg9[%get3A_210] {strides = array<i32>} : memref<10192xi32, #tpu.memory_space<vmem>>, vector<16xi32>,
      %swap3A_212 = arith.constant 16 : index
      %swap3A_213 = tpu.vector_load %arg11[%swap3A_212] {strides = array<i32>} : memref<96xi32, #tpu.memory_space<vmem>>, vector<16xi32>,
      tpu.vector_store %arg11[%swap3A_212], %get3A_211 {strides = array<i32>} : memref<96xi32, #tpu.memory_space<vmem>>, vector<16xi32>,
      %get3A_214 = arith.constant 16 : index
      %get3A_215 = tpu.vector_load %arg10[%get3A_214] {strides = array<i32>} : memref<10192xi32, #tpu.memory_space<vmem>>, vector<16xi32>,
      %swap3A_216 = arith.constant 16 : index
      %swap3A_217 = tpu.vector_load %arg12[%swap3A_216] {strides = array<i32>} : memref<96xi32, #tpu.memory_space<vmem>>, vector<16xi32>,
      tpu.vector_store %arg12[%swap3A_216], %get3A_215 {strides = array<i32>} : memref<96xi32, #tpu.memory_space<vmem>>, vector<16xi32>,
      %get3A_218 = arith.constant 32 : index
      %get3A_219 = tpu.vector_load %arg9[%get3A_218] {strides = array<i32>} : memref<10192xi32, #tpu.memory_space<vmem>>, vector<16xi32>,
      %swap3A_220 = arith.constant 32 : index
      %swap3A_221 = tpu.vector_load %arg11[%swap3A_220] {strides = array<i32>} : memref<96xi32, #tpu.memory_space<vmem>>, vector<16xi32>,
      tpu.vector_store %arg11[%swap3A_220], %get3A_219 {strides = array<i32>} : memref<96xi32, #tpu.memory_space<vmem>>, vector<16xi32>,
      %get3A_222 = arith.constant 32 : index
      %get3A_223 = tpu.vector_load %arg10[%get3A_222] {strides = array<i32>} : memref<10192xi32, #tpu.memory_space<vmem>>, vector<16xi32>,
      %swap3A_224 = arith.constant 32 : index
      %swap3A_225 = tpu.vector_load %arg12[%swap3A_224] {strides = array<i32>} : memref<96xi32, #tpu.memory_space<vmem>>, vector<16xi32>,
      tpu.vector_store %arg12[%swap3A_224], %get3A_223 {strides = array<i32>} : memref<96xi32, #tpu.memory_space<vmem>>, vector<16xi32>,
      %get3A_226 = arith.constant 48 : index
      %get3A_227 = tpu.vector_load %arg9[%get3A_226] {strides = array<i32>} : memref<10192xi32, #tpu.memory_space<vmem>>, vector<16xi32>,
      %swap3A_228 = arith.constant 48 : index
      %swap3A_229 = tpu.vector_load %arg11[%swap3A_228] {strides = array<i32>} : memref<96xi32, #tpu.memory_space<vmem>>, vector<16xi32>,
      tpu.vector_store %arg11[%swap3A_228], %get3A_227 {strides = array<i32>} : memref<96xi32, #tpu.memory_space<vmem>>, vector<16xi32>,
      %get3A_230 = arith.constant 48 : index
      %get3A_231 = tpu.vector_load %arg10[%get3A_230] {strides = array<i32>} : memref<10192xi32, #tpu.memory_space<vmem>>, vector<16xi32>,
      %swap3A_232 = arith.constant 48 : index
      %swap3A_233 = tpu.vector_load %arg12[%swap3A_232] {strides = array<i32>} : memref<96xi32, #tpu.memory_space<vmem>>, vector<16xi32>,
      tpu.vector_store %arg12[%swap3A_232], %get3A_231 {strides = array<i32>} : memref<96xi32, #tpu.memory_space<vmem>>, vector<16xi32>,
      %get3A_234 = arith.constant 64 : index
      %get3A_235 = tpu.vector_load %arg9[%get3A_234] {strides = array<i32>} : memref<10192xi32, #tpu.memory_space<vmem>>, vector<16xi32>,
      %swap3A_236 = arith.constant 64 : index
      %swap3A_237 = tpu.vector_load %arg11[%swap3A_236] {strides = array<i32>} : memref<96xi32, #tpu.memory_space<vmem>>, vector<16xi32>,
      tpu.vector_store %arg11[%swap3A_236], %get3A_235 {strides = array<i32>} : memref<96xi32, #tpu.memory_space<vmem>>, vector<16xi32>,
      %get3A_238 = arith.constant 64 : index
      %get3A_239 = tpu.vector_load %arg10[%get3A_238] {strides = array<i32>} : memref<10192xi32, #tpu.memory_space<vmem>>, vector<16xi32>,
      %swap3A_240 = arith.constant 64 : index
      %swap3A_241 = tpu.vector_load %arg12[%swap3A_240] {strides = array<i32>} : memref<96xi32, #tpu.memory_space<vmem>>, vector<16xi32>,
      tpu.vector_store %arg12[%swap3A_240], %get3A_239 {strides = array<i32>} : memref<96xi32, #tpu.memory_space<vmem>>, vector<16xi32>,
      %get3A_242 = arith.constant 80 : index
      %get3A_243 = tpu.vector_load %arg9[%get3A_242] {strides = array<i32>} : memref<10192xi32, #tpu.memory_space<vmem>>, vector<16xi32>,
      %swap3A_244 = arith.constant 80 : index
      %swap3A_245 = tpu.vector_load %arg11[%swap3A_244] {strides = array<i32>} : memref<96xi32, #tpu.memory_space<vmem>>, vector<16xi32>,
      tpu.vector_store %arg11[%swap3A_244], %get3A_243 {strides = array<i32>} : memref<96xi32, #tpu.memory_space<vmem>>, vector<16xi32>,
      %get3A_246 = arith.constant 80 : index
      %get3A_247 = tpu.vector_load %arg10[%get3A_246] {strides = array<i32>} : memref<10192xi32, #tpu.memory_space<vmem>>, vector<16xi32>,
      %swap3A_248 = arith.constant 80 : index
      %swap3A_249 = tpu.vector_load %arg12[%swap3A_248] {strides = array<i32>} : memref<96xi32, #tpu.memory_space<vmem>>, vector<16xi32>,
      tpu.vector_store %arg12[%swap3A_248], %get3A_247 {strides = array<i32>} : memref<96xi32, #tpu.memory_space<vmem>>, vector<16xi32>,
      %dma_start3A_250 = arith.constant 0 : i32
      %dma_start3A_251 = arith.constant 0 : i32
      %dma_start3A_252 = tpu.memref_slice %arg3[%dma_start3A_250, %dma_start3A_251] : memref<10000x128xf32, #tpu.memory_space<hbm>> -> memref<10000x128xf32, #tpu.memory_space<hbm>>
      tpu.enqueue_indirect_dma source(%dma_start3A_252 : memref<10000x128xf32, #tpu.memory_space<hbm>>) target(%arg15 : memref<96x128xf32, #tpu.memory_space<vmem>>) offsets(%arg11 : memref<96xi32, #tpu.memory_space<vmem>>) semaphore(%arg25 : memref<!tpu.dma_semaphore, #tpu.memory_space<semaphore_mem>>)
      %dma_start3A_253 = arith.constant 0 : i32
      %dma_start3A_254 = arith.constant 0 : i32
      %dma_start3A_255 = tpu.memref_slice %arg22[%dma_start3A_253, %dma_start3A_254] : memref<1040x128xf32, #tpu.memory_space<vmem_shared>> -> memref<1040x128xf32, #tpu.memory_space<vmem_shared>>
      tpu.enqueue_indirect_dma source(%dma_start3A_255 : memref<1040x128xf32, #tpu.memory_space<vmem_shared>>) target(%arg16 : memref<96x128xf32, #tpu.memory_space<vmem>>) offsets(%arg12 : memref<96xi32, #tpu.memory_space<vmem>>) semaphore(%arg26 : memref<!tpu.dma_semaphore, #tpu.memory_space<semaphore_mem>>)
    } else {
    }
    %gt3A_152 = arith.constant 1 : i32
    %gt3A_153 = arith.cmpi sgt, %select_n3A_147, %gt3A_152 : i32
    %convert_element_type3A_154 = arith.extui %gt3A_153 : i1 to i32
    %cond3A_155 = arith.constant 0 : i32
    %cond3A_156 = arith.cmpi ne, %convert_element_type3A_154, %cond3A_155 : i32
    scf.if %cond3A_156 {
      %get3A = arith.constant 96 : index
      %get3A_203 = tpu.vector_load %arg9[%get3A] {strides = array<i32>} : memref<10192xi32, #tpu.memory_space<vmem>>, vector<16xi32>,
      %swap3A_204 = arith.constant 0 : index
      %swap3A_205 = tpu.vector_load %arg13[%swap3A_204] {strides = array<i32>} : memref<96xi32, #tpu.memory_space<vmem>>, vector<16xi32>,
      tpu.vector_store %arg13[%swap3A_204], %get3A_203 {strides = array<i32>} : memref<96xi32, #tpu.memory_space<vmem>>, vector<16xi32>,
      %get3A_206 = arith.constant 96 : index
      %get3A_207 = tpu.vector_load %arg10[%get3A_206] {strides = array<i32>} : memref<10192xi32, #tpu.memory_space<vmem>>, vector<16xi32>,
      %swap3A_208 = arith.constant 0 : index
      %swap3A_209 = tpu.vector_load %arg14[%swap3A_208] {strides = array<i32>} : memref<96xi32, #tpu.memory_space<vmem>>, vector<16xi32>,
      tpu.vector_store %arg14[%swap3A_208], %get3A_207 {strides = array<i32>} : memref<96xi32, #tpu.memory_space<vmem>>, vector<16xi32>,
      %get3A_210 = arith.constant 112 : index
      %get3A_211 = tpu.vector_load %arg9[%get3A_210] {strides = array<i32>} : memref<10192xi32, #tpu.memory_space<vmem>>, vector<16xi32>,
      %swap3A_212 = arith.constant 16 : index
      %swap3A_213 = tpu.vector_load %arg13[%swap3A_212] {strides = array<i32>} : memref<96xi32, #tpu.memory_space<vmem>>, vector<16xi32>,
      tpu.vector_store %arg13[%swap3A_212], %get3A_211 {strides = array<i32>} : memref<96xi32, #tpu.memory_space<vmem>>, vector<16xi32>,
      %get3A_214 = arith.constant 112 : index
      %get3A_215 = tpu.vector_load %arg10[%get3A_214] {strides = array<i32>} : memref<10192xi32, #tpu.memory_space<vmem>>, vector<16xi32>,
      %swap3A_216 = arith.constant 16 : index
      %swap3A_217 = tpu.vector_load %arg14[%swap3A_216] {strides = array<i32>} : memref<96xi32, #tpu.memory_space<vmem>>, vector<16xi32>,
      tpu.vector_store %arg14[%swap3A_216], %get3A_215 {strides = array<i32>} : memref<96xi32, #tpu.memory_space<vmem>>, vector<16xi32>,
      %get3A_218 = arith.constant 128 : index
      %get3A_219 = tpu.vector_load %arg9[%get3A_218] {strides = array<i32>} : memref<10192xi32, #tpu.memory_space<vmem>>, vector<16xi32>,
      %swap3A_220 = arith.constant 32 : index
      %swap3A_221 = tpu.vector_load %arg13[%swap3A_220] {strides = array<i32>} : memref<96xi32, #tpu.memory_space<vmem>>, vector<16xi32>,
      tpu.vector_store %arg13[%swap3A_220], %get3A_219 {strides = array<i32>} : memref<96xi32, #tpu.memory_space<vmem>>, vector<16xi32>,
      %get3A_222 = arith.constant 128 : index
      %get3A_223 = tpu.vector_load %arg10[%get3A_222] {strides = array<i32>} : memref<10192xi32, #tpu.memory_space<vmem>>, vector<16xi32>,
      %swap3A_224 = arith.constant 32 : index
      %swap3A_225 = tpu.vector_load %arg14[%swap3A_224] {strides = array<i32>} : memref<96xi32, #tpu.memory_space<vmem>>, vector<16xi32>,
      tpu.vector_store %arg14[%swap3A_224], %get3A_223 {strides = array<i32>} : memref<96xi32, #tpu.memory_space<vmem>>, vector<16xi32>,
      %get3A_226 = arith.constant 144 : index
      %get3A_227 = tpu.vector_load %arg9[%get3A_226] {strides = array<i32>} : memref<10192xi32, #tpu.memory_space<vmem>>, vector<16xi32>,
      %swap3A_228 = arith.constant 48 : index
      %swap3A_229 = tpu.vector_load %arg13[%swap3A_228] {strides = array<i32>} : memref<96xi32, #tpu.memory_space<vmem>>, vector<16xi32>,
      tpu.vector_store %arg13[%swap3A_228], %get3A_227 {strides = array<i32>} : memref<96xi32, #tpu.memory_space<vmem>>, vector<16xi32>,
      %get3A_230 = arith.constant 144 : index
      %get3A_231 = tpu.vector_load %arg10[%get3A_230] {strides = array<i32>} : memref<10192xi32, #tpu.memory_space<vmem>>, vector<16xi32>,
      %swap3A_232 = arith.constant 48 : index
      %swap3A_233 = tpu.vector_load %arg14[%swap3A_232] {strides = array<i32>} : memref<96xi32, #tpu.memory_space<vmem>>, vector<16xi32>,
      tpu.vector_store %arg14[%swap3A_232], %get3A_231 {strides = array<i32>} : memref<96xi32, #tpu.memory_space<vmem>>, vector<16xi32>,
      %get3A_234 = arith.constant 160 : index
      %get3A_235 = tpu.vector_load %arg9[%get3A_234] {strides = array<i32>} : memref<10192xi32, #tpu.memory_space<vmem>>, vector<16xi32>,
      %swap3A_236 = arith.constant 64 : index
      %swap3A_237 = tpu.vector_load %arg13[%swap3A_236] {strides = array<i32>} : memref<96xi32, #tpu.memory_space<vmem>>, vector<16xi32>,
      tpu.vector_store %arg13[%swap3A_236], %get3A_235 {strides = array<i32>} : memref<96xi32, #tpu.memory_space<vmem>>, vector<16xi32>,
      %get3A_238 = arith.constant 160 : index
      %get3A_239 = tpu.vector_load %arg10[%get3A_238] {strides = array<i32>} : memref<10192xi32, #tpu.memory_space<vmem>>, vector<16xi32>,
      %swap3A_240 = arith.constant 64 : index
      %swap3A_241 = tpu.vector_load %arg14[%swap3A_240] {strides = array<i32>} : memref<96xi32, #tpu.memory_space<vmem>>, vector<16xi32>,
      tpu.vector_store %arg14[%swap3A_240], %get3A_239 {strides = array<i32>} : memref<96xi32, #tpu.memory_space<vmem>>, vector<16xi32>,
      %get3A_242 = arith.constant 176 : index
      %get3A_243 = tpu.vector_load %arg9[%get3A_242] {strides = array<i32>} : memref<10192xi32, #tpu.memory_space<vmem>>, vector<16xi32>,
      %swap3A_244 = arith.constant 80 : index
      %swap3A_245 = tpu.vector_load %arg13[%swap3A_244] {strides = array<i32>} : memref<96xi32, #tpu.memory_space<vmem>>, vector<16xi32>,
      tpu.vector_store %arg13[%swap3A_244], %get3A_243 {strides = array<i32>} : memref<96xi32, #tpu.memory_space<vmem>>, vector<16xi32>,
      %get3A_246 = arith.constant 176 : index
      %get3A_247 = tpu.vector_load %arg10[%get3A_246] {strides = array<i32>} : memref<10192xi32, #tpu.memory_space<vmem>>, vector<16xi32>,
      %swap3A_248 = arith.constant 80 : index
      %swap3A_249 = tpu.vector_load %arg14[%swap3A_248] {strides = array<i32>} : memref<96xi32, #tpu.memory_space<vmem>>, vector<16xi32>,
      tpu.vector_store %arg14[%swap3A_248], %get3A_247 {strides = array<i32>} : memref<96xi32, #tpu.memory_space<vmem>>, vector<16xi32>,
      %dma_start3A_250 = arith.constant 0 : i32
      %dma_start3A_251 = arith.constant 0 : i32
      %dma_start3A_252 = tpu.memref_slice %arg3[%dma_start3A_250, %dma_start3A_251] : memref<10000x128xf32, #tpu.memory_space<hbm>> -> memref<10000x128xf32, #tpu.memory_space<hbm>>
      tpu.enqueue_indirect_dma source(%dma_start3A_252 : memref<10000x128xf32, #tpu.memory_space<hbm>>) target(%arg17 : memref<96x128xf32, #tpu.memory_space<vmem>>) offsets(%arg13 : memref<96xi32, #tpu.memory_space<vmem>>) semaphore(%arg27 : memref<!tpu.dma_semaphore, #tpu.memory_space<semaphore_mem>>)
      %dma_start3A_253 = arith.constant 0 : i32
      %dma_start3A_254 = arith.constant 0 : i32
      %dma_start3A_255 = tpu.memref_slice %arg22[%dma_start3A_253, %dma_start3A_254] : memref<1040x128xf32, #tpu.memory_space<vmem_shared>> -> memref<1040x128xf32, #tpu.memory_space<vmem_shared>>
      tpu.enqueue_indirect_dma source(%dma_start3A_255 : memref<1040x128xf32, #tpu.memory_space<vmem_shared>>) target(%arg18 : memref<96x128xf32, #tpu.memory_space<vmem>>) offsets(%arg14 : memref<96xi32, #tpu.memory_space<vmem>>) semaphore(%arg28 : memref<!tpu.dma_semaphore, #tpu.memory_space<semaphore_mem>>)
    } else {
    }
    %add3A_157 = arith.constant 1 : i32
    %add3A_158 = arith.addi %select_n3A_147, %add3A_157 : i32
    %jit3A_159 = arith.constant 2 : i32
    %div3A_160 = arith.divsi %add3A_158, %jit3A_159 : i32
    %sign3A_161 = arith.constant 0 : i32
    %sign3A_162 = arith.cmpi sgt, %add3A_158, %sign3A_161 : i32
    %sign3A_163 = arith.extui %sign3A_162 : i1 to i32
    %sign3A_164 = arith.constant 0 : i32
    %sign3A_165 = arith.cmpi slt, %add3A_158, %sign3A_164 : i32
    %sign3A_166 = arith.extui %sign3A_165 : i1 to i32
    %sign3A_167 = arith.subi %sign3A_163, %sign3A_166 : i32
    %sign3A_168 = arith.constant 0 : i32
    %sign3A_169 = arith.cmpi sgt, %jit3A_159, %sign3A_168 : i32
    %sign3A_170 = arith.extui %sign3A_169 : i1 to i32
    %sign3A_171 = arith.constant 0 : i32
    %sign3A_172 = arith.cmpi slt, %jit3A_159, %sign3A_171 : i32
    %sign3A_173 = arith.extui %sign3A_172 : i1 to i32
    %sign3A_174 = arith.subi %sign3A_170, %sign3A_173 : i32
    %ne3A_175 = arith.cmpi ne, %sign3A_167, %sign3A_174 : i32
    %rem3A_176 = arith.remsi %add3A_158, %jit3A_159 : i32
    %ne3A_177 = arith.constant 0 : i32
    %ne3A_178 = arith.cmpi ne, %rem3A_176, %ne3A_177 : i32
    %and3A_179 = arith.andi %ne3A_175, %ne3A_178 : i1
    %sub3A_180 = arith.constant 1 : i32
    %sub3A_181 = arith.subi %div3A_160, %sub3A_180 : i32
    %select_n3A_182 = arith.select %and3A_179, %sub3A_181, %div3A_160 : i32
    %while3A = arith.constant 0 : i32
    %while3A_183 = arith.constant 0 : i32
    %while3A_184 = arith.subi %select_n3A_182, %while3A : i32
    %while3A_185 = arith.addi %while3A, %while3A_184 : i32
    %while3A_186 = arith.constant 1 : i32
    %while3A_187 = arith.divsi %while3A_184, %while3A_186 : i32
    %while3A_188 = arith.muli %while3A_187, %while3A_186 : i32
    %while3A_189 = arith.addi %while3A, %while3A_188 : i32
    %while3A_190 = arith.constant 1 : i32
    %while3A_191 = scf.for %while3A_203 = %while3A to %while3A_189 step %while3A_190 iter_args(%while3A_204 = %while3A_183) -> (i32)  : i32 {
      %mul3A_205 = arith.constant 2 : i32
      %mul3A_206 = arith.muli %mul3A_205, %while3A_203 : i32
      %dma_wait3A_207 = arith.constant 0 : i32
      %dma_wait3A_208 = arith.constant 0 : i32
      %dma_wait3A_209 = tpu.memref_slice %arg3[%dma_wait3A_207, %dma_wait3A_208] : memref<10000x128xf32, #tpu.memory_space<hbm>> -> memref<10000x128xf32, #tpu.memory_space<hbm>>
      tpu.wait_indirect_dma semaphore(%arg25 : memref<!tpu.dma_semaphore, #tpu.memory_space<semaphore_mem>>) src(%dma_wait3A_209 : memref<10000x128xf32, #tpu.memory_space<hbm>>) dst(%arg15 : memref<96x128xf32, #tpu.memory_space<vmem>>)
      %dma_wait3A_210 = arith.constant 0 : i32
      %dma_wait3A_211 = arith.constant 0 : i32
      %dma_wait3A_212 = tpu.memref_slice %arg22[%dma_wait3A_210, %dma_wait3A_211] : memref<1040x128xf32, #tpu.memory_space<vmem_shared>> -> memref<1040x128xf32, #tpu.memory_space<vmem_shared>>
      tpu.wait_indirect_dma semaphore(%arg26 : memref<!tpu.dma_semaphore, #tpu.memory_space<semaphore_mem>>) src(%dma_wait3A_212 : memref<1040x128xf32, #tpu.memory_space<vmem_shared>>) dst(%arg16 : memref<96x128xf32, #tpu.memory_space<vmem>>)
      %parallel_loop3A_213 = arith.constant 0 : i32
      %parallel_loop3A_214 = arith.constant 96 : i32
      %parallel_loop3A_215 = arith.constant 1 : i32
      scf.for %parallel_loop3A_228 = %parallel_loop3A_213 to %parallel_loop3A_214 step %parallel_loop3A_215  : i32 {
        %parallel_loop3A_229 = arith.index_cast %parallel_loop3A_228 : i32 to index
        %parallel_loop3A_230 = arith.constant 0 : index
        %parallel_loop3A_231 = tpu.vector_load %arg15[%parallel_loop3A_229, %parallel_loop3A_230] {strides = array<i32>} : memref<96x128xf32, #tpu.memory_space<vmem>>, vector<16xf32>,
        %parallel_loop3A_232 = arith.index_cast %parallel_loop3A_228 : i32 to index
        %parallel_loop3A_233 = arith.constant 0 : index
        %parallel_loop3A_234 = tpu.vector_load %arg16[%parallel_loop3A_232, %parallel_loop3A_233] {strides = array<i32>} : memref<96x128xf32, #tpu.memory_space<vmem>>, vector<16xf32>,
        %parallel_loop3A_235 = arith.addf %parallel_loop3A_231, %parallel_loop3A_234 : vector<16xf32>
        %parallel_loop3A_236 = arith.constant 0.000000e+00 : f32
        %parallel_loop3A_237 = vector.broadcast %parallel_loop3A_236 : f32 to vector<16xf32>
        %parallel_loop3A_238 = arith.subf %parallel_loop3A_237, %parallel_loop3A_235 : vector<16xf32>
        %parallel_loop3A_239 = math.exp %parallel_loop3A_238 : vector<16xf32>
        %parallel_loop3A_240 = arith.constant 1.000000e+00 : f32
        %parallel_loop3A_241 = vector.broadcast %parallel_loop3A_240 : f32 to vector<16xf32>
        %parallel_loop3A_242 = arith.addf %parallel_loop3A_241, %parallel_loop3A_239 : vector<16xf32>
        %parallel_loop3A_243 = arith.divf %parallel_loop3A_235, %parallel_loop3A_242 : vector<16xf32>
        %parallel_loop3A_244 = arith.index_cast %parallel_loop3A_228 : i32 to index
        %parallel_loop3A_245 = arith.constant 0 : index
        %parallel_loop3A_246 = tpu.vector_load %arg15[%parallel_loop3A_244, %parallel_loop3A_245] {strides = array<i32>} : memref<96x128xf32, #tpu.memory_space<vmem>>, vector<16xf32>,
        tpu.vector_store %arg15[%parallel_loop3A_244, %parallel_loop3A_245], %parallel_loop3A_243 {strides = array<i32>} : memref<96x128xf32, #tpu.memory_space<vmem>>, vector<16xf32>,
        %parallel_loop3A_247 = arith.index_cast %parallel_loop3A_228 : i32 to index
        %parallel_loop3A_248 = arith.constant 16 : index
        %parallel_loop3A_249 = tpu.vector_load %arg15[%parallel_loop3A_247, %parallel_loop3A_248] {strides = array<i32>} : memref<96x128xf32, #tpu.memory_space<vmem>>, vector<16xf32>,
        %parallel_loop3A_250 = arith.index_cast %parallel_loop3A_228 : i32 to index
        %parallel_loop3A_251 = arith.constant 16 : index
        %parallel_loop3A_252 = tpu.vector_load %arg16[%parallel_loop3A_250, %parallel_loop3A_251] {strides = array<i32>} : memref<96x128xf32, #tpu.memory_space<vmem>>, vector<16xf32>,
        %parallel_loop3A_253 = arith.addf %parallel_loop3A_249, %parallel_loop3A_252 : vector<16xf32>
        %parallel_loop3A_254 = arith.constant 0.000000e+00 : f32
        %parallel_loop3A_255 = vector.broadcast %parallel_loop3A_254 : f32 to vector<16xf32>
        %parallel_loop3A_256 = arith.subf %parallel_loop3A_255, %parallel_loop3A_253 : vector<16xf32>
        %parallel_loop3A_257 = math.exp %parallel_loop3A_256 : vector<16xf32>
        %parallel_loop3A_258 = arith.constant 1.000000e+00 : f32
        %parallel_loop3A_259 = vector.broadcast %parallel_loop3A_258 : f32 to vector<16xf32>
        %parallel_loop3A_260 = arith.addf %parallel_loop3A_259, %parallel_loop3A_257 : vector<16xf32>
        %parallel_loop3A_261 = arith.divf %parallel_loop3A_253, %parallel_loop3A_260 : vector<16xf32>
        %parallel_loop3A_262 = arith.index_cast %parallel_loop3A_228 : i32 to index
        %parallel_loop3A_263 = arith.constant 16 : index
        %parallel_loop3A_264 = tpu.vector_load %arg15[%parallel_loop3A_262, %parallel_loop3A_263] {strides = array<i32>} : memref<96x128xf32, #tpu.memory_space<vmem>>, vector<16xf32>,
        tpu.vector_store %arg15[%parallel_loop3A_262, %parallel_loop3A_263], %parallel_loop3A_261 {strides = array<i32>} : memref<96x128xf32, #tpu.memory_space<vmem>>, vector<16xf32>,
        %parallel_loop3A_265 = arith.index_cast %parallel_loop3A_228 : i32 to index
        %parallel_loop3A_266 = arith.constant 32 : index
        %parallel_loop3A_267 = tpu.vector_load %arg15[%parallel_loop3A_265, %parallel_loop3A_266] {strides = array<i32>} : memref<96x128xf32, #tpu.memory_space<vmem>>, vector<16xf32>,
        %parallel_loop3A_268 = arith.index_cast %parallel_loop3A_228 : i32 to index
        %parallel_loop3A_269 = arith.constant 32 : index
        %parallel_loop3A_270 = tpu.vector_load %arg16[%parallel_loop3A_268, %parallel_loop3A_269] {strides = array<i32>} : memref<96x128xf32, #tpu.memory_space<vmem>>, vector<16xf32>,
        %parallel_loop3A_271 = arith.addf %parallel_loop3A_267, %parallel_loop3A_270 : vector<16xf32>
        %parallel_loop3A_272 = arith.constant 0.000000e+00 : f32
        %parallel_loop3A_273 = vector.broadcast %parallel_loop3A_272 : f32 to vector<16xf32>
        %parallel_loop3A_274 = arith.subf %parallel_loop3A_273, %parallel_loop3A_271 : vector<16xf32>
        %parallel_loop3A_275 = math.exp %parallel_loop3A_274 : vector<16xf32>
        %parallel_loop3A_276 = arith.constant 1.000000e+00 : f32
        %parallel_loop3A_277 = vector.broadcast %parallel_loop3A_276 : f32 to vector<16xf32>
        %parallel_loop3A_278 = arith.addf %parallel_loop3A_277, %parallel_loop3A_275 : vector<16xf32>
        %parallel_loop3A_279 = arith.divf %parallel_loop3A_271, %parallel_loop3A_278 : vector<16xf32>
        %parallel_loop3A_280 = arith.index_cast %parallel_loop3A_228 : i32 to index
        %parallel_loop3A_281 = arith.constant 32 : index
        %parallel_loop3A_282 = tpu.vector_load %arg15[%parallel_loop3A_280, %parallel_loop3A_281] {strides = array<i32>} : memref<96x128xf32, #tpu.memory_space<vmem>>, vector<16xf32>,
        tpu.vector_store %arg15[%parallel_loop3A_280, %parallel_loop3A_281], %parallel_loop3A_279 {strides = array<i32>} : memref<96x128xf32, #tpu.memory_space<vmem>>, vector<16xf32>,
        %parallel_loop3A_283 = arith.index_cast %parallel_loop3A_228 : i32 to index
        %parallel_loop3A_284 = arith.constant 48 : index
        %parallel_loop3A_285 = tpu.vector_load %arg15[%parallel_loop3A_283, %parallel_loop3A_284] {strides = array<i32>} : memref<96x128xf32, #tpu.memory_space<vmem>>, vector<16xf32>,
        %parallel_loop3A_286 = arith.index_cast %parallel_loop3A_228 : i32 to index
        %parallel_loop3A_287 = arith.constant 48 : index
        %parallel_loop3A_288 = tpu.vector_load %arg16[%parallel_loop3A_286, %parallel_loop3A_287] {strides = array<i32>} : memref<96x128xf32, #tpu.memory_space<vmem>>, vector<16xf32>,
        %parallel_loop3A_289 = arith.addf %parallel_loop3A_285, %parallel_loop3A_288 : vector<16xf32>
        %parallel_loop3A_290 = arith.constant 0.000000e+00 : f32
        %parallel_loop3A_291 = vector.broadcast %parallel_loop3A_290 : f32 to vector<16xf32>
        %parallel_loop3A_292 = arith.subf %parallel_loop3A_291, %parallel_loop3A_289 : vector<16xf32>
        %parallel_loop3A_293 = math.exp %parallel_loop3A_292 : vector<16xf32>
        %parallel_loop3A_294 = arith.constant 1.000000e+00 : f32
        %parallel_loop3A_295 = vector.broadcast %parallel_loop3A_294 : f32 to vector<16xf32>
        %parallel_loop3A_296 = arith.addf %parallel_loop3A_295, %parallel_loop3A_293 : vector<16xf32>
        %parallel_loop3A_297 = arith.divf %parallel_loop3A_289, %parallel_loop3A_296 : vector<16xf32>
        %parallel_loop3A_298 = arith.index_cast %parallel_loop3A_228 : i32 to index
        %parallel_loop3A_299 = arith.constant 48 : index
        %parallel_loop3A_300 = tpu.vector_load %arg15[%parallel_loop3A_298, %parallel_loop3A_299] {strides = array<i32>} : memref<96x128xf32, #tpu.memory_space<vmem>>, vector<16xf32>,
        tpu.vector_store %arg15[%parallel_loop3A_298, %parallel_loop3A_299], %parallel_loop3A_297 {strides = array<i32>} : memref<96x128xf32, #tpu.memory_space<vmem>>, vector<16xf32>,
        %parallel_loop3A_301 = arith.index_cast %parallel_loop3A_228 : i32 to index
        %parallel_loop3A_302 = arith.constant 64 : index
        %parallel_loop3A_303 = tpu.vector_load %arg15[%parallel_loop3A_301, %parallel_loop3A_302] {strides = array<i32>} : memref<96x128xf32, #tpu.memory_space<vmem>>, vector<16xf32>,
        %parallel_loop3A_304 = arith.index_cast %parallel_loop3A_228 : i32 to index
        %parallel_loop3A_305 = arith.constant 64 : index
        %parallel_loop3A_306 = tpu.vector_load %arg16[%parallel_loop3A_304, %parallel_loop3A_305] {strides = array<i32>} : memref<96x128xf32, #tpu.memory_space<vmem>>, vector<16xf32>,
        %parallel_loop3A_307 = arith.addf %parallel_loop3A_303, %parallel_loop3A_306 : vector<16xf32>
        %parallel_loop3A_308 = arith.constant 0.000000e+00 : f32
        %parallel_loop3A_309 = vector.broadcast %parallel_loop3A_308 : f32 to vector<16xf32>
        %parallel_loop3A_310 = arith.subf %parallel_loop3A_309, %parallel_loop3A_307 : vector<16xf32>
        %parallel_loop3A_311 = math.exp %parallel_loop3A_310 : vector<16xf32>
        %parallel_loop3A_312 = arith.constant 1.000000e+00 : f32
        %parallel_loop3A_313 = vector.broadcast %parallel_loop3A_312 : f32 to vector<16xf32>
        %parallel_loop3A_314 = arith.addf %parallel_loop3A_313, %parallel_loop3A_311 : vector<16xf32>
        %parallel_loop3A_315 = arith.divf %parallel_loop3A_307, %parallel_loop3A_314 : vector<16xf32>
        %parallel_loop3A_316 = arith.index_cast %parallel_loop3A_228 : i32 to index
        %parallel_loop3A_317 = arith.constant 64 : index
        %parallel_loop3A_318 = tpu.vector_load %arg15[%parallel_loop3A_316, %parallel_loop3A_317] {strides = array<i32>} : memref<96x128xf32, #tpu.memory_space<vmem>>, vector<16xf32>,
        tpu.vector_store %arg15[%parallel_loop3A_316, %parallel_loop3A_317], %parallel_loop3A_315 {strides = array<i32>} : memref<96x128xf32, #tpu.memory_space<vmem>>, vector<16xf32>,
        %parallel_loop3A_319 = arith.index_cast %parallel_loop3A_228 : i32 to index
        %parallel_loop3A_320 = arith.constant 80 : index
        %parallel_loop3A_321 = tpu.vector_load %arg15[%parallel_loop3A_319, %parallel_loop3A_320] {strides = array<i32>} : memref<96x128xf32, #tpu.memory_space<vmem>>, vector<16xf32>,
        %parallel_loop3A_322 = arith.index_cast %parallel_loop3A_228 : i32 to index
        %parallel_loop3A_323 = arith.constant 80 : index
        %parallel_loop3A_324 = tpu.vector_load %arg16[%parallel_loop3A_322, %parallel_loop3A_323] {strides = array<i32>} : memref<96x128xf32, #tpu.memory_space<vmem>>, vector<16xf32>,
        %parallel_loop3A_325 = arith.addf %parallel_loop3A_321, %parallel_loop3A_324 : vector<16xf32>
        %parallel_loop3A_326 = arith.constant 0.000000e+00 : f32
        %parallel_loop3A_327 = vector.broadcast %parallel_loop3A_326 : f32 to vector<16xf32>
        %parallel_loop3A_328 = arith.subf %parallel_loop3A_327, %parallel_loop3A_325 : vector<16xf32>
        %parallel_loop3A_329 = math.exp %parallel_loop3A_328 : vector<16xf32>
        %parallel_loop3A_330 = arith.constant 1.000000e+00 : f32
        %parallel_loop3A_331 = vector.broadcast %parallel_loop3A_330 : f32 to vector<16xf32>
        %parallel_loop3A_332 = arith.addf %parallel_loop3A_331, %parallel_loop3A_329 : vector<16xf32>
        %parallel_loop3A_333 = arith.divf %parallel_loop3A_325, %parallel_loop3A_332 : vector<16xf32>
        %parallel_loop3A_334 = arith.index_cast %parallel_loop3A_228 : i32 to index
        %parallel_loop3A_335 = arith.constant 80 : index
        %parallel_loop3A_336 = tpu.vector_load %arg15[%parallel_loop3A_334, %parallel_loop3A_335] {strides = array<i32>} : memref<96x128xf32, #tpu.memory_space<vmem>>, vector<16xf32>,
        tpu.vector_store %arg15[%parallel_loop3A_334, %parallel_loop3A_335], %parallel_loop3A_333 {strides = array<i32>} : memref<96x128xf32, #tpu.memory_space<vmem>>, vector<16xf32>,
        %parallel_loop3A_337 = arith.index_cast %parallel_loop3A_228 : i32 to index
        %parallel_loop3A_338 = arith.constant 96 : index
        %parallel_loop3A_339 = tpu.vector_load %arg15[%parallel_loop3A_337, %parallel_loop3A_338] {strides = array<i32>} : memref<96x128xf32, #tpu.memory_space<vmem>>, vector<16xf32>,
        %parallel_loop3A_340 = arith.index_cast %parallel_loop3A_228 : i32 to index
        %parallel_loop3A_341 = arith.constant 96 : index
        %parallel_loop3A_342 = tpu.vector_load %arg16[%parallel_loop3A_340, %parallel_loop3A_341] {strides = array<i32>} : memref<96x128xf32, #tpu.memory_space<vmem>>, vector<16xf32>,
        %parallel_loop3A_343 = arith.addf %parallel_loop3A_339, %parallel_loop3A_342 : vector<16xf32>
        %parallel_loop3A_344 = arith.constant 0.000000e+00 : f32
        %parallel_loop3A_345 = vector.broadcast %parallel_loop3A_344 : f32 to vector<16xf32>
        %parallel_loop3A_346 = arith.subf %parallel_loop3A_345, %parallel_loop3A_343 : vector<16xf32>
        %parallel_loop3A_347 = math.exp %parallel_loop3A_346 : vector<16xf32>
        %parallel_loop3A_348 = arith.constant 1.000000e+00 : f32
        %parallel_loop3A_349 = vector.broadcast %parallel_loop3A_348 : f32 to vector<16xf32>
        %parallel_loop3A_350 = arith.addf %parallel_loop3A_349, %parallel_loop3A_347 : vector<16xf32>
        %parallel_loop3A_351 = arith.divf %parallel_loop3A_343, %parallel_loop3A_350 : vector<16xf32>
        %parallel_loop3A_352 = arith.index_cast %parallel_loop3A_228 : i32 to index
        %parallel_loop3A_353 = arith.constant 96 : index
        %parallel_loop3A_354 = tpu.vector_load %arg15[%parallel_loop3A_352, %parallel_loop3A_353] {strides = array<i32>} : memref<96x128xf32, #tpu.memory_space<vmem>>, vector<16xf32>,
        tpu.vector_store %arg15[%parallel_loop3A_352, %parallel_loop3A_353], %parallel_loop3A_351 {strides = array<i32>} : memref<96x128xf32, #tpu.memory_space<vmem>>, vector<16xf32>,
        %parallel_loop3A_355 = arith.index_cast %parallel_loop3A_228 : i32 to index
        %parallel_loop3A_356 = arith.constant 112 : index
        %parallel_loop3A_357 = tpu.vector_load %arg15[%parallel_loop3A_355, %parallel_loop3A_356] {strides = array<i32>} : memref<96x128xf32, #tpu.memory_space<vmem>>, vector<16xf32>,
        %parallel_loop3A_358 = arith.index_cast %parallel_loop3A_228 : i32 to index
        %parallel_loop3A_359 = arith.constant 112 : index
        %parallel_loop3A_360 = tpu.vector_load %arg16[%parallel_loop3A_358, %parallel_loop3A_359] {strides = array<i32>} : memref<96x128xf32, #tpu.memory_space<vmem>>, vector<16xf32>,
        %parallel_loop3A_361 = arith.addf %parallel_loop3A_357, %parallel_loop3A_360 : vector<16xf32>
        %parallel_loop3A_362 = arith.constant 0.000000e+00 : f32
        %parallel_loop3A_363 = vector.broadcast %parallel_loop3A_362 : f32 to vector<16xf32>
        %parallel_loop3A_364 = arith.subf %parallel_loop3A_363, %parallel_loop3A_361 : vector<16xf32>
        %parallel_loop3A_365 = math.exp %parallel_loop3A_364 : vector<16xf32>
        %parallel_loop3A_366 = arith.constant 1.000000e+00 : f32
        %parallel_loop3A_367 = vector.broadcast %parallel_loop3A_366 : f32 to vector<16xf32>
        %parallel_loop3A_368 = arith.addf %parallel_loop3A_367, %parallel_loop3A_365 : vector<16xf32>
        %parallel_loop3A_369 = arith.divf %parallel_loop3A_361, %parallel_loop3A_368 : vector<16xf32>
        %parallel_loop3A_370 = arith.index_cast %parallel_loop3A_228 : i32 to index
        %parallel_loop3A_371 = arith.constant 112 : index
        %parallel_loop3A_372 = tpu.vector_load %arg15[%parallel_loop3A_370, %parallel_loop3A_371] {strides = array<i32>} : memref<96x128xf32, #tpu.memory_space<vmem>>, vector<16xf32>,
        tpu.vector_store %arg15[%parallel_loop3A_370, %parallel_loop3A_371], %parallel_loop3A_369 {strides = array<i32>} : memref<96x128xf32, #tpu.memory_space<vmem>>, vector<16xf32>,
      } {sc.loop_unroll_factor = 2 : i64, sc.parallel_access}
      "tpu.region"() ({
        %run_scoped3A = tpu.sem_alloc : memref<!tpu.dma_semaphore, #tpu.memory_space<semaphore_mem>>
        %dma_start3A_228 = arith.constant 0 : i32
        %dma_start3A_229 = arith.constant 0 : i32
        %dma_start3A_230 = tpu.memref_slice %arg20[%dma_start3A_228, %dma_start3A_229] : memref<1040x128xf32, #tpu.memory_space<vmem_shared>> -> memref<1040x128xf32, #tpu.memory_space<vmem_shared>>
        tpu.enqueue_indirect_dma source(%arg15 : memref<96x128xf32, #tpu.memory_space<vmem>>) target(%dma_start3A_230 : memref<1040x128xf32, #tpu.memory_space<vmem_shared>>) offsets(%arg12 : memref<96xi32, #tpu.memory_space<vmem>>) semaphore(%run_scoped3A : memref<!tpu.dma_semaphore, #tpu.memory_space<semaphore_mem>>) {add = true}
        %dma_wait3A_231 = arith.constant 0 : i32
        %dma_wait3A_232 = arith.constant 0 : i32
        %dma_wait3A_233 = tpu.memref_slice %arg20[%dma_wait3A_231, %dma_wait3A_232] : memref<1040x128xf32, #tpu.memory_space<vmem_shared>> -> memref<1040x128xf32, #tpu.memory_space<vmem_shared>>
        tpu.wait_indirect_dma semaphore(%run_scoped3A : memref<!tpu.dma_semaphore, #tpu.memory_space<semaphore_mem>>) src(%arg15 : memref<96x128xf32, #tpu.memory_space<vmem>>) dst(%dma_wait3A_233 : memref<1040x128xf32, #tpu.memory_space<vmem_shared>>)
        tpu.yield
      }) : () -> ()
      "tpu.region"() ({
        %run_scoped3A = tpu.sem_alloc : memref<!tpu.dma_semaphore, #tpu.memory_space<semaphore_mem>>
        %dma_start3A_228 = arith.constant 0 : i32
        %dma_start3A_229 = arith.constant 0 : i32
        %dma_start3A_230 = tpu.memref_slice %arg21[%dma_start3A_228, %dma_start3A_229] : memref<1040x128xf32, #tpu.memory_space<vmem_shared>> -> memref<1040x128xf32, #tpu.memory_space<vmem_shared>>
        tpu.enqueue_indirect_dma source(%arg19 : memref<96x128xf32, #tpu.memory_space<vmem>>) target(%dma_start3A_230 : memref<1040x128xf32, #tpu.memory_space<vmem_shared>>) offsets(%arg12 : memref<96xi32, #tpu.memory_space<vmem>>) semaphore(%run_scoped3A : memref<!tpu.dma_semaphore, #tpu.memory_space<semaphore_mem>>) {add = true}
        %dma_wait3A_231 = arith.constant 0 : i32
        %dma_wait3A_232 = arith.constant 0 : i32
        %dma_wait3A_233 = tpu.memref_slice %arg21[%dma_wait3A_231, %dma_wait3A_232] : memref<1040x128xf32, #tpu.memory_space<vmem_shared>> -> memref<1040x128xf32, #tpu.memory_space<vmem_shared>>
        tpu.wait_indirect_dma semaphore(%run_scoped3A : memref<!tpu.dma_semaphore, #tpu.memory_space<semaphore_mem>>) src(%arg19 : memref<96x128xf32, #tpu.memory_space<vmem>>) dst(%dma_wait3A_233 : memref<1040x128xf32, #tpu.memory_space<vmem_shared>>)
        tpu.yield
      }) : () -> ()
      %add3A_216 = arith.constant 2 : i32
      %add3A_217 = arith.addi %mul3A_206, %add3A_216 : i32
      %lt3A = arith.cmpi slt, %add3A_217, %select_n3A_147 : i32
      %convert_element_type3A_218 = arith.extui %lt3A : i1 to i32
      %cond3A_219 = arith.constant 0 : i32
      %cond3A_220 = arith.cmpi ne, %convert_element_type3A_218, %cond3A_219 : i32
      scf.if %cond3A_220 {
        %add3A_228 = arith.constant 2 : i32
        %add3A_229 = arith.addi %mul3A_206, %add3A_228 : i32
        %mul3A_230 = arith.constant 96 : i32
        %mul3A_231 = arith.muli %add3A_229, %mul3A_230 : i32
        %add3A_232 = arith.constant 0 : i32
        %add3A_233 = arith.addi %mul3A_231, %add3A_232 : i32
        %get3A = arith.index_cast %add3A_233 : i32 to index
        %get3A_234 = tpu.vector_load %arg9[%get3A] {strides = array<i32>} : memref<10192xi32, #tpu.memory_space<vmem>>, vector<16xi32>,
        %swap3A_235 = arith.constant 0 : index
        %swap3A_236 = tpu.vector_load %arg11[%swap3A_235] {strides = array<i32>} : memref<96xi32, #tpu.memory_space<vmem>>, vector<16xi32>,
        tpu.vector_store %arg11[%swap3A_235], %get3A_234 {strides = array<i32>} : memref<96xi32, #tpu.memory_space<vmem>>, vector<16xi32>,
        %mul3A_237 = arith.constant 96 : i32
        %mul3A_238 = arith.muli %add3A_229, %mul3A_237 : i32
        %add3A_239 = arith.constant 0 : i32
        %add3A_240 = arith.addi %mul3A_238, %add3A_239 : i32
        %get3A_241 = arith.index_cast %add3A_240 : i32 to index
        %get3A_242 = tpu.vector_load %arg10[%get3A_241] {strides = array<i32>} : memref<10192xi32, #tpu.memory_space<vmem>>, vector<16xi32>,
        %swap3A_243 = arith.constant 0 : index
        %swap3A_244 = tpu.vector_load %arg12[%swap3A_243] {strides = array<i32>} : memref<96xi32, #tpu.memory_space<vmem>>, vector<16xi32>,
        tpu.vector_store %arg12[%swap3A_243], %get3A_242 {strides = array<i32>} : memref<96xi32, #tpu.memory_space<vmem>>, vector<16xi32>,
        %mul3A_245 = arith.constant 96 : i32
        %mul3A_246 = arith.muli %add3A_229, %mul3A_245 : i32
        %add3A_247 = arith.constant 16 : i32
        %add3A_248 = arith.addi %mul3A_246, %add3A_247 : i32
        %get3A_249 = arith.index_cast %add3A_248 : i32 to index
        %get3A_250 = tpu.vector_load %arg9[%get3A_249] {strides = array<i32>} : memref<10192xi32, #tpu.memory_space<vmem>>, vector<16xi32>,
        %swap3A_251 = arith.constant 16 : index
        %swap3A_252 = tpu.vector_load %arg11[%swap3A_251] {strides = array<i32>} : memref<96xi32, #tpu.memory_space<vmem>>, vector<16xi32>,
        tpu.vector_store %arg11[%swap3A_251], %get3A_250 {strides = array<i32>} : memref<96xi32, #tpu.memory_space<vmem>>, vector<16xi32>,
        %mul3A_253 = arith.constant 96 : i32
        %mul3A_254 = arith.muli %add3A_229, %mul3A_253 : i32
        %add3A_255 = arith.constant 16 : i32
        %add3A_256 = arith.addi %mul3A_254, %add3A_255 : i32
        %get3A_257 = arith.index_cast %add3A_256 : i32 to index
        %get3A_258 = tpu.vector_load %arg10[%get3A_257] {strides = array<i32>} : memref<10192xi32, #tpu.memory_space<vmem>>, vector<16xi32>,
        %swap3A_259 = arith.constant 16 : index
        %swap3A_260 = tpu.vector_load %arg12[%swap3A_259] {strides = array<i32>} : memref<96xi32, #tpu.memory_space<vmem>>, vector<16xi32>,
        tpu.vector_store %arg12[%swap3A_259], %get3A_258 {strides = array<i32>} : memref<96xi32, #tpu.memory_space<vmem>>, vector<16xi32>,
        %mul3A_261 = arith.constant 96 : i32
        %mul3A_262 = arith.muli %add3A_229, %mul3A_261 : i32
        %add3A_263 = arith.constant 32 : i32
        %add3A_264 = arith.addi %mul3A_262, %add3A_263 : i32
        %get3A_265 = arith.index_cast %add3A_264 : i32 to index
        %get3A_266 = tpu.vector_load %arg9[%get3A_265] {strides = array<i32>} : memref<10192xi32, #tpu.memory_space<vmem>>, vector<16xi32>,
        %swap3A_267 = arith.constant 32 : index
        %swap3A_268 = tpu.vector_load %arg11[%swap3A_267] {strides = array<i32>} : memref<96xi32, #tpu.memory_space<vmem>>, vector<16xi32>,
        tpu.vector_store %arg11[%swap3A_267], %get3A_266 {strides = array<i32>} : memref<96xi32, #tpu.memory_space<vmem>>, vector<16xi32>,
        %mul3A_269 = arith.constant 96 : i32
        %mul3A_270 = arith.muli %add3A_229, %mul3A_269 : i32
        %add3A_271 = arith.constant 32 : i32
        %add3A_272 = arith.addi %mul3A_270, %add3A_271 : i32
        %get3A_273 = arith.index_cast %add3A_272 : i32 to index
        %get3A_274 = tpu.vector_load %arg10[%get3A_273] {strides = array<i32>} : memref<10192xi32, #tpu.memory_space<vmem>>, vector<16xi32>,
        %swap3A_275 = arith.constant 32 : index
        %swap3A_276 = tpu.vector_load %arg12[%swap3A_275] {strides = array<i32>} : memref<96xi32, #tpu.memory_space<vmem>>, vector<16xi32>,
        tpu.vector_store %arg12[%swap3A_275], %get3A_274 {strides = array<i32>} : memref<96xi32, #tpu.memory_space<vmem>>, vector<16xi32>,
        %mul3A_277 = arith.constant 96 : i32
        %mul3A_278 = arith.muli %add3A_229, %mul3A_277 : i32
        %add3A_279 = arith.constant 48 : i32
        %add3A_280 = arith.addi %mul3A_278, %add3A_279 : i32
        %get3A_281 = arith.index_cast %add3A_280 : i32 to index
        %get3A_282 = tpu.vector_load %arg9[%get3A_281] {strides = array<i32>} : memref<10192xi32, #tpu.memory_space<vmem>>, vector<16xi32>,
        %swap3A_283 = arith.constant 48 : index
        %swap3A_284 = tpu.vector_load %arg11[%swap3A_283] {strides = array<i32>} : memref<96xi32, #tpu.memory_space<vmem>>, vector<16xi32>,
        tpu.vector_store %arg11[%swap3A_283], %get3A_282 {strides = array<i32>} : memref<96xi32, #tpu.memory_space<vmem>>, vector<16xi32>,
        %mul3A_285 = arith.constant 96 : i32
        %mul3A_286 = arith.muli %add3A_229, %mul3A_285 : i32
        %add3A_287 = arith.constant 48 : i32
        %add3A_288 = arith.addi %mul3A_286, %add3A_287 : i32
        %get3A_289 = arith.index_cast %add3A_288 : i32 to index
        %get3A_290 = tpu.vector_load %arg10[%get3A_289] {strides = array<i32>} : memref<10192xi32, #tpu.memory_space<vmem>>, vector<16xi32>,
        %swap3A_291 = arith.constant 48 : index
        %swap3A_292 = tpu.vector_load %arg12[%swap3A_291] {strides = array<i32>} : memref<96xi32, #tpu.memory_space<vmem>>, vector<16xi32>,
        tpu.vector_store %arg12[%swap3A_291], %get3A_290 {strides = array<i32>} : memref<96xi32, #tpu.memory_space<vmem>>, vector<16xi32>,
        %mul3A_293 = arith.constant 96 : i32
        %mul3A_294 = arith.muli %add3A_229, %mul3A_293 : i32
        %add3A_295 = arith.constant 64 : i32
        %add3A_296 = arith.addi %mul3A_294, %add3A_295 : i32
        %get3A_297 = arith.index_cast %add3A_296 : i32 to index
        %get3A_298 = tpu.vector_load %arg9[%get3A_297] {strides = array<i32>} : memref<10192xi32, #tpu.memory_space<vmem>>, vector<16xi32>,
        %swap3A_299 = arith.constant 64 : index
        %swap3A_300 = tpu.vector_load %arg11[%swap3A_299] {strides = array<i32>} : memref<96xi32, #tpu.memory_space<vmem>>, vector<16xi32>,
        tpu.vector_store %arg11[%swap3A_299], %get3A_298 {strides = array<i32>} : memref<96xi32, #tpu.memory_space<vmem>>, vector<16xi32>,
        %mul3A_301 = arith.constant 96 : i32
        %mul3A_302 = arith.muli %add3A_229, %mul3A_301 : i32
        %add3A_303 = arith.constant 64 : i32
        %add3A_304 = arith.addi %mul3A_302, %add3A_303 : i32
        %get3A_305 = arith.index_cast %add3A_304 : i32 to index
        %get3A_306 = tpu.vector_load %arg10[%get3A_305] {strides = array<i32>} : memref<10192xi32, #tpu.memory_space<vmem>>, vector<16xi32>,
        %swap3A_307 = arith.constant 64 : index
        %swap3A_308 = tpu.vector_load %arg12[%swap3A_307] {strides = array<i32>} : memref<96xi32, #tpu.memory_space<vmem>>, vector<16xi32>,
        tpu.vector_store %arg12[%swap3A_307], %get3A_306 {strides = array<i32>} : memref<96xi32, #tpu.memory_space<vmem>>, vector<16xi32>,
        %mul3A_309 = arith.constant 96 : i32
        %mul3A_310 = arith.muli %add3A_229, %mul3A_309 : i32
        %add3A_311 = arith.constant 80 : i32
        %add3A_312 = arith.addi %mul3A_310, %add3A_311 : i32
        %get3A_313 = arith.index_cast %add3A_312 : i32 to index
        %get3A_314 = tpu.vector_load %arg9[%get3A_313] {strides = array<i32>} : memref<10192xi32, #tpu.memory_space<vmem>>, vector<16xi32>,
        %swap3A_315 = arith.constant 80 : index
        %swap3A_316 = tpu.vector_load %arg11[%swap3A_315] {strides = array<i32>} : memref<96xi32, #tpu.memory_space<vmem>>, vector<16xi32>,
        tpu.vector_store %arg11[%swap3A_315], %get3A_314 {strides = array<i32>} : memref<96xi32, #tpu.memory_space<vmem>>, vector<16xi32>,
        %mul3A_317 = arith.constant 96 : i32
        %mul3A_318 = arith.muli %add3A_229, %mul3A_317 : i32
        %add3A_319 = arith.constant 80 : i32
        %add3A_320 = arith.addi %mul3A_318, %add3A_319 : i32
        %get3A_321 = arith.index_cast %add3A_320 : i32 to index
        %get3A_322 = tpu.vector_load %arg10[%get3A_321] {strides = array<i32>} : memref<10192xi32, #tpu.memory_space<vmem>>, vector<16xi32>,
        %swap3A_323 = arith.constant 80 : index
        %swap3A_324 = tpu.vector_load %arg12[%swap3A_323] {strides = array<i32>} : memref<96xi32, #tpu.memory_space<vmem>>, vector<16xi32>,
        tpu.vector_store %arg12[%swap3A_323], %get3A_322 {strides = array<i32>} : memref<96xi32, #tpu.memory_space<vmem>>, vector<16xi32>,
        %dma_start3A_325 = arith.constant 0 : i32
        %dma_start3A_326 = arith.constant 0 : i32
        %dma_start3A_327 = tpu.memref_slice %arg3[%dma_start3A_325, %dma_start3A_326] : memref<10000x128xf32, #tpu.memory_space<hbm>> -> memref<10000x128xf32, #tpu.memory_space<hbm>>
        tpu.enqueue_indirect_dma source(%dma_start3A_327 : memref<10000x128xf32, #tpu.memory_space<hbm>>) target(%arg15 : memref<96x128xf32, #tpu.memory_space<vmem>>) offsets(%arg11 : memref<96xi32, #tpu.memory_space<vmem>>) semaphore(%arg25 : memref<!tpu.dma_semaphore, #tpu.memory_space<semaphore_mem>>)
        %dma_start3A_328 = arith.constant 0 : i32
        %dma_start3A_329 = arith.constant 0 : i32
        %dma_start3A_330 = tpu.memref_slice %arg22[%dma_start3A_328, %dma_start3A_329] : memref<1040x128xf32, #tpu.memory_space<vmem_shared>> -> memref<1040x128xf32, #tpu.memory_space<vmem_shared>>
        tpu.enqueue_indirect_dma source(%dma_start3A_330 : memref<1040x128xf32, #tpu.memory_space<vmem_shared>>) target(%arg16 : memref<96x128xf32, #tpu.memory_space<vmem>>) offsets(%arg12 : memref<96xi32, #tpu.memory_space<vmem>>) semaphore(%arg26 : memref<!tpu.dma_semaphore, #tpu.memory_space<semaphore_mem>>)
      } else {
      }
      %add3A_221 = arith.constant 1 : i32
      %add3A_222 = arith.addi %mul3A_206, %add3A_221 : i32
      %lt3A_223 = arith.cmpi slt, %add3A_222, %select_n3A_147 : i32
      %convert_element_type3A_224 = arith.extui %lt3A_223 : i1 to i32
      %cond3A_225 = arith.constant 0 : i32
      %cond3A_226 = arith.cmpi ne, %convert_element_type3A_224, %cond3A_225 : i32
      scf.if %cond3A_226 {
        %dma_wait3A_228 = arith.constant 0 : i32
        %dma_wait3A_229 = arith.constant 0 : i32
        %dma_wait3A_230 = tpu.memref_slice %arg3[%dma_wait3A_228, %dma_wait3A_229] : memref<10000x128xf32, #tpu.memory_space<hbm>> -> memref<10000x128xf32, #tpu.memory_space<hbm>>
        tpu.wait_indirect_dma semaphore(%arg27 : memref<!tpu.dma_semaphore, #tpu.memory_space<semaphore_mem>>) src(%dma_wait3A_230 : memref<10000x128xf32, #tpu.memory_space<hbm>>) dst(%arg17 : memref<96x128xf32, #tpu.memory_space<vmem>>)
        %dma_wait3A_231 = arith.constant 0 : i32
        %dma_wait3A_232 = arith.constant 0 : i32
        %dma_wait3A_233 = tpu.memref_slice %arg22[%dma_wait3A_231, %dma_wait3A_232] : memref<1040x128xf32, #tpu.memory_space<vmem_shared>> -> memref<1040x128xf32, #tpu.memory_space<vmem_shared>>
        tpu.wait_indirect_dma semaphore(%arg28 : memref<!tpu.dma_semaphore, #tpu.memory_space<semaphore_mem>>) src(%dma_wait3A_233 : memref<1040x128xf32, #tpu.memory_space<vmem_shared>>) dst(%arg18 : memref<96x128xf32, #tpu.memory_space<vmem>>)
        %parallel_loop3A_234 = arith.constant 0 : i32
        %parallel_loop3A_235 = arith.constant 96 : i32
        %parallel_loop3A_236 = arith.constant 1 : i32
        scf.for %parallel_loop3A_243 = %parallel_loop3A_234 to %parallel_loop3A_235 step %parallel_loop3A_236  : i32 {
          %parallel_loop3A_244 = arith.index_cast %parallel_loop3A_243 : i32 to index
          %parallel_loop3A_245 = arith.constant 0 : index
          %parallel_loop3A_246 = tpu.vector_load %arg17[%parallel_loop3A_244, %parallel_loop3A_245] {strides = array<i32>} : memref<96x128xf32, #tpu.memory_space<vmem>>, vector<16xf32>,
          %parallel_loop3A_247 = arith.index_cast %parallel_loop3A_243 : i32 to index
          %parallel_loop3A_248 = arith.constant 0 : index
          %parallel_loop3A_249 = tpu.vector_load %arg18[%parallel_loop3A_247, %parallel_loop3A_248] {strides = array<i32>} : memref<96x128xf32, #tpu.memory_space<vmem>>, vector<16xf32>,
          %parallel_loop3A_250 = arith.addf %parallel_loop3A_246, %parallel_loop3A_249 : vector<16xf32>
          %parallel_loop3A_251 = arith.constant 0.000000e+00 : f32
          %parallel_loop3A_252 = vector.broadcast %parallel_loop3A_251 : f32 to vector<16xf32>
          %parallel_loop3A_253 = arith.subf %parallel_loop3A_252, %parallel_loop3A_250 : vector<16xf32>
          %parallel_loop3A_254 = math.exp %parallel_loop3A_253 : vector<16xf32>
          %parallel_loop3A_255 = arith.constant 1.000000e+00 : f32
          %parallel_loop3A_256 = vector.broadcast %parallel_loop3A_255 : f32 to vector<16xf32>
          %parallel_loop3A_257 = arith.addf %parallel_loop3A_256, %parallel_loop3A_254 : vector<16xf32>
          %parallel_loop3A_258 = arith.divf %parallel_loop3A_250, %parallel_loop3A_257 : vector<16xf32>
          %parallel_loop3A_259 = arith.index_cast %parallel_loop3A_243 : i32 to index
          %parallel_loop3A_260 = arith.constant 0 : index
          %parallel_loop3A_261 = tpu.vector_load %arg17[%parallel_loop3A_259, %parallel_loop3A_260] {strides = array<i32>} : memref<96x128xf32, #tpu.memory_space<vmem>>, vector<16xf32>,
          tpu.vector_store %arg17[%parallel_loop3A_259, %parallel_loop3A_260], %parallel_loop3A_258 {strides = array<i32>} : memref<96x128xf32, #tpu.memory_space<vmem>>, vector<16xf32>,
          %parallel_loop3A_262 = arith.index_cast %parallel_loop3A_243 : i32 to index
          %parallel_loop3A_263 = arith.constant 16 : index
          %parallel_loop3A_264 = tpu.vector_load %arg17[%parallel_loop3A_262, %parallel_loop3A_263] {strides = array<i32>} : memref<96x128xf32, #tpu.memory_space<vmem>>, vector<16xf32>,
          %parallel_loop3A_265 = arith.index_cast %parallel_loop3A_243 : i32 to index
          %parallel_loop3A_266 = arith.constant 16 : index
          %parallel_loop3A_267 = tpu.vector_load %arg18[%parallel_loop3A_265, %parallel_loop3A_266] {strides = array<i32>} : memref<96x128xf32, #tpu.memory_space<vmem>>, vector<16xf32>,
          %parallel_loop3A_268 = arith.addf %parallel_loop3A_264, %parallel_loop3A_267 : vector<16xf32>
          %parallel_loop3A_269 = arith.constant 0.000000e+00 : f32
          %parallel_loop3A_270 = vector.broadcast %parallel_loop3A_269 : f32 to vector<16xf32>
          %parallel_loop3A_271 = arith.subf %parallel_loop3A_270, %parallel_loop3A_268 : vector<16xf32>
          %parallel_loop3A_272 = math.exp %parallel_loop3A_271 : vector<16xf32>
          %parallel_loop3A_273 = arith.constant 1.000000e+00 : f32
          %parallel_loop3A_274 = vector.broadcast %parallel_loop3A_273 : f32 to vector<16xf32>
          %parallel_loop3A_275 = arith.addf %parallel_loop3A_274, %parallel_loop3A_272 : vector<16xf32>
          %parallel_loop3A_276 = arith.divf %parallel_loop3A_268, %parallel_loop3A_275 : vector<16xf32>
          %parallel_loop3A_277 = arith.index_cast %parallel_loop3A_243 : i32 to index
          %parallel_loop3A_278 = arith.constant 16 : index
          %parallel_loop3A_279 = tpu.vector_load %arg17[%parallel_loop3A_277, %parallel_loop3A_278] {strides = array<i32>} : memref<96x128xf32, #tpu.memory_space<vmem>>, vector<16xf32>,
          tpu.vector_store %arg17[%parallel_loop3A_277, %parallel_loop3A_278], %parallel_loop3A_276 {strides = array<i32>} : memref<96x128xf32, #tpu.memory_space<vmem>>, vector<16xf32>,
          %parallel_loop3A_280 = arith.index_cast %parallel_loop3A_243 : i32 to index
          %parallel_loop3A_281 = arith.constant 32 : index
          %parallel_loop3A_282 = tpu.vector_load %arg17[%parallel_loop3A_280, %parallel_loop3A_281] {strides = array<i32>} : memref<96x128xf32, #tpu.memory_space<vmem>>, vector<16xf32>,
          %parallel_loop3A_283 = arith.index_cast %parallel_loop3A_243 : i32 to index
          %parallel_loop3A_284 = arith.constant 32 : index
          %parallel_loop3A_285 = tpu.vector_load %arg18[%parallel_loop3A_283, %parallel_loop3A_284] {strides = array<i32>} : memref<96x128xf32, #tpu.memory_space<vmem>>, vector<16xf32>,
          %parallel_loop3A_286 = arith.addf %parallel_loop3A_282, %parallel_loop3A_285 : vector<16xf32>
          %parallel_loop3A_287 = arith.constant 0.000000e+00 : f32
          %parallel_loop3A_288 = vector.broadcast %parallel_loop3A_287 : f32 to vector<16xf32>
          %parallel_loop3A_289 = arith.subf %parallel_loop3A_288, %parallel_loop3A_286 : vector<16xf32>
          %parallel_loop3A_290 = math.exp %parallel_loop3A_289 : vector<16xf32>
          %parallel_loop3A_291 = arith.constant 1.000000e+00 : f32
          %parallel_loop3A_292 = vector.broadcast %parallel_loop3A_291 : f32 to vector<16xf32>
          %parallel_loop3A_293 = arith.addf %parallel_loop3A_292, %parallel_loop3A_290 : vector<16xf32>
          %parallel_loop3A_294 = arith.divf %parallel_loop3A_286, %parallel_loop3A_293 : vector<16xf32>
          %parallel_loop3A_295 = arith.index_cast %parallel_loop3A_243 : i32 to index
          %parallel_loop3A_296 = arith.constant 32 : index
          %parallel_loop3A_297 = tpu.vector_load %arg17[%parallel_loop3A_295, %parallel_loop3A_296] {strides = array<i32>} : memref<96x128xf32, #tpu.memory_space<vmem>>, vector<16xf32>,
          tpu.vector_store %arg17[%parallel_loop3A_295, %parallel_loop3A_296], %parallel_loop3A_294 {strides = array<i32>} : memref<96x128xf32, #tpu.memory_space<vmem>>, vector<16xf32>,
          %parallel_loop3A_298 = arith.index_cast %parallel_loop3A_243 : i32 to index
          %parallel_loop3A_299 = arith.constant 48 : index
          %parallel_loop3A_300 = tpu.vector_load %arg17[%parallel_loop3A_298, %parallel_loop3A_299] {strides = array<i32>} : memref<96x128xf32, #tpu.memory_space<vmem>>, vector<16xf32>,
          %parallel_loop3A_301 = arith.index_cast %parallel_loop3A_243 : i32 to index
          %parallel_loop3A_302 = arith.constant 48 : index
          %parallel_loop3A_303 = tpu.vector_load %arg18[%parallel_loop3A_301, %parallel_loop3A_302] {strides = array<i32>} : memref<96x128xf32, #tpu.memory_space<vmem>>, vector<16xf32>,
          %parallel_loop3A_304 = arith.addf %parallel_loop3A_300, %parallel_loop3A_303 : vector<16xf32>
          %parallel_loop3A_305 = arith.constant 0.000000e+00 : f32
          %parallel_loop3A_306 = vector.broadcast %parallel_loop3A_305 : f32 to vector<16xf32>
          %parallel_loop3A_307 = arith.subf %parallel_loop3A_306, %parallel_loop3A_304 : vector<16xf32>
          %parallel_loop3A_308 = math.exp %parallel_loop3A_307 : vector<16xf32>
          %parallel_loop3A_309 = arith.constant 1.000000e+00 : f32
          %parallel_loop3A_310 = vector.broadcast %parallel_loop3A_309 : f32 to vector<16xf32>
          %parallel_loop3A_311 = arith.addf %parallel_loop3A_310, %parallel_loop3A_308 : vector<16xf32>
          %parallel_loop3A_312 = arith.divf %parallel_loop3A_304, %parallel_loop3A_311 : vector<16xf32>
          %parallel_loop3A_313 = arith.index_cast %parallel_loop3A_243 : i32 to index
          %parallel_loop3A_314 = arith.constant 48 : index
          %parallel_loop3A_315 = tpu.vector_load %arg17[%parallel_loop3A_313, %parallel_loop3A_314] {strides = array<i32>} : memref<96x128xf32, #tpu.memory_space<vmem>>, vector<16xf32>,
          tpu.vector_store %arg17[%parallel_loop3A_313, %parallel_loop3A_314], %parallel_loop3A_312 {strides = array<i32>} : memref<96x128xf32, #tpu.memory_space<vmem>>, vector<16xf32>,
          %parallel_loop3A_316 = arith.index_cast %parallel_loop3A_243 : i32 to index
          %parallel_loop3A_317 = arith.constant 64 : index
          %parallel_loop3A_318 = tpu.vector_load %arg17[%parallel_loop3A_316, %parallel_loop3A_317] {strides = array<i32>} : memref<96x128xf32, #tpu.memory_space<vmem>>, vector<16xf32>,
          %parallel_loop3A_319 = arith.index_cast %parallel_loop3A_243 : i32 to index
          %parallel_loop3A_320 = arith.constant 64 : index
          %parallel_loop3A_321 = tpu.vector_load %arg18[%parallel_loop3A_319, %parallel_loop3A_320] {strides = array<i32>} : memref<96x128xf32, #tpu.memory_space<vmem>>, vector<16xf32>,
          %parallel_loop3A_322 = arith.addf %parallel_loop3A_318, %parallel_loop3A_321 : vector<16xf32>
          %parallel_loop3A_323 = arith.constant 0.000000e+00 : f32
          %parallel_loop3A_324 = vector.broadcast %parallel_loop3A_323 : f32 to vector<16xf32>
          %parallel_loop3A_325 = arith.subf %parallel_loop3A_324, %parallel_loop3A_322 : vector<16xf32>
          %parallel_loop3A_326 = math.exp %parallel_loop3A_325 : vector<16xf32>
          %parallel_loop3A_327 = arith.constant 1.000000e+00 : f32
          %parallel_loop3A_328 = vector.broadcast %parallel_loop3A_327 : f32 to vector<16xf32>
          %parallel_loop3A_329 = arith.addf %parallel_loop3A_328, %parallel_loop3A_326 : vector<16xf32>
          %parallel_loop3A_330 = arith.divf %parallel_loop3A_322, %parallel_loop3A_329 : vector<16xf32>
          %parallel_loop3A_331 = arith.index_cast %parallel_loop3A_243 : i32 to index
          %parallel_loop3A_332 = arith.constant 64 : index
          %parallel_loop3A_333 = tpu.vector_load %arg17[%parallel_loop3A_331, %parallel_loop3A_332] {strides = array<i32>} : memref<96x128xf32, #tpu.memory_space<vmem>>, vector<16xf32>,
          tpu.vector_store %arg17[%parallel_loop3A_331, %parallel_loop3A_332], %parallel_loop3A_330 {strides = array<i32>} : memref<96x128xf32, #tpu.memory_space<vmem>>, vector<16xf32>,
          %parallel_loop3A_334 = arith.index_cast %parallel_loop3A_243 : i32 to index
          %parallel_loop3A_335 = arith.constant 80 : index
          %parallel_loop3A_336 = tpu.vector_load %arg17[%parallel_loop3A_334, %parallel_loop3A_335] {strides = array<i32>} : memref<96x128xf32, #tpu.memory_space<vmem>>, vector<16xf32>,
          %parallel_loop3A_337 = arith.index_cast %parallel_loop3A_243 : i32 to index
          %parallel_loop3A_338 = arith.constant 80 : index
          %parallel_loop3A_339 = tpu.vector_load %arg18[%parallel_loop3A_337, %parallel_loop3A_338] {strides = array<i32>} : memref<96x128xf32, #tpu.memory_space<vmem>>, vector<16xf32>,
          %parallel_loop3A_340 = arith.addf %parallel_loop3A_336, %parallel_loop3A_339 : vector<16xf32>
          %parallel_loop3A_341 = arith.constant 0.000000e+00 : f32
          %parallel_loop3A_342 = vector.broadcast %parallel_loop3A_341 : f32 to vector<16xf32>
          %parallel_loop3A_343 = arith.subf %parallel_loop3A_342, %parallel_loop3A_340 : vector<16xf32>
          %parallel_loop3A_344 = math.exp %parallel_loop3A_343 : vector<16xf32>
          %parallel_loop3A_345 = arith.constant 1.000000e+00 : f32
          %parallel_loop3A_346 = vector.broadcast %parallel_loop3A_345 : f32 to vector<16xf32>
          %parallel_loop3A_347 = arith.addf %parallel_loop3A_346, %parallel_loop3A_344 : vector<16xf32>
          %parallel_loop3A_348 = arith.divf %parallel_loop3A_340, %parallel_loop3A_347 : vector<16xf32>
          %parallel_loop3A_349 = arith.index_cast %parallel_loop3A_243 : i32 to index
          %parallel_loop3A_350 = arith.constant 80 : index
          %parallel_loop3A_351 = tpu.vector_load %arg17[%parallel_loop3A_349, %parallel_loop3A_350] {strides = array<i32>} : memref<96x128xf32, #tpu.memory_space<vmem>>, vector<16xf32>,
          tpu.vector_store %arg17[%parallel_loop3A_349, %parallel_loop3A_350], %parallel_loop3A_348 {strides = array<i32>} : memref<96x128xf32, #tpu.memory_space<vmem>>, vector<16xf32>,
          %parallel_loop3A_352 = arith.index_cast %parallel_loop3A_243 : i32 to index
          %parallel_loop3A_353 = arith.constant 96 : index
          %parallel_loop3A_354 = tpu.vector_load %arg17[%parallel_loop3A_352, %parallel_loop3A_353] {strides = array<i32>} : memref<96x128xf32, #tpu.memory_space<vmem>>, vector<16xf32>,
          %parallel_loop3A_355 = arith.index_cast %parallel_loop3A_243 : i32 to index
          %parallel_loop3A_356 = arith.constant 96 : index
          %parallel_loop3A_357 = tpu.vector_load %arg18[%parallel_loop3A_355, %parallel_loop3A_356] {strides = array<i32>} : memref<96x128xf32, #tpu.memory_space<vmem>>, vector<16xf32>,
          %parallel_loop3A_358 = arith.addf %parallel_loop3A_354, %parallel_loop3A_357 : vector<16xf32>
          %parallel_loop3A_359 = arith.constant 0.000000e+00 : f32
          %parallel_loop3A_360 = vector.broadcast %parallel_loop3A_359 : f32 to vector<16xf32>
          %parallel_loop3A_361 = arith.subf %parallel_loop3A_360, %parallel_loop3A_358 : vector<16xf32>
          %parallel_loop3A_362 = math.exp %parallel_loop3A_361 : vector<16xf32>
          %parallel_loop3A_363 = arith.constant 1.000000e+00 : f32
          %parallel_loop3A_364 = vector.broadcast %parallel_loop3A_363 : f32 to vector<16xf32>
          %parallel_loop3A_365 = arith.addf %parallel_loop3A_364, %parallel_loop3A_362 : vector<16xf32>
          %parallel_loop3A_366 = arith.divf %parallel_loop3A_358, %parallel_loop3A_365 : vector<16xf32>
          %parallel_loop3A_367 = arith.index_cast %parallel_loop3A_243 : i32 to index
          %parallel_loop3A_368 = arith.constant 96 : index
          %parallel_loop3A_369 = tpu.vector_load %arg17[%parallel_loop3A_367, %parallel_loop3A_368] {strides = array<i32>} : memref<96x128xf32, #tpu.memory_space<vmem>>, vector<16xf32>,
          tpu.vector_store %arg17[%parallel_loop3A_367, %parallel_loop3A_368], %parallel_loop3A_366 {strides = array<i32>} : memref<96x128xf32, #tpu.memory_space<vmem>>, vector<16xf32>,
          %parallel_loop3A_370 = arith.index_cast %parallel_loop3A_243 : i32 to index
          %parallel_loop3A_371 = arith.constant 112 : index
          %parallel_loop3A_372 = tpu.vector_load %arg17[%parallel_loop3A_370, %parallel_loop3A_371] {strides = array<i32>} : memref<96x128xf32, #tpu.memory_space<vmem>>, vector<16xf32>,
          %parallel_loop3A_373 = arith.index_cast %parallel_loop3A_243 : i32 to index
          %parallel_loop3A_374 = arith.constant 112 : index
          %parallel_loop3A_375 = tpu.vector_load %arg18[%parallel_loop3A_373, %parallel_loop3A_374] {strides = array<i32>} : memref<96x128xf32, #tpu.memory_space<vmem>>, vector<16xf32>,
          %parallel_loop3A_376 = arith.addf %parallel_loop3A_372, %parallel_loop3A_375 : vector<16xf32>
          %parallel_loop3A_377 = arith.constant 0.000000e+00 : f32
          %parallel_loop3A_378 = vector.broadcast %parallel_loop3A_377 : f32 to vector<16xf32>
          %parallel_loop3A_379 = arith.subf %parallel_loop3A_378, %parallel_loop3A_376 : vector<16xf32>
          %parallel_loop3A_380 = math.exp %parallel_loop3A_379 : vector<16xf32>
          %parallel_loop3A_381 = arith.constant 1.000000e+00 : f32
          %parallel_loop3A_382 = vector.broadcast %parallel_loop3A_381 : f32 to vector<16xf32>
          %parallel_loop3A_383 = arith.addf %parallel_loop3A_382, %parallel_loop3A_380 : vector<16xf32>
          %parallel_loop3A_384 = arith.divf %parallel_loop3A_376, %parallel_loop3A_383 : vector<16xf32>
          %parallel_loop3A_385 = arith.index_cast %parallel_loop3A_243 : i32 to index
          %parallel_loop3A_386 = arith.constant 112 : index
          %parallel_loop3A_387 = tpu.vector_load %arg17[%parallel_loop3A_385, %parallel_loop3A_386] {strides = array<i32>} : memref<96x128xf32, #tpu.memory_space<vmem>>, vector<16xf32>,
          tpu.vector_store %arg17[%parallel_loop3A_385, %parallel_loop3A_386], %parallel_loop3A_384 {strides = array<i32>} : memref<96x128xf32, #tpu.memory_space<vmem>>, vector<16xf32>,
        } {sc.loop_unroll_factor = 2 : i64, sc.parallel_access}
        "tpu.region"() ({
          %run_scoped3A = tpu.sem_alloc : memref<!tpu.dma_semaphore, #tpu.memory_space<semaphore_mem>>
          %dma_start3A_243 = arith.constant 0 : i32
          %dma_start3A_244 = arith.constant 0 : i32
          %dma_start3A_245 = tpu.memref_slice %arg20[%dma_start3A_243, %dma_start3A_244] : memref<1040x128xf32, #tpu.memory_space<vmem_shared>> -> memref<1040x128xf32, #tpu.memory_space<vmem_shared>>
          tpu.enqueue_indirect_dma source(%arg17 : memref<96x128xf32, #tpu.memory_space<vmem>>) target(%dma_start3A_245 : memref<1040x128xf32, #tpu.memory_space<vmem_shared>>) offsets(%arg14 : memref<96xi32, #tpu.memory_space<vmem>>) semaphore(%run_scoped3A : memref<!tpu.dma_semaphore, #tpu.memory_space<semaphore_mem>>) {add = true}
          %dma_wait3A_246 = arith.constant 0 : i32
          %dma_wait3A_247 = arith.constant 0 : i32
          %dma_wait3A_248 = tpu.memref_slice %arg20[%dma_wait3A_246, %dma_wait3A_247] : memref<1040x128xf32, #tpu.memory_space<vmem_shared>> -> memref<1040x128xf32, #tpu.memory_space<vmem_shared>>
          tpu.wait_indirect_dma semaphore(%run_scoped3A : memref<!tpu.dma_semaphore, #tpu.memory_space<semaphore_mem>>) src(%arg17 : memref<96x128xf32, #tpu.memory_space<vmem>>) dst(%dma_wait3A_248 : memref<1040x128xf32, #tpu.memory_space<vmem_shared>>)
          tpu.yield
        }) : () -> ()
        "tpu.region"() ({
          %run_scoped3A = tpu.sem_alloc : memref<!tpu.dma_semaphore, #tpu.memory_space<semaphore_mem>>
          %dma_start3A_243 = arith.constant 0 : i32
          %dma_start3A_244 = arith.constant 0 : i32
          %dma_start3A_245 = tpu.memref_slice %arg21[%dma_start3A_243, %dma_start3A_244] : memref<1040x128xf32, #tpu.memory_space<vmem_shared>> -> memref<1040x128xf32, #tpu.memory_space<vmem_shared>>
          tpu.enqueue_indirect_dma source(%arg19 : memref<96x128xf32, #tpu.memory_space<vmem>>) target(%dma_start3A_245 : memref<1040x128xf32, #tpu.memory_space<vmem_shared>>) offsets(%arg14 : memref<96xi32, #tpu.memory_space<vmem>>) semaphore(%run_scoped3A : memref<!tpu.dma_semaphore, #tpu.memory_space<semaphore_mem>>) {add = true}
          %dma_wait3A_246 = arith.constant 0 : i32
          %dma_wait3A_247 = arith.constant 0 : i32
          %dma_wait3A_248 = tpu.memref_slice %arg21[%dma_wait3A_246, %dma_wait3A_247] : memref<1040x128xf32, #tpu.memory_space<vmem_shared>> -> memref<1040x128xf32, #tpu.memory_space<vmem_shared>>
          tpu.wait_indirect_dma semaphore(%run_scoped3A : memref<!tpu.dma_semaphore, #tpu.memory_space<semaphore_mem>>) src(%arg19 : memref<96x128xf32, #tpu.memory_space<vmem>>) dst(%dma_wait3A_248 : memref<1040x128xf32, #tpu.memory_space<vmem_shared>>)
          tpu.yield
        }) : () -> ()
        %add3A_237 = arith.constant 3 : i32
        %add3A_238 = arith.addi %mul3A_206, %add3A_237 : i32
        %lt3A_239 = arith.cmpi slt, %add3A_238, %select_n3A_147 : i32
        %convert_element_type3A_240 = arith.extui %lt3A_239 : i1 to i32
        %cond3A_241 = arith.constant 0 : i32
        %cond3A_242 = arith.cmpi ne, %convert_element_type3A_240, %cond3A_241 : i32
        scf.if %cond3A_242 {
          %add3A_243 = arith.constant 3 : i32
          %add3A_244 = arith.addi %mul3A_206, %add3A_243 : i32
          %mul3A_245 = arith.constant 96 : i32
          %mul3A_246 = arith.muli %add3A_244, %mul3A_245 : i32
          %add3A_247 = arith.constant 0 : i32
          %add3A_248 = arith.addi %mul3A_246, %add3A_247 : i32
          %get3A = arith.index_cast %add3A_248 : i32 to index
          %get3A_249 = tpu.vector_load %arg9[%get3A] {strides = array<i32>} : memref<10192xi32, #tpu.memory_space<vmem>>, vector<16xi32>,
          %swap3A_250 = arith.constant 0 : index
          %swap3A_251 = tpu.vector_load %arg13[%swap3A_250] {strides = array<i32>} : memref<96xi32, #tpu.memory_space<vmem>>, vector<16xi32>,
          tpu.vector_store %arg13[%swap3A_250], %get3A_249 {strides = array<i32>} : memref<96xi32, #tpu.memory_space<vmem>>, vector<16xi32>,
          %mul3A_252 = arith.constant 96 : i32
          %mul3A_253 = arith.muli %add3A_244, %mul3A_252 : i32
          %add3A_254 = arith.constant 0 : i32
          %add3A_255 = arith.addi %mul3A_253, %add3A_254 : i32
          %get3A_256 = arith.index_cast %add3A_255 : i32 to index
          %get3A_257 = tpu.vector_load %arg10[%get3A_256] {strides = array<i32>} : memref<10192xi32, #tpu.memory_space<vmem>>, vector<16xi32>,
          %swap3A_258 = arith.constant 0 : index
          %swap3A_259 = tpu.vector_load %arg14[%swap3A_258] {strides = array<i32>} : memref<96xi32, #tpu.memory_space<vmem>>, vector<16xi32>,
          tpu.vector_store %arg14[%swap3A_258], %get3A_257 {strides = array<i32>} : memref<96xi32, #tpu.memory_space<vmem>>, vector<16xi32>,
          %mul3A_260 = arith.constant 96 : i32
          %mul3A_261 = arith.muli %add3A_244, %mul3A_260 : i32
          %add3A_262 = arith.constant 16 : i32
          %add3A_263 = arith.addi %mul3A_261, %add3A_262 : i32
          %get3A_264 = arith.index_cast %add3A_263 : i32 to index
          %get3A_265 = tpu.vector_load %arg9[%get3A_264] {strides = array<i32>} : memref<10192xi32, #tpu.memory_space<vmem>>, vector<16xi32>,
          %swap3A_266 = arith.constant 16 : index
          %swap3A_267 = tpu.vector_load %arg13[%swap3A_266] {strides = array<i32>} : memref<96xi32, #tpu.memory_space<vmem>>, vector<16xi32>,
          tpu.vector_store %arg13[%swap3A_266], %get3A_265 {strides = array<i32>} : memref<96xi32, #tpu.memory_space<vmem>>, vector<16xi32>,
          %mul3A_268 = arith.constant 96 : i32
          %mul3A_269 = arith.muli %add3A_244, %mul3A_268 : i32
          %add3A_270 = arith.constant 16 : i32
          %add3A_271 = arith.addi %mul3A_269, %add3A_270 : i32
          %get3A_272 = arith.index_cast %add3A_271 : i32 to index
          %get3A_273 = tpu.vector_load %arg10[%get3A_272] {strides = array<i32>} : memref<10192xi32, #tpu.memory_space<vmem>>, vector<16xi32>,
          %swap3A_274 = arith.constant 16 : index
          %swap3A_275 = tpu.vector_load %arg14[%swap3A_274] {strides = array<i32>} : memref<96xi32, #tpu.memory_space<vmem>>, vector<16xi32>,
          tpu.vector_store %arg14[%swap3A_274], %get3A_273 {strides = array<i32>} : memref<96xi32, #tpu.memory_space<vmem>>, vector<16xi32>,
          %mul3A_276 = arith.constant 96 : i32
          %mul3A_277 = arith.muli %add3A_244, %mul3A_276 : i32
          %add3A_278 = arith.constant 32 : i32
          %add3A_279 = arith.addi %mul3A_277, %add3A_278 : i32
          %get3A_280 = arith.index_cast %add3A_279 : i32 to index
          %get3A_281 = tpu.vector_load %arg9[%get3A_280] {strides = array<i32>} : memref<10192xi32, #tpu.memory_space<vmem>>, vector<16xi32>,
          %swap3A_282 = arith.constant 32 : index
          %swap3A_283 = tpu.vector_load %arg13[%swap3A_282] {strides = array<i32>} : memref<96xi32, #tpu.memory_space<vmem>>, vector<16xi32>,
          tpu.vector_store %arg13[%swap3A_282], %get3A_281 {strides = array<i32>} : memref<96xi32, #tpu.memory_space<vmem>>, vector<16xi32>,
          %mul3A_284 = arith.constant 96 : i32
          %mul3A_285 = arith.muli %add3A_244, %mul3A_284 : i32
          %add3A_286 = arith.constant 32 : i32
          %add3A_287 = arith.addi %mul3A_285, %add3A_286 : i32
          %get3A_288 = arith.index_cast %add3A_287 : i32 to index
          %get3A_289 = tpu.vector_load %arg10[%get3A_288] {strides = array<i32>} : memref<10192xi32, #tpu.memory_space<vmem>>, vector<16xi32>,
          %swap3A_290 = arith.constant 32 : index
          %swap3A_291 = tpu.vector_load %arg14[%swap3A_290] {strides = array<i32>} : memref<96xi32, #tpu.memory_space<vmem>>, vector<16xi32>,
          tpu.vector_store %arg14[%swap3A_290], %get3A_289 {strides = array<i32>} : memref<96xi32, #tpu.memory_space<vmem>>, vector<16xi32>,
          %mul3A_292 = arith.constant 96 : i32
          %mul3A_293 = arith.muli %add3A_244, %mul3A_292 : i32
          %add3A_294 = arith.constant 48 : i32
          %add3A_295 = arith.addi %mul3A_293, %add3A_294 : i32
          %get3A_296 = arith.index_cast %add3A_295 : i32 to index
          %get3A_297 = tpu.vector_load %arg9[%get3A_296] {strides = array<i32>} : memref<10192xi32, #tpu.memory_space<vmem>>, vector<16xi32>,
          %swap3A_298 = arith.constant 48 : index
          %swap3A_299 = tpu.vector_load %arg13[%swap3A_298] {strides = array<i32>} : memref<96xi32, #tpu.memory_space<vmem>>, vector<16xi32>,
          tpu.vector_store %arg13[%swap3A_298], %get3A_297 {strides = array<i32>} : memref<96xi32, #tpu.memory_space<vmem>>, vector<16xi32>,
          %mul3A_300 = arith.constant 96 : i32
          %mul3A_301 = arith.muli %add3A_244, %mul3A_300 : i32
          %add3A_302 = arith.constant 48 : i32
          %add3A_303 = arith.addi %mul3A_301, %add3A_302 : i32
          %get3A_304 = arith.index_cast %add3A_303 : i32 to index
          %get3A_305 = tpu.vector_load %arg10[%get3A_304] {strides = array<i32>} : memref<10192xi32, #tpu.memory_space<vmem>>, vector<16xi32>,
          %swap3A_306 = arith.constant 48 : index
          %swap3A_307 = tpu.vector_load %arg14[%swap3A_306] {strides = array<i32>} : memref<96xi32, #tpu.memory_space<vmem>>, vector<16xi32>,
          tpu.vector_store %arg14[%swap3A_306], %get3A_305 {strides = array<i32>} : memref<96xi32, #tpu.memory_space<vmem>>, vector<16xi32>,
          %mul3A_308 = arith.constant 96 : i32
          %mul3A_309 = arith.muli %add3A_244, %mul3A_308 : i32
          %add3A_310 = arith.constant 64 : i32
          %add3A_311 = arith.addi %mul3A_309, %add3A_310 : i32
          %get3A_312 = arith.index_cast %add3A_311 : i32 to index
          %get3A_313 = tpu.vector_load %arg9[%get3A_312] {strides = array<i32>} : memref<10192xi32, #tpu.memory_space<vmem>>, vector<16xi32>,
          %swap3A_314 = arith.constant 64 : index
          %swap3A_315 = tpu.vector_load %arg13[%swap3A_314] {strides = array<i32>} : memref<96xi32, #tpu.memory_space<vmem>>, vector<16xi32>,
          tpu.vector_store %arg13[%swap3A_314], %get3A_313 {strides = array<i32>} : memref<96xi32, #tpu.memory_space<vmem>>, vector<16xi32>,
          %mul3A_316 = arith.constant 96 : i32
          %mul3A_317 = arith.muli %add3A_244, %mul3A_316 : i32
          %add3A_318 = arith.constant 64 : i32
          %add3A_319 = arith.addi %mul3A_317, %add3A_318 : i32
          %get3A_320 = arith.index_cast %add3A_319 : i32 to index
          %get3A_321 = tpu.vector_load %arg10[%get3A_320] {strides = array<i32>} : memref<10192xi32, #tpu.memory_space<vmem>>, vector<16xi32>,
          %swap3A_322 = arith.constant 64 : index
          %swap3A_323 = tpu.vector_load %arg14[%swap3A_322] {strides = array<i32>} : memref<96xi32, #tpu.memory_space<vmem>>, vector<16xi32>,
          tpu.vector_store %arg14[%swap3A_322], %get3A_321 {strides = array<i32>} : memref<96xi32, #tpu.memory_space<vmem>>, vector<16xi32>,
          %mul3A_324 = arith.constant 96 : i32
          %mul3A_325 = arith.muli %add3A_244, %mul3A_324 : i32
          %add3A_326 = arith.constant 80 : i32
          %add3A_327 = arith.addi %mul3A_325, %add3A_326 : i32
          %get3A_328 = arith.index_cast %add3A_327 : i32 to index
          %get3A_329 = tpu.vector_load %arg9[%get3A_328] {strides = array<i32>} : memref<10192xi32, #tpu.memory_space<vmem>>, vector<16xi32>,
          %swap3A_330 = arith.constant 80 : index
          %swap3A_331 = tpu.vector_load %arg13[%swap3A_330] {strides = array<i32>} : memref<96xi32, #tpu.memory_space<vmem>>, vector<16xi32>,
          tpu.vector_store %arg13[%swap3A_330], %get3A_329 {strides = array<i32>} : memref<96xi32, #tpu.memory_space<vmem>>, vector<16xi32>,
          %mul3A_332 = arith.constant 96 : i32
          %mul3A_333 = arith.muli %add3A_244, %mul3A_332 : i32
          %add3A_334 = arith.constant 80 : i32
          %add3A_335 = arith.addi %mul3A_333, %add3A_334 : i32
          %get3A_336 = arith.index_cast %add3A_335 : i32 to index
          %get3A_337 = tpu.vector_load %arg10[%get3A_336] {strides = array<i32>} : memref<10192xi32, #tpu.memory_space<vmem>>, vector<16xi32>,
          %swap3A_338 = arith.constant 80 : index
          %swap3A_339 = tpu.vector_load %arg14[%swap3A_338] {strides = array<i32>} : memref<96xi32, #tpu.memory_space<vmem>>, vector<16xi32>,
          tpu.vector_store %arg14[%swap3A_338], %get3A_337 {strides = array<i32>} : memref<96xi32, #tpu.memory_space<vmem>>, vector<16xi32>,
          %dma_start3A_340 = arith.constant 0 : i32
          %dma_start3A_341 = arith.constant 0 : i32
          %dma_start3A_342 = tpu.memref_slice %arg3[%dma_start3A_340, %dma_start3A_341] : memref<10000x128xf32, #tpu.memory_space<hbm>> -> memref<10000x128xf32, #tpu.memory_space<hbm>>
          tpu.enqueue_indirect_dma source(%dma_start3A_342 : memref<10000x128xf32, #tpu.memory_space<hbm>>) target(%arg17 : memref<96x128xf32, #tpu.memory_space<vmem>>) offsets(%arg13 : memref<96xi32, #tpu.memory_space<vmem>>) semaphore(%arg27 : memref<!tpu.dma_semaphore, #tpu.memory_space<semaphore_mem>>)
          %dma_start3A_343 = arith.constant 0 : i32
          %dma_start3A_344 = arith.constant 0 : i32
          %dma_start3A_345 = tpu.memref_slice %arg22[%dma_start3A_343, %dma_start3A_344] : memref<1040x128xf32, #tpu.memory_space<vmem_shared>> -> memref<1040x128xf32, #tpu.memory_space<vmem_shared>>
          tpu.enqueue_indirect_dma source(%dma_start3A_345 : memref<1040x128xf32, #tpu.memory_space<vmem_shared>>) target(%arg18 : memref<96x128xf32, #tpu.memory_space<vmem>>) offsets(%arg14 : memref<96xi32, #tpu.memory_space<vmem>>) semaphore(%arg28 : memref<!tpu.dma_semaphore, #tpu.memory_space<semaphore_mem>>)
        } else {
        }
      } else {
      }
      %while3A_227 = arith.constant 0 : i32
      scf.yield %while3A_227 : i32
    }
    %while3A_192 = arith.constant 1 : i32
    %while3A_193 = scf.for %while3A_203 = %while3A_189 to %while3A_185 step %while3A_192 iter_args(%while3A_204 = %while3A_191) -> (i32)  : i32 {
      %mul3A_205 = arith.constant 2 : i32
      %mul3A_206 = arith.muli %mul3A_205, %while3A_203 : i32
      %dma_wait3A_207 = arith.constant 0 : i32
      %dma_wait3A_208 = arith.constant 0 : i32
      %dma_wait3A_209 = tpu.memref_slice %arg3[%dma_wait3A_207, %dma_wait3A_208] : memref<10000x128xf32, #tpu.memory_space<hbm>> -> memref<10000x128xf32, #tpu.memory_space<hbm>>
      tpu.wait_indirect_dma semaphore(%arg25 : memref<!tpu.dma_semaphore, #tpu.memory_space<semaphore_mem>>) src(%dma_wait3A_209 : memref<10000x128xf32, #tpu.memory_space<hbm>>) dst(%arg15 : memref<96x128xf32, #tpu.memory_space<vmem>>)
      %dma_wait3A_210 = arith.constant 0 : i32
      %dma_wait3A_211 = arith.constant 0 : i32
      %dma_wait3A_212 = tpu.memref_slice %arg22[%dma_wait3A_210, %dma_wait3A_211] : memref<1040x128xf32, #tpu.memory_space<vmem_shared>> -> memref<1040x128xf32, #tpu.memory_space<vmem_shared>>
      tpu.wait_indirect_dma semaphore(%arg26 : memref<!tpu.dma_semaphore, #tpu.memory_space<semaphore_mem>>) src(%dma_wait3A_212 : memref<1040x128xf32, #tpu.memory_space<vmem_shared>>) dst(%arg16 : memref<96x128xf32, #tpu.memory_space<vmem>>)
      %parallel_loop3A_213 = arith.constant 0 : i32
      %parallel_loop3A_214 = arith.constant 96 : i32
      %parallel_loop3A_215 = arith.constant 1 : i32
      scf.for %parallel_loop3A_228 = %parallel_loop3A_213 to %parallel_loop3A_214 step %parallel_loop3A_215  : i32 {
        %parallel_loop3A_229 = arith.index_cast %parallel_loop3A_228 : i32 to index
        %parallel_loop3A_230 = arith.constant 0 : index
        %parallel_loop3A_231 = tpu.vector_load %arg15[%parallel_loop3A_229, %parallel_loop3A_230] {strides = array<i32>} : memref<96x128xf32, #tpu.memory_space<vmem>>, vector<16xf32>,
        %parallel_loop3A_232 = arith.index_cast %parallel_loop3A_228 : i32 to index
        %parallel_loop3A_233 = arith.constant 0 : index
        %parallel_loop3A_234 = tpu.vector_load %arg16[%parallel_loop3A_232, %parallel_loop3A_233] {strides = array<i32>} : memref<96x128xf32, #tpu.memory_space<vmem>>, vector<16xf32>,
        %parallel_loop3A_235 = arith.addf %parallel_loop3A_231, %parallel_loop3A_234 : vector<16xf32>
        %parallel_loop3A_236 = arith.constant 0.000000e+00 : f32
        %parallel_loop3A_237 = vector.broadcast %parallel_loop3A_236 : f32 to vector<16xf32>
        %parallel_loop3A_238 = arith.subf %parallel_loop3A_237, %parallel_loop3A_235 : vector<16xf32>
        %parallel_loop3A_239 = math.exp %parallel_loop3A_238 : vector<16xf32>
        %parallel_loop3A_240 = arith.constant 1.000000e+00 : f32
        %parallel_loop3A_241 = vector.broadcast %parallel_loop3A_240 : f32 to vector<16xf32>
        %parallel_loop3A_242 = arith.addf %parallel_loop3A_241, %parallel_loop3A_239 : vector<16xf32>
        %parallel_loop3A_243 = arith.divf %parallel_loop3A_235, %parallel_loop3A_242 : vector<16xf32>
        %parallel_loop3A_244 = arith.index_cast %parallel_loop3A_228 : i32 to index
        %parallel_loop3A_245 = arith.constant 0 : index
        %parallel_loop3A_246 = tpu.vector_load %arg15[%parallel_loop3A_244, %parallel_loop3A_245] {strides = array<i32>} : memref<96x128xf32, #tpu.memory_space<vmem>>, vector<16xf32>,
        tpu.vector_store %arg15[%parallel_loop3A_244, %parallel_loop3A_245], %parallel_loop3A_243 {strides = array<i32>} : memref<96x128xf32, #tpu.memory_space<vmem>>, vector<16xf32>,
        %parallel_loop3A_247 = arith.index_cast %parallel_loop3A_228 : i32 to index
        %parallel_loop3A_248 = arith.constant 16 : index
        %parallel_loop3A_249 = tpu.vector_load %arg15[%parallel_loop3A_247, %parallel_loop3A_248] {strides = array<i32>} : memref<96x128xf32, #tpu.memory_space<vmem>>, vector<16xf32>,
        %parallel_loop3A_250 = arith.index_cast %parallel_loop3A_228 : i32 to index
        %parallel_loop3A_251 = arith.constant 16 : index
        %parallel_loop3A_252 = tpu.vector_load %arg16[%parallel_loop3A_250, %parallel_loop3A_251] {strides = array<i32>} : memref<96x128xf32, #tpu.memory_space<vmem>>, vector<16xf32>,
        %parallel_loop3A_253 = arith.addf %parallel_loop3A_249, %parallel_loop3A_252 : vector<16xf32>
        %parallel_loop3A_254 = arith.constant 0.000000e+00 : f32
        %parallel_loop3A_255 = vector.broadcast %parallel_loop3A_254 : f32 to vector<16xf32>
        %parallel_loop3A_256 = arith.subf %parallel_loop3A_255, %parallel_loop3A_253 : vector<16xf32>
        %parallel_loop3A_257 = math.exp %parallel_loop3A_256 : vector<16xf32>
        %parallel_loop3A_258 = arith.constant 1.000000e+00 : f32
        %parallel_loop3A_259 = vector.broadcast %parallel_loop3A_258 : f32 to vector<16xf32>
        %parallel_loop3A_260 = arith.addf %parallel_loop3A_259, %parallel_loop3A_257 : vector<16xf32>
        %parallel_loop3A_261 = arith.divf %parallel_loop3A_253, %parallel_loop3A_260 : vector<16xf32>
        %parallel_loop3A_262 = arith.index_cast %parallel_loop3A_228 : i32 to index
        %parallel_loop3A_263 = arith.constant 16 : index
        %parallel_loop3A_264 = tpu.vector_load %arg15[%parallel_loop3A_262, %parallel_loop3A_263] {strides = array<i32>} : memref<96x128xf32, #tpu.memory_space<vmem>>, vector<16xf32>,
        tpu.vector_store %arg15[%parallel_loop3A_262, %parallel_loop3A_263], %parallel_loop3A_261 {strides = array<i32>} : memref<96x128xf32, #tpu.memory_space<vmem>>, vector<16xf32>,
        %parallel_loop3A_265 = arith.index_cast %parallel_loop3A_228 : i32 to index
        %parallel_loop3A_266 = arith.constant 32 : index
        %parallel_loop3A_267 = tpu.vector_load %arg15[%parallel_loop3A_265, %parallel_loop3A_266] {strides = array<i32>} : memref<96x128xf32, #tpu.memory_space<vmem>>, vector<16xf32>,
        %parallel_loop3A_268 = arith.index_cast %parallel_loop3A_228 : i32 to index
        %parallel_loop3A_269 = arith.constant 32 : index
        %parallel_loop3A_270 = tpu.vector_load %arg16[%parallel_loop3A_268, %parallel_loop3A_269] {strides = array<i32>} : memref<96x128xf32, #tpu.memory_space<vmem>>, vector<16xf32>,
        %parallel_loop3A_271 = arith.addf %parallel_loop3A_267, %parallel_loop3A_270 : vector<16xf32>
        %parallel_loop3A_272 = arith.constant 0.000000e+00 : f32
        %parallel_loop3A_273 = vector.broadcast %parallel_loop3A_272 : f32 to vector<16xf32>
        %parallel_loop3A_274 = arith.subf %parallel_loop3A_273, %parallel_loop3A_271 : vector<16xf32>
        %parallel_loop3A_275 = math.exp %parallel_loop3A_274 : vector<16xf32>
        %parallel_loop3A_276 = arith.constant 1.000000e+00 : f32
        %parallel_loop3A_277 = vector.broadcast %parallel_loop3A_276 : f32 to vector<16xf32>
        %parallel_loop3A_278 = arith.addf %parallel_loop3A_277, %parallel_loop3A_275 : vector<16xf32>
        %parallel_loop3A_279 = arith.divf %parallel_loop3A_271, %parallel_loop3A_278 : vector<16xf32>
        %parallel_loop3A_280 = arith.index_cast %parallel_loop3A_228 : i32 to index
        %parallel_loop3A_281 = arith.constant 32 : index
        %parallel_loop3A_282 = tpu.vector_load %arg15[%parallel_loop3A_280, %parallel_loop3A_281] {strides = array<i32>} : memref<96x128xf32, #tpu.memory_space<vmem>>, vector<16xf32>,
        tpu.vector_store %arg15[%parallel_loop3A_280, %parallel_loop3A_281], %parallel_loop3A_279 {strides = array<i32>} : memref<96x128xf32, #tpu.memory_space<vmem>>, vector<16xf32>,
        %parallel_loop3A_283 = arith.index_cast %parallel_loop3A_228 : i32 to index
        %parallel_loop3A_284 = arith.constant 48 : index
        %parallel_loop3A_285 = tpu.vector_load %arg15[%parallel_loop3A_283, %parallel_loop3A_284] {strides = array<i32>} : memref<96x128xf32, #tpu.memory_space<vmem>>, vector<16xf32>,
        %parallel_loop3A_286 = arith.index_cast %parallel_loop3A_228 : i32 to index
        %parallel_loop3A_287 = arith.constant 48 : index
        %parallel_loop3A_288 = tpu.vector_load %arg16[%parallel_loop3A_286, %parallel_loop3A_287] {strides = array<i32>} : memref<96x128xf32, #tpu.memory_space<vmem>>, vector<16xf32>,
        %parallel_loop3A_289 = arith.addf %parallel_loop3A_285, %parallel_loop3A_288 : vector<16xf32>
        %parallel_loop3A_290 = arith.constant 0.000000e+00 : f32
        %parallel_loop3A_291 = vector.broadcast %parallel_loop3A_290 : f32 to vector<16xf32>
        %parallel_loop3A_292 = arith.subf %parallel_loop3A_291, %parallel_loop3A_289 : vector<16xf32>
        %parallel_loop3A_293 = math.exp %parallel_loop3A_292 : vector<16xf32>
        %parallel_loop3A_294 = arith.constant 1.000000e+00 : f32
        %parallel_loop3A_295 = vector.broadcast %parallel_loop3A_294 : f32 to vector<16xf32>
        %parallel_loop3A_296 = arith.addf %parallel_loop3A_295, %parallel_loop3A_293 : vector<16xf32>
        %parallel_loop3A_297 = arith.divf %parallel_loop3A_289, %parallel_loop3A_296 : vector<16xf32>
        %parallel_loop3A_298 = arith.index_cast %parallel_loop3A_228 : i32 to index
        %parallel_loop3A_299 = arith.constant 48 : index
        %parallel_loop3A_300 = tpu.vector_load %arg15[%parallel_loop3A_298, %parallel_loop3A_299] {strides = array<i32>} : memref<96x128xf32, #tpu.memory_space<vmem>>, vector<16xf32>,
        tpu.vector_store %arg15[%parallel_loop3A_298, %parallel_loop3A_299], %parallel_loop3A_297 {strides = array<i32>} : memref<96x128xf32, #tpu.memory_space<vmem>>, vector<16xf32>,
        %parallel_loop3A_301 = arith.index_cast %parallel_loop3A_228 : i32 to index
        %parallel_loop3A_302 = arith.constant 64 : index
        %parallel_loop3A_303 = tpu.vector_load %arg15[%parallel_loop3A_301, %parallel_loop3A_302] {strides = array<i32>} : memref<96x128xf32, #tpu.memory_space<vmem>>, vector<16xf32>,
        %parallel_loop3A_304 = arith.index_cast %parallel_loop3A_228 : i32 to index
        %parallel_loop3A_305 = arith.constant 64 : index
        %parallel_loop3A_306 = tpu.vector_load %arg16[%parallel_loop3A_304, %parallel_loop3A_305] {strides = array<i32>} : memref<96x128xf32, #tpu.memory_space<vmem>>, vector<16xf32>,
        %parallel_loop3A_307 = arith.addf %parallel_loop3A_303, %parallel_loop3A_306 : vector<16xf32>
        %parallel_loop3A_308 = arith.constant 0.000000e+00 : f32
        %parallel_loop3A_309 = vector.broadcast %parallel_loop3A_308 : f32 to vector<16xf32>
        %parallel_loop3A_310 = arith.subf %parallel_loop3A_309, %parallel_loop3A_307 : vector<16xf32>
        %parallel_loop3A_311 = math.exp %parallel_loop3A_310 : vector<16xf32>
        %parallel_loop3A_312 = arith.constant 1.000000e+00 : f32
        %parallel_loop3A_313 = vector.broadcast %parallel_loop3A_312 : f32 to vector<16xf32>
        %parallel_loop3A_314 = arith.addf %parallel_loop3A_313, %parallel_loop3A_311 : vector<16xf32>
        %parallel_loop3A_315 = arith.divf %parallel_loop3A_307, %parallel_loop3A_314 : vector<16xf32>
        %parallel_loop3A_316 = arith.index_cast %parallel_loop3A_228 : i32 to index
        %parallel_loop3A_317 = arith.constant 64 : index
        %parallel_loop3A_318 = tpu.vector_load %arg15[%parallel_loop3A_316, %parallel_loop3A_317] {strides = array<i32>} : memref<96x128xf32, #tpu.memory_space<vmem>>, vector<16xf32>,
        tpu.vector_store %arg15[%parallel_loop3A_316, %parallel_loop3A_317], %parallel_loop3A_315 {strides = array<i32>} : memref<96x128xf32, #tpu.memory_space<vmem>>, vector<16xf32>,
        %parallel_loop3A_319 = arith.index_cast %parallel_loop3A_228 : i32 to index
        %parallel_loop3A_320 = arith.constant 80 : index
        %parallel_loop3A_321 = tpu.vector_load %arg15[%parallel_loop3A_319, %parallel_loop3A_320] {strides = array<i32>} : memref<96x128xf32, #tpu.memory_space<vmem>>, vector<16xf32>,
        %parallel_loop3A_322 = arith.index_cast %parallel_loop3A_228 : i32 to index
        %parallel_loop3A_323 = arith.constant 80 : index
        %parallel_loop3A_324 = tpu.vector_load %arg16[%parallel_loop3A_322, %parallel_loop3A_323] {strides = array<i32>} : memref<96x128xf32, #tpu.memory_space<vmem>>, vector<16xf32>,
        %parallel_loop3A_325 = arith.addf %parallel_loop3A_321, %parallel_loop3A_324 : vector<16xf32>
        %parallel_loop3A_326 = arith.constant 0.000000e+00 : f32
        %parallel_loop3A_327 = vector.broadcast %parallel_loop3A_326 : f32 to vector<16xf32>
        %parallel_loop3A_328 = arith.subf %parallel_loop3A_327, %parallel_loop3A_325 : vector<16xf32>
        %parallel_loop3A_329 = math.exp %parallel_loop3A_328 : vector<16xf32>
        %parallel_loop3A_330 = arith.constant 1.000000e+00 : f32
        %parallel_loop3A_331 = vector.broadcast %parallel_loop3A_330 : f32 to vector<16xf32>
        %parallel_loop3A_332 = arith.addf %parallel_loop3A_331, %parallel_loop3A_329 : vector<16xf32>
        %parallel_loop3A_333 = arith.divf %parallel_loop3A_325, %parallel_loop3A_332 : vector<16xf32>
        %parallel_loop3A_334 = arith.index_cast %parallel_loop3A_228 : i32 to index
        %parallel_loop3A_335 = arith.constant 80 : index
        %parallel_loop3A_336 = tpu.vector_load %arg15[%parallel_loop3A_334, %parallel_loop3A_335] {strides = array<i32>} : memref<96x128xf32, #tpu.memory_space<vmem>>, vector<16xf32>,
        tpu.vector_store %arg15[%parallel_loop3A_334, %parallel_loop3A_335], %parallel_loop3A_333 {strides = array<i32>} : memref<96x128xf32, #tpu.memory_space<vmem>>, vector<16xf32>,
        %parallel_loop3A_337 = arith.index_cast %parallel_loop3A_228 : i32 to index
        %parallel_loop3A_338 = arith.constant 96 : index
        %parallel_loop3A_339 = tpu.vector_load %arg15[%parallel_loop3A_337, %parallel_loop3A_338] {strides = array<i32>} : memref<96x128xf32, #tpu.memory_space<vmem>>, vector<16xf32>,
        %parallel_loop3A_340 = arith.index_cast %parallel_loop3A_228 : i32 to index
        %parallel_loop3A_341 = arith.constant 96 : index
        %parallel_loop3A_342 = tpu.vector_load %arg16[%parallel_loop3A_340, %parallel_loop3A_341] {strides = array<i32>} : memref<96x128xf32, #tpu.memory_space<vmem>>, vector<16xf32>,
        %parallel_loop3A_343 = arith.addf %parallel_loop3A_339, %parallel_loop3A_342 : vector<16xf32>
        %parallel_loop3A_344 = arith.constant 0.000000e+00 : f32
        %parallel_loop3A_345 = vector.broadcast %parallel_loop3A_344 : f32 to vector<16xf32>
        %parallel_loop3A_346 = arith.subf %parallel_loop3A_345, %parallel_loop3A_343 : vector<16xf32>
        %parallel_loop3A_347 = math.exp %parallel_loop3A_346 : vector<16xf32>
        %parallel_loop3A_348 = arith.constant 1.000000e+00 : f32
        %parallel_loop3A_349 = vector.broadcast %parallel_loop3A_348 : f32 to vector<16xf32>
        %parallel_loop3A_350 = arith.addf %parallel_loop3A_349, %parallel_loop3A_347 : vector<16xf32>
        %parallel_loop3A_351 = arith.divf %parallel_loop3A_343, %parallel_loop3A_350 : vector<16xf32>
        %parallel_loop3A_352 = arith.index_cast %parallel_loop3A_228 : i32 to index
        %parallel_loop3A_353 = arith.constant 96 : index
        %parallel_loop3A_354 = tpu.vector_load %arg15[%parallel_loop3A_352, %parallel_loop3A_353] {strides = array<i32>} : memref<96x128xf32, #tpu.memory_space<vmem>>, vector<16xf32>,
        tpu.vector_store %arg15[%parallel_loop3A_352, %parallel_loop3A_353], %parallel_loop3A_351 {strides = array<i32>} : memref<96x128xf32, #tpu.memory_space<vmem>>, vector<16xf32>,
        %parallel_loop3A_355 = arith.index_cast %parallel_loop3A_228 : i32 to index
        %parallel_loop3A_356 = arith.constant 112 : index
        %parallel_loop3A_357 = tpu.vector_load %arg15[%parallel_loop3A_355, %parallel_loop3A_356] {strides = array<i32>} : memref<96x128xf32, #tpu.memory_space<vmem>>, vector<16xf32>,
        %parallel_loop3A_358 = arith.index_cast %parallel_loop3A_228 : i32 to index
        %parallel_loop3A_359 = arith.constant 112 : index
        %parallel_loop3A_360 = tpu.vector_load %arg16[%parallel_loop3A_358, %parallel_loop3A_359] {strides = array<i32>} : memref<96x128xf32, #tpu.memory_space<vmem>>, vector<16xf32>,
        %parallel_loop3A_361 = arith.addf %parallel_loop3A_357, %parallel_loop3A_360 : vector<16xf32>
        %parallel_loop3A_362 = arith.constant 0.000000e+00 : f32
        %parallel_loop3A_363 = vector.broadcast %parallel_loop3A_362 : f32 to vector<16xf32>
        %parallel_loop3A_364 = arith.subf %parallel_loop3A_363, %parallel_loop3A_361 : vector<16xf32>
        %parallel_loop3A_365 = math.exp %parallel_loop3A_364 : vector<16xf32>
        %parallel_loop3A_366 = arith.constant 1.000000e+00 : f32
        %parallel_loop3A_367 = vector.broadcast %parallel_loop3A_366 : f32 to vector<16xf32>
        %parallel_loop3A_368 = arith.addf %parallel_loop3A_367, %parallel_loop3A_365 : vector<16xf32>
        %parallel_loop3A_369 = arith.divf %parallel_loop3A_361, %parallel_loop3A_368 : vector<16xf32>
        %parallel_loop3A_370 = arith.index_cast %parallel_loop3A_228 : i32 to index
        %parallel_loop3A_371 = arith.constant 112 : index
        %parallel_loop3A_372 = tpu.vector_load %arg15[%parallel_loop3A_370, %parallel_loop3A_371] {strides = array<i32>} : memref<96x128xf32, #tpu.memory_space<vmem>>, vector<16xf32>,
        tpu.vector_store %arg15[%parallel_loop3A_370, %parallel_loop3A_371], %parallel_loop3A_369 {strides = array<i32>} : memref<96x128xf32, #tpu.memory_space<vmem>>, vector<16xf32>,
      } {sc.loop_unroll_factor = 2 : i64, sc.parallel_access}
      "tpu.region"() ({
        %run_scoped3A = tpu.sem_alloc : memref<!tpu.dma_semaphore, #tpu.memory_space<semaphore_mem>>
        %dma_start3A_228 = arith.constant 0 : i32
        %dma_start3A_229 = arith.constant 0 : i32
        %dma_start3A_230 = tpu.memref_slice %arg20[%dma_start3A_228, %dma_start3A_229] : memref<1040x128xf32, #tpu.memory_space<vmem_shared>> -> memref<1040x128xf32, #tpu.memory_space<vmem_shared>>
        tpu.enqueue_indirect_dma source(%arg15 : memref<96x128xf32, #tpu.memory_space<vmem>>) target(%dma_start3A_230 : memref<1040x128xf32, #tpu.memory_space<vmem_shared>>) offsets(%arg12 : memref<96xi32, #tpu.memory_space<vmem>>) semaphore(%run_scoped3A : memref<!tpu.dma_semaphore, #tpu.memory_space<semaphore_mem>>) {add = true}
        %dma_wait3A_231 = arith.constant 0 : i32
        %dma_wait3A_232 = arith.constant 0 : i32
        %dma_wait3A_233 = tpu.memref_slice %arg20[%dma_wait3A_231, %dma_wait3A_232] : memref<1040x128xf32, #tpu.memory_space<vmem_shared>> -> memref<1040x128xf32, #tpu.memory_space<vmem_shared>>
        tpu.wait_indirect_dma semaphore(%run_scoped3A : memref<!tpu.dma_semaphore, #tpu.memory_space<semaphore_mem>>) src(%arg15 : memref<96x128xf32, #tpu.memory_space<vmem>>) dst(%dma_wait3A_233 : memref<1040x128xf32, #tpu.memory_space<vmem_shared>>)
        tpu.yield
      }) : () -> ()
      "tpu.region"() ({
        %run_scoped3A = tpu.sem_alloc : memref<!tpu.dma_semaphore, #tpu.memory_space<semaphore_mem>>
        %dma_start3A_228 = arith.constant 0 : i32
        %dma_start3A_229 = arith.constant 0 : i32
        %dma_start3A_230 = tpu.memref_slice %arg21[%dma_start3A_228, %dma_start3A_229] : memref<1040x128xf32, #tpu.memory_space<vmem_shared>> -> memref<1040x128xf32, #tpu.memory_space<vmem_shared>>
        tpu.enqueue_indirect_dma source(%arg19 : memref<96x128xf32, #tpu.memory_space<vmem>>) target(%dma_start3A_230 : memref<1040x128xf32, #tpu.memory_space<vmem_shared>>) offsets(%arg12 : memref<96xi32, #tpu.memory_space<vmem>>) semaphore(%run_scoped3A : memref<!tpu.dma_semaphore, #tpu.memory_space<semaphore_mem>>) {add = true}
        %dma_wait3A_231 = arith.constant 0 : i32
        %dma_wait3A_232 = arith.constant 0 : i32
        %dma_wait3A_233 = tpu.memref_slice %arg21[%dma_wait3A_231, %dma_wait3A_232] : memref<1040x128xf32, #tpu.memory_space<vmem_shared>> -> memref<1040x128xf32, #tpu.memory_space<vmem_shared>>
        tpu.wait_indirect_dma semaphore(%run_scoped3A : memref<!tpu.dma_semaphore, #tpu.memory_space<semaphore_mem>>) src(%arg19 : memref<96x128xf32, #tpu.memory_space<vmem>>) dst(%dma_wait3A_233 : memref<1040x128xf32, #tpu.memory_space<vmem_shared>>)
        tpu.yield
      }) : () -> ()
      %add3A_216 = arith.constant 2 : i32
      %add3A_217 = arith.addi %mul3A_206, %add3A_216 : i32
      %lt3A = arith.cmpi slt, %add3A_217, %select_n3A_147 : i32
      %convert_element_type3A_218 = arith.extui %lt3A : i1 to i32
      %cond3A_219 = arith.constant 0 : i32
      %cond3A_220 = arith.cmpi ne, %convert_element_type3A_218, %cond3A_219 : i32
      scf.if %cond3A_220 {
        %add3A_228 = arith.constant 2 : i32
        %add3A_229 = arith.addi %mul3A_206, %add3A_228 : i32
        %mul3A_230 = arith.constant 96 : i32
        %mul3A_231 = arith.muli %add3A_229, %mul3A_230 : i32
        %add3A_232 = arith.constant 0 : i32
        %add3A_233 = arith.addi %mul3A_231, %add3A_232 : i32
        %get3A = arith.index_cast %add3A_233 : i32 to index
        %get3A_234 = tpu.vector_load %arg9[%get3A] {strides = array<i32>} : memref<10192xi32, #tpu.memory_space<vmem>>, vector<16xi32>,
        %swap3A_235 = arith.constant 0 : index
        %swap3A_236 = tpu.vector_load %arg11[%swap3A_235] {strides = array<i32>} : memref<96xi32, #tpu.memory_space<vmem>>, vector<16xi32>,
        tpu.vector_store %arg11[%swap3A_235], %get3A_234 {strides = array<i32>} : memref<96xi32, #tpu.memory_space<vmem>>, vector<16xi32>,
        %mul3A_237 = arith.constant 96 : i32
        %mul3A_238 = arith.muli %add3A_229, %mul3A_237 : i32
        %add3A_239 = arith.constant 0 : i32
        %add3A_240 = arith.addi %mul3A_238, %add3A_239 : i32
        %get3A_241 = arith.index_cast %add3A_240 : i32 to index
        %get3A_242 = tpu.vector_load %arg10[%get3A_241] {strides = array<i32>} : memref<10192xi32, #tpu.memory_space<vmem>>, vector<16xi32>,
        %swap3A_243 = arith.constant 0 : index
        %swap3A_244 = tpu.vector_load %arg12[%swap3A_243] {strides = array<i32>} : memref<96xi32, #tpu.memory_space<vmem>>, vector<16xi32>,
        tpu.vector_store %arg12[%swap3A_243], %get3A_242 {strides = array<i32>} : memref<96xi32, #tpu.memory_space<vmem>>, vector<16xi32>,
        %mul3A_245 = arith.constant 96 : i32
        %mul3A_246 = arith.muli %add3A_229, %mul3A_245 : i32
        %add3A_247 = arith.constant 16 : i32
        %add3A_248 = arith.addi %mul3A_246, %add3A_247 : i32
        %get3A_249 = arith.index_cast %add3A_248 : i32 to index
        %get3A_250 = tpu.vector_load %arg9[%get3A_249] {strides = array<i32>} : memref<10192xi32, #tpu.memory_space<vmem>>, vector<16xi32>,
        %swap3A_251 = arith.constant 16 : index
        %swap3A_252 = tpu.vector_load %arg11[%swap3A_251] {strides = array<i32>} : memref<96xi32, #tpu.memory_space<vmem>>, vector<16xi32>,
        tpu.vector_store %arg11[%swap3A_251], %get3A_250 {strides = array<i32>} : memref<96xi32, #tpu.memory_space<vmem>>, vector<16xi32>,
        %mul3A_253 = arith.constant 96 : i32
        %mul3A_254 = arith.muli %add3A_229, %mul3A_253 : i32
        %add3A_255 = arith.constant 16 : i32
        %add3A_256 = arith.addi %mul3A_254, %add3A_255 : i32
        %get3A_257 = arith.index_cast %add3A_256 : i32 to index
        %get3A_258 = tpu.vector_load %arg10[%get3A_257] {strides = array<i32>} : memref<10192xi32, #tpu.memory_space<vmem>>, vector<16xi32>,
        %swap3A_259 = arith.constant 16 : index
        %swap3A_260 = tpu.vector_load %arg12[%swap3A_259] {strides = array<i32>} : memref<96xi32, #tpu.memory_space<vmem>>, vector<16xi32>,
        tpu.vector_store %arg12[%swap3A_259], %get3A_258 {strides = array<i32>} : memref<96xi32, #tpu.memory_space<vmem>>, vector<16xi32>,
        %mul3A_261 = arith.constant 96 : i32
        %mul3A_262 = arith.muli %add3A_229, %mul3A_261 : i32
        %add3A_263 = arith.constant 32 : i32
        %add3A_264 = arith.addi %mul3A_262, %add3A_263 : i32
        %get3A_265 = arith.index_cast %add3A_264 : i32 to index
        %get3A_266 = tpu.vector_load %arg9[%get3A_265] {strides = array<i32>} : memref<10192xi32, #tpu.memory_space<vmem>>, vector<16xi32>,
        %swap3A_267 = arith.constant 32 : index
        %swap3A_268 = tpu.vector_load %arg11[%swap3A_267] {strides = array<i32>} : memref<96xi32, #tpu.memory_space<vmem>>, vector<16xi32>,
        tpu.vector_store %arg11[%swap3A_267], %get3A_266 {strides = array<i32>} : memref<96xi32, #tpu.memory_space<vmem>>, vector<16xi32>,
        %mul3A_269 = arith.constant 96 : i32
        %mul3A_270 = arith.muli %add3A_229, %mul3A_269 : i32
        %add3A_271 = arith.constant 32 : i32
        %add3A_272 = arith.addi %mul3A_270, %add3A_271 : i32
        %get3A_273 = arith.index_cast %add3A_272 : i32 to index
        %get3A_274 = tpu.vector_load %arg10[%get3A_273] {strides = array<i32>} : memref<10192xi32, #tpu.memory_space<vmem>>, vector<16xi32>,
        %swap3A_275 = arith.constant 32 : index
        %swap3A_276 = tpu.vector_load %arg12[%swap3A_275] {strides = array<i32>} : memref<96xi32, #tpu.memory_space<vmem>>, vector<16xi32>,
        tpu.vector_store %arg12[%swap3A_275], %get3A_274 {strides = array<i32>} : memref<96xi32, #tpu.memory_space<vmem>>, vector<16xi32>,
        %mul3A_277 = arith.constant 96 : i32
        %mul3A_278 = arith.muli %add3A_229, %mul3A_277 : i32
        %add3A_279 = arith.constant 48 : i32
        %add3A_280 = arith.addi %mul3A_278, %add3A_279 : i32
        %get3A_281 = arith.index_cast %add3A_280 : i32 to index
        %get3A_282 = tpu.vector_load %arg9[%get3A_281] {strides = array<i32>} : memref<10192xi32, #tpu.memory_space<vmem>>, vector<16xi32>,
        %swap3A_283 = arith.constant 48 : index
        %swap3A_284 = tpu.vector_load %arg11[%swap3A_283] {strides = array<i32>} : memref<96xi32, #tpu.memory_space<vmem>>, vector<16xi32>,
        tpu.vector_store %arg11[%swap3A_283], %get3A_282 {strides = array<i32>} : memref<96xi32, #tpu.memory_space<vmem>>, vector<16xi32>,
        %mul3A_285 = arith.constant 96 : i32
        %mul3A_286 = arith.muli %add3A_229, %mul3A_285 : i32
        %add3A_287 = arith.constant 48 : i32
        %add3A_288 = arith.addi %mul3A_286, %add3A_287 : i32
        %get3A_289 = arith.index_cast %add3A_288 : i32 to index
        %get3A_290 = tpu.vector_load %arg10[%get3A_289] {strides = array<i32>} : memref<10192xi32, #tpu.memory_space<vmem>>, vector<16xi32>,
        %swap3A_291 = arith.constant 48 : index
        %swap3A_292 = tpu.vector_load %arg12[%swap3A_291] {strides = array<i32>} : memref<96xi32, #tpu.memory_space<vmem>>, vector<16xi32>,
        tpu.vector_store %arg12[%swap3A_291], %get3A_290 {strides = array<i32>} : memref<96xi32, #tpu.memory_space<vmem>>, vector<16xi32>,
        %mul3A_293 = arith.constant 96 : i32
        %mul3A_294 = arith.muli %add3A_229, %mul3A_293 : i32
        %add3A_295 = arith.constant 64 : i32
        %add3A_296 = arith.addi %mul3A_294, %add3A_295 : i32
        %get3A_297 = arith.index_cast %add3A_296 : i32 to index
        %get3A_298 = tpu.vector_load %arg9[%get3A_297] {strides = array<i32>} : memref<10192xi32, #tpu.memory_space<vmem>>, vector<16xi32>,
        %swap3A_299 = arith.constant 64 : index
        %swap3A_300 = tpu.vector_load %arg11[%swap3A_299] {strides = array<i32>} : memref<96xi32, #tpu.memory_space<vmem>>, vector<16xi32>,
        tpu.vector_store %arg11[%swap3A_299], %get3A_298 {strides = array<i32>} : memref<96xi32, #tpu.memory_space<vmem>>, vector<16xi32>,
        %mul3A_301 = arith.constant 96 : i32
        %mul3A_302 = arith.muli %add3A_229, %mul3A_301 : i32
        %add3A_303 = arith.constant 64 : i32
        %add3A_304 = arith.addi %mul3A_302, %add3A_303 : i32
        %get3A_305 = arith.index_cast %add3A_304 : i32 to index
        %get3A_306 = tpu.vector_load %arg10[%get3A_305] {strides = array<i32>} : memref<10192xi32, #tpu.memory_space<vmem>>, vector<16xi32>,
        %swap3A_307 = arith.constant 64 : index
        %swap3A_308 = tpu.vector_load %arg12[%swap3A_307] {strides = array<i32>} : memref<96xi32, #tpu.memory_space<vmem>>, vector<16xi32>,
        tpu.vector_store %arg12[%swap3A_307], %get3A_306 {strides = array<i32>} : memref<96xi32, #tpu.memory_space<vmem>>, vector<16xi32>,
        %mul3A_309 = arith.constant 96 : i32
        %mul3A_310 = arith.muli %add3A_229, %mul3A_309 : i32
        %add3A_311 = arith.constant 80 : i32
        %add3A_312 = arith.addi %mul3A_310, %add3A_311 : i32
        %get3A_313 = arith.index_cast %add3A_312 : i32 to index
        %get3A_314 = tpu.vector_load %arg9[%get3A_313] {strides = array<i32>} : memref<10192xi32, #tpu.memory_space<vmem>>, vector<16xi32>,
        %swap3A_315 = arith.constant 80 : index
        %swap3A_316 = tpu.vector_load %arg11[%swap3A_315] {strides = array<i32>} : memref<96xi32, #tpu.memory_space<vmem>>, vector<16xi32>,
        tpu.vector_store %arg11[%swap3A_315], %get3A_314 {strides = array<i32>} : memref<96xi32, #tpu.memory_space<vmem>>, vector<16xi32>,
        %mul3A_317 = arith.constant 96 : i32
        %mul3A_318 = arith.muli %add3A_229, %mul3A_317 : i32
        %add3A_319 = arith.constant 80 : i32
        %add3A_320 = arith.addi %mul3A_318, %add3A_319 : i32
        %get3A_321 = arith.index_cast %add3A_320 : i32 to index
        %get3A_322 = tpu.vector_load %arg10[%get3A_321] {strides = array<i32>} : memref<10192xi32, #tpu.memory_space<vmem>>, vector<16xi32>,
        %swap3A_323 = arith.constant 80 : index
        %swap3A_324 = tpu.vector_load %arg12[%swap3A_323] {strides = array<i32>} : memref<96xi32, #tpu.memory_space<vmem>>, vector<16xi32>,
        tpu.vector_store %arg12[%swap3A_323], %get3A_322 {strides = array<i32>} : memref<96xi32, #tpu.memory_space<vmem>>, vector<16xi32>,
        %dma_start3A_325 = arith.constant 0 : i32
        %dma_start3A_326 = arith.constant 0 : i32
        %dma_start3A_327 = tpu.memref_slice %arg3[%dma_start3A_325, %dma_start3A_326] : memref<10000x128xf32, #tpu.memory_space<hbm>> -> memref<10000x128xf32, #tpu.memory_space<hbm>>
        tpu.enqueue_indirect_dma source(%dma_start3A_327 : memref<10000x128xf32, #tpu.memory_space<hbm>>) target(%arg15 : memref<96x128xf32, #tpu.memory_space<vmem>>) offsets(%arg11 : memref<96xi32, #tpu.memory_space<vmem>>) semaphore(%arg25 : memref<!tpu.dma_semaphore, #tpu.memory_space<semaphore_mem>>)
        %dma_start3A_328 = arith.constant 0 : i32
        %dma_start3A_329 = arith.constant 0 : i32
        %dma_start3A_330 = tpu.memref_slice %arg22[%dma_start3A_328, %dma_start3A_329] : memref<1040x128xf32, #tpu.memory_space<vmem_shared>> -> memref<1040x128xf32, #tpu.memory_space<vmem_shared>>
        tpu.enqueue_indirect_dma source(%dma_start3A_330 : memref<1040x128xf32, #tpu.memory_space<vmem_shared>>) target(%arg16 : memref<96x128xf32, #tpu.memory_space<vmem>>) offsets(%arg12 : memref<96xi32, #tpu.memory_space<vmem>>) semaphore(%arg26 : memref<!tpu.dma_semaphore, #tpu.memory_space<semaphore_mem>>)
      } else {
      }
      %add3A_221 = arith.constant 1 : i32
      %add3A_222 = arith.addi %mul3A_206, %add3A_221 : i32
      %lt3A_223 = arith.cmpi slt, %add3A_222, %select_n3A_147 : i32
      %convert_element_type3A_224 = arith.extui %lt3A_223 : i1 to i32
      %cond3A_225 = arith.constant 0 : i32
      %cond3A_226 = arith.cmpi ne, %convert_element_type3A_224, %cond3A_225 : i32
      scf.if %cond3A_226 {
        %dma_wait3A_228 = arith.constant 0 : i32
        %dma_wait3A_229 = arith.constant 0 : i32
        %dma_wait3A_230 = tpu.memref_slice %arg3[%dma_wait3A_228, %dma_wait3A_229] : memref<10000x128xf32, #tpu.memory_space<hbm>> -> memref<10000x128xf32, #tpu.memory_space<hbm>>
        tpu.wait_indirect_dma semaphore(%arg27 : memref<!tpu.dma_semaphore, #tpu.memory_space<semaphore_mem>>) src(%dma_wait3A_230 : memref<10000x128xf32, #tpu.memory_space<hbm>>) dst(%arg17 : memref<96x128xf32, #tpu.memory_space<vmem>>)
        %dma_wait3A_231 = arith.constant 0 : i32
        %dma_wait3A_232 = arith.constant 0 : i32
        %dma_wait3A_233 = tpu.memref_slice %arg22[%dma_wait3A_231, %dma_wait3A_232] : memref<1040x128xf32, #tpu.memory_space<vmem_shared>> -> memref<1040x128xf32, #tpu.memory_space<vmem_shared>>
        tpu.wait_indirect_dma semaphore(%arg28 : memref<!tpu.dma_semaphore, #tpu.memory_space<semaphore_mem>>) src(%dma_wait3A_233 : memref<1040x128xf32, #tpu.memory_space<vmem_shared>>) dst(%arg18 : memref<96x128xf32, #tpu.memory_space<vmem>>)
        %parallel_loop3A_234 = arith.constant 0 : i32
        %parallel_loop3A_235 = arith.constant 96 : i32
        %parallel_loop3A_236 = arith.constant 1 : i32
        scf.for %parallel_loop3A_243 = %parallel_loop3A_234 to %parallel_loop3A_235 step %parallel_loop3A_236  : i32 {
          %parallel_loop3A_244 = arith.index_cast %parallel_loop3A_243 : i32 to index
          %parallel_loop3A_245 = arith.constant 0 : index
          %parallel_loop3A_246 = tpu.vector_load %arg17[%parallel_loop3A_244, %parallel_loop3A_245] {strides = array<i32>} : memref<96x128xf32, #tpu.memory_space<vmem>>, vector<16xf32>,
          %parallel_loop3A_247 = arith.index_cast %parallel_loop3A_243 : i32 to index
          %parallel_loop3A_248 = arith.constant 0 : index
          %parallel_loop3A_249 = tpu.vector_load %arg18[%parallel_loop3A_247, %parallel_loop3A_248] {strides = array<i32>} : memref<96x128xf32, #tpu.memory_space<vmem>>, vector<16xf32>,
          %parallel_loop3A_250 = arith.addf %parallel_loop3A_246, %parallel_loop3A_249 : vector<16xf32>
          %parallel_loop3A_251 = arith.constant 0.000000e+00 : f32
          %parallel_loop3A_252 = vector.broadcast %parallel_loop3A_251 : f32 to vector<16xf32>
          %parallel_loop3A_253 = arith.subf %parallel_loop3A_252, %parallel_loop3A_250 : vector<16xf32>
          %parallel_loop3A_254 = math.exp %parallel_loop3A_253 : vector<16xf32>
          %parallel_loop3A_255 = arith.constant 1.000000e+00 : f32
          %parallel_loop3A_256 = vector.broadcast %parallel_loop3A_255 : f32 to vector<16xf32>
          %parallel_loop3A_257 = arith.addf %parallel_loop3A_256, %parallel_loop3A_254 : vector<16xf32>
          %parallel_loop3A_258 = arith.divf %parallel_loop3A_250, %parallel_loop3A_257 : vector<16xf32>
          %parallel_loop3A_259 = arith.index_cast %parallel_loop3A_243 : i32 to index
          %parallel_loop3A_260 = arith.constant 0 : index
          %parallel_loop3A_261 = tpu.vector_load %arg17[%parallel_loop3A_259, %parallel_loop3A_260] {strides = array<i32>} : memref<96x128xf32, #tpu.memory_space<vmem>>, vector<16xf32>,
          tpu.vector_store %arg17[%parallel_loop3A_259, %parallel_loop3A_260], %parallel_loop3A_258 {strides = array<i32>} : memref<96x128xf32, #tpu.memory_space<vmem>>, vector<16xf32>,
          %parallel_loop3A_262 = arith.index_cast %parallel_loop3A_243 : i32 to index
          %parallel_loop3A_263 = arith.constant 16 : index
          %parallel_loop3A_264 = tpu.vector_load %arg17[%parallel_loop3A_262, %parallel_loop3A_263] {strides = array<i32>} : memref<96x128xf32, #tpu.memory_space<vmem>>, vector<16xf32>,
          %parallel_loop3A_265 = arith.index_cast %parallel_loop3A_243 : i32 to index
          %parallel_loop3A_266 = arith.constant 16 : index
          %parallel_loop3A_267 = tpu.vector_load %arg18[%parallel_loop3A_265, %parallel_loop3A_266] {strides = array<i32>} : memref<96x128xf32, #tpu.memory_space<vmem>>, vector<16xf32>,
          %parallel_loop3A_268 = arith.addf %parallel_loop3A_264, %parallel_loop3A_267 : vector<16xf32>
          %parallel_loop3A_269 = arith.constant 0.000000e+00 : f32
          %parallel_loop3A_270 = vector.broadcast %parallel_loop3A_269 : f32 to vector<16xf32>
          %parallel_loop3A_271 = arith.subf %parallel_loop3A_270, %parallel_loop3A_268 : vector<16xf32>
          %parallel_loop3A_272 = math.exp %parallel_loop3A_271 : vector<16xf32>
          %parallel_loop3A_273 = arith.constant 1.000000e+00 : f32
          %parallel_loop3A_274 = vector.broadcast %parallel_loop3A_273 : f32 to vector<16xf32>
          %parallel_loop3A_275 = arith.addf %parallel_loop3A_274, %parallel_loop3A_272 : vector<16xf32>
          %parallel_loop3A_276 = arith.divf %parallel_loop3A_268, %parallel_loop3A_275 : vector<16xf32>
          %parallel_loop3A_277 = arith.index_cast %parallel_loop3A_243 : i32 to index
          %parallel_loop3A_278 = arith.constant 16 : index
          %parallel_loop3A_279 = tpu.vector_load %arg17[%parallel_loop3A_277, %parallel_loop3A_278] {strides = array<i32>} : memref<96x128xf32, #tpu.memory_space<vmem>>, vector<16xf32>,
          tpu.vector_store %arg17[%parallel_loop3A_277, %parallel_loop3A_278], %parallel_loop3A_276 {strides = array<i32>} : memref<96x128xf32, #tpu.memory_space<vmem>>, vector<16xf32>,
          %parallel_loop3A_280 = arith.index_cast %parallel_loop3A_243 : i32 to index
          %parallel_loop3A_281 = arith.constant 32 : index
          %parallel_loop3A_282 = tpu.vector_load %arg17[%parallel_loop3A_280, %parallel_loop3A_281] {strides = array<i32>} : memref<96x128xf32, #tpu.memory_space<vmem>>, vector<16xf32>,
          %parallel_loop3A_283 = arith.index_cast %parallel_loop3A_243 : i32 to index
          %parallel_loop3A_284 = arith.constant 32 : index
          %parallel_loop3A_285 = tpu.vector_load %arg18[%parallel_loop3A_283, %parallel_loop3A_284] {strides = array<i32>} : memref<96x128xf32, #tpu.memory_space<vmem>>, vector<16xf32>,
          %parallel_loop3A_286 = arith.addf %parallel_loop3A_282, %parallel_loop3A_285 : vector<16xf32>
          %parallel_loop3A_287 = arith.constant 0.000000e+00 : f32
          %parallel_loop3A_288 = vector.broadcast %parallel_loop3A_287 : f32 to vector<16xf32>
          %parallel_loop3A_289 = arith.subf %parallel_loop3A_288, %parallel_loop3A_286 : vector<16xf32>
          %parallel_loop3A_290 = math.exp %parallel_loop3A_289 : vector<16xf32>
          %parallel_loop3A_291 = arith.constant 1.000000e+00 : f32
          %parallel_loop3A_292 = vector.broadcast %parallel_loop3A_291 : f32 to vector<16xf32>
          %parallel_loop3A_293 = arith.addf %parallel_loop3A_292, %parallel_loop3A_290 : vector<16xf32>
          %parallel_loop3A_294 = arith.divf %parallel_loop3A_286, %parallel_loop3A_293 : vector<16xf32>
          %parallel_loop3A_295 = arith.index_cast %parallel_loop3A_243 : i32 to index
          %parallel_loop3A_296 = arith.constant 32 : index
          %parallel_loop3A_297 = tpu.vector_load %arg17[%parallel_loop3A_295, %parallel_loop3A_296] {strides = array<i32>} : memref<96x128xf32, #tpu.memory_space<vmem>>, vector<16xf32>,
          tpu.vector_store %arg17[%parallel_loop3A_295, %parallel_loop3A_296], %parallel_loop3A_294 {strides = array<i32>} : memref<96x128xf32, #tpu.memory_space<vmem>>, vector<16xf32>,
          %parallel_loop3A_298 = arith.index_cast %parallel_loop3A_243 : i32 to index
          %parallel_loop3A_299 = arith.constant 48 : index
          %parallel_loop3A_300 = tpu.vector_load %arg17[%parallel_loop3A_298, %parallel_loop3A_299] {strides = array<i32>} : memref<96x128xf32, #tpu.memory_space<vmem>>, vector<16xf32>,
          %parallel_loop3A_301 = arith.index_cast %parallel_loop3A_243 : i32 to index
          %parallel_loop3A_302 = arith.constant 48 : index
          %parallel_loop3A_303 = tpu.vector_load %arg18[%parallel_loop3A_301, %parallel_loop3A_302] {strides = array<i32>} : memref<96x128xf32, #tpu.memory_space<vmem>>, vector<16xf32>,
          %parallel_loop3A_304 = arith.addf %parallel_loop3A_300, %parallel_loop3A_303 : vector<16xf32>
          %parallel_loop3A_305 = arith.constant 0.000000e+00 : f32
          %parallel_loop3A_306 = vector.broadcast %parallel_loop3A_305 : f32 to vector<16xf32>
          %parallel_loop3A_307 = arith.subf %parallel_loop3A_306, %parallel_loop3A_304 : vector<16xf32>
          %parallel_loop3A_308 = math.exp %parallel_loop3A_307 : vector<16xf32>
          %parallel_loop3A_309 = arith.constant 1.000000e+00 : f32
          %parallel_loop3A_310 = vector.broadcast %parallel_loop3A_309 : f32 to vector<16xf32>
          %parallel_loop3A_311 = arith.addf %parallel_loop3A_310, %parallel_loop3A_308 : vector<16xf32>
          %parallel_loop3A_312 = arith.divf %parallel_loop3A_304, %parallel_loop3A_311 : vector<16xf32>
          %parallel_loop3A_313 = arith.index_cast %parallel_loop3A_243 : i32 to index
          %parallel_loop3A_314 = arith.constant 48 : index
          %parallel_loop3A_315 = tpu.vector_load %arg17[%parallel_loop3A_313, %parallel_loop3A_314] {strides = array<i32>} : memref<96x128xf32, #tpu.memory_space<vmem>>, vector<16xf32>,
          tpu.vector_store %arg17[%parallel_loop3A_313, %parallel_loop3A_314], %parallel_loop3A_312 {strides = array<i32>} : memref<96x128xf32, #tpu.memory_space<vmem>>, vector<16xf32>,
          %parallel_loop3A_316 = arith.index_cast %parallel_loop3A_243 : i32 to index
          %parallel_loop3A_317 = arith.constant 64 : index
          %parallel_loop3A_318 = tpu.vector_load %arg17[%parallel_loop3A_316, %parallel_loop3A_317] {strides = array<i32>} : memref<96x128xf32, #tpu.memory_space<vmem>>, vector<16xf32>,
          %parallel_loop3A_319 = arith.index_cast %parallel_loop3A_243 : i32 to index
          %parallel_loop3A_320 = arith.constant 64 : index
          %parallel_loop3A_321 = tpu.vector_load %arg18[%parallel_loop3A_319, %parallel_loop3A_320] {strides = array<i32>} : memref<96x128xf32, #tpu.memory_space<vmem>>, vector<16xf32>,
          %parallel_loop3A_322 = arith.addf %parallel_loop3A_318, %parallel_loop3A_321 : vector<16xf32>
          %parallel_loop3A_323 = arith.constant 0.000000e+00 : f32
          %parallel_loop3A_324 = vector.broadcast %parallel_loop3A_323 : f32 to vector<16xf32>
          %parallel_loop3A_325 = arith.subf %parallel_loop3A_324, %parallel_loop3A_322 : vector<16xf32>
          %parallel_loop3A_326 = math.exp %parallel_loop3A_325 : vector<16xf32>
          %parallel_loop3A_327 = arith.constant 1.000000e+00 : f32
          %parallel_loop3A_328 = vector.broadcast %parallel_loop3A_327 : f32 to vector<16xf32>
          %parallel_loop3A_329 = arith.addf %parallel_loop3A_328, %parallel_loop3A_326 : vector<16xf32>
          %parallel_loop3A_330 = arith.divf %parallel_loop3A_322, %parallel_loop3A_329 : vector<16xf32>
          %parallel_loop3A_331 = arith.index_cast %parallel_loop3A_243 : i32 to index
          %parallel_loop3A_332 = arith.constant 64 : index
          %parallel_loop3A_333 = tpu.vector_load %arg17[%parallel_loop3A_331, %parallel_loop3A_332] {strides = array<i32>} : memref<96x128xf32, #tpu.memory_space<vmem>>, vector<16xf32>,
          tpu.vector_store %arg17[%parallel_loop3A_331, %parallel_loop3A_332], %parallel_loop3A_330 {strides = array<i32>} : memref<96x128xf32, #tpu.memory_space<vmem>>, vector<16xf32>,
          %parallel_loop3A_334 = arith.index_cast %parallel_loop3A_243 : i32 to index
          %parallel_loop3A_335 = arith.constant 80 : index
          %parallel_loop3A_336 = tpu.vector_load %arg17[%parallel_loop3A_334, %parallel_loop3A_335] {strides = array<i32>} : memref<96x128xf32, #tpu.memory_space<vmem>>, vector<16xf32>,
          %parallel_loop3A_337 = arith.index_cast %parallel_loop3A_243 : i32 to index
          %parallel_loop3A_338 = arith.constant 80 : index
          %parallel_loop3A_339 = tpu.vector_load %arg18[%parallel_loop3A_337, %parallel_loop3A_338] {strides = array<i32>} : memref<96x128xf32, #tpu.memory_space<vmem>>, vector<16xf32>,
          %parallel_loop3A_340 = arith.addf %parallel_loop3A_336, %parallel_loop3A_339 : vector<16xf32>
          %parallel_loop3A_341 = arith.constant 0.000000e+00 : f32
          %parallel_loop3A_342 = vector.broadcast %parallel_loop3A_341 : f32 to vector<16xf32>
          %parallel_loop3A_343 = arith.subf %parallel_loop3A_342, %parallel_loop3A_340 : vector<16xf32>
          %parallel_loop3A_344 = math.exp %parallel_loop3A_343 : vector<16xf32>
          %parallel_loop3A_345 = arith.constant 1.000000e+00 : f32
          %parallel_loop3A_346 = vector.broadcast %parallel_loop3A_345 : f32 to vector<16xf32>
          %parallel_loop3A_347 = arith.addf %parallel_loop3A_346, %parallel_loop3A_344 : vector<16xf32>
          %parallel_loop3A_348 = arith.divf %parallel_loop3A_340, %parallel_loop3A_347 : vector<16xf32>
          %parallel_loop3A_349 = arith.index_cast %parallel_loop3A_243 : i32 to index
          %parallel_loop3A_350 = arith.constant 80 : index
          %parallel_loop3A_351 = tpu.vector_load %arg17[%parallel_loop3A_349, %parallel_loop3A_350] {strides = array<i32>} : memref<96x128xf32, #tpu.memory_space<vmem>>, vector<16xf32>,
          tpu.vector_store %arg17[%parallel_loop3A_349, %parallel_loop3A_350], %parallel_loop3A_348 {strides = array<i32>} : memref<96x128xf32, #tpu.memory_space<vmem>>, vector<16xf32>,
          %parallel_loop3A_352 = arith.index_cast %parallel_loop3A_243 : i32 to index
          %parallel_loop3A_353 = arith.constant 96 : index
          %parallel_loop3A_354 = tpu.vector_load %arg17[%parallel_loop3A_352, %parallel_loop3A_353] {strides = array<i32>} : memref<96x128xf32, #tpu.memory_space<vmem>>, vector<16xf32>,
          %parallel_loop3A_355 = arith.index_cast %parallel_loop3A_243 : i32 to index
          %parallel_loop3A_356 = arith.constant 96 : index
          %parallel_loop3A_357 = tpu.vector_load %arg18[%parallel_loop3A_355, %parallel_loop3A_356] {strides = array<i32>} : memref<96x128xf32, #tpu.memory_space<vmem>>, vector<16xf32>,
          %parallel_loop3A_358 = arith.addf %parallel_loop3A_354, %parallel_loop3A_357 : vector<16xf32>
          %parallel_loop3A_359 = arith.constant 0.000000e+00 : f32
          %parallel_loop3A_360 = vector.broadcast %parallel_loop3A_359 : f32 to vector<16xf32>
          %parallel_loop3A_361 = arith.subf %parallel_loop3A_360, %parallel_loop3A_358 : vector<16xf32>
          %parallel_loop3A_362 = math.exp %parallel_loop3A_361 : vector<16xf32>
          %parallel_loop3A_363 = arith.constant 1.000000e+00 : f32
          %parallel_loop3A_364 = vector.broadcast %parallel_loop3A_363 : f32 to vector<16xf32>
          %parallel_loop3A_365 = arith.addf %parallel_loop3A_364, %parallel_loop3A_362 : vector<16xf32>
          %parallel_loop3A_366 = arith.divf %parallel_loop3A_358, %parallel_loop3A_365 : vector<16xf32>
          %parallel_loop3A_367 = arith.index_cast %parallel_loop3A_243 : i32 to index
          %parallel_loop3A_368 = arith.constant 96 : index
          %parallel_loop3A_369 = tpu.vector_load %arg17[%parallel_loop3A_367, %parallel_loop3A_368] {strides = array<i32>} : memref<96x128xf32, #tpu.memory_space<vmem>>, vector<16xf32>,
          tpu.vector_store %arg17[%parallel_loop3A_367, %parallel_loop3A_368], %parallel_loop3A_366 {strides = array<i32>} : memref<96x128xf32, #tpu.memory_space<vmem>>, vector<16xf32>,
          %parallel_loop3A_370 = arith.index_cast %parallel_loop3A_243 : i32 to index
          %parallel_loop3A_371 = arith.constant 112 : index
          %parallel_loop3A_372 = tpu.vector_load %arg17[%parallel_loop3A_370, %parallel_loop3A_371] {strides = array<i32>} : memref<96x128xf32, #tpu.memory_space<vmem>>, vector<16xf32>,
          %parallel_loop3A_373 = arith.index_cast %parallel_loop3A_243 : i32 to index
          %parallel_loop3A_374 = arith.constant 112 : index
          %parallel_loop3A_375 = tpu.vector_load %arg18[%parallel_loop3A_373, %parallel_loop3A_374] {strides = array<i32>} : memref<96x128xf32, #tpu.memory_space<vmem>>, vector<16xf32>,
          %parallel_loop3A_376 = arith.addf %parallel_loop3A_372, %parallel_loop3A_375 : vector<16xf32>
          %parallel_loop3A_377 = arith.constant 0.000000e+00 : f32
          %parallel_loop3A_378 = vector.broadcast %parallel_loop3A_377 : f32 to vector<16xf32>
          %parallel_loop3A_379 = arith.subf %parallel_loop3A_378, %parallel_loop3A_376 : vector<16xf32>
          %parallel_loop3A_380 = math.exp %parallel_loop3A_379 : vector<16xf32>
          %parallel_loop3A_381 = arith.constant 1.000000e+00 : f32
          %parallel_loop3A_382 = vector.broadcast %parallel_loop3A_381 : f32 to vector<16xf32>
          %parallel_loop3A_383 = arith.addf %parallel_loop3A_382, %parallel_loop3A_380 : vector<16xf32>
          %parallel_loop3A_384 = arith.divf %parallel_loop3A_376, %parallel_loop3A_383 : vector<16xf32>
          %parallel_loop3A_385 = arith.index_cast %parallel_loop3A_243 : i32 to index
          %parallel_loop3A_386 = arith.constant 112 : index
          %parallel_loop3A_387 = tpu.vector_load %arg17[%parallel_loop3A_385, %parallel_loop3A_386] {strides = array<i32>} : memref<96x128xf32, #tpu.memory_space<vmem>>, vector<16xf32>,
          tpu.vector_store %arg17[%parallel_loop3A_385, %parallel_loop3A_386], %parallel_loop3A_384 {strides = array<i32>} : memref<96x128xf32, #tpu.memory_space<vmem>>, vector<16xf32>,
        } {sc.loop_unroll_factor = 2 : i64, sc.parallel_access}
        "tpu.region"() ({
          %run_scoped3A = tpu.sem_alloc : memref<!tpu.dma_semaphore, #tpu.memory_space<semaphore_mem>>
          %dma_start3A_243 = arith.constant 0 : i32
          %dma_start3A_244 = arith.constant 0 : i32
          %dma_start3A_245 = tpu.memref_slice %arg20[%dma_start3A_243, %dma_start3A_244] : memref<1040x128xf32, #tpu.memory_space<vmem_shared>> -> memref<1040x128xf32, #tpu.memory_space<vmem_shared>>
          tpu.enqueue_indirect_dma source(%arg17 : memref<96x128xf32, #tpu.memory_space<vmem>>) target(%dma_start3A_245 : memref<1040x128xf32, #tpu.memory_space<vmem_shared>>) offsets(%arg14 : memref<96xi32, #tpu.memory_space<vmem>>) semaphore(%run_scoped3A : memref<!tpu.dma_semaphore, #tpu.memory_space<semaphore_mem>>) {add = true}
          %dma_wait3A_246 = arith.constant 0 : i32
          %dma_wait3A_247 = arith.constant 0 : i32
          %dma_wait3A_248 = tpu.memref_slice %arg20[%dma_wait3A_246, %dma_wait3A_247] : memref<1040x128xf32, #tpu.memory_space<vmem_shared>> -> memref<1040x128xf32, #tpu.memory_space<vmem_shared>>
          tpu.wait_indirect_dma semaphore(%run_scoped3A : memref<!tpu.dma_semaphore, #tpu.memory_space<semaphore_mem>>) src(%arg17 : memref<96x128xf32, #tpu.memory_space<vmem>>) dst(%dma_wait3A_248 : memref<1040x128xf32, #tpu.memory_space<vmem_shared>>)
          tpu.yield
        }) : () -> ()
        "tpu.region"() ({
          %run_scoped3A = tpu.sem_alloc : memref<!tpu.dma_semaphore, #tpu.memory_space<semaphore_mem>>
          %dma_start3A_243 = arith.constant 0 : i32
          %dma_start3A_244 = arith.constant 0 : i32
          %dma_start3A_245 = tpu.memref_slice %arg21[%dma_start3A_243, %dma_start3A_244] : memref<1040x128xf32, #tpu.memory_space<vmem_shared>> -> memref<1040x128xf32, #tpu.memory_space<vmem_shared>>
          tpu.enqueue_indirect_dma source(%arg19 : memref<96x128xf32, #tpu.memory_space<vmem>>) target(%dma_start3A_245 : memref<1040x128xf32, #tpu.memory_space<vmem_shared>>) offsets(%arg14 : memref<96xi32, #tpu.memory_space<vmem>>) semaphore(%run_scoped3A : memref<!tpu.dma_semaphore, #tpu.memory_space<semaphore_mem>>) {add = true}
          %dma_wait3A_246 = arith.constant 0 : i32
          %dma_wait3A_247 = arith.constant 0 : i32
          %dma_wait3A_248 = tpu.memref_slice %arg21[%dma_wait3A_246, %dma_wait3A_247] : memref<1040x128xf32, #tpu.memory_space<vmem_shared>> -> memref<1040x128xf32, #tpu.memory_space<vmem_shared>>
          tpu.wait_indirect_dma semaphore(%run_scoped3A : memref<!tpu.dma_semaphore, #tpu.memory_space<semaphore_mem>>) src(%arg19 : memref<96x128xf32, #tpu.memory_space<vmem>>) dst(%dma_wait3A_248 : memref<1040x128xf32, #tpu.memory_space<vmem_shared>>)
          tpu.yield
        }) : () -> ()
        %add3A_237 = arith.constant 3 : i32
        %add3A_238 = arith.addi %mul3A_206, %add3A_237 : i32
        %lt3A_239 = arith.cmpi slt, %add3A_238, %select_n3A_147 : i32
        %convert_element_type3A_240 = arith.extui %lt3A_239 : i1 to i32
        %cond3A_241 = arith.constant 0 : i32
        %cond3A_242 = arith.cmpi ne, %convert_element_type3A_240, %cond3A_241 : i32
        scf.if %cond3A_242 {
          %add3A_243 = arith.constant 3 : i32
          %add3A_244 = arith.addi %mul3A_206, %add3A_243 : i32
          %mul3A_245 = arith.constant 96 : i32
          %mul3A_246 = arith.muli %add3A_244, %mul3A_245 : i32
          %add3A_247 = arith.constant 0 : i32
          %add3A_248 = arith.addi %mul3A_246, %add3A_247 : i32
          %get3A = arith.index_cast %add3A_248 : i32 to index
          %get3A_249 = tpu.vector_load %arg9[%get3A] {strides = array<i32>} : memref<10192xi32, #tpu.memory_space<vmem>>, vector<16xi32>,
          %swap3A_250 = arith.constant 0 : index
          %swap3A_251 = tpu.vector_load %arg13[%swap3A_250] {strides = array<i32>} : memref<96xi32, #tpu.memory_space<vmem>>, vector<16xi32>,
          tpu.vector_store %arg13[%swap3A_250], %get3A_249 {strides = array<i32>} : memref<96xi32, #tpu.memory_space<vmem>>, vector<16xi32>,
          %mul3A_252 = arith.constant 96 : i32
          %mul3A_253 = arith.muli %add3A_244, %mul3A_252 : i32
          %add3A_254 = arith.constant 0 : i32
          %add3A_255 = arith.addi %mul3A_253, %add3A_254 : i32
          %get3A_256 = arith.index_cast %add3A_255 : i32 to index
          %get3A_257 = tpu.vector_load %arg10[%get3A_256] {strides = array<i32>} : memref<10192xi32, #tpu.memory_space<vmem>>, vector<16xi32>,
          %swap3A_258 = arith.constant 0 : index
          %swap3A_259 = tpu.vector_load %arg14[%swap3A_258] {strides = array<i32>} : memref<96xi32, #tpu.memory_space<vmem>>, vector<16xi32>,
          tpu.vector_store %arg14[%swap3A_258], %get3A_257 {strides = array<i32>} : memref<96xi32, #tpu.memory_space<vmem>>, vector<16xi32>,
          %mul3A_260 = arith.constant 96 : i32
          %mul3A_261 = arith.muli %add3A_244, %mul3A_260 : i32
          %add3A_262 = arith.constant 16 : i32
          %add3A_263 = arith.addi %mul3A_261, %add3A_262 : i32
          %get3A_264 = arith.index_cast %add3A_263 : i32 to index
          %get3A_265 = tpu.vector_load %arg9[%get3A_264] {strides = array<i32>} : memref<10192xi32, #tpu.memory_space<vmem>>, vector<16xi32>,
          %swap3A_266 = arith.constant 16 : index
          %swap3A_267 = tpu.vector_load %arg13[%swap3A_266] {strides = array<i32>} : memref<96xi32, #tpu.memory_space<vmem>>, vector<16xi32>,
          tpu.vector_store %arg13[%swap3A_266], %get3A_265 {strides = array<i32>} : memref<96xi32, #tpu.memory_space<vmem>>, vector<16xi32>,
          %mul3A_268 = arith.constant 96 : i32
          %mul3A_269 = arith.muli %add3A_244, %mul3A_268 : i32
          %add3A_270 = arith.constant 16 : i32
          %add3A_271 = arith.addi %mul3A_269, %add3A_270 : i32
          %get3A_272 = arith.index_cast %add3A_271 : i32 to index
          %get3A_273 = tpu.vector_load %arg10[%get3A_272] {strides = array<i32>} : memref<10192xi32, #tpu.memory_space<vmem>>, vector<16xi32>,
          %swap3A_274 = arith.constant 16 : index
          %swap3A_275 = tpu.vector_load %arg14[%swap3A_274] {strides = array<i32>} : memref<96xi32, #tpu.memory_space<vmem>>, vector<16xi32>,
          tpu.vector_store %arg14[%swap3A_274], %get3A_273 {strides = array<i32>} : memref<96xi32, #tpu.memory_space<vmem>>, vector<16xi32>,
          %mul3A_276 = arith.constant 96 : i32
          %mul3A_277 = arith.muli %add3A_244, %mul3A_276 : i32
          %add3A_278 = arith.constant 32 : i32
          %add3A_279 = arith.addi %mul3A_277, %add3A_278 : i32
          %get3A_280 = arith.index_cast %add3A_279 : i32 to index
          %get3A_281 = tpu.vector_load %arg9[%get3A_280] {strides = array<i32>} : memref<10192xi32, #tpu.memory_space<vmem>>, vector<16xi32>,
          %swap3A_282 = arith.constant 32 : index
          %swap3A_283 = tpu.vector_load %arg13[%swap3A_282] {strides = array<i32>} : memref<96xi32, #tpu.memory_space<vmem>>, vector<16xi32>,
          tpu.vector_store %arg13[%swap3A_282], %get3A_281 {strides = array<i32>} : memref<96xi32, #tpu.memory_space<vmem>>, vector<16xi32>,
          %mul3A_284 = arith.constant 96 : i32
          %mul3A_285 = arith.muli %add3A_244, %mul3A_284 : i32
          %add3A_286 = arith.constant 32 : i32
          %add3A_287 = arith.addi %mul3A_285, %add3A_286 : i32
          %get3A_288 = arith.index_cast %add3A_287 : i32 to index
          %get3A_289 = tpu.vector_load %arg10[%get3A_288] {strides = array<i32>} : memref<10192xi32, #tpu.memory_space<vmem>>, vector<16xi32>,
          %swap3A_290 = arith.constant 32 : index
          %swap3A_291 = tpu.vector_load %arg14[%swap3A_290] {strides = array<i32>} : memref<96xi32, #tpu.memory_space<vmem>>, vector<16xi32>,
          tpu.vector_store %arg14[%swap3A_290], %get3A_289 {strides = array<i32>} : memref<96xi32, #tpu.memory_space<vmem>>, vector<16xi32>,
          %mul3A_292 = arith.constant 96 : i32
          %mul3A_293 = arith.muli %add3A_244, %mul3A_292 : i32
          %add3A_294 = arith.constant 48 : i32
          %add3A_295 = arith.addi %mul3A_293, %add3A_294 : i32
          %get3A_296 = arith.index_cast %add3A_295 : i32 to index
          %get3A_297 = tpu.vector_load %arg9[%get3A_296] {strides = array<i32>} : memref<10192xi32, #tpu.memory_space<vmem>>, vector<16xi32>,
          %swap3A_298 = arith.constant 48 : index
          %swap3A_299 = tpu.vector_load %arg13[%swap3A_298] {strides = array<i32>} : memref<96xi32, #tpu.memory_space<vmem>>, vector<16xi32>,
          tpu.vector_store %arg13[%swap3A_298], %get3A_297 {strides = array<i32>} : memref<96xi32, #tpu.memory_space<vmem>>, vector<16xi32>,
          %mul3A_300 = arith.constant 96 : i32
          %mul3A_301 = arith.muli %add3A_244, %mul3A_300 : i32
          %add3A_302 = arith.constant 48 : i32
          %add3A_303 = arith.addi %mul3A_301, %add3A_302 : i32
          %get3A_304 = arith.index_cast %add3A_303 : i32 to index
          %get3A_305 = tpu.vector_load %arg10[%get3A_304] {strides = array<i32>} : memref<10192xi32, #tpu.memory_space<vmem>>, vector<16xi32>,
          %swap3A_306 = arith.constant 48 : index
          %swap3A_307 = tpu.vector_load %arg14[%swap3A_306] {strides = array<i32>} : memref<96xi32, #tpu.memory_space<vmem>>, vector<16xi32>,
          tpu.vector_store %arg14[%swap3A_306], %get3A_305 {strides = array<i32>} : memref<96xi32, #tpu.memory_space<vmem>>, vector<16xi32>,
          %mul3A_308 = arith.constant 96 : i32
          %mul3A_309 = arith.muli %add3A_244, %mul3A_308 : i32
          %add3A_310 = arith.constant 64 : i32
          %add3A_311 = arith.addi %mul3A_309, %add3A_310 : i32
          %get3A_312 = arith.index_cast %add3A_311 : i32 to index
          %get3A_313 = tpu.vector_load %arg9[%get3A_312] {strides = array<i32>} : memref<10192xi32, #tpu.memory_space<vmem>>, vector<16xi32>,
          %swap3A_314 = arith.constant 64 : index
          %swap3A_315 = tpu.vector_load %arg13[%swap3A_314] {strides = array<i32>} : memref<96xi32, #tpu.memory_space<vmem>>, vector<16xi32>,
          tpu.vector_store %arg13[%swap3A_314], %get3A_313 {strides = array<i32>} : memref<96xi32, #tpu.memory_space<vmem>>, vector<16xi32>,
          %mul3A_316 = arith.constant 96 : i32
          %mul3A_317 = arith.muli %add3A_244, %mul3A_316 : i32
          %add3A_318 = arith.constant 64 : i32
          %add3A_319 = arith.addi %mul3A_317, %add3A_318 : i32
          %get3A_320 = arith.index_cast %add3A_319 : i32 to index
          %get3A_321 = tpu.vector_load %arg10[%get3A_320] {strides = array<i32>} : memref<10192xi32, #tpu.memory_space<vmem>>, vector<16xi32>,
          %swap3A_322 = arith.constant 64 : index
          %swap3A_323 = tpu.vector_load %arg14[%swap3A_322] {strides = array<i32>} : memref<96xi32, #tpu.memory_space<vmem>>, vector<16xi32>,
          tpu.vector_store %arg14[%swap3A_322], %get3A_321 {strides = array<i32>} : memref<96xi32, #tpu.memory_space<vmem>>, vector<16xi32>,
          %mul3A_324 = arith.constant 96 : i32
          %mul3A_325 = arith.muli %add3A_244, %mul3A_324 : i32
          %add3A_326 = arith.constant 80 : i32
          %add3A_327 = arith.addi %mul3A_325, %add3A_326 : i32
          %get3A_328 = arith.index_cast %add3A_327 : i32 to index
          %get3A_329 = tpu.vector_load %arg9[%get3A_328] {strides = array<i32>} : memref<10192xi32, #tpu.memory_space<vmem>>, vector<16xi32>,
          %swap3A_330 = arith.constant 80 : index
          %swap3A_331 = tpu.vector_load %arg13[%swap3A_330] {strides = array<i32>} : memref<96xi32, #tpu.memory_space<vmem>>, vector<16xi32>,
          tpu.vector_store %arg13[%swap3A_330], %get3A_329 {strides = array<i32>} : memref<96xi32, #tpu.memory_space<vmem>>, vector<16xi32>,
          %mul3A_332 = arith.constant 96 : i32
          %mul3A_333 = arith.muli %add3A_244, %mul3A_332 : i32
          %add3A_334 = arith.constant 80 : i32
          %add3A_335 = arith.addi %mul3A_333, %add3A_334 : i32
          %get3A_336 = arith.index_cast %add3A_335 : i32 to index
          %get3A_337 = tpu.vector_load %arg10[%get3A_336] {strides = array<i32>} : memref<10192xi32, #tpu.memory_space<vmem>>, vector<16xi32>,
          %swap3A_338 = arith.constant 80 : index
          %swap3A_339 = tpu.vector_load %arg14[%swap3A_338] {strides = array<i32>} : memref<96xi32, #tpu.memory_space<vmem>>, vector<16xi32>,
          tpu.vector_store %arg14[%swap3A_338], %get3A_337 {strides = array<i32>} : memref<96xi32, #tpu.memory_space<vmem>>, vector<16xi32>,
          %dma_start3A_340 = arith.constant 0 : i32
          %dma_start3A_341 = arith.constant 0 : i32
          %dma_start3A_342 = tpu.memref_slice %arg3[%dma_start3A_340, %dma_start3A_341] : memref<10000x128xf32, #tpu.memory_space<hbm>> -> memref<10000x128xf32, #tpu.memory_space<hbm>>
          tpu.enqueue_indirect_dma source(%dma_start3A_342 : memref<10000x128xf32, #tpu.memory_space<hbm>>) target(%arg17 : memref<96x128xf32, #tpu.memory_space<vmem>>) offsets(%arg13 : memref<96xi32, #tpu.memory_space<vmem>>) semaphore(%arg27 : memref<!tpu.dma_semaphore, #tpu.memory_space<semaphore_mem>>)
          %dma_start3A_343 = arith.constant 0 : i32
          %dma_start3A_344 = arith.constant 0 : i32
          %dma_start3A_345 = tpu.memref_slice %arg22[%dma_start3A_343, %dma_start3A_344] : memref<1040x128xf32, #tpu.memory_space<vmem_shared>> -> memref<1040x128xf32, #tpu.memory_space<vmem_shared>>
          tpu.enqueue_indirect_dma source(%dma_start3A_345 : memref<1040x128xf32, #tpu.memory_space<vmem_shared>>) target(%arg18 : memref<96x128xf32, #tpu.memory_space<vmem>>) offsets(%arg14 : memref<96xi32, #tpu.memory_space<vmem>>) semaphore(%arg28 : memref<!tpu.dma_semaphore, #tpu.memory_space<semaphore_mem>>)
        } else {
        }
      } else {
      }
      %while3A_227 = arith.constant 0 : i32
      scf.yield %while3A_227 : i32
    }
    %barrier3A_194 = arith.constant 0 : index
    tpu.barrier barrier_id(%barrier3A_194)
    %mul3A_195 = arith.constant 64 : i32
    %mul3A_196 = arith.muli %arg1, %mul3A_195 : i32
    %mul3A_197 = arith.constant 64 : i32
    %mul3A_198 = arith.muli %arg1, %mul3A_197 : i32
    "tpu.region"() ({
      %run_scoped3A = tpu.sem_alloc : memref<!tpu.dma_semaphore, #tpu.memory_space<semaphore_mem>>
      %dma_start3A_203 = arith.constant 0 : i32
      %dma_start3A_204 = tpu.memref_slice %arg5[%arg0, %mul3A_198, %dma_start3A_203] : memref<2x1024x128xf32, #tpu.memory_space<hbm>> -> memref<1x64x128xf32, #tpu.memory_space<hbm>>
      %dma_start3A_205 = tpu.memref_squeeze %dma_start3A_204 : memref<1x64x128xf32, #tpu.memory_space<hbm>> -> memref<64x128xf32, #tpu.memory_space<hbm>>
      %dma_start3A_206 = arith.constant 0 : i32
      %dma_start3A_207 = tpu.memref_slice %arg20[%mul3A_196, %dma_start3A_206] : memref<1040x128xf32, #tpu.memory_space<vmem_shared>> -> memref<64x128xf32, #tpu.memory_space<vmem_shared>>
      tpu.enqueue_dma source(%dma_start3A_207 : memref<64x128xf32, #tpu.memory_space<vmem_shared>>) target(%dma_start3A_205 : memref<64x128xf32, #tpu.memory_space<hbm>>) target_semaphore(%run_scoped3A : memref<!tpu.dma_semaphore, #tpu.memory_space<semaphore_mem>>)
      %dma_wait3A_208 = arith.constant 0 : i32
      %dma_wait3A_209 = tpu.memref_slice %arg5[%arg0, %mul3A_198, %dma_wait3A_208] : memref<2x1024x128xf32, #tpu.memory_space<hbm>> -> memref<1x64x128xf32, #tpu.memory_space<hbm>>
      %dma_wait3A_210 = tpu.memref_squeeze %dma_wait3A_209 : memref<1x64x128xf32, #tpu.memory_space<hbm>> -> memref<64x128xf32, #tpu.memory_space<hbm>>
      %dma_wait3A_211 = arith.constant 0 : i32
      %dma_wait3A_212 = tpu.memref_slice %arg20[%mul3A_196, %dma_wait3A_211] : memref<1040x128xf32, #tpu.memory_space<vmem_shared>> -> memref<64x128xf32, #tpu.memory_space<vmem_shared>>
      tpu.wait_dma2 semaphore(%run_scoped3A : memref<!tpu.dma_semaphore, #tpu.memory_space<semaphore_mem>>) src(%dma_wait3A_212 : memref<64x128xf32, #tpu.memory_space<vmem_shared>>) dst(%dma_wait3A_210 : memref<64x128xf32, #tpu.memory_space<hbm>>)
      tpu.yield
    }) : () -> ()
    %mul3A_199 = arith.constant 64 : i32
    %mul3A_200 = arith.muli %arg1, %mul3A_199 : i32
    %mul3A_201 = arith.constant 64 : i32
    %mul3A_202 = arith.muli %arg1, %mul3A_201 : i32
    "tpu.region"() ({
      %run_scoped3A = tpu.sem_alloc : memref<!tpu.dma_semaphore, #tpu.memory_space<semaphore_mem>>
      %dma_start3A_203 = arith.constant 0 : i32
      %dma_start3A_204 = tpu.memref_slice %arg6[%arg0, %mul3A_202, %dma_start3A_203] : memref<2x1024x128xf32, #tpu.memory_space<hbm>> -> memref<1x64x128xf32, #tpu.memory_space<hbm>>
      %dma_start3A_205 = tpu.memref_squeeze %dma_start3A_204 : memref<1x64x128xf32, #tpu.memory_space<hbm>> -> memref<64x128xf32, #tpu.memory_space<hbm>>
      %dma_start3A_206 = arith.constant 0 : i32
      %dma_start3A_207 = tpu.memref_slice %arg21[%mul3A_200, %dma_start3A_206] : memref<1040x128xf32, #tpu.memory_space<vmem_shared>> -> memref<64x128xf32, #tpu.memory_space<vmem_shared>>
      tpu.enqueue_dma source(%dma_start3A_207 : memref<64x128xf32, #tpu.memory_space<vmem_shared>>) target(%dma_start3A_205 : memref<64x128xf32, #tpu.memory_space<hbm>>) target_semaphore(%run_scoped3A : memref<!tpu.dma_semaphore, #tpu.memory_space<semaphore_mem>>)
      %dma_wait3A_208 = arith.constant 0 : i32
      %dma_wait3A_209 = tpu.memref_slice %arg6[%arg0, %mul3A_202, %dma_wait3A_208] : memref<2x1024x128xf32, #tpu.memory_space<hbm>> -> memref<1x64x128xf32, #tpu.memory_space<hbm>>
      %dma_wait3A_210 = tpu.memref_squeeze %dma_wait3A_209 : memref<1x64x128xf32, #tpu.memory_space<hbm>> -> memref<64x128xf32, #tpu.memory_space<hbm>>
      %dma_wait3A_211 = arith.constant 0 : i32
      %dma_wait3A_212 = tpu.memref_slice %arg21[%mul3A_200, %dma_wait3A_211] : memref<1040x128xf32, #tpu.memory_space<vmem_shared>> -> memref<64x128xf32, #tpu.memory_space<vmem_shared>>
      tpu.wait_dma2 semaphore(%run_scoped3A : memref<!tpu.dma_semaphore, #tpu.memory_space<semaphore_mem>>) src(%dma_wait3A_212 : memref<64x128xf32, #tpu.memory_space<vmem_shared>>) dst(%dma_wait3A_210 : memref<64x128xf32, #tpu.memory_space<hbm>>)
      tpu.yield
    }) : () -> ()
    return
  }
}

module attributes {stable_mosaic.version = 14 : i64} {
  func.func @_finish_body(%arg0: memref<1024x128xf32, #tpu.memory_space<vmem>>, %arg1: memref<2x1024x128xf32, #tpu.memory_space<vmem>>, %arg2: memref<2x1024x128xf32, #tpu.memory_space<vmem>>, %arg3: memref<128x128xf32, #tpu.memory_space<vmem>>, %arg4: memref<1x128xf32, #tpu.memory_space<vmem>>, %arg5: memref<1024x128xf32, #tpu.memory_space<vmem>>) attributes {dimension_semantics = [], scalar_prefetch = 0 : i64, scratch_operands = 0 : i64, tpu.core_type = #tpu.core_type<tc>} {
    %get3A = arith.constant 0 : index
    %get3A_0 = arith.constant 0 : index
    %get3A_1 = arith.constant 0 : index
    %get3A_2 = vector.load %arg1[%get3A, %get3A_0, %get3A_1] : memref<2x1024x128xf32, #tpu.memory_space<vmem>>, vector<1x1024x128xf32>
    %get3A_3 = vector.shape_cast %get3A_2 : vector<1x1024x128xf32> to vector<1024x128xf32>
    %get3A_4 = arith.constant 1 : index
    %get3A_5 = arith.constant 0 : index
    %get3A_6 = arith.constant 0 : index
    %get3A_7 = vector.load %arg1[%get3A_4, %get3A_5, %get3A_6] : memref<2x1024x128xf32, #tpu.memory_space<vmem>>, vector<1x1024x128xf32>
    %get3A_8 = vector.shape_cast %get3A_7 : vector<1x1024x128xf32> to vector<1024x128xf32>
    %add3A = arith.addf %get3A_3, %get3A_8 : vector<1024x128xf32>
    %get3A_9 = arith.constant 0 : index
    %get3A_10 = arith.constant 0 : index
    %get3A_11 = arith.constant 0 : index
    %get3A_12 = vector.load %arg2[%get3A_9, %get3A_10, %get3A_11] : memref<2x1024x128xf32, #tpu.memory_space<vmem>>, vector<1x1024x128xf32>
    %get3A_13 = vector.shape_cast %get3A_12 : vector<1x1024x128xf32> to vector<1024x128xf32>
    %get3A_14 = arith.constant 1 : index
    %get3A_15 = arith.constant 0 : index
    %get3A_16 = arith.constant 0 : index
    %get3A_17 = vector.load %arg2[%get3A_14, %get3A_15, %get3A_16] : memref<2x1024x128xf32, #tpu.memory_space<vmem>>, vector<1x1024x128xf32>
    %get3A_18 = vector.shape_cast %get3A_17 : vector<1x1024x128xf32> to vector<1024x128xf32>
    %add3A_19 = arith.addf %get3A_13, %get3A_18 : vector<1024x128xf32>
    %get3A_20 = arith.constant 0 : index
    %get3A_21 = arith.constant 0 : index
    %get3A_22 = vector.load %arg3[%get3A_20, %get3A_21] : memref<128x128xf32, #tpu.memory_space<vmem>>, vector<128x128xf32>
    %dot_general3A = arith.constant dense<0.000000e+00> : vector<1024x128xf32>
    %dot_general3A_23 = tpu.matmul %add3A, %get3A_22, %dot_general3A {dimension_numbers = #tpu.dot_dimension_numbers<[1], [0], [0], [1], [0, 0, 1, 1], [], []>, transpose_lhs_hint = false} : vector<1024x128xf32>, vector<128x128xf32>, vector<1024x128xf32> -> vector<1024x128xf32>
    %get3A_24 = arith.constant 0 : index
    %get3A_25 = arith.constant 0 : index
    %get3A_26 = vector.load %arg4[%get3A_24, %get3A_25] : memref<1x128xf32, #tpu.memory_space<vmem>>, vector<1x128xf32>
    %mul3A = vector.broadcast %get3A_26 : vector<1x128xf32> to vector<1024x128xf32>
    %mul3A_27 = arith.mulf %add3A_19, %mul3A : vector<1024x128xf32>
    %add3A_28 = arith.addf %dot_general3A_23, %mul3A_27 : vector<1024x128xf32>
    %get3A_29 = arith.constant 0 : index
    %get3A_30 = arith.constant 0 : index
    %get3A_31 = vector.load %arg0[%get3A_29, %get3A_30] : memref<1024x128xf32, #tpu.memory_space<vmem>>, vector<1024x128xf32>
    %max3A = arith.constant 1.000000e+00 : f32
    %max3A_32 = vector.broadcast %max3A : f32 to vector<1024x128xf32>
    %max3A_33 = arith.maximumf %add3A_19, %max3A_32 : vector<1024x128xf32>
    %div3A = arith.divf %add3A_28, %max3A_33 : vector<1024x128xf32>
    %add3A_34 = arith.addf %get3A_31, %div3A : vector<1024x128xf32>
    %swap3A = arith.constant 0 : index
    %swap3A_35 = arith.constant 0 : index
    %swap3A_36 = vector.load %arg5[%swap3A, %swap3A_35] : memref<1024x128xf32, #tpu.memory_space<vmem>>, vector<1024x128xf32>
    tpu.vector_store %arg5[%swap3A, %swap3A_35], %add3A_34 {strides = array<i32>} : memref<1024x128xf32, #tpu.memory_space<vmem>>, vector<1024x128xf32>,
    return
  }
}

module attributes {stable_mosaic.version = 14 : i64} {
  func.func @_prep_body(%arg0: i32, %arg1: memref<1024x3xf32, #tpu.memory_space<vmem>>, %arg2: memref<1024x2xf32, #tpu.memory_space<vmem>>, %arg3: memref<1x128xf32, #tpu.memory_space<vmem>>, %arg4: memref<1x128xf32, #tpu.memory_space<vmem>>, %arg5: memref<1x128xf32, #tpu.memory_space<vmem>>, %arg6: memref<3x128xf32, #tpu.memory_space<vmem>>, %arg7: memref<1x128xf32, #tpu.memory_space<vmem>>, %arg8: memref<128x128xf32, #tpu.memory_space<vmem>>, %arg9: memref<1x128xf32, #tpu.memory_space<vmem>>, %arg10: memref<128x128xf32, #tpu.memory_space<vmem>>, %arg11: memref<1x128xf32, #tpu.memory_space<vmem>>, %arg12: memref<128x128xf32, #tpu.memory_space<vmem>>, %arg13: memref<128x128xf32, #tpu.memory_space<vmem>>, %arg14: memref<1x128xf32, #tpu.memory_space<vmem>>, %arg15: memref<1024x128xf32, #tpu.memory_space<vmem>>, %arg16: memref<1024x128xf32, #tpu.memory_space<vmem>>, %arg17: memref<1024x128xf32, #tpu.memory_space<vmem>>, %arg18: memref<1024x128xf32, #tpu.memory_space<vmem>>) attributes {dimension_semantics = [#tpu.dimension_semantics<arbitrary>], iteration_bounds = array<i64: 10>, scalar_prefetch = 0 : i64, scratch_operands = 1 : i64, tpu.core_type = #tpu.core_type<tc>, window_params = [{transform_indices = @transform_0, window_bounds = array<i64: 1024, 3>}, {transform_indices = @transform_1, window_bounds = array<i64: 1024, 2>}, {pipeline_mode = #tpu.pipeline_mode<synchronous>, transform_indices = @transform_2, window_bounds = array<i64: 1, 128>}, {pipeline_mode = #tpu.pipeline_mode<synchronous>, transform_indices = @transform_3, window_bounds = array<i64: 1, 128>}, {pipeline_mode = #tpu.pipeline_mode<synchronous>, transform_indices = @transform_4, window_bounds = array<i64: 1, 128>}, {pipeline_mode = #tpu.pipeline_mode<synchronous>, transform_indices = @transform_5, window_bounds = array<i64: 3, 128>}, {pipeline_mode = #tpu.pipeline_mode<synchronous>, transform_indices = @transform_6, window_bounds = array<i64: 1, 128>}, {pipeline_mode = #tpu.pipeline_mode<synchronous>, transform_indices = @transform_7, window_bounds = array<i64: 128, 128>}, {pipeline_mode = #tpu.pipeline_mode<synchronous>, transform_indices = @transform_8, window_bounds = array<i64: 1, 128>}, {pipeline_mode = #tpu.pipeline_mode<synchronous>, transform_indices = @transform_9, window_bounds = array<i64: 128, 128>}, {pipeline_mode = #tpu.pipeline_mode<synchronous>, transform_indices = @transform_10, window_bounds = array<i64: 1, 128>}, {pipeline_mode = #tpu.pipeline_mode<synchronous>, transform_indices = @transform_11, window_bounds = array<i64: 128, 128>}, {pipeline_mode = #tpu.pipeline_mode<synchronous>, transform_indices = @transform_12, window_bounds = array<i64: 128, 128>}, {pipeline_mode = #tpu.pipeline_mode<synchronous>, transform_indices = @transform_13, window_bounds = array<i64: 1, 128>}, {transform_indices = @transform_14, window_bounds = array<i64: 1024, 128>}, {transform_indices = @transform_15, window_bounds = array<i64: 1024, 128>}, {pipeline_mode = #tpu.pipeline_mode<synchronous>, transform_indices = @transform_16, window_bounds = array<i64: 1024, 128>}]} {
    %get3A = arith.constant 0 : index
    %get3A_0 = arith.constant 0 : index
    %get3A_1 = vector.load %arg1[%get3A, %get3A_0] : memref<1024x3xf32, #tpu.memory_space<vmem>>, vector<1024x3xf32>
    %get3A_2 = arith.constant 0 : index
    %get3A_3 = arith.constant 0 : index
    %get3A_4 = vector.load %arg2[%get3A_2, %get3A_3] : memref<1024x2xf32, #tpu.memory_space<vmem>>, vector<1024x2xf32>
    %get3A_5 = arith.constant 0 : index
    %get3A_6 = arith.constant 0 : index
    %get3A_7 = vector.load %arg4[%get3A_5, %get3A_6] : memref<1x128xf32, #tpu.memory_space<vmem>>, vector<1x128xf32>
    %slice3A = vector.extract_strided_slice %get3A_4 {offsets = [0, 0], sizes = [1024, 1], strides = [1, 1]} : vector<1024x2xf32> to vector<1024x1xf32>
    %sub3A = arith.constant 1.000000e+00 : f32
    %sub3A_8 = vector.broadcast %sub3A : f32 to vector<1x128xf32>
    %sub3A_9 = arith.subf %sub3A_8, %get3A_7 : vector<1x128xf32>
    %mul3A = vector.broadcast %slice3A : vector<1024x1xf32> to vector<1024x128xf32>
    %mul3A_10 = vector.broadcast %sub3A_9 : vector<1x128xf32> to vector<1024x128xf32>
    %mul3A_11 = arith.mulf %mul3A, %mul3A_10 : vector<1024x128xf32>
    %slice3A_12 = vector.extract_strided_slice %get3A_4 {offsets = [0, 1], sizes = [1024, 1], strides = [1, 1]} : vector<1024x2xf32> to vector<1024x1xf32>
    %mul3A_13 = vector.broadcast %slice3A_12 : vector<1024x1xf32> to vector<1024x128xf32>
    %mul3A_14 = vector.broadcast %get3A_7 : vector<1x128xf32> to vector<1024x128xf32>
    %mul3A_15 = arith.mulf %mul3A_13, %mul3A_14 : vector<1024x128xf32>
    %add3A = arith.addf %mul3A_11, %mul3A_15 : vector<1024x128xf32>
    %get3A_16 = arith.constant 0 : index
    %get3A_17 = arith.constant 0 : index
    %get3A_18 = vector.load %arg3[%get3A_16, %get3A_17] : memref<1x128xf32, #tpu.memory_space<vmem>>, vector<1x128xf32>
    %mul3A_19 = vector.broadcast %get3A_18 : vector<1x128xf32> to vector<1024x128xf32>
    %mul3A_20 = arith.mulf %add3A, %mul3A_19 : vector<1024x128xf32>
    %get3A_21 = arith.constant 0 : index
    %get3A_22 = arith.constant 0 : index
    %get3A_23 = vector.load %arg5[%get3A_21, %get3A_22] : memref<1x128xf32, #tpu.memory_space<vmem>>, vector<1x128xf32>
    %add3A_24 = vector.broadcast %get3A_23 : vector<1x128xf32> to vector<1024x128xf32>
    %add3A_25 = arith.addf %mul3A_20, %add3A_24 : vector<1024x128xf32>
    %sin3A = math.sin %add3A_25 : vector<1024x128xf32>
    %lt3A = arith.constant 1 : i32
    %lt3A_26 = arith.cmpi slt, %arg0, %lt3A : i32
    %convert_element_type3A = arith.extui %lt3A_26 : i1 to i32
    %cond3A = arith.constant 0 : i32
    %cond3A_27 = arith.cmpi ne, %convert_element_type3A, %cond3A : i32
    scf.if %cond3A_27 {
      %get3A_41 = arith.constant 0 : index
      %get3A_42 = arith.constant 0 : index
      %get3A_43 = vector.load %arg8[%get3A_41, %get3A_42] : memref<128x128xf32, #tpu.memory_space<vmem>>, vector<128x128xf32>
      %dot_general3A_44 = arith.constant dense<0.000000e+00> : vector<1024x128xf32>
      %dot_general3A_45 = tpu.matmul %sin3A, %get3A_43, %dot_general3A_44 {dimension_numbers = #tpu.dot_dimension_numbers<[1], [0], [0], [1], [0, 0, 1, 1], [], []>, transpose_lhs_hint = false} : vector<1024x128xf32>, vector<128x128xf32>, vector<1024x128xf32> -> vector<1024x128xf32>
      %get3A_46 = arith.constant 0 : index
      %get3A_47 = arith.constant 0 : index
      %get3A_48 = vector.load %arg9[%get3A_46, %get3A_47] : memref<1x128xf32, #tpu.memory_space<vmem>>, vector<1x128xf32>
      %add3A_49 = vector.broadcast %get3A_48 : vector<1x128xf32> to vector<1024x128xf32>
      %add3A_50 = arith.addf %dot_general3A_45, %add3A_49 : vector<1024x128xf32>
      %logistic3A = arith.negf %add3A_50 : vector<1024x128xf32>
      %logistic3A_51 = math.exp %logistic3A : vector<1024x128xf32>
      %logistic3A_52 = arith.constant 1.000000e+00 : f32
      %logistic3A_53 = vector.broadcast %logistic3A_52 : f32 to vector<1024x128xf32>
      %logistic3A_54 = arith.addf %logistic3A_53, %logistic3A_51 : vector<1024x128xf32>
      %logistic3A_55 = arith.divf %logistic3A_53, %logistic3A_54 : vector<1024x128xf32>
      %mul3A_56 = arith.mulf %add3A_50, %logistic3A_55 : vector<1024x128xf32>
      %get3A_57 = arith.constant 0 : index
      %get3A_58 = arith.constant 0 : index
      %get3A_59 = vector.load %arg10[%get3A_57, %get3A_58] : memref<128x128xf32, #tpu.memory_space<vmem>>, vector<128x128xf32>
      %dot_general3A_60 = arith.constant dense<0.000000e+00> : vector<1024x128xf32>
      %dot_general3A_61 = tpu.matmul %mul3A_56, %get3A_59, %dot_general3A_60 {dimension_numbers = #tpu.dot_dimension_numbers<[1], [0], [0], [1], [0, 0, 1, 1], [], []>, transpose_lhs_hint = false} : vector<1024x128xf32>, vector<128x128xf32>, vector<1024x128xf32> -> vector<1024x128xf32>
      %get3A_62 = arith.constant 0 : index
      %get3A_63 = arith.constant 0 : index
      %get3A_64 = vector.load %arg11[%get3A_62, %get3A_63] : memref<1x128xf32, #tpu.memory_space<vmem>>, vector<1x128xf32>
      %add3A_65 = vector.broadcast %get3A_64 : vector<1x128xf32> to vector<1024x128xf32>
      %add3A_66 = arith.addf %dot_general3A_61, %add3A_65 : vector<1024x128xf32>
      %add3A_67 = arith.addf %add3A_66, %sin3A : vector<1024x128xf32>
      %swap3A_68 = arith.constant 0 : index
      %swap3A_69 = arith.constant 0 : index
      %swap3A_70 = vector.load %arg18[%swap3A_68, %swap3A_69] : memref<1024x128xf32, #tpu.memory_space<vmem>>, vector<1024x128xf32>
      tpu.vector_store %arg18[%swap3A_68, %swap3A_69], %add3A_67 {strides = array<i32>} : memref<1024x128xf32, #tpu.memory_space<vmem>>, vector<1024x128xf32>,
      %get3A_71 = arith.constant 0 : index
      %get3A_72 = arith.constant 0 : index
      %get3A_73 = vector.load %arg13[%get3A_71, %get3A_72] : memref<128x128xf32, #tpu.memory_space<vmem>>, vector<128x128xf32>
      %dot_general3A_74 = arith.constant dense<0.000000e+00> : vector<1024x128xf32>
      %dot_general3A_75 = tpu.matmul %add3A_67, %get3A_73, %dot_general3A_74 {dimension_numbers = #tpu.dot_dimension_numbers<[1], [0], [0], [1], [0, 0, 1, 1], [], []>, transpose_lhs_hint = false} : vector<1024x128xf32>, vector<128x128xf32>, vector<1024x128xf32> -> vector<1024x128xf32>
      %get3A_76 = arith.constant 0 : index
      %get3A_77 = arith.constant 0 : index
      %get3A_78 = vector.load %arg14[%get3A_76, %get3A_77] : memref<1x128xf32, #tpu.memory_space<vmem>>, vector<1x128xf32>
      %add3A_79 = vector.broadcast %get3A_78 : vector<1x128xf32> to vector<1024x128xf32>
      %add3A_80 = arith.addf %dot_general3A_75, %add3A_79 : vector<1024x128xf32>
      %swap3A_81 = arith.constant 0 : index
      %swap3A_82 = arith.constant 0 : index
      %swap3A_83 = vector.load %arg16[%swap3A_81, %swap3A_82] : memref<1024x128xf32, #tpu.memory_space<vmem>>, vector<1024x128xf32>
      tpu.vector_store %arg16[%swap3A_81, %swap3A_82], %add3A_80 {strides = array<i32>} : memref<1024x128xf32, #tpu.memory_space<vmem>>, vector<1024x128xf32>,
      %swap3A_84 = arith.constant 0 : index
      %swap3A_85 = arith.constant 0 : index
      %swap3A_86 = vector.load %arg17[%swap3A_84, %swap3A_85] : memref<1024x128xf32, #tpu.memory_space<vmem>>, vector<1024x128xf32>
      tpu.vector_store %arg17[%swap3A_84, %swap3A_85], %add3A_67 {strides = array<i32>} : memref<1024x128xf32, #tpu.memory_space<vmem>>, vector<1024x128xf32>,
    } else {
    }
    %ge3A = arith.constant 1 : i32
    %ge3A_28 = arith.cmpi sge, %arg0, %ge3A : i32
    %convert_element_type3A_29 = arith.extui %ge3A_28 : i1 to i32
    %cond3A_30 = arith.constant 0 : i32
    %cond3A_31 = arith.cmpi ne, %convert_element_type3A_29, %cond3A_30 : i32
    scf.if %cond3A_31 {
      %slice3A_41 = vector.extract_strided_slice %get3A_1 {offsets = [0, 0], sizes = [1024, 1], strides = [1, 1]} : vector<1024x3xf32> to vector<1024x1xf32>
      %get3A_42 = arith.constant 0 : index
      %get3A_43 = arith.constant 0 : index
      %get3A_44 = vector.load %arg6[%get3A_42, %get3A_43] : memref<3x128xf32, #tpu.memory_space<vmem>>, vector<1x128xf32>
      %mul3A_45 = vector.broadcast %slice3A_41 : vector<1024x1xf32> to vector<1024x128xf32>
      %mul3A_46 = vector.broadcast %get3A_44 : vector<1x128xf32> to vector<1024x128xf32>
      %mul3A_47 = arith.mulf %mul3A_45, %mul3A_46 : vector<1024x128xf32>
      %slice3A_48 = vector.extract_strided_slice %get3A_1 {offsets = [0, 1], sizes = [1024, 1], strides = [1, 1]} : vector<1024x3xf32> to vector<1024x1xf32>
      %get3A_49 = arith.constant 1 : index
      %get3A_50 = arith.constant 0 : index
      %get3A_51 = vector.load %arg6[%get3A_49, %get3A_50] : memref<3x128xf32, #tpu.memory_space<vmem>>, vector<1x128xf32>
      %mul3A_52 = vector.broadcast %slice3A_48 : vector<1024x1xf32> to vector<1024x128xf32>
      %mul3A_53 = vector.broadcast %get3A_51 : vector<1x128xf32> to vector<1024x128xf32>
      %mul3A_54 = arith.mulf %mul3A_52, %mul3A_53 : vector<1024x128xf32>
      %add3A_55 = arith.addf %mul3A_47, %mul3A_54 : vector<1024x128xf32>
      %slice3A_56 = vector.extract_strided_slice %get3A_1 {offsets = [0, 2], sizes = [1024, 1], strides = [1, 1]} : vector<1024x3xf32> to vector<1024x1xf32>
      %get3A_57 = arith.constant 2 : index
      %get3A_58 = arith.constant 0 : index
      %get3A_59 = vector.load %arg6[%get3A_57, %get3A_58] : memref<3x128xf32, #tpu.memory_space<vmem>>, vector<1x128xf32>
      %mul3A_60 = vector.broadcast %slice3A_56 : vector<1024x1xf32> to vector<1024x128xf32>
      %mul3A_61 = vector.broadcast %get3A_59 : vector<1x128xf32> to vector<1024x128xf32>
      %mul3A_62 = arith.mulf %mul3A_60, %mul3A_61 : vector<1024x128xf32>
      %add3A_63 = arith.addf %add3A_55, %mul3A_62 : vector<1024x128xf32>
      %get3A_64 = arith.constant 0 : index
      %get3A_65 = arith.constant 0 : index
      %get3A_66 = vector.load %arg7[%get3A_64, %get3A_65] : memref<1x128xf32, #tpu.memory_space<vmem>>, vector<1x128xf32>
      %add3A_67 = vector.broadcast %get3A_66 : vector<1x128xf32> to vector<1024x128xf32>
      %add3A_68 = arith.addf %add3A_63, %add3A_67 : vector<1024x128xf32>
      %add3A_69 = arith.addf %add3A_68, %sin3A : vector<1024x128xf32>
      %swap3A_70 = arith.constant 0 : index
      %swap3A_71 = arith.constant 0 : index
      %swap3A_72 = vector.load %arg18[%swap3A_70, %swap3A_71] : memref<1024x128xf32, #tpu.memory_space<vmem>>, vector<1024x128xf32>
      tpu.vector_store %arg18[%swap3A_70, %swap3A_71], %add3A_69 {strides = array<i32>} : memref<1024x128xf32, #tpu.memory_space<vmem>>, vector<1024x128xf32>,
    } else {
    }
    %get3A_32 = arith.constant 0 : index
    %get3A_33 = arith.constant 0 : index
    %get3A_34 = vector.load %arg18[%get3A_32, %get3A_33] : memref<1024x128xf32, #tpu.memory_space<vmem>>, vector<1024x128xf32>
    %get3A_35 = arith.constant 0 : index
    %get3A_36 = arith.constant 0 : index
    %get3A_37 = vector.load %arg12[%get3A_35, %get3A_36] : memref<128x128xf32, #tpu.memory_space<vmem>>, vector<128x128xf32>
    %dot_general3A = arith.constant dense<0.000000e+00> : vector<1024x128xf32>
    %dot_general3A_38 = tpu.matmul %get3A_34, %get3A_37, %dot_general3A {dimension_numbers = #tpu.dot_dimension_numbers<[1], [0], [0], [1], [0, 0, 1, 1], [], []>, transpose_lhs_hint = false} : vector<1024x128xf32>, vector<128x128xf32>, vector<1024x128xf32> -> vector<1024x128xf32>
    %swap3A = arith.constant 0 : index
    %swap3A_39 = arith.constant 0 : index
    %swap3A_40 = vector.load %arg15[%swap3A, %swap3A_39] : memref<1024x128xf32, #tpu.memory_space<vmem>>, vector<1024x128xf32>
    tpu.vector_store %arg15[%swap3A, %swap3A_39], %dot_general3A_38 {strides = array<i32>} : memref<1024x128xf32, #tpu.memory_space<vmem>>, vector<1024x128xf32>,
    return
  }
  func.func @transform_0(%arg0: i32) -> (i32, i32) {
    %c0_i32 = arith.constant 0 : i32
    %c0_i32_0 = arith.constant 0 : i32
    return %arg0, %c0_i32 : i32, i32
  }
  func.func @transform_1(%arg0: i32) -> (i32, i32) {
    %c0_i32 = arith.constant 0 : i32
    %c0_i32_0 = arith.constant 0 : i32
    return %arg0, %c0_i32 : i32, i32
  }
  func.func @transform_2(%arg0: i32) -> (i32, i32) {
    %c0_i32 = arith.constant 0 : i32
    %c0_i32_0 = arith.constant 0 : i32
    %c0_i32_1 = arith.constant 0 : i32
    return %c0_i32, %c0_i32_0 : i32, i32
  }
  func.func @transform_3(%arg0: i32) -> (i32, i32) {
    %c0_i32 = arith.constant 0 : i32
    %c0_i32_0 = arith.constant 0 : i32
    %c0_i32_1 = arith.constant 0 : i32
    return %c0_i32, %c0_i32_0 : i32, i32
  }
  func.func @transform_4(%arg0: i32) -> (i32, i32) {
    %c0_i32 = arith.constant 0 : i32
    %c0_i32_0 = arith.constant 0 : i32
    %c0_i32_1 = arith.constant 0 : i32
    return %c0_i32, %c0_i32_0 : i32, i32
  }
  func.func @transform_5(%arg0: i32) -> (i32, i32) {
    %c0_i32 = arith.constant 0 : i32
    %c0_i32_0 = arith.constant 0 : i32
    %c0_i32_1 = arith.constant 0 : i32
    return %c0_i32, %c0_i32_0 : i32, i32
  }
  func.func @transform_6(%arg0: i32) -> (i32, i32) {
    %c0_i32 = arith.constant 0 : i32
    %c0_i32_0 = arith.constant 0 : i32
    %c0_i32_1 = arith.constant 0 : i32
    return %c0_i32, %c0_i32_0 : i32, i32
  }
  func.func @transform_7(%arg0: i32) -> (i32, i32) {
    %c0_i32 = arith.constant 0 : i32
    %c0_i32_0 = arith.constant 0 : i32
    %c0_i32_1 = arith.constant 0 : i32
    return %c0_i32, %c0_i32_0 : i32, i32
  }
  func.func @transform_8(%arg0: i32) -> (i32, i32) {
    %c0_i32 = arith.constant 0 : i32
    %c0_i32_0 = arith.constant 0 : i32
    %c0_i32_1 = arith.constant 0 : i32
    return %c0_i32, %c0_i32_0 : i32, i32
  }
  func.func @transform_9(%arg0: i32) -> (i32, i32) {
    %c0_i32 = arith.constant 0 : i32
    %c0_i32_0 = arith.constant 0 : i32
    %c0_i32_1 = arith.constant 0 : i32
    return %c0_i32, %c0_i32_0 : i32, i32
  }
  func.func @transform_10(%arg0: i32) -> (i32, i32) {
    %c0_i32 = arith.constant 0 : i32
    %c0_i32_0 = arith.constant 0 : i32
    %c0_i32_1 = arith.constant 0 : i32
    return %c0_i32, %c0_i32_0 : i32, i32
  }
  func.func @transform_11(%arg0: i32) -> (i32, i32) {
    %c0_i32 = arith.constant 0 : i32
    %c0_i32_0 = arith.constant 0 : i32
    %c0_i32_1 = arith.constant 0 : i32
    return %c0_i32, %c0_i32_0 : i32, i32
  }
  func.func @transform_12(%arg0: i32) -> (i32, i32) {
    %c0_i32 = arith.constant 0 : i32
    %c0_i32_0 = arith.constant 0 : i32
    %c0_i32_1 = arith.constant 0 : i32
    return %c0_i32, %c0_i32_0 : i32, i32
  }
  func.func @transform_13(%arg0: i32) -> (i32, i32) {
    %c0_i32 = arith.constant 0 : i32
    %c0_i32_0 = arith.constant 0 : i32
    %c0_i32_1 = arith.constant 0 : i32
    return %c0_i32, %c0_i32_0 : i32, i32
  }
  func.func @transform_14(%arg0: i32) -> (i32, i32) {
    %c0_i32 = arith.constant 0 : i32
    %c0_i32_0 = arith.constant 0 : i32
    return %arg0, %c0_i32 : i32, i32
  }
  func.func @transform_15(%arg0: i32) -> (i32, i32) {
    %c0_i32 = arith.constant 0 : i32
    %c0_i32_0 = arith.constant 0 : i32
    %c0_i32_1 = arith.constant 0 : i32
    return %c0_i32, %c0_i32_0 : i32, i32
  }
  func.func @transform_16(%arg0: i32) -> (i32, i32) {
    %c0_i32 = arith.constant 0 : i32
    %c0_i32_0 = arith.constant 0 : i32
    %c0_i32_1 = arith.constant 0 : i32
    return %c0_i32, %c0_i32_0 : i32, i32
  }
}

</mosaic_0001>

<sc_bundles>
// kernel: kernel.5.cloned.1.call-start
scs
__scs_entry_jumppad:
0x0: {  	(pc) =	sbr.rel $0x88, $3  }
0x1: {  	(tag) =	ssettag $0x0;
	lr =	simm.s32 $0x1  }
0x2: {  	[smem:$0x3F94] =	sst lr;
	_ =	strace $0xD0000000  }
0x3: {  	_ = 	snop  }
0x4: {  	_ = 	snop  }
0x5: {  	_ = 	snop  }
0x6: {  	_ = 	snop  }
0x7: {  	_ = 	snop  }
__scs_overlays_trampoline_lowered:
0x8: {  	[smem:$0x3FA3] =	sst s0  }
0x9: {  	[smem:$0x3FA4] =	sst s1  }
0xa: {  	[smem:$0x3FA5] =	sst s2  }
0xb: {  	[smem:$0x3FA6] =	sst s3  }
0xc: {  	[smem:$0x3FA7] =	sst s4  }
0xd: {  	[smem:$0x3FA8] =	sst s5  }
0xe: {  	[smem:$0x3FA9] =	sst s6  }
0xf: {  	[smem:$0x3FAA] =	sst s7  }
0x10: {  	[smem:$0x3FAB] =	sst s8  }
0x11: {  	[smem:$0x3FAC] =	sst s9;
	s0 =	simm.s32 @!p0 $0x0  }
0x12: {  	s1 =	sld [smem:$0x3F92];
	s0 =	simm.s32 @p0 $0x1  }
0x13: {  	[smem:$0x3FAD] =	sst s0;
	s0 =	simm.s32 @!p1 $0x0  }
0x14: {  	s2 =	sld [smem:$0x3F91];
	s0 =	simm.s32 @p1 $0x1  }
0x15: {  	[smem:$0x3FAE] =	sst s0;
	s0 =	simm.s32 @!p2 $0x0  }
0x16: {  	s3 =	sld [smem:$0x3FDB];
	s0 =	simm.s32 @p2 $0x1  }
0x17: {  	s4 =	simm.s32 $0x1BF5;
	[smem:$0x3FB0] =	sst s0  }
0x18: {  	s0 =	sld [smem:$0x3F93];
	_ =	swait.ge [sflag:s4], $0x0  }
0x19: {  	s7 =	sld [smem:$0x3F94]  }
0x1a: {  	s8 =	sadd.s32 $0xFFFFE003, lr  }
0x1b: {  	s9 =	sadd.s32 $0xFFFFFEF7, lr;
	s5 =	simm.s32 $0xFFFFFFFF;
	p2 =	slt.u32 s8, $0xFFFFF086  }
0x1c: {  	p1 =	slt.u32 s9, $0xF7A;
	s5 =	simm.s32 @!p2 $0x0  }
0x1d: {  	s5 =	simm.s32 @p1 $0x1;
	p0 =	seq.s32 s7, s2  }
0x1e: {  	s7 =	smul.u32 @!p0 $0xF7A, s2;
	p2 =	seq.s32 @!p0 s5, $0x0  }
0x1f: {  	s9 =	smul.u32 $0xF7A, s1;
	s8 =	simm.s32 @!p0 $0x1BF5;
	p2 =	por !p2, p0  }
0x20: {  	[sflag:s8] =	ssyncset.s32 @!p0 $0xFFFFF086;
	s6 =	sadd.s32 @!p0 s3, s7;
	s7 =	simm.s32 @!p0 $0x108  }
0x21: {  	s3 =	sadd.s32 s3, s9;
	s6 =	sadd.s32 @!p0 $0x88, s6;
	s7 =	simm.s32 @p2 $0x1082  }
0x22: {  	[simem:s7], [sflag:s8] =	dma.local @!p0 [hbm:s6], $0xF7A  }
0x23: {  	s9 =	sor.u32 $0xD0000000, s2;
	s6 =	simm.s32 $0x108;
	_ =	swait.ge @!p0 [sflag:s8], $0x0  }
0x24: {  	s3 =	sadd.s32 $0x88, s3;
	s6 =	simm.s32 @!p1 $0x1082;
	[sflag:s4] =	ssyncset.s32 $0xFFFFF086  }
0x25: {  	[simem:s6], [sflag:s4] =	dma.local [hbm:s3], $0xF7A  }
0x26: {  	[smem:$0x3F94] =	sst s1;
	(tag) =	ssettag s2;
	_ =	strace s9  }
0x27: {  	s1 =	sld [smem:$0x3FA4]  }
0x28: {  	s2 =	sld [smem:$0x3FA5]  }
0x29: {  	s4 =	sld [smem:$0x3FA7]  }
0x2a: {  	p0 =	seq.s32 s5, $0x0;
	s5 =	sld [smem:$0x3FA8]  }
0x2b: {  	s6 =	sld [smem:$0x3FA9]  }
0x2c: {  	s7 =	sld [smem:$0x3FAA]  }
0x2d: {  	s3 =	simm.s32 $0x108;
	s8 =	sld [smem:$0x3FAB]  }
0x2e: {  	s3 =	simm.s32 @!p0 $0x1082;
	s9 =	sld [smem:$0x3FAC]  }
0x2f: {  	lr =	sadd.s32 s0, s3;
	s0 =	sld [smem:$0x3FA3]  }
0x30: {  	s3 =	sld [smem:$0x3FA6]  }
0x31: {  	[smem:$0x3FAF] =	sst s10  }
0x32: {  	s10 =	sld [smem:$0x3FAD];
	_ =	sdelay $0x3  }
0x33: {  	p0 =	seq.s32 s10, $0x1;
	s10 =	sld [smem:$0x3FAF];
	_ =	sdelay $0x3  }
0x34: {  	[smem:$0x3FAF] =	sst s10  }
0x35: {  	s10 =	sld [smem:$0x3FAE];
	_ =	sdelay $0x3  }
0x36: {  	p1 =	seq.s32 s10, $0x1;
	s10 =	sld [smem:$0x3FAF];
	_ =	sdelay $0x3  }
0x37: {  	[smem:$0x3FAF] =	sst s10  }
0x38: {  	s10 =	sld [smem:$0x3FB0]  }
0x39: {  	_ = 	snop;
	(pc) =	sbr.ind lr, $3  }
0x3a: {  	_ = 	snop  }
0x3b: {  	_ = 	snop  }
0x3c: {  	p2 =	seq.s32 s10, $0x1;
	s10 =	sld [smem:$0x3FAF]  }
0x3d: {  	_ =	shalt  }
0x3e: {  	_ =	shalt  }
0x3f: {  	_ =	shalt  }
0x40: {  	_ =	shalt  }
0x41: {  	_ =	shalt  }
0x42: {  	_ =	shalt  }
0x43: {  	_ =	shalt  }
0x44: {  	_ =	shalt  }
0x45: {  	_ =	shalt  }
0x46: {  	_ =	shalt  }
0x47: {  	_ =	shalt  }
0x48: {  	_ =	shalt  }
0x49: {  	_ =	shalt  }
0x4a: {  	_ =	shalt  }
0x4b: {  	_ =	shalt  }
0x4c: {  	_ =	shalt  }
0x4d: {  	_ =	shalt  }
0x4e: {  	_ =	shalt  }
0x4f: {  	_ =	shalt  }
0x50: {  	_ =	shalt  }
0x51: {  	_ =	shalt  }
0x52: {  	_ =	shalt  }
0x53: {  	_ =	shalt  }
0x54: {  	_ =	shalt  }
0x55: {  	_ =	shalt  }
0x56: {  	_ =	shalt  }
0x57: {  	_ =	shalt  }
0x58: {  	_ =	shalt  }
0x59: {  	_ =	shalt  }
0x5a: {  	_ =	shalt  }
0x5b: {  	_ =	shalt  }
0x5c: {  	_ =	shalt  }
0x5d: {  	_ =	shalt  }
0x5e: {  	_ =	shalt  }
0x5f: {  	_ =	shalt  }
0x60: {  	_ =	shalt  }
0x61: {  	_ =	shalt  }
0x62: {  	_ =	shalt  }
0x63: {  	_ =	shalt  }
0x64: {  	_ =	shalt  }
0x65: {  	_ =	shalt  }
0x66: {  	_ =	shalt  }
0x67: {  	_ =	shalt  }
0x68: {  	_ =	shalt  }
0x69: {  	_ =	shalt  }
0x6a: {  	_ =	shalt  }
0x6b: {  	_ =	shalt  }
0x6c: {  	_ =	shalt  }
0x6d: {  	_ =	shalt  }
0x6e: {  	_ =	shalt  }
0x6f: {  	_ =	shalt  }
0x70: {  	_ =	shalt  }
0x71: {  	_ =	shalt  }
0x72: {  	_ =	shalt  }
0x73: {  	_ =	shalt  }
0x74: {  	_ =	shalt  }
0x75: {  	_ =	shalt  }
0x76: {  	_ =	shalt  }
0x77: {  	_ =	shalt  }
0x78: {  	_ =	shalt  }
0x79: {  	_ =	shalt  }
0x7a: {  	_ =	shalt  }
0x7b: {  	_ =	shalt  }
0x7c: {  	_ =	shalt  }
0x7d: {  	_ =	shalt  }
0x7e: {  	_ =	shalt  }
0x7f: {  	_ =	shalt  }
0x80: {  	_ =	shalt  }
0x81: {  	_ =	shalt  }
0x82: {  	_ =	shalt  }
0x83: {  	_ =	shalt  }
0x84: {  	_ =	shalt  }
0x85: {  	_ =	shalt  }
0x86: {  	_ =	shalt  }
0x87: {  	_ =	shalt  }
.Lfunc_end0:
.L_simem_size_0:
called_computation_lowered:
.L_overlay_start_0:
0x88: {  	s2 =	sld [smem:$0x3FD9]  }
0x89: {  	s3 =	sld [smem:$0x3FFE];
	_ =	sdelay $0x1  }
0x8a: {  	s1 =	srdreg.scid  }
0x8b: {  	s0 =	sand.u32 $0x1, s1  }
0x8c: {  	s16 =	sshll.u32 s0, $0xA;
	s2 =	sadd.s32 s3, s2  }
0x8d: {  	s2 =	sadd.s32 s2, s16  }
0x8e: {  	[smem:$0x3FBB] =	sst s2  }
0x8f: {  	_ = 	snop  }
0x90: {  	(tm) =	ssettm $0x1  }
0x91: {  	s17 =	sld [smem:$0x3FFB];
	_ =	sdelay $0x3  }
0x92: {  	_ =	strace s17  }
0x93: {  	s2 =	sld [smem:$0x3FFC];
	_ =	sdelay $0x3  }
0x94: {  	_ =	strace s2  }
0x95: {  	s2 =	sld [smem:$0x3FFD];
	_ =	sdelay $0x3  }
0x96: {  	_ =	strace s2  }
0x97: {  	_ =	strace $0x8FFFFFFF  }
0x98: {  	s18 =	sld [smem:$0x3FDB];
	_ =	sdelay $0x1  }
0x99: {  	s19 =	simm.s32 $_scs_section_size  }
0x9a: {  	s4 =	simm.s32 $_size__tile_overlayer_lowered;
	s5 =	simm.s32 $_tile_overlayer_lowered  }
0x9b: {  	s22 =	simm.s32 $0x1BFF;
	s21 =	sshll.u32 s5, $0x1;
	s2 =	sadd.s32 s19, s18  }
0x9c: {  	s6 =	simm.s32 $0x0;
	s20 =	sshll.u32 s4, $0x1;
	s4 =	sadd.s32 s21, s2  }
0x9d: {  	[timem:s6], [sflag:s22] =	dma.local [hbm:s4], s20  }
0x9e: {  	_ =	swait.ge [sflag:s22], s20  }
0x9f: {  	s3 =	ssub.s32 $0x0, s20;
	[sflag:s22] =	ssyncset.done $0x0  }
0xa0: {  	[sflag:s22] =	ssyncadd.s32 s3;
	_ =	sdelay $0x1  }
0xa1: {  	s23 =	simm.s32 $0x1B8B  }
0xa2: {  	_ =	swait.ge [sflag:s23], $0x1  }
0xa3: {  	[sflag:s23] =	ssyncset.done $0x0  }
0xa4: {  	s25 =	simm.s32 $0x1B8E;
	s24 =	sld [smem:$0x3FFE];
	[sflag:s23] =	ssyncadd.s32 $0xFFFFFFFF  }
0xa5: {  	s26 =	simm.s32 $execute0_lowered;
	[smem:$0x3FD2] =	sst s25  }
0xa6: {  	s4 =	sshll.u32 s26, $0x1;
	_ =	strace $0x80000046;
	[dreg:$0x1] =	wrdreg $0xFFFFFFFF  }
0xa7: {  	s28 =	simm.s32 $_size_execute0_lowered;
	s2 =	sadd.s32 s2, s4;
	[dreg:$0x0] =	wrdreg $0x0  }
0xa8: {  	s4 =	sshll.u32 s28, $0x1;
	[dreg:$0x2] =	wrdreg s2  }
0xa9: {  	[dreg:$0x3] =	wrdreg s4  }
0xaa: {  	[dreg:$0x4] =	wrdreg $0xC0  }
0xab: {  	_ =	task [dreg:s6], $0x5FFFF  }
0xac: {  	[dreg:$0x1] =	wrdreg $0xFFFFFFFF  }
0xad: {  	[dreg:$0x0] =	wrdreg $0x60  }
0xae: {  	[dreg:$0x2] =	wrdreg s24  }
0xaf: {  	[dreg:$0x3] =	wrdreg $0x191000  }
0xb0: {  	[dreg:$0x4] =	wrdreg $0x1B1800  }
0xb1: {  	[dreg:$0x5] =	wrdreg $0x1D2000  }
0xb2: {  	[dreg:$0x6] =	wrdreg $0x9  }
0xb3: {  	_ =	task.clear_ibuf [dreg:s6], $0x7FFFF;
	_ =	strace $0x90000046  }
0xb4: {  	s29 =	simm.s32 $0x9;
	_ =	strace $0x80000048  }
0xb5: {  	_ =	swait.ge [sflag:s29], $0x1  }
0xb6: {  	[sflag:s29] =	ssyncadd.s32 $0xFFFFFFFF  }
0xb7: {  	_ =	strace $0x90000048  }
0xb8: {  	_ =	sfence  }
0xb9: {  	s30 =	sld [smem:$0x0];
	_ =	sdelay $0x2  }
0xba: {  	s31 =	sshll.u32 s1, $0xD;
	s1 =	sshrl.u32 s1, $0x2  }
0xbb: {  	s3 =	sand.u32 $0x4000, s31;
	s1 =	sadd.s32 s1, s30  }
0xbc: {  	s0 =	sor.u32 s3, s0;
	s1 =	sshll.u32 s1, $0x11  }
0xbd: {  	s0 =	sor.u32 s1, s0  }
0xbe: {  	s0 =	sadd.s32 $0x8F2B, s0  }
0xbf: {  	[sflag:s0] =	ssyncadd.remote.s32 $0x1  }
0xc0: {  	_ =	sfence.sel $0xFFFF  }
0xc1: {  	[dreg:$0x0] =	wrdreg $0xFFFFFFFF;
	(pc) =	sbr.abs _section_cstart, $3  }
0xc2: {  	[dreg:$0x1] =	wrdreg $0xFFFFFFFF  }
0xc3: {  	_ =	task.clear_ibuf [dreg:s6], $0x2FFFF;
	_ =	strace $0x9FFFFFFF  }
0xc4: {  	(tm) =	ssettm $0x7FFFFFFF  }
0xc5: {  	_ =	shalt  }
tec
execute0_lowered:
.L_overlay_start_1:
0x0: {  	(tag) =	ssettag $0x1  }
0x1: {  	s0 =	rddreg [dreg:$0x0]  }
0x2: {  	s1 =	srdreg.scid;
	s9 =	rddreg [dreg:$0x1]  }
0x3: {  	s31 =	rddreg [dreg:$0x2];
	s10 =	stileid.u32  }
0x4: {  	s12 =	rddreg [dreg:$0x3];
	s3 =	simm.s32 $0x0;
	s11 =	simm.s32 $0xA100  }
0x5: {  	s28 =	simm.s32 $0x3;
	s29 =	simm.s32 $0x4;
	s30 =	simm.s32 $0x60  }
0x6: {  	s1 =	sand.u32 $0x1, s1;
	[smem:$0x7FF] =	sst s3;
	s18 =	sshll.u32 s10, $0xD  }
0x7: {  	s6 =	sadd.s32 $0x16A00, s0;
	s5 =	sshll.u32 s10, $0xA;
	s8 =	smul.u32 $0x2080, s10  }
0x8: {  	p0 =	sne.s32 s10, $0x0;
	s2 =	sshll.u32 s1, $0x4;
	_ =	strace $0x80000047  }
0x9: {  	s4 =	sshll.u32 s1, $0x11;
	s5 =	sadd.s32 s5, s0;
	s1 =	ssub.s32 $0x2, s1  }
0xa: {  	s22 =	sadd.s32 s18, s12;
	s24 =	sadd.s32 s18, s9;
	s3 =	sadd.s32 s18, s31  }
0xb: {  	s2 =	sor.u32 s10, s2;
	s4 =	sor.u32 s18, s4;
	s20 =	sadd.s32 s8, s9  }
0xc: {  	s7 =	sshrl.u32 s1, $0x1;
	s21 =	sadd.s32 s8, s31;
	[dreg:$0x7] =	wrdreg s20  }
0xd: {  	s5 =	sadd.s32 $0x3DC00, s5;
	s25 =	sshrl.u32 s22, $0x3;
	[dreg:$0x8] =	wrdreg s21  }
0xe: {  	s26 =	sshrl.u32 s3, $0x3;
	s2 =	smul.u32 $0x2710, s2;
	[dreg:$0x9] =	wrdreg s5  }
0xf: {  	s4 =	sshrl.u32 s4, $0x3;
	s1 =	ssub.s32 s1, s7;
	[dreg:$0xe] =	wrdreg s25  }
0x10: {  	[dreg:$0x11] =	wrdreg s26;
	s4 =	sadd.s32 s4, s0;
	s1 =	smax.u32 s1, $0x1  }
0x11: {  	s5 =	sadd.s32 $0x20000, s12;
	s23 =	sadd.s32 $0x41E00, s4;
	[dreg:$0xd] =	wrdreg s1  }
0x12: {  	s2 =	sshrl.u32 s2, $0x3;
	s4 =	sadd.s32 $0x49E00, s4;
	[dreg:$0xb] =	wrdreg s23  }
0x13: {  	s1 =	sshrl.u32 @!p0 s5, $0x3;
	s2 =	sadd.s32 s2, s0;
	[dreg:$0xc] =	wrdreg s4  }
.Ltmp0:
0x14: {  	s0 =	sadd.s32 $0x41C00, s0;
	[dreg:$0xf] =	wrdreg s1;
	(pc) =	sbr.rel .LBB2_1-.Ltmp0, $4  }
0x15: {  	s18 =	simm.s32 $0x7;
	s19 =	sadd.s32 $0x3000, s2;
	[dreg:$0xa] =	wrdreg s0  }
0x16: {  	s26 =	simm.s32 $0x4F00;
	s2 =	sadd.s32 $0xCC40, s2;
	[dreg:$0x5] =	wrdreg s19  }
0x17: {  	v0 =	vimm.f32 $0.0e+00;
	s4 =	smov.u32 s9;
	s0 =	sshrl.u32 s24, $0x3;
	[dreg:$0x6] =	wrdreg s2  }
0x18: {  	v1 =	vimm.f32 $1.000000000e+00;
	v2 =	vimm.s32 $0x0;
	v3 =	vimm.s32 $0x400;
	s23 =	simm.s32 $0x7700;
	s1 =	simm.s32 $0x0;
	[dreg:$0x10] =	wrdreg s0  }
.LBB2_14:
0x19: {  	[bflag:$0x0] =	sbarrier.arrive $0xFFFF  }
0x1a: {  	s0 =	rddreg [dreg:$0xb]  }
0x1b: {  	s1 =	rddreg [dreg:$0x10]  }
0x1c: {  	s2 =	rddreg [dreg:$0x13]  }
0x1d: {  	[hbm:s0], [sflag:s2] =	dma.local [spmem:s1], $0x400  }
0x1e: {  	_ =	swait.ge [sflag:s18], $0x400  }
0x1f: {  	[sflag:s18] =	ssyncset.done $0x0;
	s21 =	rddreg [dreg:$0xc]  }
0x20: {  	s22 =	rddreg [dreg:$0x11];
	[sflag:s18] =	ssyncadd.s32 $0xFFFFFC00  }
0x21: {  	[hbm:s21], [sflag:s2] =	dma.local [spmem:s22], $0x400  }
0x22: {  	_ =	swait.ge [sflag:s18], $0x400  }
0x23: {  	s24 =	rddreg [dreg:$0x12]  }
0x24: {  	s25 =	rddreg [dreg:$0xd];
	s1 =	sadd.s32 $0x1, s24  }
0x25: {  	p1 =	sne.s32 s1, s25  }
.Ltmp1:
0x26: {  	_ = 	snop;
	(pc) =	sbr.rel @!p1 .LBB2_15-.Ltmp1, $3  }
0x27: {  	_ =	sdelay $0x1  }
0x28: {  	[sflag:s18] =	ssyncset.done $0x0  }
0x29: {  	[sflag:s18] =	ssyncadd.s32 $0xFFFFFC00  }
.LBB2_1:
0x2a: {  	[dreg:$0x12] =	wrdreg s1  }
0x2b: {  	s0 =	simm.s32 $0x0;
	s22 =	rddreg [dreg:$0x5]  }
0x2c: {  	[tilespmem:s0], [sflag:$0x1] =	stream.linear.gather [hbm4b:s22+s0], $0x2710, $0x38;
	[tilespmem:$0x1F280] =	vst v63  }
0x2d: {  	s24 =	rddreg [dreg:$0x6];
	s2 =	simm.s32 $0x2780;
	s25 =	simm.s32 $0xA180  }
0x2e: {  	[tilespmem:s2], [sflag:$0x2] =	stream.linear.gather [hbm4b:s24+s0], $0x2710, $0x38;
	[tilespmem:$0x1F280] =	vst v63  }
0x2f: {  	[tilespmem:s25+$0x0] =	vst v0  }
0x30: {  	s0 =	simm.s32 $0x16180;
	[tilespmem:s25+$0xFFFFFF80] =	vst v0  }
0x31: {  	[tilespmem:s0+$0x0] =	vst v1  }
0x32: {  	[tilespmem:s0+$0xFFFFFF80] =	vst v1  }
0x33: {  	[tilespmem:s25+$0x10] =	vst v0  }
0x34: {  	[tilespmem:s25+$0xFFFFFF90] =	vst v0  }
0x35: {  	[tilespmem:s0+$0x10] =	vst v1  }
0x36: {  	[tilespmem:s0+$0xFFFFFF90] =	vst v1  }
0x37: {  	[tilespmem:s25+$0x20] =	vst v0  }
0x38: {  	[tilespmem:s25+$0xFFFFFFA0] =	vst v0  }
0x39: {  	[tilespmem:s0+$0x20] =	vst v1  }
0x3a: {  	[tilespmem:s0+$0xFFFFFFA0] =	vst v1  }
0x3b: {  	[tilespmem:s25+$0x30] =	vst v0  }
0x3c: {  	[tilespmem:s25+$0xFFFFFFB0] =	vst v0  }
0x3d: {  	[tilespmem:s0+$0x30] =	vst v1  }
0x3e: {  	[tilespmem:s0+$0xFFFFFFB0] =	vst v1  }
0x3f: {  	[tilespmem:s25+$0x40] =	vst v0  }
0x40: {  	[tilespmem:s25+$0xFFFFFFC0] =	vst v0  }
0x41: {  	[tilespmem:s0+$0x40] =	vst v1  }
0x42: {  	[tilespmem:s0+$0xFFFFFFC0] =	vst v1  }
0x43: {  	[tilespmem:s25+$0x50] =	vst v0  }
0x44: {  	[tilespmem:s25+$0xFFFFFFD0] =	vst v0  }
0x45: {  	[tilespmem:s0+$0x50] =	vst v1  }
0x46: {  	[tilespmem:s0+$0xFFFFFFD0] =	vst v1  }
0x47: {  	[tilespmem:s25+$0x60] =	vst v0  }
0x48: {  	[tilespmem:s25+$0xFFFFFFE0] =	vst v0  }
0x49: {  	[tilespmem:s0+$0x60] =	vst v1  }
0x4a: {  	[tilespmem:s0+$0xFFFFFFE0] =	vst v1  }
0x4b: {  	[tilespmem:s25+$0x70] =	vst v0  }
0x4c: {  	[tilespmem:s25+$0xFFFFFFF0] =	vst v0  }
0x4d: {  	[tilespmem:s0+$0x70] =	vst v1  }
0x4e: {  	s1 =	simm.s32 $0x0;
	s2 =	simm.s32 $0xA280;
	[tilespmem:s0+$0xFFFFFFF0] =	vst v1  }
.LBB2_2:
0x4f: {  	[tilespmem:s2+$0x0] =	vst v0;
	s0 =	sadd.s32 $0x100, s0  }
0x50: {  	[tilespmem:s0+$0x0] =	vst v1  }
0x51: {  	[tilespmem:s2+$0x10] =	vst v0  }
0x52: {  	[tilespmem:s0+$0x10] =	vst v1  }
0x53: {  	[tilespmem:s2+$0x20] =	vst v0  }
0x54: {  	[tilespmem:s0+$0x20] =	vst v1  }
0x55: {  	[tilespmem:s2+$0x30] =	vst v0  }
0x56: {  	[tilespmem:s0+$0x30] =	vst v1  }
0x57: {  	[tilespmem:s2+$0x40] =	vst v0  }
0x58: {  	[tilespmem:s0+$0x40] =	vst v1  }
0x59: {  	[tilespmem:s2+$0x50] =	vst v0  }
0x5a: {  	[tilespmem:s0+$0x50] =	vst v1  }
0x5b: {  	[tilespmem:s2+$0x60] =	vst v0  }
0x5c: {  	[tilespmem:s0+$0x60] =	vst v1  }
0x5d: {  	[tilespmem:s2+$0x70] =	vst v0  }
0x5e: {  	[tilespmem:s0+$0x70] =	vst v1  }
0x5f: {  	[tilespmem:s2+$0xFFFFFF80] =	vst v0  }
0x60: {  	[tilespmem:s0+$0xFFFFFF80] =	vst v1  }
0x61: {  	[tilespmem:s2+$0xFFFFFF90] =	vst v0  }
0x62: {  	[tilespmem:s0+$0xFFFFFF90] =	vst v1  }
0x63: {  	[tilespmem:s2+$0xFFFFFFA0] =	vst v0  }
0x64: {  	[tilespmem:s0+$0xFFFFFFA0] =	vst v1  }
0x65: {  	[tilespmem:s2+$0xFFFFFFB0] =	vst v0  }
0x66: {  	[tilespmem:s0+$0xFFFFFFB0] =	vst v1  }
0x67: {  	[tilespmem:s2+$0xFFFFFFC0] =	vst v0  }
0x68: {  	s1 =	sadd.s32 $0x2, s1;
	[tilespmem:s0+$0xFFFFFFC0] =	vst v1  }
0x69: {  	p1 =	slt.u32 s1, $0x5E;
	[tilespmem:s2+$0xFFFFFFD0] =	vst v0  }
.Ltmp2:
0x6a: {  	[tilespmem:s0+$0xFFFFFFD0] =	vst v1;
	(pc) =	sbr.rel @p1 .LBB2_2-.Ltmp2, $4  }
0x6b: {  	[tilespmem:s2+$0xFFFFFFE0] =	vst v0  }
0x6c: {  	[tilespmem:s0+$0xFFFFFFE0] =	vst v1  }
0x6d: {  	[tilespmem:s2+$0xFFFFFFF0] =	vst v0  }
0x6e: {  	s2 =	sadd.s32 $0x100, s2;
	[tilespmem:s0+$0xFFFFFFF0] =	vst v1  }
0x6f: {  	s0 =	rddreg [dreg:$0x7]  }
0x70: {  	[spmem:s0] =	stream.linear.scatter [tilespmem:s11], [sflag:$0x7], $0x2080, $0x38;
	[tilespmem:$0x1F280] =	vst v63  }
0x71: {  	_ =	swait.ge [sflag:s18], $0x2080  }
0x72: {  	[sflag:s18] =	ssyncset.done $0x0  }
0x73: {  	s15 =	rddreg [dreg:$0x8];
	[sflag:s18] =	ssyncadd.s32 $0xFFFFDF80  }
0x74: {  	[spmem:s15] =	stream.linear.scatter [tilespmem:s11], [sflag:$0x7], $0x2080, $0x38;
	[tilespmem:$0x1F280] =	vst v63  }
0x75: {  	s16 =	stileid.u32;
	_ =	swait.ge [sflag:s18], $0x2080  }
0x76: {  	s0 =	sshll.u32 s16, $0x6;
	[sflag:s18] =	ssyncset.done $0x0;
	s17 =	rddreg [dreg:$0x9]  }
0x77: {  	s2 =	sor.u32 $0x1C07, s0;
	s1 =	rddreg [dreg:$0xe];
	[sflag:s18] =	ssyncadd.s32 $0xFFFFDF80  }
0x78: {  	[spmem:s1], [sflag:s2] =	dma.local [hbm:s17], $0x400  }
0x79: {  	_ =	swait.ge [sflag:s18], $0x400;
	[dreg:$0x13] =	wrdreg s2  }
0x7a: {  	[sflag:s18] =	ssyncset.done $0x0;
	s0 =	rddreg [dreg:$0xa]  }
0x7b: {  	s1 =	rddreg [dreg:$0xf];
	[sflag:s18] =	ssyncadd.s32 $0xFFFFFC00  }
0x7c: {  	[spmem:s1], [sflag:s2] =	dma.local @!p0 [hbm:s0], $0x100  }
0x7d: {  	s0 =	simm.s32 @!p0 $0x7  }
0x7e: {  	_ =	swait.ge @!p0 [sflag:s0], $0x100  }
0x7f: {  	[sflag:s0] =	ssyncset.done @!p0 $0x0  }
0x80: {  	s19 =	simm.s32 $0x1;
	[sflag:s0] =	ssyncadd.s32 @!p0 $0xFFFFFF00  }
0x81: {  	_ =	swait.ge [sflag:s19], $0x2710  }
0x82: {  	[sflag:s19] =	ssyncset.done $0x0  }
0x83: {  	s20 =	simm.s32 $0x2;
	[sflag:s19] =	ssyncadd.s32 $0xFFFFD8F0  }
0x84: {  	_ =	swait.ge [sflag:s20], $0x2710  }
0x85: {  	[sflag:s20] =	ssyncset.done $0x0  }
0x86: {  	[sflag:s20] =	ssyncadd.s32 $0xFFFFD8F0  }
0x87: {  	s21 =	simm.s32 $0x27A0;
	[bflag:$0x0] =	sbarrier.arrive $0xFFFF  }
0x88: {  	v7 =	vld [tilespmem:s21+$0xFFFFFFE0]  }
0x89: {  	v10 =	vld [tilespmem:s21+$0xFFFFFFF0]  }
0x8a: {  	v12 =	vld [tilespmem:s21+$0x0]  }
0x8b: {  	v13 =	vld [tilespmem:s21+$0x10];
	_ =	sdelay $0x1  }
0x8c: {  	vm0 =	vlt.s32 v7, $0x400  }
0x8d: {  	v6 =	vimm.s32 $0x0;
	v4 =	vsel vm0, $0x1, v2  }
0x8e: {  	s22 =	simm.s32 $0x27E0;
	vm1 =	vlt.s32 v10, $0x400;
	vm2 =	vlt.s32 v12, $0x400;
	(xrf0) =	vadd.scan.msk.s32 $0xffff, v4;
	v4 =	vmpcnt.ones.xlane vm0  }
0x8f: {  	v14 =	vld [tilespmem:s22+$0xFFFFFFE0];
	vm4 =	vlt.s32 v13, $0x400;
	v5 =	vsel vm1, $0x1, v2;
	v8 =	vmpcnt.ones.xlane vm1  }
0x90: {  	v16 =	vld [tilespmem:s22+$0xFFFFFFF0];
	(xrf0) =	vadd.scan.msk.s32 $0xffff, v5;
	v5 =	vsel vm2, $0x1, v2;
	v9 =	vadd.s32 v6, v4;
	v4 =	vmpcnt.ones.xlane vm2  }
0x91: {  	(xrf0) =	vadd.scan.msk.s32 $0xffff, v5;
	v5 =	vmpcnt.ones.xlane vm4;
	v8 =	vadd.s32 v9, v8  }
0x92: {  	v11 =	vadd.s32 v8, v4  }
0x93: {  	v15 =	vsel vm4, $0x1, v2;
	v17 =	vadd.s32 v11, v5;
	v5 =	vld [tilespmem:s22+$0x0]  }
0x94: {  	vm7 =	vlt.s32 v14, $0x400;
	v4, _, _ =	vpop (xrf0)  }
0x95: {  	vm8 =	vlt.s32 v16, $0x400;
	vm3 =	vmmov vm0;
	v6 =	vadd.s32 v4, v6  }
0x96: {  	v19 =	vmpcnt.ones.xlane vm7;
	(xrf0) =	vadd.scan.msk.s32 $0xffff, v15;
	v4 =	vld [tilespmem:s22+$0x10];
	v15, _, _ =	vpop (xrf0);
	v18 =	vadd.s32 $0xFFFFFFFF, v6;
	v6 =	vsel vm7, $0x1, v2  }
0x97: {  	s24 =	simm.s32 $0x20;
	v20 =	vsel vm8, $0x1, v2;
	vm6 =	vmmov vm2;
	v9 =	vadd.s32 v15, v9;
	(xrf0) =	vadd.scan.msk.s32 $0xffff, v6  }
0x98: {  	vm0 =	vmmov vm1;
	v15, _, _ =	vpop (xrf0);
	v21 =	vadd.s32 $0xFFFFFFFF, v9;
	v9 =	vld [tilespmem:s24+$0xFFFFFFE0];
	(xrf0) =	vadd.scan.msk.s32 $0xffff, v20;
	vm1 =	vlt.s32 v5, $0x400  }
0x99: {  	v6 =	vadd.s32 v15, v8;
	v8 =	vmpcnt.ones.xlane vm8;
	v20 =	vsel vm1, $0x1, v2  }
0x9a: {  	s25 =	simm.s32 $0x2820;
	v22 =	vld [tilespmem:s24+$0xFFFFFFF0];
	vm4 =	vmmov vm4;
	v15 =	vadd.s32 v17, v19;
	v19 =	vmpcnt.ones.xlane vm1  }
0x9b: {  	v26 =	vadd.s32 $0xFFFFFFFF, v6;
	v6 =	vld [tilespmem:s25+$0xFFFFFFF0];
	v23 =	vadd.s32 v15, v8;
	vm5 =	vlt.s32 v4, $0x400  }
0x9c: {  	v8 =	vld [tilespmem:s25+$0xFFFFFFE0];
	(xrf0) =	vadd.scan.msk.s32 $0xffff, v20;
	v25 =	vadd.s32 v23, v19;
	v19 =	vsel vm5, $0x1, v2;
	[tilespmem:v18+s23+$0x0] =	vst.idx.msk vm3, v7;
	v20, _, _ =	vpop (xrf0)  }
0x9d: {  	v24 =	vmpcnt.ones.xlane vm5;
	(xrf0) =	vadd.scan.msk.s32 $0xffff, v19;
	v19 =	vld [tilespmem:s24+$0x0];
	[tilespmem:v18+s26+$0x0] =	vst.idx.msk vm3, v9;
	v7 =	vadd.s32 v20, v11;
	v20, _, _ =	vpop (xrf0)  }
0x9e: {  	vm7 =	vmmov vm7;
	vm8 =	vmmov vm8;
	vm1 =	vmmov vm1;
	v9 =	vld [tilespmem:s25+$0x0];
	[tilespmem:v21+s23+$0x0] =	vst.idx.msk vm0, v10;
	v18, _, _ =	vpop (xrf0)  }
0x9f: {  	v24 =	vadd.s32 v25, v24;
	[tilespmem:v21+s26+$0x0] =	vst.idx.msk vm0, v22;
	v11 =	vadd.s32 $0xFFFFFFFF, v7;
	v7 =	vld [tilespmem:s25+$0x10];
	v15 =	vadd.s32 v18, v15  }
0xa0: {  	vm0 =	vmmov vm4;
	[tilespmem:v26+s23+$0x0] =	vst.idx.msk vm2, v12;
	vm2 =	vmmov vm5;
	vm9 =	vlt.s32 v6, $0x400  }
0xa1: {  	v17 =	vadd.s32 v20, v17;
	vm10 =	vlt.s32 v8, $0x400;
	v20 =	vsel vm9, $0x1, v2  }
0xa2: {  	s0 =	simm.s32 $0x60;
	v10 =	vadd.s32 $0xFFFFFFFF, v17;
	v12 =	vsel vm10, $0x1, v2;
	v27 =	vadd.s32 $0xFFFFFFFF, v15;
	v15, _, _ =	vpop (xrf0)  }
0xa3: {  	v22 =	vld [tilespmem:s0+$0xFFFFFFE0];
	(xrf0) =	vadd.scan.msk.s32 $0xffff, v12;
	v12 =	vmpcnt.ones.xlane vm9;
	v17 =	vadd.s32 v15, v23;
	v15 =	vmpcnt.ones.xlane vm10  }
0xa4: {  	v18 =	vld [tilespmem:s24+$0x10];
	vm3 =	vlt.s32 v9, $0x400;
	[tilespmem:v26+s26+$0x0] =	vst.idx.msk vm6, v19;
	(xrf0) =	vadd.scan.msk.s32 $0xffff, v20;
	vm6 =	vlt.s32 v7, $0x400  }
0xa5: {  	v26 =	vld [tilespmem:s0+$0xFFFFFFF0];
	[tilespmem:v11+s23+$0x0] =	vst.idx.msk vm4, v13;
	vm4 =	vmmov vm10;
	v23 =	vmpcnt.ones.xlane vm6;
	v20 =	vadd.s32 v24, v15  }
0xa6: {  	v28, _, _ =	vpop (xrf0);
	v15 =	vmpcnt.ones.xlane vm3;
	v19 =	vadd.s32 v20, v12;
	v12 =	vsel vm3, $0x1, v2  }
0xa7: {  	s1 =	simm.s32 $0x2860;
	v21 =	vld [tilespmem:s0+$0x0];
	[tilespmem:v10+s23+$0x0] =	vst.idx.msk vm7, v14;
	v14 =	vsel vm6, $0x1, v2;
	v25 =	vadd.s32 v28, v25;
	(xrf0) =	vadd.scan.msk.s32 $0xffff, v12  }
0xa8: {  	[tilespmem:v10+s26+$0x0] =	vst.idx.msk vm7, v22;
	v22 =	vadd.s32 $0xFFFFFFFF, v17;
	v10 =	vld [tilespmem:s1+$0xFFFFFFF0];
	v13 =	vadd.s32 v19, v15;
	(xrf0) =	vadd.scan.msk.s32 $0xffff, v14  }
0xa9: {  	v17 =	vadd.s32 $0xFFFFFFFF, v25;
	[tilespmem:v27+s23+$0x0] =	vst.idx.msk vm8, v16;
	vm7 =	vmmov vm5;
	v12 =	vld [tilespmem:s1+$0xFFFFFFE0];
	v15 =	vadd.s32 v13, v23;
	v23, _, _ =	vpop (xrf0)  }
0xaa: {  	s2 =	simm.s32 $0xC;
	vm5 =	vmmov vm9;
	[tilespmem:v27+s26+$0x0] =	vst.idx.msk vm8, v26;
	v14 =	vld [tilespmem:s1+$0x0];
	v24 =	vadd.s32 v23, v24;
	v23, _, _ =	vpop (xrf0);
	v16 =	vmov v15  }
.LBB2_4:
0xab: {  	vm8 =	vmmov vm6  }
0xac: {  	s2 =	sadd.s32 $0x4, s2;
	v24 =	vadd.s32 $0xFFFFFFFF, v24;
	v20 =	vadd.s32 v23, v20;
	v25 =	vld [tilespmem:s1+$0x10];
	[tilespmem:v11+s26+$0x0] =	vst.idx.msk vm0, v18;
	v11 =	vmovc v17;
	vm0 =	vmmov vm2  }
0xad: {  	p1 =	slt.u32 s2, $0x26C;
	v26 =	vadd.s32 $0xFFFFFFFF, v20;
	vm2 =	vmmov vm6;
	v18, _, _ =	vpop (xrf0);
	[tilespmem:v22+s23+$0x0] =	vst.idx.msk vm1, v5;
	v5 =	vmov v9  }
0xae: {  	vm10 =	vlt.s32 v12, $0x400;
	v23 =	vadd.s32 v18, v19;
	v27, _, _ =	vpop (xrf0);
	[tilespmem:v22+s26+$0x0] =	vst.idx.msk vm1, v21;
	vm1 =	vmmov vm3  }
0xaf: {  	v20 =	vsel vm10, $0x1, v2;
	v19 =	vmpcnt.ones.xlane vm10;
	vm9 =	vlt.s32 v10, $0x400;
	v18 =	vld [tilespmem:s0+$0x10];
	[tilespmem:v17+s23+$0x0] =	vst.idx.msk vm7, v4;
	s0 =	sadd.s32 $0x40, s0;
	v4 =	vmovc v7  }
0xb0: {  	v21 =	vsel vm9, $0x1, v2;
	v17 =	vmpcnt.ones.xlane vm9;
	vm3 =	vlt.s32 v14, $0x400;
	v9 =	vmovc v14;
	(xrf0) =	vadd.scan.msk.s32 $0xffff, v20;
	v28 =	vld [tilespmem:s0+$0xFFFFFFE0]  }
0xb1: {  	v20 =	vadd.s32 v15, v19;
	v14 =	vmpcnt.ones.xlane vm3;
	vm6 =	vlt.s32 v25, $0x400;
	(xrf0) =	vadd.scan.msk.s32 $0xffff, v21;
	v7 =	vmovc v25  }
0xb2: {  	v15 =	vsel vm3, $0x1, v2;
	v19 =	vadd.s32 v20, v17;
	v17 =	vmpcnt.ones.xlane vm6;
	[tilespmem:v24+s23+$0x0] =	vst.idx.msk vm4, v8;
	v25 =	vld [tilespmem:s0+$0xFFFFFFF0];
	v8 =	vmovc v12  }
.Ltmp3:
0xb3: {  	v27 =	vadd.s32 v27, v13;
	v12 =	vsel vm6, $0x1, v2;
	v13 =	vadd.s32 v19, v14;
	(xrf0) =	vadd.scan.msk.s32 $0xffff, v15;
	(pc) =	sbr.rel @p1 .LBB2_4-.Ltmp3, $4  }
0xb4: {  	s1 =	sadd.s32 $0x40, s1;
	v22 =	vadd.s32 $0xFFFFFFFF, v23;
	v15 =	vadd.s32 v13, v17;
	(xrf0) =	vadd.scan.msk.s32 $0xffff, v12;
	v21 =	vld [tilespmem:s0+$0x0];
	v17 =	vadd.s32 $0xFFFFFFFF, v27  }
0xb5: {  	vm7 =	vmmov vm8;
	v12 =	vld [tilespmem:s1+$0xFFFFFFE0];
	[tilespmem:v24+s26+$0x0] =	vst.idx.msk vm4, v28;
	vm4 =	vmmov vm10  }
0xb6: {  	v23, _, _ =	vpop (xrf0);
	[tilespmem:v26+s23+$0x0] =	vst.idx.msk vm5, v6;
	v6 =	vmov v10;
	v10 =	vld [tilespmem:s1+$0xFFFFFFF0]  }
0xb7: {  	v14 =	vld [tilespmem:s1+$0x0];
	v24 =	vadd.s32 v23, v16;
	v23, _, _ =	vpop (xrf0);
	[tilespmem:v26+s26+$0x0] =	vst.idx.msk vm5, v25;
	v16 =	vmov v15;
	vm5 =	vmmov vm9  }
0xb8: {  	_ =	sdelay $0x1  }
0xb9: {  	vm10 =	vlt.s32 v12, $0x400  }
0xba: {  	v26 =	vsel vm10, $0x1, v2  }
0xbb: {  	v25 =	vld [tilespmem:s1+$0x10];
	v24 =	vadd.s32 $0xFFFFFFFF, v24;
	s15 =	sadd.s32 $0x40, s0;
	vm8 =	vlt.s32 v10, $0x400;
	(xrf0) =	vadd.scan.msk.s32 $0xffff, v26  }
0xbc: {  	[tilespmem:v11+s26+$0x0] =	vst.idx.msk vm0, v18;
	v38 =	vadd.s32 v23, v20;
	v40 =	vld [tilespmem:s15+$0xFFFFFFE0];
	v39 =	vsel vm8, $0x1, v2  }
0xbd: {  	vm9 =	vmmov vm2;
	[tilespmem:v22+s23+$0x0] =	vst.idx.msk vm1, v5;
	v11 =	vadd.s32 $0xFFFFFFFF, v38;
	v41, _, _ =	vpop (xrf0);
	(xrf0) =	vadd.scan.msk.s32 $0xffff, v39  }
0xbe: {  	v5 =	vld [tilespmem:s0+$0x10];
	vm13 =	vmmov vm6;
	[tilespmem:v17+s23+$0x0] =	vst.idx.msk vm7, v4;
	vm14 =	vlt.s32 v14, $0x400  }
0xbf: {  	vm3 =	vmmov vm3;
	[tilespmem:v22+s26+$0x0] =	vst.idx.msk vm1, v21;
	v43 =	vld [tilespmem:s15+$0xFFFFFFF0];
	v42 =	vadd.s32 v41, v19;
	v4 =	vsel vm14, $0x1, v2  }
0xc0: {  	v44, _, _ =	vpop (xrf0);
	vm15 =	vlt.s32 v25, $0x400;
	[tilespmem:v24+s23+$0x0] =	vst.idx.msk vm4, v8;
	(xrf0) =	vadd.scan.msk.s32 $0xffff, v4;
	v4 =	vadd.s32 $0xFFFFFFFF, v42  }
0xc1: {  	v47 =	vld [tilespmem:s15+$0x0];
	v46 =	vmpcnt.ones.xlane vm10;
	v13 =	vadd.s32 v44, v13;
	v45 =	vsel vm15, $0x1, v2;
	[tilespmem:v24+s26+$0x0] =	vst.idx.msk vm4, v40;
	v48, _, _ =	vpop (xrf0)  }
0xc2: {  	v13 =	vadd.s32 $0xFFFFFFFF, v13;
	[tilespmem:v11+s23+$0x0] =	vst.idx.msk vm5, v6;
	(xrf0) =	vadd.scan.msk.s32 $0xffff, v45;
	v49 =	vadd.s32 v48, v16  }
0xc3: {  	s16 =	sadd.s32 $0x40, s15;
	v15 =	vadd.s32 v15, v46;
	[tilespmem:v17+s26+$0x0] =	vst.idx.msk vm9, v5;
	v50, _, _ =	vpop (xrf0);
	v6 =	vadd.s32 $0xFFFFFFFF, v49  }
0xc4: {  	v51 =	vmpcnt.ones.xlane vm8;
	v5 =	vld [tilespmem:s16+$0xFFFFFFE0];
	[tilespmem:v11+s26+$0x0] =	vst.idx.msk vm5, v43;
	v16 =	vadd.s32 v50, v15  }
0xc5: {  	[tilespmem:v4+s23+$0x0] =	vst.idx.msk vm3, v9;
	v16 =	vadd.s32 $0xFFFFFFFF, v16  }
0xc6: {  	vm6 =	vmmov vm13;
	v53 =	vmpcnt.ones.xlane vm14;
	v11 =	vadd.s32 v15, v51;
	v54, _, _ =	vpop (xrf0);
	[tilespmem:v4+s26+$0x0] =	vst.idx.msk vm3, v47;
	v4 =	vld [tilespmem:s16+$0xFFFFFFF0]  }
0xc7: {  	v52 =	vld [tilespmem:s15+$0x10];
	vm1 =	vmmov vm14;
	[tilespmem:v13+s23+$0x0] =	vst.idx.msk vm13, v7;
	v55 =	vadd.s32 v54, v11  }
0xc8: {  	v56 =	vadd.s32 v11, v53;
	v57, _, _ =	vpop (xrf0);
	v8 =	vadd.s32 $0xFFFFFFFF, v55;
	[tilespmem:v6+s23+$0x0] =	vst.idx.msk vm10, v12  }
0xc9: {  	v58 =	vld [tilespmem:s16+$0x0];
	v11 =	vadd.s32 v57, v56;
	[tilespmem:v6+s26+$0x0] =	vst.idx.msk vm10, v5  }
0xca: {  	vm13 =	vmmov vm15;
	v5 =	vadd.s32 $0xFFFFFFFF, v11;
	[tilespmem:v16+s23+$0x0] =	vst.idx.msk vm8, v10  }
0xcb: {  	[tilespmem:v16+s26+$0x0] =	vst.idx.msk vm8, v4;
	v4 =	vld [tilespmem:s16+$0x10]  }
0xcc: {  	[tilespmem:v13+s26+$0x0] =	vst.idx.msk vm6, v52  }
0xcd: {  	[tilespmem:v8+s23+$0x0] =	vst.idx.msk vm1, v14  }
0xce: {  	[tilespmem:v8+s26+$0x0] =	vst.idx.msk vm1, v58  }
0xcf: {  	[tilespmem:v5+s23+$0x0] =	vst.idx.msk vm15, v25  }
0xd0: {  	[tilespmem:v5+s26+$0x0] =	vst.idx.msk vm13, v4  }
0xd1: {  	v4 =	vld [tilespmem:$0x4E80];
	_ =	sdelay $0x4  }
0xd2: {  	v5 =	vmpcnt.ones.xlane vm15;
	vm15 =	vlt.s32 v4, $0x400  }
0xd3: {  	v59 =	vmpcnt.ones.xlane vm15  }
0xd4: {  	v5 =	vadd.s32 v56, v5;
	v60 =	vsel vm15, $0x1, v2  }
0xd5: {  	(xrf0) =	vadd.scan.msk.s32 $0xffff, v60;
	v6 =	vadd.s32 v5, v59  }
0xd6: {  	(xrf0) =	vadd.scan.msk.s32 $0xffff, v6;
	_ =	sdelay $0x4  }
0xd7: {  	v61, _, _ =	vpop (xrf0)  }
0xd8: {  	v62, _, _ =	vpop (xrf0)  }
0xd9: {  	(v2sf) =	vpush v62, $0xF;
	_ =	sdelay $0xe  }
0xda: {  	s17 =	spop (v2sf)  }
0xdb: {  	s19 =	sand.u32 $0xF, s17  }
0xdc: {  	v5 =	vadd.s32 v61, v5;
	s2 =	sshra.s32 s17, $0x1F;
	p1 =	slt.s32 s17, $0x1;
	p2 =	sne.s32 s19, $0x0  }
0xdd: {  	v5 =	vadd.s32 $0xFFFFFFFF, v5;
	s20 =	sshrl.u32 s2, $0x1C;
	p1 =	por !p1, !p2  }
0xde: {  	s1 =	simm.s32 $0x1;
	v63 =	vld [tilespmem:$0x2700];
	s0 =	sadd.s32 s20, s17;
	p1 =	por !p1, !p1  }
0xdf: {  	s0 =	sshra.s32 s0, $0x4;
	s1 =	simm.s32 @!p1 $0x0  }
0xe0: {  	s0 =	ssub.s32 s0, s1  }
0xe1: {  	s1 =	sadd.s32 $0x5F, s0  }
0xe2: {  	[tilespmem:v5+s23+$0x0] =	vst.idx.msk vm15, v4;
	s21 =	smulhi.u32 $0x2AAAAAAB, s1;
	s1 =	sshra.s32 s1, $0x1F  }
0xe3: {  	[tilespmem:v5+s26+$0x0] =	vst.idx.msk vm15, v63;
	s1 =	smul.u32 $0x2AAAAAAB, s1  }
0xe4: {  	[tilespmem:s0+$0x7700] =	vst v3  }
0xe5: {  	[tilespmem:s0+$0x4F00] =	vst v2;
	s1 =	sadd.s32 s1, s21  }
0xe6: {  	[tilespmem:s0+$0x7710] =	vst v3;
	s2 =	sshrl.u32 s1, $0x1F;
	s1 =	sshra.s32 s1, $0x4  }
0xe7: {  	[tilespmem:s0+$0x4F10] =	vst v2;
	s1 =	sadd.s32 s2, s1  }
0xe8: {  	[tilespmem:s0+$0x7720] =	vst v3;
	s2 =	smul.u32 $0xFFFFFFA0, s1  }
0xe9: {  	[tilespmem:s0+$0x4F20] =	vst v2;
	s3 =	ssub.s32 $0xFFFFFFA1, s0  }
0xea: {  	[tilespmem:s0+$0x7730] =	vst v3;
	p3 =	slt.s32 s0, $0xFFFFFFA2;
	p4 =	sne.s32 s2, s3  }
0xeb: {  	[tilespmem:s0+$0x4F30] =	vst v2;
	p1 =	por !p3, !p4  }
0xec: {  	[tilespmem:s0+$0x7740] =	vst v3;
	s2 =	simm.s32 $0x1;
	p1 =	por !p1, !p1  }
0xed: {  	[tilespmem:s0+$0x4F40] =	vst v2;
	s2 =	simm.s32 @!p1 $0x0  }
0xee: {  	[tilespmem:s0+$0x7750] =	vst v3;
	s10 =	ssub.s32 s1, s2  }
0xef: {  	[tilespmem:s0+$0x4F50] =	vst v2;
	p1 =	slt.s32 s10, $0x1  }
0xf0: {  	v4 =	vld @!p1 [tilespmem:$0x4F00]  }
0xf1: {  	v5 =	vld @!p1 [tilespmem:$0x7700]  }
0xf2: {  	v6 =	vld @!p1 [tilespmem:$0x4F10]  }
0xf3: {  	v7 =	vld @!p1 [tilespmem:$0x7710]  }
0xf4: {  	v8 =	vld @!p1 [tilespmem:$0x4F20]  }
0xf5: {  	[tilespmem:$0x9F00] =	vst @!p1 v4;
	v4 =	vld @!p1 [tilespmem:$0x7720]  }
0xf6: {  	[tilespmem:$0x9F80] =	vst @!p1 v5;
	v5 =	vld @!p1 [tilespmem:$0x4F30]  }
0xf7: {  	[tilespmem:$0x9F10] =	vst @!p1 v6;
	v6 =	vld @!p1 [tilespmem:$0x7730]  }
0xf8: {  	[tilespmem:$0x9F90] =	vst @!p1 v7;
	v7 =	vld @!p1 [tilespmem:$0x4F40]  }
0xf9: {  	[tilespmem:$0x9F20] =	vst @!p1 v8;
	v8 =	vld @!p1 [tilespmem:$0x7740]  }
0xfa: {  	[tilespmem:$0x9FA0] =	vst @!p1 v4;
	v4 =	vld @!p1 [tilespmem:$0x4F50]  }
0xfb: {  	[tilespmem:$0x9F30] =	vst @!p1 v5;
	v5 =	vld @!p1 [tilespmem:$0x7750]  }
0xfc: {  	[tilespmem:$0x9FB0] =	vst @!p1 v6  }
0xfd: {  	[tilespmem:$0x9F40] =	vst @!p1 v7  }
0xfe: {  	[tilespmem:$0x9FC0] =	vst @!p1 v8  }
0xff: {  	[tilespmem:$0x9F50] =	vst @!p1 v4  }
0x100: {  	s0 =	simm.s32 @!p1 $0x60;
	s1 =	simm.s32 @!p1 $0x9F00;
	s2 =	simm.s32 @!p1 $0xA100;
	[tilespmem:$0x9FD0] =	vst @!p1 v5  }
0x101: {  	[tilespmem:s2], [sflag:$0x3] =	stream.indirect.gather @!p1 [hbm4b:s6+s0], $0x80, s1, s0, $0xb8;
	[tilespmem:$0x1F280] =	vst v63  }
0x102: {  	p2 =	seq.s32 @!p1 s10, $0x1;
	s1 =	simm.s32 @!p1 $0x9F80;
	s2 =	simm.s32 @!p1 $0xD100  }
0x103: {  	[tilespmem:s2], [sflag:$0x4] =	stream.indirect.gather @!p1 [spmem:s12], $0x80, s1, s0, $0xb8;
	[tilespmem:$0x1F280] =	vst v63  }
0x104: {  	p1 =	por p2, p1  }
0x105: {  	v4 =	vld @!p1 [tilespmem:$0x4F60]  }
0x106: {  	v5 =	vld @!p1 [tilespmem:$0x7760]  }
0x107: {  	v6 =	vld @!p1 [tilespmem:$0x4F70]  }
0x108: {  	v7 =	vld @!p1 [tilespmem:$0x7770]  }
0x109: {  	v8 =	vld @!p1 [tilespmem:$0x4F80]  }
0x10a: {  	[tilespmem:$0xA000] =	vst @!p1 v4;
	v4 =	vld @!p1 [tilespmem:$0x7780]  }
0x10b: {  	[tilespmem:$0xA080] =	vst @!p1 v5;
	v5 =	vld @!p1 [tilespmem:$0x4F90]  }
0x10c: {  	[tilespmem:$0xA010] =	vst @!p1 v6;
	v6 =	vld @!p1 [tilespmem:$0x7790]  }
0x10d: {  	[tilespmem:$0xA090] =	vst @!p1 v7;
	v7 =	vld @!p1 [tilespmem:$0x4FA0]  }
0x10e: {  	[tilespmem:$0xA020] =	vst @!p1 v8;
	v8 =	vld @!p1 [tilespmem:$0x77A0]  }
0x10f: {  	[tilespmem:$0xA0A0] =	vst @!p1 v4;
	v4 =	vld @!p1 [tilespmem:$0x4FB0]  }
0x110: {  	[tilespmem:$0xA030] =	vst @!p1 v5;
	v5 =	vld @!p1 [tilespmem:$0x77B0]  }
0x111: {  	[tilespmem:$0xA0B0] =	vst @!p1 v6  }
0x112: {  	[tilespmem:$0xA040] =	vst @!p1 v7  }
0x113: {  	s22 =	sadd.s32 $0x1, s10;
	[tilespmem:$0xA0C0] =	vst @!p1 v8  }
0x114: {  	p5 =	slt.s32 s10, $0x0;
	s24 =	sand.u32 $0x1, s22;
	[tilespmem:$0xA050] =	vst @!p1 v4  }
0x115: {  	s0 =	simm.s32 @!p1 $0x60;
	s1 =	simm.s32 @!p1 $0xA000;
	s2 =	simm.s32 @!p1 $0x10100;
	[tilespmem:$0xA0D0] =	vst @!p1 v5  }
0x116: {  	[tilespmem:s2], [sflag:$0x5] =	stream.indirect.gather @!p1 [hbm4b:s6+s0], $0x80, s1, s0, $0xb8;
	[tilespmem:$0x1F280] =	vst v63  }
0x117: {  	p6 =	seq.s32 s24, $0x1;
	s1 =	simm.s32 @!p1 $0xA080;
	s2 =	simm.s32 @!p1 $0x13100  }
0x118: {  	[tilespmem:s2], [sflag:$0x6] =	stream.indirect.gather @!p1 [spmem:s12], $0x80, s1, s0, $0xb8;
	[tilespmem:$0x1F280] =	vst v63  }
0x119: {  	s25 =	sshrl.u32 s22, $0x1F;
	p1 =	por !p5, !p6  }
0x11a: {  	s0 =	sadd.s32 s25, s22;
	s1 =	simm.s32 $0x1;
	p1 =	por !p1, !p1  }
0x11b: {  	s0 =	sshra.s32 s0, $0x1;
	s1 =	simm.s32 @!p1 $0x0  }
0x11c: {  	s0 =	ssub.s32 s0, s1  }
0x11d: {  	p1 =	slt.s32 s0, $0x1  }
.Ltmp4:
0x11e: {  	_ = 	snop;
	(pc) =	sbr.rel @p1 .LBB2_14-.Ltmp4, $2  }
0x11f: {  	_ =	sdelay $0x2  }
0x120: {  	vm11 =	vmmov vm10;
	vm12 =	vmmov vm8;
	vm14 =	vmmov vm13;
	[dreg:$0x14] =	wrdreg s0  }
.Ltmp5:
0x121: {  	(pc) =	sbr.rel .LBB2_7-.Ltmp5, $3  }
0x122: {  	_ =	sdelay $0x1  }
0x123: {  	s0 =	sadd.s32 $0xFFFFFFFF, s10  }
0x124: {  	s13 =	simm.s32 $0x0;
	[dreg:$0x15] =	wrdreg s0  }
.LBB2_13:
0x125: {  	s13 =	sadd.s32 $0x1, s13;
	s0 =	rddreg [dreg:$0x14]  }
0x126: {  	p1 =	sne.s32 s13, s0  }
.Ltmp6:
0x127: {  	_ = 	snop;
	(pc) =	sbr.rel @!p1 .LBB2_14-.Ltmp6, $1  }
0x128: {  	_ =	sdelay $0x3  }
.LBB2_7:
0x129: {  	_ =	swait.ge [sflag:s28], $0x3000  }
0x12a: {  	[sflag:s28] =	ssyncset.done $0x0  }
0x12b: {  	[sflag:s28] =	ssyncadd.s32 $0xFFFFD000  }
0x12c: {  	_ =	swait.ge [sflag:s29], $0x3000  }
0x12d: {  	[sflag:s29] =	ssyncset.done $0x0  }
0x12e: {  	s14 =	simm.s32 $0xA180;
	[sflag:s29] =	ssyncadd.s32 $0xFFFFD000  }
0x12f: {  	s0 =	simm.s32 $0xD180;
	v4 =	vld [tilespmem:s14+$0x0]  }
0x130: {  	v5 =	vld [tilespmem:s0+$0x0];
	_ =	sdelay $0x3  }
0x131: {  	v6 =	vld [tilespmem:s0+$0xFFFFFF80]  }
0x132: {  	v7 =	vld [tilespmem:s14+$0xFFFFFF80];
	v4 =	vadd.f32 v5, v4;
	_ =	sdelay $0x1  }
0x133: {  	v5 =	vsub.f32 $0.0e+00, v4;
	_ =	sdelay $0x1  }
0x134: {  	v5 =	vmul.f32 $1.442695020e+00, v5  }
0x135: {  	v6 =	vadd.f32 v6, v7  }
0x136: {  	(erf) = vpow2.f32 v5  }
0x137: {  	v5 =	vsub.f32 $0.0e+00, v6;
	_ =	sdelay $0x1  }
0x138: {  	v5 =	vmul.f32 $1.442695020e+00, v5;
	_ =	sdelay $0x1  }
0x139: {  	(erf) = vpow2.f32 v5;
	_ =	sdelay $0x3  }
0x13a: {  	v5 =	vpop (erf)  }
0x13b: {  	v5 =	vadd.f32 $1.000000000e+00, v5;
	_ =	sdelay $0x1  }
0x13c: {  	(erf) = vrcp.f32 v5;
	_ =	sdelay $0x1  }
0x13d: {  	v5 =	vpop (erf)  }
0x13e: {  	v5 =	vadd.f32 $1.000000000e+00, v5;
	_ =	sdelay $0x1  }
0x13f: {  	(erf) = vrcp.f32 v5;
	_ =	sdelay $0x3  }
0x140: {  	v7 =	vpop (erf)  }
0x141: {  	v7 =	vmul.f32 v7, v4;
	_ =	sdelay $0x1  }
0x142: {  	[tilespmem:s14+$0x0] =	vst v7;
	v7 =	vld [tilespmem:s14+$0x10]  }
0x143: {  	v14 =	vld [tilespmem:s0+$0x10]  }
0x144: {  	v8 =	vpop (erf)  }
0x145: {  	v6 =	vmul.f32 v8, v6;
	_ =	sdelay $0x1  }
0x146: {  	v5 =	vld [tilespmem:s14+$0xFFFFFF90];
	[tilespmem:s14+$0xFFFFFF80] =	vst v6  }
0x147: {  	s15 =	simm.s32 $0xA280;
	v6 =	vld [tilespmem:s0+$0xFFFFFF90];
	v7 =	vadd.f32 v14, v7  }
0x148: {  	s16 =	simm.s32 $0xD280;
	v8 =	vld [tilespmem:s15+$0x0]  }
0x149: {  	v14 =	vld [tilespmem:s16+$0x0];
	v15 =	vsub.f32 $0.0e+00, v7;
	_ =	sdelay $0x1  }
0x14a: {  	v16 =	vld [tilespmem:s16+$0xFFFFFF80];
	v15 =	vmul.f32 $1.442695020e+00, v15  }
0x14b: {  	v17 =	vld [tilespmem:s15+$0xFFFFFF80];
	v6 =	vadd.f32 v6, v5  }
0x14c: {  	(erf) = vpow2.f32 v15  }
0x14d: {  	v14 =	vadd.f32 v14, v8;
	v5 =	vsub.f32 $0.0e+00, v6;
	_ =	sdelay $0x1  }
0x14e: {  	v8 =	vsub.f32 $0.0e+00, v14;
	v5 =	vmul.f32 $1.442695020e+00, v5  }
0x14f: {  	v16 =	vadd.f32 v16, v17  }
0x150: {  	v8 =	vmul.f32 $1.442695020e+00, v8;
	(erf) = vpow2.f32 v5  }
0x151: {  	v5 =	vsub.f32 $0.0e+00, v16  }
0x152: {  	(erf) = vpow2.f32 v8  }
0x153: {  	v5 =	vmul.f32 $1.442695020e+00, v5  }
0x154: {  	v8 =	vpop (erf)  }
0x155: {  	(erf) = vpow2.f32 v5;
	v5 =	vadd.f32 $1.000000000e+00, v8;
	_ =	sdelay $0x2  }
0x156: {  	(erf) = vrcp.f32 v5  }
0x157: {  	v5 =	vpop (erf)  }
0x158: {  	v5 =	vadd.f32 $1.000000000e+00, v5  }
0x159: {  	v8 =	vpop (erf)  }
0x15a: {  	v8 =	vadd.f32 $1.000000000e+00, v8;
	(erf) = vrcp.f32 v5;
	_ =	sdelay $0x1  }
0x15b: {  	(erf) = vrcp.f32 v8;
	v5 =	vpop (erf)  }
0x15c: {  	v5 =	vadd.f32 $1.000000000e+00, v5;
	_ =	sdelay $0x1  }
0x15d: {  	v8 =	vpop (erf);
	(erf) = vrcp.f32 v5  }
0x15e: {  	v5 =	vmul.f32 v8, v7;
	_ =	sdelay $0x1  }
0x15f: {  	v18 =	vld [tilespmem:s14+$0x20];
	[tilespmem:s14+$0x10] =	vst v5  }
0x160: {  	v20 =	vld [tilespmem:s0+$0x20];
	v7 =	vpop (erf)  }
0x161: {  	v6 =	vmul.f32 v7, v6  }
0x162: {  	v15 =	vpop (erf)  }
0x163: {  	v11 =	vld [tilespmem:s14+$0xFFFFFFA0];
	v14 =	vmul.f32 v15, v14;
	[tilespmem:s14+$0xFFFFFF90] =	vst v6  }
0x164: {  	v6 =	vld [tilespmem:s0+$0xFFFFFFA0]  }
0x165: {  	[tilespmem:s15+$0x0] =	vst v14;
	v14 =	vld [tilespmem:s15+$0x10];
	v20 =	vadd.f32 v20, v18;
	v21 =	vpop (erf)  }
0x166: {  	v16 =	vmul.f32 v21, v16;
	v21 =	vld [tilespmem:s16+$0x10]  }
0x167: {  	s2 =	simm.s32 $0xD380;
	v22 =	vsub.f32 $0.0e+00, v20  }
0x168: {  	v23 =	vld [tilespmem:s2+$0x0]  }
0x169: {  	v17 =	vld [tilespmem:s15+$0xFFFFFF90];
	[tilespmem:s15+$0xFFFFFF80] =	vst v16;
	v22 =	vmul.f32 $1.442695020e+00, v22  }
0x16a: {  	s19 =	simm.s32 $0xA380;
	v16 =	vld [tilespmem:s16+$0xFFFFFF90];
	v6 =	vadd.f32 v6, v11  }
0x16b: {  	v11 =	vld [tilespmem:s19+$0x0];
	(erf) = vpow2.f32 v22;
	v24 =	vadd.f32 v21, v14  }
0x16c: {  	v25 =	vld [tilespmem:s19+$0xFFFFFF80];
	v14 =	vsub.f32 $0.0e+00, v6  }
0x16d: {  	v21 =	vld [tilespmem:s2+$0xFFFFFF80];
	v22 =	vsub.f32 $0.0e+00, v24  }
0x16e: {  	v14 =	vmul.f32 $1.442695020e+00, v14  }
0x16f: {  	v16 =	vadd.f32 v16, v17;
	v17 =	vmul.f32 $1.442695020e+00, v22  }
0x170: {  	(erf) = vpow2.f32 v14;
	v22 =	vadd.f32 v23, v11  }
0x171: {  	v11 =	vsub.f32 $0.0e+00, v16;
	(erf) = vpow2.f32 v17  }
0x172: {  	v23 =	vadd.f32 v21, v25;
	v14 =	vsub.f32 $0.0e+00, v22  }
0x173: {  	v11 =	vmul.f32 $1.442695020e+00, v11  }
0x174: {  	v21 =	vsub.f32 $0.0e+00, v23;
	v14 =	vmul.f32 $1.442695020e+00, v14;
	v17 =	vpop (erf)  }
0x175: {  	(erf) = vpow2.f32 v11;
	v11 =	vadd.f32 $1.000000000e+00, v17  }
0x176: {  	(erf) = vpow2.f32 v14;
	v14 =	vmul.f32 $1.442695020e+00, v21  }
0x177: {  	(erf) = vrcp.f32 v11;
	_ =	sdelay $0x1  }
0x178: {  	v11 =	vpop (erf)  }
0x179: {  	(erf) = vpow2.f32 v14;
	v11 =	vadd.f32 $1.000000000e+00, v11;
	v14 =	vpop (erf)  }
0x17a: {  	v14 =	vadd.f32 $1.000000000e+00, v14  }
0x17b: {  	(erf) = vrcp.f32 v11;
	_ =	sdelay $0x1  }
0x17c: {  	v11 =	vpop (erf)  }
0x17d: {  	(erf) = vrcp.f32 v14;
	v11 =	vadd.f32 $1.000000000e+00, v11;
	v14 =	vpop (erf)  }
0x17e: {  	v14 =	vadd.f32 $1.000000000e+00, v14;
	v17 =	vpop (erf)  }
0x17f: {  	(erf) = vrcp.f32 v11;
	v11 =	vmul.f32 v17, v20  }
0x180: {  	(erf) = vrcp.f32 v14;
	_ =	sdelay $0x1  }
0x181: {  	v17 =	vpop (erf)  }
0x182: {  	v14 =	vadd.f32 $1.000000000e+00, v17;
	[tilespmem:s14+$0x20] =	vst v11;
	v11 =	vpop (erf)  }
0x183: {  	v6 =	vmul.f32 v11, v6  }
0x184: {  	(erf) = vrcp.f32 v14  }
0x185: {  	v20 =	vld [tilespmem:s14+$0x30]  }
0x186: {  	v26 =	vld [tilespmem:s0+$0x30];
	v11 =	vpop (erf)  }
0x187: {  	v12 =	vld [tilespmem:s14+$0xFFFFFFB0];
	v24 =	vmul.f32 v11, v24;
	[tilespmem:s14+$0xFFFFFFA0] =	vst v6;
	v6 =	vpop (erf)  }
0x188: {  	v27 =	vld [tilespmem:s0+$0xFFFFFFB0];
	v16 =	vmul.f32 v6, v16;
	v6 =	vpop (erf)  }
0x189: {  	[tilespmem:s15+$0x10] =	vst v24;
	v24 =	vld [tilespmem:s15+$0x20];
	v22 =	vmul.f32 v6, v22  }
0x18a: {  	v28 =	vld [tilespmem:s16+$0x20]  }
0x18b: {  	v26 =	vadd.f32 v26, v20  }
0x18c: {  	v19 =	vld [tilespmem:s15+$0xFFFFFFA0];
	[tilespmem:s15+$0xFFFFFF90] =	vst v16  }
0x18d: {  	v29 =	vsub.f32 $0.0e+00, v26;
	v16 =	vld [tilespmem:s16+$0xFFFFFFA0];
	[tilespmem:s19+$0x0] =	vst v22;
	v22 =	vpop (erf)  }
0x18e: {  	v12 =	vadd.f32 v27, v12;
	v27 =	vld [tilespmem:s19+$0x10];
	v22 =	vmul.f32 v22, v23  }
0x18f: {  	v29 =	vmul.f32 $1.442695020e+00, v29;
	v24 =	vadd.f32 v28, v24;
	v23 =	vld [tilespmem:s2+$0x10]  }
0x190: {  	v25 =	vld [tilespmem:s19+$0xFFFFFF90];
	v28 =	vsub.f32 $0.0e+00, v12;
	[tilespmem:s19+$0xFFFFFF80] =	vst v22  }
0x191: {  	(erf) = vpow2.f32 v29;
	v22 =	vsub.f32 $0.0e+00, v24;
	v29 =	vld [tilespmem:s2+$0xFFFFFF90]  }
0x192: {  	v28 =	vmul.f32 $1.442695020e+00, v28;
	v16 =	vadd.f32 v16, v19  }
0x193: {  	s20 =	simm.s32 $0xA480;
	v19 =	vmul.f32 $1.442695020e+00, v22  }
0x194: {  	s22 =	simm.s32 $0xD480;
	v30 =	vld [tilespmem:s20+$0x0];
	(erf) = vpow2.f32 v28;
	v27 =	vadd.f32 v23, v27;
	v23 =	vsub.f32 $0.0e+00, v16  }
0x195: {  	v22 =	vld [tilespmem:s22+$0x0];
	(erf) = vpow2.f32 v19  }
0x196: {  	v23 =	vmul.f32 $1.442695020e+00, v23;
	v25 =	vadd.f32 v29, v25  }
0x197: {  	v28 =	vld [tilespmem:s22+$0xFFFFFF80];
	v19 =	vsub.f32 $0.0e+00, v27  }
0x198: {  	v29 =	vld [tilespmem:s20+$0xFFFFFF80];
	(erf) = vpow2.f32 v23;
	v23 =	vsub.f32 $0.0e+00, v25  }
0x199: {  	v19 =	vmul.f32 $1.442695020e+00, v19  }
0x19a: {  	v22 =	vadd.f32 v22, v30;
	v30 =	vpop (erf);
	v23 =	vmul.f32 $1.442695020e+00, v23  }
0x19b: {  	v30 =	vadd.f32 $1.000000000e+00, v30;
	(erf) = vpow2.f32 v19  }
0x19c: {  	v19 =	vsub.f32 $0.0e+00, v22  }
0x19d: {  	(erf) = vrcp.f32 v30;
	v28 =	vadd.f32 v28, v29;
	v29 =	vpop (erf)  }
0x19e: {  	v10 =	vld [tilespmem:s14+$0xFFFFFFD0];
	v19 =	vmul.f32 $1.442695020e+00, v19;
	(erf) = vpow2.f32 v23;
	v23 =	vpop (erf)  }
0x19f: {  	v13 =	vld [tilespmem:s14+$0xFFFFFFE0];
	v23 =	vadd.f32 $1.000000000e+00, v23  }
0x1a0: {  	v9 =	vld [tilespmem:s14+$0xFFFFFFF0];
	v29 =	vadd.f32 $1.000000000e+00, v29;
	(erf) = vpow2.f32 v19;
	v19 =	vsub.f32 $0.0e+00, v28  }
0x1a1: {  	v31 =	vld [tilespmem:s20+$0xFFFFFF90]  }
0x1a2: {  	v34 =	vld [tilespmem:s19+$0x20];
	(erf) = vrcp.f32 v29;
	v19 =	vmul.f32 $1.442695020e+00, v19  }
0x1a3: {  	v4 =	vld [tilespmem:s14+$0xFFFFFFC0];
	(erf) = vrcp.f32 v23;
	v23 =	vpop (erf)  }
0x1a4: {  	v8 =	vld [tilespmem:s15+$0xFFFFFFB0];
	(erf) = vpow2.f32 v19;
	v19 =	vadd.f32 $1.000000000e+00, v23;
	v23 =	vpop (erf)  }
0x1a5: {  	v5 =	vld [tilespmem:s15+$0xFFFFFFC0];
	v23 =	vadd.f32 $1.000000000e+00, v23  }
0x1a6: {  	v7 =	vld [tilespmem:s15+$0xFFFFFFD0];
	v29 =	vpop (erf);
	(erf) = vrcp.f32 v19  }
0x1a7: {  	v15 =	vld [tilespmem:s15+$0xFFFFFFE0];
	(erf) = vrcp.f32 v23  }
0x1a8: {  	v18 =	vld [tilespmem:s15+$0xFFFFFFF0]  }
0x1a9: {  	v21 =	vld [tilespmem:s19+$0xFFFFFFA0];
	v19 =	vmul.f32 v29, v26;
	v26 =	vpop (erf)  }
0x1aa: {  	v17 =	vld [tilespmem:s19+$0xFFFFFFC0];
	v23 =	vadd.f32 $1.000000000e+00, v26  }
0x1ab: {  	v14 =	vld [tilespmem:s19+$0xFFFFFFB0];
	v26 =	vpop (erf)  }
0x1ac: {  	v29 =	vld [tilespmem:s14+$0x40];
	[tilespmem:s14+$0x30] =	vst v19;
	v19 =	vadd.f32 $1.000000000e+00, v26;
	v30 =	vpop (erf);
	(erf) = vrcp.f32 v23  }
0x1ad: {  	v26 =	vld [tilespmem:s0+$0x40];
	v32 =	vpop (erf)  }
0x1ae: {  	v11 =	vld [tilespmem:s19+$0xFFFFFFD0];
	(erf) = vrcp.f32 v19;
	v33 =	vpop (erf)  }
0x1af: {  	v20 =	vld [tilespmem:s19+$0xFFFFFFE0];
	v12 =	vmul.f32 v30, v12;
	v33 =	vadd.f32 $1.000000000e+00, v33;
	v44 =	vpop (erf)  }
0x1b0: {  	v6 =	vld [tilespmem:s19+$0xFFFFFFF0];
	v32 =	vmul.f32 v32, v24;
	v46 =	vpop (erf)  }
0x1b1: {  	v23 =	vld [tilespmem:s20+$0xFFFFFFA0];
	[tilespmem:s14+$0xFFFFFFB0] =	vst v12;
	(erf) = vrcp.f32 v33;
	v12 =	vmul.f32 v46, v27  }
0x1b2: {  	v30 =	vld [tilespmem:s15+$0x30];
	[tilespmem:s15+$0x20] =	vst v32;
	v26 =	vadd.f32 v26, v29;
	v29 =	vmul.f32 v44, v16  }
0x1b3: {  	v45 =	vld [tilespmem:s16+$0x30]  }
0x1b4: {  	v19 =	vld [tilespmem:s20+$0xFFFFFFC0];
	v27 =	vsub.f32 $0.0e+00, v26;
	[tilespmem:s15+$0xFFFFFFA0] =	vst v29  }
0x1b5: {  	v29 =	vld [tilespmem:s16+$0xFFFFFFB0];
	[tilespmem:s19+$0x10] =	vst v12;
	v12 =	vpop (erf)  }
0x1b6: {  	v47 =	vld [tilespmem:s0+$0xFFFFFFC0];
	v27 =	vmul.f32 $1.442695020e+00, v27;
	v25 =	vmul.f32 v12, v25  }
0x1b7: {  	v35 =	vld [tilespmem:s2+$0x20];
	v12 =	vpop (erf)  }
0x1b8: {  	v24 =	vld [tilespmem:s20+$0xFFFFFFB0];
	v30 =	vadd.f32 v45, v30;
	(erf) = vpow2.f32 v27;
	v22 =	vmul.f32 v12, v22;
	[tilespmem:s19+$0xFFFFFF90] =	vst v25  }
0x1b9: {  	v27 =	vld [tilespmem:s2+$0xFFFFFFA0]  }
0x1ba: {  	v25 =	vsub.f32 $0.0e+00, v30;
	v8 =	vadd.f32 v29, v8;
	v48 =	vpop (erf);
	[tilespmem:s20+$0x0] =	vst v22;
	v22 =	vld [tilespmem:s20+$0x10]  }
0x1bb: {  	v29 =	vadd.f32 v47, v4;
	v28 =	vmul.f32 v48, v28;
	v49 =	vld [tilespmem:s22+$0x10]  }
0x1bc: {  	v16 =	vld [tilespmem:s20+$0xFFFFFFD0];
	v50 =	vadd.f32 v35, v34;
	v25 =	vmul.f32 $1.442695020e+00, v25;
	v51 =	vsub.f32 $0.0e+00, v8  }
0x1bd: {  	v12 =	vld [tilespmem:s20+$0xFFFFFFE0];
	v52 =	vsub.f32 $0.0e+00, v29  }
0x1be: {  	v4 =	vld [tilespmem:s20+$0xFFFFFFF0];
	(erf) = vpow2.f32 v25;
	[tilespmem:s20+$0xFFFFFF80] =	vst v28;
	v25 =	vsub.f32 $0.0e+00, v50;
	v28 =	vmul.f32 $1.442695020e+00, v51  }
0x1bf: {  	s24 =	simm.s32 $0xA580;
	v53 =	vmul.f32 $1.442695020e+00, v52;
	v54 =	vld [tilespmem:s22+$0xFFFFFF90];
	v36 =	vadd.f32 v27, v21  }
0x1c0: {  	s21 =	simm.s32 $0xD580;
	v21 =	vld [tilespmem:s24+$0x0];
	v25 =	vmul.f32 $1.442695020e+00, v25;
	(erf) = vpow2.f32 v28;
	v28 =	vadd.f32 v49, v22  }
0x1c1: {  	v27 =	vld [tilespmem:s21+$0x0];
	v22 =	vpop (erf);
	(erf) = vpow2.f32 v53;
	v55 =	vsub.f32 $0.0e+00, v36  }
0x1c2: {  	v22 =	vadd.f32 $1.000000000e+00, v22;
	(erf) = vpow2.f32 v25;
	v25 =	vsub.f32 $0.0e+00, v28  }
0x1c3: {  	v33 =	vmul.f32 $1.442695020e+00, v55  }
0x1c4: {  	v56 =	vld [tilespmem:s21+$0xFFFFFF80];
	(erf) = vrcp.f32 v22;
	v31 =	vadd.f32 v54, v31;
	v22 =	vmul.f32 $1.442695020e+00, v25  }
0x1c5: {  	v37 =	vld [tilespmem:s24+$0xFFFFFF80];
	(erf) = vpow2.f32 v33  }
0x1c6: {  	v57 =	vadd.f32 v27, v21;
	(erf) = vpow2.f32 v22;
	v22 =	vsub.f32 $0.0e+00, v31  }
0x1c7: {  	v21 =	vpop (erf)  }
0x1c8: {  	v25 =	vsub.f32 $0.0e+00, v57;
	v21 =	vadd.f32 $1.000000000e+00, v21;
	v22 =	vmul.f32 $1.442695020e+00, v22;
	_ =	sdelay $0x1  }
0x1c9: {  	v34 =	vadd.f32 v56, v37;
	v27 =	vpop (erf);
	v25 =	vmul.f32 $1.442695020e+00, v25;
	(erf) = vrcp.f32 v21  }
0x1ca: {  	v58 =	vpop (erf);
	v27 =	vadd.f32 $1.000000000e+00, v27;
	(erf) = vpow2.f32 v22  }
0x1cb: {  	v21 =	vsub.f32 $0.0e+00, v34;
	v22 =	vpop (erf)  }
0x1cc: {  	(erf) = vpow2.f32 v25;
	v22 =	vadd.f32 $1.000000000e+00, v22  }
0x1cd: {  	v21 =	vmul.f32 $1.442695020e+00, v21;
	(erf) = vrcp.f32 v27;
	v25 =	vpop (erf)  }
0x1ce: {  	v25 =	vmul.f32 v25, v26;
	v26 =	vadd.f32 $1.000000000e+00, v58;
	v27 =	vpop (erf);
	(erf) = vrcp.f32 v22  }
0x1cf: {  	(erf) = vpow2.f32 v21;
	v21 =	vadd.f32 $1.000000000e+00, v27  }
0x1d0: {  	[tilespmem:s14+$0x40] =	vst v25;
	v25 =	vld [tilespmem:s14+$0x50];
	v22 =	vpop (erf);
	(erf) = vrcp.f32 v26  }
0x1d1: {  	v22 =	vadd.f32 $1.000000000e+00, v22;
	(erf) = vrcp.f32 v21;
	v21 =	vld [tilespmem:s0+$0x50]  }
0x1d2: {  	v26 =	vpop (erf)  }
0x1d3: {  	(erf) = vrcp.f32 v22;
	v22 =	vmul.f32 v26, v30;
	v26 =	vpop (erf)  }
0x1d4: {  	v26 =	vadd.f32 $1.000000000e+00, v26  }
0x1d5: {  	v27 =	vpop (erf)  }
0x1d6: {  	v59 =	vld [tilespmem:s15+$0x40];
	[tilespmem:s15+$0x30] =	vst v22;
	v60 =	vpop (erf);
	v38 =	vadd.f32 v21, v25  }
0x1d7: {  	v22 =	vadd.f32 $1.000000000e+00, v27;
	(erf) = vrcp.f32 v26;
	v25 =	vld [tilespmem:s16+$0x40];
	v21 =	vpop (erf)  }
0x1d8: {  	v26 =	vpop (erf);
	v39 =	vsub.f32 $0.0e+00, v38  }
0x1d9: {  	(erf) = vrcp.f32 v22;
	v32 =	vmul.f32 v21, v50;
	v26 =	vadd.f32 $1.000000000e+00, v26  }
0x1da: {  	v63 =	vld [tilespmem:s19+$0x30];
	v8 =	vmul.f32 v60, v8;
	v40 =	vpop (erf);
	v62 =	vmul.f32 $1.442695020e+00, v39  }
0x1db: {  	v46 =	vld [tilespmem:s20+$0x20];
	[tilespmem:s19+$0x20] =	vst v32;
	v61 =	vpop (erf);
	v29 =	vmul.f32 v40, v29;
	(erf) = vrcp.f32 v26  }
0x1dc: {  	[tilespmem:s15+$0xFFFFFFB0] =	vst v8;
	v26 =	vmul.f32 v61, v36;
	v8 =	vld [tilespmem:s2+$0x30];
	v35 =	vadd.f32 v25, v59;
	v44 =	vpop (erf)  }
0x1dd: {  	(erf) = vpow2.f32 v62;
	[tilespmem:s14+$0xFFFFFFC0] =	vst v29;
	v25 =	vmul.f32 v44, v28;
	v28 =	vld [tilespmem:s16+$0xFFFFFFC0]  }
0x1de: {  	[tilespmem:s19+$0xFFFFFFA0] =	vst v26;
	v26 =	vsub.f32 $0.0e+00, v35;
	v49 =	vld [tilespmem:s0+$0xFFFFFFD0]  }
0x1df: {  	v45 =	vld [tilespmem:s2+$0xFFFFFFB0];
	[tilespmem:s20+$0x10] =	vst v25  }
0x1e0: {  	v47 =	vpop (erf);
	v26 =	vmul.f32 $1.442695020e+00, v26;
	v48 =	vld [tilespmem:s22+$0x20]  }
0x1e1: {  	v29 =	vmul.f32 v47, v31;
	v31 =	vadd.f32 v8, v63  }
0x1e2: {  	v8 =	vpop (erf);
	(erf) = vpow2.f32 v26  }
0x1e3: {  	v26 =	vmul.f32 v8, v57;
	[tilespmem:s20+$0xFFFFFF90] =	vst v29;
	v29 =	vsub.f32 $0.0e+00, v31;
	v28 =	vadd.f32 v28, v5  }
0x1e4: {  	v10 =	vadd.f32 v49, v10;
	v50 =	vld [tilespmem:s22+$0xFFFFFFA0];
	v32 =	vadd.f32 v45, v14;
	v14 =	vpop (erf)  }
0x1e5: {  	[tilespmem:s24+$0x0] =	vst v26;
	v26 =	vld [tilespmem:s24+$0x10];
	v29 =	vmul.f32 $1.442695020e+00, v29;
	v36 =	vadd.f32 v48, v46;
	v14 =	vmul.f32 v14, v34  }
0x1e6: {  	v51 =	vld [tilespmem:s21+$0x10];
	v54 =	vsub.f32 $0.0e+00, v28;
	v5 =	vpop (erf);
	v52 =	vsub.f32 $0.0e+00, v32  }
0x1e7: {  	v30 =	vld [tilespmem:s24+$0xFFFFFF90];
	v53 =	vadd.f32 $1.000000000e+00, v5;
	(erf) = vpow2.f32 v29;
	[tilespmem:s24+$0xFFFFFF80] =	vst v14;
	v14 =	vsub.f32 $0.0e+00, v36  }
0x1e8: {  	s9 =	simm.s32 $0xD680;
	v55 =	vsub.f32 $0.0e+00, v10;
	v37 =	vmul.f32 $1.442695020e+00, v54;
	v29 =	vmul.f32 $1.442695020e+00, v52;
	v56 =	vld [tilespmem:s21+$0xFFFFFF90]  }
0x1e9: {  	s25 =	simm.s32 $0xA680;
	v57 =	vld [tilespmem:s9+$0x0];
	(erf) = vrcp.f32 v53;
	v33 =	vadd.f32 v50, v23;
	v14 =	vmul.f32 $1.442695020e+00, v14  }
0x1ea: {  	v23 =	vld [tilespmem:s25+$0x0];
	(erf) = vpow2.f32 v29;
	v29 =	vmul.f32 $1.442695020e+00, v55  }
0x1eb: {  	v34 =	vadd.f32 v51, v26;
	(erf) = vpow2.f32 v37;
	v26 =	vpop (erf);
	v58 =	vsub.f32 $0.0e+00, v33  }
0x1ec: {  	(erf) = vpow2.f32 v14;
	v14 =	vadd.f32 $1.000000000e+00, v26  }
0x1ed: {  	v26 =	vld [tilespmem:s9+$0xFFFFFF80];
	(erf) = vpow2.f32 v29;
	v37 =	vmul.f32 $1.442695020e+00, v58;
	v30 =	vadd.f32 v56, v30  }
0x1ee: {  	v41 =	vsub.f32 $0.0e+00, v34;
	v29 =	vld [tilespmem:s25+$0xFFFFFF80];
	(erf) = vrcp.f32 v14  }
0x1ef: {  	(erf) = vpow2.f32 v37;
	v37 =	vadd.f32 v57, v23;
	v23 =	vsub.f32 $0.0e+00, v30  }
0x1f0: {  	v14 =	vmul.f32 $1.442695020e+00, v41  }
0x1f1: {  	v59 =	vpop (erf);
	v23 =	vmul.f32 $1.442695020e+00, v23  }
0x1f2: {  	(erf) = vpow2.f32 v14;
	v14 =	vadd.f32 $1.000000000e+00, v59;
	v60 =	vpop (erf)  }
0x1f3: {  	v61 =	vsub.f32 $0.0e+00, v37;
	v39 =	vadd.f32 v26, v29;
	v26 =	vpop (erf)  }
0x1f4: {  	v38 =	vmul.f32 v60, v38;
	(erf) = vrcp.f32 v14;
	v26 =	vadd.f32 $1.000000000e+00, v26  }
0x1f5: {  	v14 =	vmul.f32 $1.442695020e+00, v61;
	(erf) = vpow2.f32 v23;
	v29 =	vsub.f32 $0.0e+00, v39;
	v23 =	vpop (erf)  }
0x1f6: {  	v62 =	vpop (erf)  }
0x1f7: {  	v63 =	vld [tilespmem:s14+$0x60];
	[tilespmem:s14+$0x50] =	vst v38;
	(erf) = vpow2.f32 v14;
	v29 =	vmul.f32 $1.442695020e+00, v29;
	v14 =	vadd.f32 $1.000000000e+00, v62;
	v45 =	vpop (erf)  }
0x1f8: {  	v44 =	vld [tilespmem:s0+$0x60];
	(erf) = vrcp.f32 v26;
	v26 =	vpop (erf)  }
0x1f9: {  	(erf) = vrcp.f32 v14;
	v14 =	vmul.f32 v26, v35;
	v26 =	vpop (erf)  }
0x1fa: {  	v23 =	vadd.f32 $1.000000000e+00, v23;
	v26 =	vadd.f32 $1.000000000e+00, v26  }
0x1fb: {  	(erf) = vpow2.f32 v29;
	v29 =	vpop (erf)  }
0x1fc: {  	(erf) = vrcp.f32 v23;
	v23 =	vadd.f32 $1.000000000e+00, v29  }
0x1fd: {  	v35 =	vadd.f32 v44, v63;
	[tilespmem:s15+$0x40] =	vst v14;
	v14 =	vld [tilespmem:s15+$0x50];
	v29 =	vadd.f32 $1.000000000e+00, v45;
	(erf) = vrcp.f32 v26  }
0x1fe: {  	v46 =	vld [tilespmem:s16+$0x50];
	v26 =	vpop (erf);
	(erf) = vrcp.f32 v23  }
0x1ff: {  	v23 =	vmul.f32 v26, v31;
	v31 =	vsub.f32 $0.0e+00, v35  }
0x200: {  	v47 =	vpop (erf)  }
0x201: {  	(erf) = vrcp.f32 v29;
	v40 =	vadd.f32 $1.000000000e+00, v47;
	v29 =	vpop (erf);
	[tilespmem:s19+$0x30] =	vst v23;
	v23 =	vmul.f32 $1.442695020e+00, v31;
	v31 =	vld [tilespmem:s19+$0x40]  }
0x202: {  	v48 =	vpop (erf);
	v42 =	vld [tilespmem:s2+$0x40]  }
0x203: {  	v38 =	vadd.f32 v46, v14;
	(erf) = vrcp.f32 v40;
	v14 =	vpop (erf)  }
0x204: {  	v29 =	vadd.f32 $1.000000000e+00, v29;
	(erf) = vpow2.f32 v23;
	v43 =	vpop (erf)  }
0x205: {  	v36 =	vmul.f32 v14, v36;
	v44 =	vsub.f32 $0.0e+00, v38;
	v50 =	vpop (erf)  }
0x206: {  	(erf) = vrcp.f32 v29;
	v49 =	vadd.f32 $1.000000000e+00, v43;
	v45 =	vpop (erf);
	v28 =	vmul.f32 v50, v28  }
0x207: {  	v32 =	vmul.f32 v48, v32;
	[tilespmem:s20+$0x20] =	vst v36;
	v52 =	vmul.f32 $1.442695020e+00, v44;
	v40 =	vadd.f32 v42, v31;
	v31 =	vpop (erf)  }
0x208: {  	v51 =	vld [tilespmem:s20+$0x30];
	(erf) = vrcp.f32 v49;
	[tilespmem:s15+$0xFFFFFFC0] =	vst v28;
	v28 =	vmul.f32 v31, v34  }
0x209: {  	[tilespmem:s19+$0xFFFFFFB0] =	vst v32;
	v53 =	vmul.f32 v45, v33;
	v54 =	vld [tilespmem:s22+$0x30]  }
0x20a: {  	v55 =	vld [tilespmem:s2+$0xFFFFFFC0];
	(erf) = vpow2.f32 v52  }
0x20b: {  	[tilespmem:s20+$0xFFFFFFA0] =	vst v53;
	v56 =	vld [tilespmem:s16+$0xFFFFFFD0];
	v57 =	vpop (erf);
	v31 =	vsub.f32 $0.0e+00, v40  }
0x20c: {  	v58 =	vld [tilespmem:s22+$0xFFFFFFB0];
	[tilespmem:s24+$0x10] =	vst v28;
	v28 =	vpop (erf)  }
0x20d: {  	v59 =	vld [tilespmem:s24+$0x20];
	v31 =	vmul.f32 $1.442695020e+00, v31;
	v28 =	vmul.f32 v28, v30;
	v30 =	vpop (erf)  }
0x20e: {  	v34 =	vmul.f32 v57, v10;
	v60 =	vld [tilespmem:s21+$0x20];
	v33 =	vadd.f32 v54, v51;
	v30 =	vadd.f32 $1.000000000e+00, v30  }
0x20f: {  	v27 =	vld [tilespmem:s24+$0xFFFFFFA0];
	v17 =	vadd.f32 v55, v17;
	(erf) = vpow2.f32 v31;
	v61 =	vpop (erf)  }
0x210: {  	v41 =	vld [tilespmem:s25+$0xFFFFFF90];
	[tilespmem:s14+$0xFFFFFFD0] =	vst v34;
	v62 =	vsub.f32 $0.0e+00, v33;
	v31 =	vmul.f32 v61, v37;
	(erf) = vrcp.f32 v30  }
0x211: {  	v48 =	vld [tilespmem:s25+$0x10];
	v24 =	vadd.f32 v58, v24;
	[tilespmem:s24+$0xFFFFFF90] =	vst v28;
	v28 =	vadd.f32 v56, v7;
	v7 =	vpop (erf)  }
0x212: {  	v63 =	vld [tilespmem:s21+$0xFFFFFFA0];
	v39 =	vmul.f32 v7, v39;
	[tilespmem:s25+$0x0] =	vst v31;
	v31 =	vsub.f32 $0.0e+00, v17  }
0x213: {  	v34 =	vmul.f32 $1.442695020e+00, v62;
	v30 =	vld [tilespmem:s0+$0xFFFFFFE0];
	v43 =	vadd.f32 v60, v59;
	v51 =	vsub.f32 $0.0e+00, v24;
	v52 =	vpop (erf)  }
0x214: {  	v53 =	vadd.f32 $1.000000000e+00, v52;
	v50 =	vld [tilespmem:s9+$0x10];
	[tilespmem:s25+$0xFFFFFF80] =	vst v39;
	v31 =	vmul.f32 $1.442695020e+00, v31  }
0x215: {  	(erf) = vpow2.f32 v34;
	v54 =	vsub.f32 $0.0e+00, v43;
	v44 =	vmul.f32 $1.442695020e+00, v51;
	v55 =	vld [tilespmem:s9+$0xFFFFFF90]  }
0x216: {  	v49 =	vsub.f32 $0.0e+00, v28;
	(erf) = vrcp.f32 v53  }
0x217: {  	s7 =	simm.s32 $0xA780;
	v57 =	vmul.f32 $1.442695020e+00, v54;
	(erf) = vpow2.f32 v44;
	v45 =	vadd.f32 v63, v27  }
0x218: {  	s8 =	simm.s32 $0xD780;
	v56 =	vld [tilespmem:s7+$0x0];
	v27 =	vmul.f32 $1.442695020e+00, v49;
	v30 =	vadd.f32 v30, v13;
	(erf) = vpow2.f32 v31;
	v31 =	vpop (erf)  }
0x219: {  	v13 =	vld [tilespmem:s8+$0x0];
	(erf) = vpow2.f32 v57;
	v58 =	vsub.f32 $0.0e+00, v45;
	v36 =	vadd.f32 v50, v48;
	v60 =	vpop (erf)  }
0x21a: {  	v61 =	vld [tilespmem:s8+$0xFFFFFF80];
	(erf) = vpow2.f32 v27;
	v39 =	vadd.f32 v55, v41;
	v27 =	vmul.f32 v60, v35  }
0x21b: {  	v63 =	vld [tilespmem:s7+$0xFFFFFF80];
	v31 =	vadd.f32 $1.000000000e+00, v31;
	v62 =	vsub.f32 $0.0e+00, v36  }
0x21c: {  	v59 =	vmul.f32 $1.442695020e+00, v58;
	[tilespmem:s14+$0x60] =	vst v27;
	v27 =	vsub.f32 $0.0e+00, v39  }
0x21d: {  	(erf) = vrcp.f32 v31;
	v46 =	vmul.f32 $1.442695020e+00, v62  }
0x21e: {  	v48 =	vld [tilespmem:s14+$0x70];
	v13 =	vadd.f32 v13, v56;
	v47 =	vpop (erf);
	(erf) = vpow2.f32 v59;
	v27 =	vmul.f32 $1.442695020e+00, v27  }
0x21f: {  	v31 =	vsub.f32 $0.0e+00, v30;
	v49 =	vadd.f32 $1.000000000e+00, v47;
	v50 =	vld [tilespmem:s0+$0x70]  }
0x220: {  	v35 =	vadd.f32 v61, v63;
	v51 =	vsub.f32 $0.0e+00, v13;
	v52 =	vpop (erf);
	(erf) = vpow2.f32 v46  }
0x221: {  	v31 =	vmul.f32 $1.442695020e+00, v31;
	v53 =	vpop (erf);
	(erf) = vrcp.f32 v49  }
0x222: {  	v56 =	vsub.f32 $0.0e+00, v35;
	v55 =	vmul.f32 $1.442695020e+00, v51;
	(erf) = vpow2.f32 v27;
	v27 =	vpop (erf)  }
0x223: {  	v54 =	vmul.f32 v52, v38;
	v42 =	vadd.f32 $1.000000000e+00, v53;
	v57 =	vpop (erf);
	(erf) = vpow2.f32 v31  }
0x224: {  	v31 =	vadd.f32 v50, v48;
	(erf) = vpow2.f32 v55;
	v59 =	vadd.f32 $1.000000000e+00, v57  }
0x225: {  	v58 =	vld [tilespmem:s15+$0x60];
	v62 =	vmul.f32 $1.442695020e+00, v56;
	[tilespmem:s15+$0x50] =	vst v54;
	v60 =	vpop (erf);
	(erf) = vrcp.f32 v42  }
0x226: {  	v61 =	vld [tilespmem:s16+$0x60];
	v27 =	vadd.f32 $1.000000000e+00, v27;
	v63 =	vpop (erf);
	v48 =	vsub.f32 $0.0e+00, v31;
	(erf) = vrcp.f32 v59  }
0x227: {  	v46 =	vpop (erf);
	v47 =	vmul.f32 v63, v40;
	(erf) = vpow2.f32 v62  }
0x228: {  	(erf) = vrcp.f32 v27;
	v27 =	vmul.f32 $1.442695020e+00, v48  }
0x229: {  	v49 =	vadd.f32 $1.000000000e+00, v46  }
0x22a: {  	v51 =	vld [tilespmem:s19+$0x50];
	v50 =	vpop (erf);
	[tilespmem:s19+$0x40] =	vst v47  }
0x22b: {  	v41 =	vadd.f32 v61, v58;
	v52 =	vadd.f32 $1.000000000e+00, v50;
	v54 =	vpop (erf);
	(erf) = vrcp.f32 v49;
	v53 =	vld [tilespmem:s2+$0x50]  }
0x22c: {  	v55 =	vadd.f32 $1.000000000e+00, v60;
	(erf) = vpow2.f32 v27;
	v27 =	vpop (erf)  }
0x22d: {  	v56 =	vsub.f32 $0.0e+00, v41;
	(erf) = vrcp.f32 v52;
	v27 =	vadd.f32 $1.000000000e+00, v27  }
0x22e: {  	v22 =	vld [tilespmem:s24+$0xFFFFFFC0];
	v32 =	vmul.f32 v54, v33;
	v57 =	vpop (erf)  }
0x22f: {  	v21 =	vld [tilespmem:s24+$0xFFFFFFB0];
	v59 =	vmul.f32 $1.442695020e+00, v56;
	(erf) = vrcp.f32 v55;
	v58 =	vpop (erf)  }
0x230: {  	v61 =	vld [tilespmem:s20+$0x40];
	[tilespmem:s20+$0x30] =	vst v32;
	v46 =	vadd.f32 v53, v51;
	v60 =	vpop (erf);
	(erf) = vrcp.f32 v27  }
0x231: {  	v63 =	vld [tilespmem:s22+$0x40];
	v42 =	vadd.f32 $1.000000000e+00, v58;
	(erf) = vpow2.f32 v59;
	v27 =	vpop (erf)  }
0x232: {  	v25 =	vld [tilespmem:s24+$0xFFFFFFD0];
	v62 =	vadd.f32 $1.000000000e+00, v57;
	v49 =	vsub.f32 $0.0e+00, v46;
	v24 =	vmul.f32 v60, v24;
	v48 =	vpop (erf)  }
0x233: {  	v8 =	vld [tilespmem:s24+$0xFFFFFFE0];
	(erf) = vrcp.f32 v42;
	v43 =	vmul.f32 v27, v43;
	v47 =	vpop (erf);
	v50 =	vadd.f32 $1.000000000e+00, v48  }
0x234: {  	v5 =	vld [tilespmem:s24+$0xFFFFFFF0];
	(erf) = vrcp.f32 v62;
	v42 =	vmul.f32 $1.442695020e+00, v49;
	v51 =	vpop (erf)  }
0x235: {  	v52 =	vld [tilespmem:s24+$0x30];
	[tilespmem:s24+$0x20] =	vst v43;
	v17 =	vmul.f32 v47, v17;
	v53 =	vpop (erf);
	(erf) = vrcp.f32 v50  }
0x236: {  	[tilespmem:s20+$0xFFFFFFB0] =	vst v24;
	v24 =	vmul.f32 v51, v45;
	v54 =	vld [tilespmem:s21+$0x30];
	v45 =	vadd.f32 v63, v61;
	v55 =	vpop (erf)  }
0x237: {  	v56 =	vld [tilespmem:s22+$0xFFFFFFC0];
	[tilespmem:s19+$0xFFFFFFC0] =	vst v17;
	(erf) = vpow2.f32 v42;
	v17 =	vmul.f32 v55, v36  }
0x238: {  	v60 =	vld [tilespmem:s25+$0x20];
	[tilespmem:s24+$0xFFFFFFA0] =	vst v24;
	v24 =	vsub.f32 $0.0e+00, v45;
	v58 =	vpop (erf)  }
0x239: {  	v59 =	vld [tilespmem:s21+$0xFFFFFFB0];
	v61 =	vpop (erf);
	[tilespmem:s25+$0x10] =	vst v17;
	v17 =	vadd.f32 $1.000000000e+00, v53  }
0x23a: {  	v57 =	vld [tilespmem:s2+$0xFFFFFFD0];
	v62 =	vmul.f32 $1.442695020e+00, v24;
	v39 =	vmul.f32 v61, v39;
	v48 =	vpop (erf)  }
0x23b: {  	v63 =	vld [tilespmem:s9+$0x20];
	v40 =	vadd.f32 v54, v52;
	v48 =	vadd.f32 $1.000000000e+00, v48;
	(erf) = vrcp.f32 v17  }
0x23c: {  	v26 =	vld [tilespmem:s25+$0xFFFFFFA0];
	v28 =	vmul.f32 v58, v28;
	v36 =	vadd.f32 v56, v19;
	v52 =	vpop (erf);
	[tilespmem:s25+$0xFFFFFF90] =	vst v39;
	(erf) = vpow2.f32 v62  }
0x23d: {  	v33 =	vmul.f32 v52, v13;
	v54 =	vpop (erf);
	v53 =	vsub.f32 $0.0e+00, v40;
	v49 =	vld [tilespmem:s9+$0xFFFFFFA0];
	(erf) = vrcp.f32 v48  }
0x23e: {  	[tilespmem:s15+$0xFFFFFFD0] =	vst v28;
	v28 =	vsub.f32 $0.0e+00, v36;
	v37 =	vadd.f32 v59, v21;
	v21 =	vpop (erf)  }
0x23f: {  	v55 =	vld [tilespmem:s7+$0x10];
	[tilespmem:s7+$0x0] =	vst v33;
	v33 =	vadd.f32 v57, v11;
	v56 =	vmul.f32 $1.442695020e+00, v53;
	v21 =	vmul.f32 v21, v35  }
0x240: {  	v57 =	vld [tilespmem:s8+$0x10];
	v19 =	vadd.f32 v63, v60;
	v11 =	vpop (erf);
	v58 =	vsub.f32 $0.0e+00, v37  }
0x241: {  	v44 =	vld [tilespmem:s7+$0xFFFFFF90];
	v28 =	vmul.f32 $1.442695020e+00, v28;
	v59 =	vadd.f32 $1.000000000e+00, v11;
	(erf) = vpow2.f32 v56;
	[tilespmem:s7+$0xFFFFFF80] =	vst v21  }
0x242: {  	v42 =	vsub.f32 $0.0e+00, v19;
	v21 =	vmul.f32 $1.442695020e+00, v58;
	v38 =	vadd.f32 v49, v26;
	v61 =	vld [tilespmem:s8+$0xFFFFFF90]  }
0x243: {  	s5 =	simm.s32 $0xA880;
	v26 =	vsub.f32 $0.0e+00, v33;
	(erf) = vrcp.f32 v59  }
0x244: {  	v62 =	vld [tilespmem:s5+$0x0];
	v42 =	vmul.f32 $1.442695020e+00, v42;
	(erf) = vpow2.f32 v21;
	v21 =	vsub.f32 $0.0e+00, v38;
	v34 =	vpop (erf)  }
0x245: {  	s17 =	simm.s32 $0xD880;
	v60 =	vld [tilespmem:s16+$0xFFFFFFE0];
	v26 =	vmul.f32 $1.442695020e+00, v26;
	v48 =	vadd.f32 v57, v55;
	(erf) = vpow2.f32 v28;
	v28 =	vpop (erf)  }
0x246: {  	v63 =	vld [tilespmem:s17+$0x0];
	(erf) = vpow2.f32 v42;
	v21 =	vmul.f32 $1.442695020e+00, v21;
	v28 =	vadd.f32 $1.000000000e+00, v28;
	v52 =	vpop (erf)  }
0x247: {  	(erf) = vpow2.f32 v26;
	v26 =	vmul.f32 v52, v41;
	v39 =	vadd.f32 v61, v44  }
0x248: {  	v30 =	vmul.f32 v54, v30;
	v50 =	vsub.f32 $0.0e+00, v48;
	(erf) = vrcp.f32 v28  }
0x249: {  	v53 =	vld [tilespmem:s17+$0xFFFFFF80];
	(erf) = vpow2.f32 v21;
	v21 =	vsub.f32 $0.0e+00, v39  }
0x24a: {  	[tilespmem:s14+$0xFFFFFFE0] =	vst v30;
	v30 =	vld [tilespmem:s5+$0xFFFFFF80];
	v28 =	vadd.f32 v60, v15;
	v15 =	vmul.f32 $1.442695020e+00, v50  }
0x24b: {  	v55 =	vld [tilespmem:s15+$0x70];
	v43 =	vadd.f32 v63, v62;
	[tilespmem:s15+$0x60] =	vst v26;
	v26 =	vpop (erf);
	v21 =	vmul.f32 $1.442695020e+00, v21  }
0x24c: {  	v56 =	vsub.f32 $0.0e+00, v28;
	(erf) = vpow2.f32 v15;
	v15 =	vadd.f32 $1.000000000e+00, v26;
	v26 =	vld [tilespmem:s16+$0x70]  }
0x24d: {  	v49 =	vsub.f32 $0.0e+00, v43;
	v57 =	vpop (erf)  }
0x24e: {  	v44 =	vmul.f32 $1.442695020e+00, v56;
	v58 =	vpop (erf);
	(erf) = vrcp.f32 v15  }
0x24f: {  	v15 =	vmul.f32 $1.442695020e+00, v49;
	(erf) = vpow2.f32 v21;
	v21 =	vpop (erf)  }
0x250: {  	v30 =	vadd.f32 v53, v30;
	v42 =	vadd.f32 $1.000000000e+00, v58;
	v60 =	vpop (erf);
	(erf) = vpow2.f32 v44  }
0x251: {  	v54 =	vld [tilespmem:s0+$0xFFFFFFF0];
	(erf) = vpow2.f32 v15;
	v15 =	vadd.f32 $1.000000000e+00, v60;
	v63 =	vpop (erf);
	v35 =	vadd.f32 v26, v55  }
0x252: {  	v59 =	vsub.f32 $0.0e+00, v30;
	v46 =	vmul.f32 v57, v46;
	(erf) = vrcp.f32 v42;
	v50 =	vpop (erf)  }
0x253: {  	(erf) = vrcp.f32 v15;
	v15 =	vmul.f32 v50, v45;
	v52 =	vsub.f32 $0.0e+00, v35  }
0x254: {  	v61 =	vld [tilespmem:s19+$0x60];
	[tilespmem:s19+$0x50] =	vst v46;
	v26 =	vmul.f32 $1.442695020e+00, v59  }
0x255: {  	v62 =	vld [tilespmem:s2+$0x60];
	v21 =	vadd.f32 $1.000000000e+00, v21;
	v51 =	vpop (erf);
	[tilespmem:s20+$0x40] =	vst v15;
	v15 =	vmul.f32 $1.442695020e+00, v52  }
0x256: {  	v9 =	vadd.f32 v54, v9;
	(erf) = vpow2.f32 v26;
	v26 =	vadd.f32 $1.000000000e+00, v51  }
0x257: {  	v54 =	vpop (erf);
	(erf) = vrcp.f32 v21;
	v21 =	vld [tilespmem:s20+$0x50]  }
0x258: {  	v53 =	vsub.f32 $0.0e+00, v9;
	(erf) = vrcp.f32 v26;
	v56 =	vld [tilespmem:s22+$0x50];
	v57 =	vpop (erf)  }
0x259: {  	v55 =	vadd.f32 $1.000000000e+00, v54;
	v26 =	vadd.f32 $1.000000000e+00, v63;
	(erf) = vpow2.f32 v15;
	v15 =	vpop (erf)  }
0x25a: {  	v42 =	vmul.f32 $1.442695020e+00, v53;
	v44 =	vadd.f32 v62, v61;
	v15 =	vadd.f32 $1.000000000e+00, v15  }
0x25b: {  	(erf) = vrcp.f32 v55;
	v40 =	vmul.f32 v57, v40  }
0x25c: {  	v58 =	vsub.f32 $0.0e+00, v44;
	(erf) = vrcp.f32 v26;
	v59 =	vpop (erf)  }
0x25d: {  	[tilespmem:s24+$0x30] =	vst v40;
	(erf) = vpow2.f32 v42;
	v42 =	vld [tilespmem:s24+$0x40];
	v26 =	vpop (erf);
	v51 =	vadd.f32 v56, v21  }
0x25e: {  	v60 =	vmul.f32 $1.442695020e+00, v58;
	v50 =	vld [tilespmem:s21+$0x40];
	(erf) = vrcp.f32 v15;
	v15 =	vpop (erf)  }
0x25f: {  	v23 =	vld [tilespmem:s25+$0xFFFFFFB0];
	v57 =	vsub.f32 $0.0e+00, v51;
	v21 =	vpop (erf)  }
0x260: {  	v14 =	vld [tilespmem:s25+$0xFFFFFFD0];
	v61 =	vadd.f32 $1.000000000e+00, v26;
	(erf) = vpow2.f32 v60;
	v63 =	vpop (erf)  }
0x261: {  	v29 =	vld [tilespmem:s25+$0xFFFFFFC0];
	v62 =	vadd.f32 $1.000000000e+00, v59;
	v15 =	vmul.f32 v15, v37;
	v60 =	vmul.f32 $1.442695020e+00, v57;
	v52 =	vpop (erf)  }
0x262: {  	v10 =	vld [tilespmem:s25+$0xFFFFFFE0];
	(erf) = vrcp.f32 v61;
	v56 =	vmul.f32 v21, v19;
	v58 =	vadd.f32 $1.000000000e+00, v63;
	v59 =	vpop (erf)  }
0x263: {  	v7 =	vld [tilespmem:s25+$0xFFFFFFF0];
	v50 =	vadd.f32 v50, v42;
	(erf) = vrcp.f32 v62;
	[tilespmem:s24+$0xFFFFFFB0] =	vst v15;
	v15 =	vmul.f32 v59, v38  }
0x264: {  	v45 =	vld [tilespmem:s25+$0x30];
	[tilespmem:s25+$0x20] =	vst v56;
	v36 =	vmul.f32 v52, v36;
	v61 =	vpop (erf);
	(erf) = vrcp.f32 v58  }
0x265: {  	v37 =	vld [tilespmem:s9+$0x30];
	v62 =	vpop (erf);
	[tilespmem:s25+$0xFFFFFFA0] =	vst v15;
	v15 =	vsub.f32 $0.0e+00, v50  }
0x266: {  	v63 =	vld [tilespmem:s21+$0xFFFFFFC0];
	[tilespmem:s20+$0xFFFFFFC0] =	vst v36;
	(erf) = vpow2.f32 v60;
	v56 =	vpop (erf)  }
0x267: {  	v55 =	vmul.f32 v62, v48;
	v46 =	vld [tilespmem:s22+$0xFFFFFFD0];
	v38 =	vpop (erf)  }
0x268: {  	v47 =	vadd.f32 $1.000000000e+00, v61;
	v57 =	vld [tilespmem:s9+$0xFFFFFFB0];
	v33 =	vmul.f32 v56, v33;
	v58 =	vpop (erf)  }
0x269: {  	v59 =	vld [tilespmem:s7+$0x20];
	[tilespmem:s7+$0x10] =	vst v55;
	v60 =	vmul.f32 $1.442695020e+00, v15;
	v36 =	vmul.f32 v58, v39;
	v15 =	vpop (erf)  }
0x26a: {  	(erf) = vrcp.f32 v47;
	v61 =	vld [tilespmem:s8+$0x20];
	v37 =	vadd.f32 v37, v45;
	v53 =	vadd.f32 $1.000000000e+00, v15  }
0x26b: {  	v27 =	vld [tilespmem:s7+$0xFFFFFFA0];
	v39 =	vadd.f32 v63, v22;
	(erf) = vpow2.f32 v60;
	v62 =	vpop (erf);
	[tilespmem:s7+$0xFFFFFF90] =	vst v36  }
0x26c: {  	[tilespmem:s19+$0xFFFFFFD0] =	vst v33;
	v56 =	vsub.f32 $0.0e+00, v37;
	v63 =	vmul.f32 v62, v43;
	v36 =	vld [tilespmem:s8+$0xFFFFFFA0];
	v52 =	vpop (erf);
	(erf) = vrcp.f32 v53  }
0x26d: {  	v22 =	vadd.f32 v46, v16;
	v46 =	vld [tilespmem:s2+$0xFFFFFFE0];
	v45 =	vadd.f32 v57, v23;
	v16 =	vpop (erf)  }
0x26e: {  	v48 =	vld [tilespmem:s5+$0x10];
	v23 =	vsub.f32 $0.0e+00, v39;
	v33 =	vmul.f32 $1.442695020e+00, v56;
	[tilespmem:s5+$0x0] =	vst v63;
	v30 =	vmul.f32 v16, v30  }
0x26f: {  	v54 =	vadd.f32 v61, v59;
	v59 =	vsub.f32 $0.0e+00, v45;
	v60 =	vpop (erf);
	v58 =	vld [tilespmem:s17+$0x10]  }
0x270: {  	v49 =	vld [tilespmem:s5+$0xFFFFFF90];
	v57 =	vsub.f32 $0.0e+00, v22;
	(erf) = vpow2.f32 v33;
	v61 =	vadd.f32 $1.000000000e+00, v60;
	[tilespmem:s5+$0xFFFFFF80] =	vst v30  }
0x271: {  	v30 =	vsub.f32 $0.0e+00, v54;
	v42 =	vmul.f32 $1.442695020e+00, v59;
	v47 =	vadd.f32 v36, v27;
	v62 =	vld [tilespmem:s17+$0xFFFFFF90]  }
0x272: {  	v23 =	vmul.f32 $1.442695020e+00, v23;
	v40 =	vadd.f32 v46, v20;
	(erf) = vrcp.f32 v61  }
0x273: {  	s1 =	simm.s32 $0xD980;
	v43 =	vpop (erf);
	v30 =	vmul.f32 $1.442695020e+00, v30;
	(erf) = vpow2.f32 v42;
	v55 =	vsub.f32 $0.0e+00, v47  }
0x274: {  	s0 =	simm.s32 $0xA980;
	v56 =	vld [tilespmem:s1+$0x0];
	v27 =	vmul.f32 $1.442695020e+00, v57;
	(erf) = vpow2.f32 v23;
	v20 =	vpop (erf);
	v48 =	vadd.f32 v58, v48  }
0x275: {  	v63 =	vld [tilespmem:s0+$0x0];
	(erf) = vpow2.f32 v30;
	v23 =	vadd.f32 $1.000000000e+00, v20;
	v30 =	vmul.f32 $1.442695020e+00, v55;
	v20 =	vpop (erf)  }
0x276: {  	(erf) = vpow2.f32 v27;
	v27 =	vmul.f32 v20, v44;
	v20 =	vadd.f32 v62, v49  }
0x277: {  	v57 =	vld [tilespmem:s1+$0xFFFFFF80];
	v53 =	vsub.f32 $0.0e+00, v48  }
0x278: {  	v58 =	vld [tilespmem:s0+$0xFFFFFF80];
	(erf) = vrcp.f32 v23;
	[tilespmem:s19+$0x60] =	vst v27;
	v27 =	vsub.f32 $0.0e+00, v20  }
0x279: {  	(erf) = vpow2.f32 v30;
	v59 =	vmul.f32 $1.442695020e+00, v53;
	v30 =	vpop (erf)  }
0x27a: {  	v33 =	vld [tilespmem:s19+$0x70];
	v46 =	vadd.f32 v56, v63;
	v30 =	vadd.f32 $1.000000000e+00, v30;
	v27 =	vmul.f32 $1.442695020e+00, v27  }
0x27b: {  	v28 =	vmul.f32 v52, v28;
	v23 =	vsub.f32 $0.0e+00, v40;
	(erf) = vpow2.f32 v59;
	v60 =	vld [tilespmem:s2+$0x70];
	v62 =	vpop (erf)  }
0x27c: {  	v32 =	vld [tilespmem:s7+$0xFFFFFFB0];
	v61 =	vsub.f32 $0.0e+00, v46;
	v63 =	vpop (erf);
	(erf) = vrcp.f32 v30;
	v30 =	vmul.f32 v62, v51  }
0x27d: {  	v24 =	vld [tilespmem:s7+$0xFFFFFFC0];
	[tilespmem:s15+$0xFFFFFFE0] =	vst v28;
	v23 =	vmul.f32 $1.442695020e+00, v23;
	v44 =	vadd.f32 v57, v58  }
0x27e: {  	v56 =	vld [tilespmem:s16+$0xFFFFFFF0];
	v28 =	vmul.f32 $1.442695020e+00, v61;
	(erf) = vpow2.f32 v27;
	v27 =	vpop (erf)  }
0x27f: {  	v17 =	vld [tilespmem:s7+$0xFFFFFFD0];
	v57 =	vsub.f32 $0.0e+00, v44;
	v59 =	vadd.f32 $1.000000000e+00, v63;
	[tilespmem:s20+$0x50] =	vst v30;
	v58 =	vpop (erf);
	(erf) = vpow2.f32 v23  }
0x280: {  	v42 =	vadd.f32 v60, v33;
	v60 =	vld [tilespmem:s22+$0x60];
	(erf) = vpow2.f32 v28;
	v28 =	vadd.f32 $1.000000000e+00, v58;
	v30 =	vpop (erf)  }
0x281: {  	v61 =	vmul.f32 $1.442695020e+00, v57;
	v23 =	vld [tilespmem:s20+$0x60];
	(erf) = vrcp.f32 v59;
	v62 =	vpop (erf)  }
0x282: {  	v13 =	vld [tilespmem:s7+$0xFFFFFFE0];
	v27 =	vadd.f32 $1.000000000e+00, v27;
	v53 =	vsub.f32 $0.0e+00, v42;
	v63 =	vpop (erf);
	(erf) = vrcp.f32 v28  }
0x283: {  	v11 =	vld [tilespmem:s7+$0xFFFFFFF0];
	v18 =	vadd.f32 v56, v18;
	(erf) = vpow2.f32 v61;
	v55 =	vadd.f32 $1.000000000e+00, v63  }
0x284: {  	v41 =	vld [tilespmem:s5+$0xFFFFFFA0];
	(erf) = vrcp.f32 v27;
	v27 =	vmul.f32 $1.442695020e+00, v53  }
0x285: {  	v26 =	vld [tilespmem:s5+$0xFFFFFFB0];
	v57 =	vsub.f32 $0.0e+00, v18;
	v28 =	vmul.f32 v62, v50;
	v56 =	vpop (erf);
	(erf) = vrcp.f32 v55  }
0x286: {  	v21 =	vld [tilespmem:s5+$0xFFFFFFC0];
	v36 =	vadd.f32 v60, v23;
	v23 =	vpop (erf);
	(erf) = vpow2.f32 v27;
	v27 =	vadd.f32 $1.000000000e+00, v30  }
0x287: {  	[tilespmem:s24+$0x40] =	vst v28;
	v28 =	vld [tilespmem:s24+$0x50];
	v49 =	vadd.f32 $1.000000000e+00, v56  }
0x288: {  	v60 =	vmul.f32 $1.442695020e+00, v57;
	v58 =	vld [tilespmem:s21+$0x50];
	v59 =	vpop (erf)  }
0x289: {  	v19 =	vld [tilespmem:s5+$0xFFFFFFD0];
	v23 =	vmul.f32 v23, v37;
	v61 =	vsub.f32 $0.0e+00, v36;
	(erf) = vrcp.f32 v49;
	v62 =	vpop (erf)  }
0x28a: {  	v15 =	vld [tilespmem:s5+$0xFFFFFFE0];
	v52 =	vadd.f32 $1.000000000e+00, v59;
	(erf) = vrcp.f32 v27;
	v27 =	vpop (erf)  }
0x28b: {  	v16 =	vld [tilespmem:s5+$0xFFFFFFF0];
	[tilespmem:s25+$0x30] =	vst v23;
	v23 =	vmul.f32 $1.442695020e+00, v61;
	(erf) = vpow2.f32 v60;
	v63 =	vpop (erf)  }
0x28c: {  	v33 =	vld [tilespmem:s0+$0xFFFFFF90];
	v55 =	vadd.f32 $1.000000000e+00, v27;
	(erf) = vrcp.f32 v52;
	v27 =	vpop (erf)  }
0x28d: {  	v53 =	vld [tilespmem:s25+$0x40];
	v37 =	vadd.f32 v58, v28;
	(erf) = vpow2.f32 v23;
	v60 =	vpop (erf)  }
0x28e: {  	v30 =	vld [tilespmem:s0+$0xFFFFFFA0];
	v50 =	vadd.f32 $1.000000000e+00, v62;
	v62 =	vadd.f32 $1.000000000e+00, v60  }
0x28f: {  	v52 =	vld [tilespmem:s9+$0x40];
	v61 =	vsub.f32 $0.0e+00, v37;
	v45 =	vmul.f32 v63, v45;
	(erf) = vrcp.f32 v55;
	v56 =	vpop (erf)  }
0x290: {  	v28 =	vld [tilespmem:s0+$0xFFFFFFB0];
	v54 =	vmul.f32 v27, v54;
	(erf) = vrcp.f32 v50;
	v63 =	vpop (erf)  }
0x291: {  	v23 =	vld [tilespmem:s0+$0xFFFFFFD0];
	v55 =	vmul.f32 $1.442695020e+00, v61;
	[tilespmem:s25+$0xFFFFFFB0] =	vst v45;
	v39 =	vmul.f32 v56, v39;
	v60 =	vpop (erf)  }
0x292: {  	(erf) = vrcp.f32 v62;
	v61 =	vmul.f32 v63, v47;
	v63 =	vld [tilespmem:s9+$0xFFFFFFC0];
	v62 =	vpop (erf)  }
0x293: {  	v51 =	vadd.f32 $1.000000000e+00, v38;
	v49 =	vmul.f32 v34, v31;
	[tilespmem:s7+$0x20] =	vst v54;
	v54 =	vld [tilespmem:s7+$0x30];
	v57 =	vpop (erf)  }
0x294: {  	v47 =	vld [tilespmem:s8+$0x30];
	v38 =	vadd.f32 v52, v53;
	[tilespmem:s24+$0xFFFFFFC0] =	vst v39;
	(erf) = vpow2.f32 v55;
	v48 =	vmul.f32 v62, v48;
	v58 =	vpop (erf)  }
0x295: {  	v56 =	vadd.f32 $1.000000000e+00, v60;
	v34 =	vld [tilespmem:s21+$0xFFFFFFD0];
	(erf) = vrcp.f32 v51;
	v45 =	vmul.f32 v57, v22;
	v22 =	vpop (erf)  }
0x296: {  	v27 =	vld [tilespmem:s0+$0xFFFFFFC0];
	[tilespmem:s7+$0xFFFFFFA0] =	vst v61;
	v31 =	vsub.f32 $0.0e+00, v38;
	v51 =	vmul.f32 v43, v35;
	v60 =	vmul.f32 v22, v20;
	v20 =	vpop (erf)  }
0x297: {  	v43 =	vld [tilespmem:s8+$0xFFFFFFB0];
	(erf) = vrcp.f32 v56;
	v35 =	vadd.f32 v63, v29;
	v29 =	vadd.f32 $1.000000000e+00, v20  }
0x298: {  	v52 =	vld [tilespmem:s5+$0x20];
	v59 =	vmul.f32 $1.442695020e+00, v31;
	[tilespmem:s5+$0x10] =	vst v48  }
0x299: {  	v39 =	vadd.f32 v47, v54;
	v61 =	vld [tilespmem:s17+$0x20];
	v62 =	vpop (erf)  }
0x29a: {  	v48 =	vld [tilespmem:s0+$0x10];
	(erf) = vpow2.f32 v59;
	v34 =	vadd.f32 v34, v25;
	v47 =	vmul.f32 v62, v46;
	v25 =	vpop (erf)  }
0x29b: {  	v22 =	vld [tilespmem:s0+$0xFFFFFFE0];
	v63 =	vsub.f32 $0.0e+00, v39;
	[tilespmem:s5+$0xFFFFFF90] =	vst v60;
	(erf) = vrcp.f32 v29;
	v25 =	vmul.f32 v25, v40;
	v29 =	vpop (erf)  }
0x29c: {  	v31 =	vadd.f32 $1.000000000e+00, v58;
	[tilespmem:s20+$0xFFFFFFD0] =	vst v45;
	v32 =	vadd.f32 v43, v32;
	v57 =	vld [tilespmem:s17+$0xFFFFFFA0];
	v29 =	vmul.f32 v29, v44  }
0x29d: {  	v58 =	vsub.f32 $0.0e+00, v35;
	v46 =	vld [tilespmem:s22+$0xFFFFFFE0];
	v59 =	vmul.f32 $1.442695020e+00, v63;
	v60 =	vsub.f32 $0.0e+00, v34;
	[tilespmem:s0+$0x0] =	vst v47  }
0x29e: {  	[tilespmem:s14+$0x70] =	vst v49;
	v40 =	vadd.f32 v61, v52;
	v61 =	vsub.f32 $0.0e+00, v32;
	v50 =	vld [tilespmem:s1+$0x10];
	v62 =	vpop (erf)  }
0x29f: {  	v20 =	vld [tilespmem:s0+$0xFFFFFFF0];
	v52 =	vmul.f32 $1.442695020e+00, v58;
	[tilespmem:s19+$0xFFFFFFE0] =	vst v25;
	(erf) = vpow2.f32 v59;
	v63 =	vadd.f32 $1.000000000e+00, v62;
	v25 =	vpop (erf)  }
0x2a0: {  	v49 =	vmul.f32 $1.442695020e+00, v60;
	v45 =	vld [tilespmem:s2+$0xFFFFFFF0];
	v43 =	vsub.f32 $0.0e+00, v40;
	v53 =	vmul.f32 $1.442695020e+00, v61;
	[tilespmem:s0+$0xFFFFFF80] =	vst v29;
	v29 =	vpop (erf)  }
0x2a1: {  	s3 =	simm.s32 $0xAA80;
	[tilespmem:s15+$0x70] =	vst v51;
	s2 =	simm.s32 $0x10;
	v41 =	vadd.f32 v57, v41;
	v51 =	vld [tilespmem:s1+$0xFFFFFF90];
	(erf) = vrcp.f32 v63;
	v29 =	vmul.f32 v29, v42  }
.LBB2_8:
0x2a2: {  	v47 =	vld [tilespmem:s3+$0x0];
	v44 =	vmul.f32 $1.442695020e+00, v43;
	(erf) = vpow2.f32 v53;
	v43 =	vadd.f32 v46, v12;
	v42 =	vmovc v21;
	v21 =	vmovc v27;
	s16 =	smov.u32 s1;
	s1 =	sadd.s32 $0x100, s1  }
0x2a3: {  	s2 =	sadd.s32 $0x2, s2;
	v27 =	vld [tilespmem:s1+$0x0];
	v46 =	vadd.f32 v50, v48;
	v12 =	vsub.f32 $0.0e+00, v41;
	(erf) = vpow2.f32 v52;
	v48 =	vpop (erf);
	[tilespmem:s19+$0x70] =	vst v29  }
0x2a4: {  	p1 =	slt.u32 s2, $0x5E;
	v29 =	vmovc v14;
	v14 =	vmovc v17;
	v50 =	vld [tilespmem:s1+$0xFFFFFF80];
	(erf) = vpow2.f32 v44;
	v44 =	vadd.f32 $1.000000000e+00, v48;
	v52 =	vsub.f32 $0.0e+00, v43  }
0x2a5: {  	v53 =	vld [tilespmem:s3+$0xFFFFFF80];
	v54 =	vsub.f32 $0.0e+00, v46;
	v55 =	vmul.f32 $1.442695020e+00, v12;
	(erf) = vpow2.f32 v49;
	v17 =	vpop (erf)  }
0x2a6: {  	v48 =	vadd.f32 v51, v33;
	v33 =	vld [tilespmem:s3+$0xFFFFFF90];
	(erf) = vrcp.f32 v44;
	v36 =	vmul.f32 v17, v36;
	v17 =	vmovc v19;
	v19 =	vmovc v23  }
0x2a7: {  	v51 =	vadd.f32 v45, v6;
	v44 =	vld [tilespmem:s3+$0xFFFFFFA0];
	v23 =	vmul.f32 $1.442695020e+00, v54;
	(erf) = vpow2.f32 v55;
	v12 =	vmovc v8;
	v8 =	vmovc v10  }
0x2a8: {  	v49 =	vadd.f32 v27, v47;
	v6 =	vsub.f32 $0.0e+00, v48;
	v10 =	vpop (erf);
	v47 =	vmul.f32 $1.442695020e+00, v52;
	[tilespmem:s20+$0x60] =	vst v36;
	v36 =	vld [tilespmem:s20+$0x70]  }
0x2a9: {  	v54 =	vsub.f32 $0.0e+00, v51;
	(erf) = vpow2.f32 v23;
	v23 =	vadd.f32 $1.000000000e+00, v10;
	v52 =	vld [tilespmem:s22+$0x70];
	v10 =	vmovc v13;
	v13 =	vmovc v15  }
0x2aa: {  	v45 =	vadd.f32 v50, v53;
	v50 =	vld [tilespmem:s3+$0xFFFFFFB0];
	v53 =	vsub.f32 $0.0e+00, v49;
	v57 =	vmul.f32 $1.442695020e+00, v6;
	v15 =	vpop (erf)  }
0x2ab: {  	v27 =	vld [tilespmem:s3+$0xFFFFFFC0];
	v55 =	vpop (erf);
	(erf) = vrcp.f32 v23;
	v37 =	vmul.f32 v15, v37;
	v15 =	vmov v22  }
0x2ac: {  	v22 =	vsub.f32 $0.0e+00, v45;
	v23 =	vld [tilespmem:s3+$0xFFFFFFD0];
	v53 =	vmul.f32 $1.442695020e+00, v53;
	(erf) = vpow2.f32 v57;
	v6 =	vpop (erf)  }
0x2ad: {  	v55 =	vadd.f32 $1.000000000e+00, v55;
	v56 =	vpop (erf);
	v57 =	vadd.f32 $1.000000000e+00, v6;
	[tilespmem:s24+$0x50] =	vst v37;
	v37 =	vld [tilespmem:s24+$0x60];
	(erf) = vpow2.f32 v47  }
0x2ae: {  	(erf) = vpow2.f32 v53;
	v59 =	vadd.f32 $1.000000000e+00, v56;
	v53 =	vld [tilespmem:s21+$0x60];
	v56 =	vpop (erf);
	v47 =	vadd.f32 v52, v36  }
0x2af: {  	v36 =	vmul.f32 $1.442695020e+00, v22;
	v22 =	vld [tilespmem:s3+$0xFFFFFFE0];
	(erf) = vrcp.f32 v55;
	v52 =	vpop (erf);
	v55 =	vadd.f32 $1.000000000e+00, v56  }
0x2b0: {  	v56 =	vld [tilespmem:s3+$0xFFFFFFF0];
	v58 =	vpop (erf);
	(erf) = vrcp.f32 v59;
	v38 =	vmul.f32 v52, v38;
	v52 =	vsub.f32 $0.0e+00, v47  }
0x2b1: {  	v54 =	vmul.f32 $1.442695020e+00, v54;
	v6 =	vmovc v4;
	v4 =	vmovc v5;
	(erf) = vpow2.f32 v36;
	v36 =	vadd.f32 $1.000000000e+00, v58  }
0x2b2: {  	v5 =	vmov v7;
	v58 =	vpop (erf);
	[tilespmem:s25+$0x40] =	vst v38;
	v38 =	vld [tilespmem:s25+$0x50];
	(erf) = vrcp.f32 v57;
	v52 =	vmul.f32 $1.442695020e+00, v52  }
0x2b3: {  	v7 =	vmovc v11;
	v11 =	vmovc v16;
	v57 =	vadd.f32 $1.000000000e+00, v58;
	(erf) = vrcp.f32 v36;
	v58 =	vld [tilespmem:s9+$0x50];
	v36 =	vadd.f32 v53, v37  }
0x2b4: {  	v53 =	vmul.f32 v25, v9;
	v9 =	vmov v18;
	v16 =	vpop (erf);
	(erf) = vpow2.f32 v52  }
0x2b5: {  	v18 =	vpop (erf);
	(erf) = vrcp.f32 v57;
	v16 =	vmul.f32 v16, v39;
	v37 =	vsub.f32 $0.0e+00, v36  }
0x2b6: {  	v39 =	vadd.f32 $1.000000000e+00, v18;
	(erf) = vrcp.f32 v55;
	v52 =	vpop (erf);
	[tilespmem:s14+$0xFFFFFFF0] =	vst v53;
	v18 =	vmov v51;
	s14 =	smov.u32 s15;
	s15 =	smov.u32 s19;
	s19 =	smov.u32 s20  }
0x2b7: {  	s20 =	smov.u32 s24;
	s24 =	smov.u32 s25;
	s25 =	smov.u32 s7;
	v25 =	vpop (erf);
	[tilespmem:s7+$0x30] =	vst v16;
	v51 =	vld [tilespmem:s7+$0x40];
	v55 =	vmul.f32 $1.442695020e+00, v37;
	v52 =	vadd.f32 $1.000000000e+00, v52;
	(erf) = vpow2.f32 v54  }
0x2b8: {  	s7 =	smov.u32 s5;
	s5 =	smov.u32 s0;
	s0 =	smov.u32 s3;
	v25 =	vadd.f32 $1.000000000e+00, v25;
	(erf) = vrcp.f32 v39;
	v39 =	vld [tilespmem:s8+$0x40];
	v53 =	vpop (erf);
	v37 =	vadd.f32 v58, v38  }
0x2b9: {  	v38 =	vpop (erf);
	v53 =	vmul.f32 v53, v32;
	(erf) = vpow2.f32 v55;
	v16 =	vmov v20  }
0x2ba: {  	v20 =	vpop (erf);
	(erf) = vrcp.f32 v25;
	v25 =	vmul.f32 v38, v40;
	v38 =	vsub.f32 $0.0e+00, v37  }
0x2bb: {  	v40 =	vadd.f32 $1.000000000e+00, v20;
	[tilespmem:s25+$0xFFFFFFB0] =	vst v53;
	v32 =	vpop (erf);
	(erf) = vrcp.f32 v52;
	v20 =	vmov v56  }
0x2bc: {  	[tilespmem:s7+$0x20] =	vst v25;
	v25 =	vld [tilespmem:s7+$0x30];
	v52 =	vpop (erf);
	v32 =	vmul.f32 v32, v35;
	v35 =	vmul.f32 $1.442695020e+00, v38  }
0x2bd: {  	(erf) = vrcp.f32 v40;
	v40 =	vmul.f32 v52, v41;
	v41 =	vld [tilespmem:s17+$0x30];
	v38 =	vadd.f32 v39, v51;
	v39 =	vpop (erf)  }
0x2be: {  	v51 =	vpop (erf);
	v52 =	vld [tilespmem:s8+$0xFFFFFFC0];
	[tilespmem:s24+$0xFFFFFFC0] =	vst v32;
	(erf) = vpow2.f32 v35;
	v54 =	vadd.f32 $1.000000000e+00, v39  }
0x2bf: {  	v35 =	vmul.f32 v51, v46;
	[tilespmem:s7+$0xFFFFFFA0] =	vst v40;
	v39 =	vsub.f32 $0.0e+00, v38;
	v40 =	vld [tilespmem:s9+$0xFFFFFFD0];
	v46 =	vpop (erf);
	(erf) = vrcp.f32 v31  }
0x2c0: {  	v51 =	vld [tilespmem:s17+$0xFFFFFFB0];
	v55 =	vmul.f32 v46, v34;
	(erf) = vrcp.f32 v54;
	v31 =	vpop (erf)  }
0x2c1: {  	[tilespmem:s5+$0x10] =	vst v35;
	v53 =	vld [tilespmem:s5+$0x20];
	v32 =	vpop (erf);
	v46 =	vmul.f32 $1.442695020e+00, v39;
	v31 =	vadd.f32 $1.000000000e+00, v31  }
0x2c2: {  	v32 =	vmul.f32 v32, v48;
	v54 =	vld [tilespmem:s16+$0x20];
	v39 =	vadd.f32 v41, v25;
	[tilespmem:s20+$0xFFFFFFD0] =	vst v55;
	v25 =	vpop (erf)  }
0x2c3: {  	v34 =	vpop (erf);
	v35 =	vadd.f32 v52, v24;
	(erf) = vpow2.f32 v46;
	v46 =	vld [tilespmem:s21+$0xFFFFFFE0];
	v52 =	vadd.f32 $1.000000000e+00, v25  }
0x2c4: {  	v25 =	vmul.f32 v34, v49;
	[tilespmem:s5+$0xFFFFFF90] =	vst v32;
	v41 =	vsub.f32 $0.0e+00, v39;
	v34 =	vadd.f32 v40, v29;
	v29 =	vpop (erf)  }
0x2c5: {  	v55 =	vld [tilespmem:s16+$0xFFFFFFA0];
	v32 =	vadd.f32 v51, v26;
	v49 =	vsub.f32 $0.0e+00, v35;
	(erf) = vrcp.f32 v52;
	v26 =	vmovc v28;
	v28 =	vmovc v50  }
.Ltmp7:
0x2c6: {  	v29 =	vmul.f32 v29, v43;
	[tilespmem:s3+$0x0] =	vst v25;
	v48 =	vld [tilespmem:s3+$0x10];
	v24 =	vpop (erf);
	v51 =	vmul.f32 $1.442695020e+00, v41;
	v41 =	vsub.f32 $0.0e+00, v34;
	(pc) =	sbr.rel @p1 .LBB2_8-.Ltmp7, $4  }
0x2c7: {  	v56 =	vmul.f32 v24, v45;
	v50 =	vld [tilespmem:s1+$0x10];
	v40 =	vadd.f32 v54, v53;
	v45 =	vsub.f32 $0.0e+00, v32;
	v43 =	vpop (erf)  }
0x2c8: {  	v52 =	vmul.f32 $1.442695020e+00, v49;
	(erf) = vpow2.f32 v51;
	v54 =	vadd.f32 $1.000000000e+00, v43;
	[tilespmem:s19+$0xFFFFFFE0] =	vst v29;
	v25 =	vpop (erf)  }
0x2c9: {  	v49 =	vmul.f32 $1.442695020e+00, v41;
	[tilespmem:s3+$0xFFFFFF80] =	vst v56;
	v43 =	vsub.f32 $0.0e+00, v40;
	v53 =	vmul.f32 $1.442695020e+00, v45;
	v45 =	vld [tilespmem:s22+$0xFFFFFFF0];
	v24 =	vpop (erf);
	s22 =	smov.u32 s21;
	s21 =	smov.u32 s9;
	s9 =	smov.u32 s8  }
0x2ca: {  	s3 =	sadd.s32 $0x100, s3;
	s8 =	smov.u32 s17;
	s17 =	smov.u32 s16;
	v51 =	vld [tilespmem:s1+$0xFFFFFF90];
	v41 =	vadd.f32 v55, v30;
	(erf) = vrcp.f32 v54;
	v29 =	vmul.f32 v24, v47;
	v30 =	vmovc v44;
	v24 =	vmovc v42  }
0x2cb: {  	v42 =	vmul.f32 $1.442695020e+00, v43;
	(erf) = vpow2.f32 v53  }
0x2cc: {  	v57 =	vsub.f32 $0.0e+00, v41;
	v44 =	vadd.f32 v50, v48;
	(erf) = vpow2.f32 v52;
	v47 =	vpop (erf)  }
0x2cd: {  	(erf) = vpow2.f32 v42;
	v58 =	vadd.f32 $1.000000000e+00, v47  }
0x2ce: {  	v43 =	vmul.f32 $1.442695020e+00, v57;
	v59 =	vpop (erf);
	v48 =	vsub.f32 $0.0e+00, v44;
	(erf) = vpow2.f32 v49  }
0x2cf: {  	v36 =	vmul.f32 v59, v36;
	(erf) = vrcp.f32 v58  }
0x2d0: {  	v60 =	vmul.f32 $1.442695020e+00, v48;
	(erf) = vpow2.f32 v43  }
0x2d1: {  	v61 =	vld [tilespmem:s20+$0x70];
	v33 =	vadd.f32 v51, v33;
	[tilespmem:s20+$0x60] =	vst v36  }
0x2d2: {  	v36 =	vadd.f32 v46, v12;
	v62 =	vpop (erf);
	(erf) = vpow2.f32 v60;
	v63 =	vld [tilespmem:s22+$0x70]  }
0x2d3: {  	v52 =	vsub.f32 $0.0e+00, v33;
	v43 =	vadd.f32 $1.000000000e+00, v62;
	v53 =	vpop (erf)  }
0x2d4: {  	v46 =	vsub.f32 $0.0e+00, v36;
	v54 =	vpop (erf)  }
0x2d5: {  	v47 =	vmul.f32 $1.442695020e+00, v52;
	(erf) = vrcp.f32 v43;
	v55 =	vpop (erf)  }
0x2d6: {  	v37 =	vmul.f32 v53, v37;
	v46 =	vmul.f32 $1.442695020e+00, v46;
	v56 =	vpop (erf)  }
0x2d7: {  	v57 =	vadd.f32 $1.000000000e+00, v54;
	(erf) = vpow2.f32 v47;
	v48 =	vpop (erf);
	v12 =	vadd.f32 v63, v61  }
0x2d8: {  	v58 =	vadd.f32 $1.000000000e+00, v55;
	[tilespmem:s24+$0x50] =	vst v37;
	(erf) = vpow2.f32 v46;
	v59 =	vadd.f32 $1.000000000e+00, v56;
	v61 =	vld [tilespmem:s24+$0x60];
	v60 =	vpop (erf)  }
0x2d9: {  	v52 =	vld [tilespmem:s21+$0x60];
	(erf) = vrcp.f32 v57;
	v62 =	vpop (erf);
	v38 =	vmul.f32 v60, v38;
	v63 =	vsub.f32 $0.0e+00, v12  }
0x2da: {  	(erf) = vrcp.f32 v59;
	v53 =	vadd.f32 $1.000000000e+00, v62  }
0x2db: {  	v56 =	vld [tilespmem:s25+$0x50];
	(erf) = vrcp.f32 v58;
	v54 =	vpop (erf);
	[tilespmem:s25+$0x40] =	vst v38;
	v55 =	vmul.f32 $1.442695020e+00, v63  }
0x2dc: {  	v6 =	vadd.f32 v45, v6;
	v57 =	vadd.f32 $1.000000000e+00, v54;
	(erf) = vrcp.f32 v53;
	v58 =	vld [tilespmem:s9+$0x50]  }
0x2dd: {  	(erf) = vpow2.f32 v55  }
0x2de: {  	v45 =	vsub.f32 $0.0e+00, v6;
	v38 =	vadd.f32 v52, v61;
	(erf) = vrcp.f32 v57  }
0x2df: {  	v61 =	vadd.f32 $1.000000000e+00, v48;
	v59 =	vpop (erf)  }
0x2e0: {  	v45 =	vmul.f32 $1.442695020e+00, v45;
	v39 =	vmul.f32 v59, v39;
	v62 =	vsub.f32 $0.0e+00, v38;
	v60 =	vpop (erf)  }
0x2e1: {  	v63 =	vpop (erf);
	v53 =	vadd.f32 $1.000000000e+00, v60;
	(erf) = vrcp.f32 v61;
	v37 =	vadd.f32 v58, v56  }
0x2e2: {  	v52 =	vpop (erf);
	(erf) = vpow2.f32 v45  }
0x2e3: {  	[tilespmem:s7+$0x30] =	vst v39;
	v54 =	vmul.f32 $1.442695020e+00, v62;
	v56 =	vld [tilespmem:s7+$0x40];
	v55 =	vpop (erf);
	(erf) = vrcp.f32 v53;
	v57 =	vsub.f32 $0.0e+00, v37  }
0x2e4: {  	v59 =	vadd.f32 $1.000000000e+00, v63;
	v60 =	vld [tilespmem:s8+$0x40];
	v32 =	vmul.f32 v52, v32;
	v40 =	vmul.f32 v55, v40;
	v58 =	vpop (erf)  }
0x2e5: {  	(erf) = vpow2.f32 v54;
	v61 =	vpop (erf);
	v62 =	vmul.f32 $1.442695020e+00, v57  }
0x2e6: {  	v49 =	vld [tilespmem:s5+$0x30];
	[tilespmem:s5+$0x20] =	vst v40;
	(erf) = vrcp.f32 v59;
	v63 =	vpop (erf);
	v50 =	vmul.f32 v61, v41  }
0x2e7: {  	[tilespmem:s7+$0xFFFFFFB0] =	vst v32;
	v52 =	vld [tilespmem:s17+$0x30];
	v51 =	vpop (erf);
	(erf) = vpow2.f32 v62  }
0x2e8: {  	v54 =	vld [tilespmem:s8+$0xFFFFFFC0];
	v53 =	vmul.f32 v51, v44;
	[tilespmem:s5+$0xFFFFFFA0] =	vst v50  }
0x2e9: {  	v41 =	vadd.f32 v60, v56;
	v55 =	vld [tilespmem:s17+$0xFFFFFFB0]  }
0x2ea: {  	v56 =	vld [tilespmem:s0+$0x20];
	[tilespmem:s0+$0x10] =	vst v53  }
0x2eb: {  	v35 =	vmul.f32 v58, v35;
	v57 =	vsub.f32 $0.0e+00, v41;
	v58 =	vpop (erf);
	v59 =	vld [tilespmem:s1+$0x20]  }
0x2ec: {  	v40 =	vadd.f32 $1.000000000e+00, v63;
	v60 =	vmul.f32 v58, v34;
	v34 =	vpop (erf);
	v32 =	vadd.f32 v52, v49  }
0x2ed: {  	(erf) = vrcp.f32 v31;
	v62 =	vmul.f32 $1.442695020e+00, v57;
	v44 =	vadd.f32 v54, v24;
	v61 =	vpop (erf)  }
0x2ee: {  	(erf) = vrcp.f32 v40;
	v63 =	vpop (erf);
	v48 =	vsub.f32 $0.0e+00, v32;
	v42 =	vadd.f32 v55, v26  }
0x2ef: {  	[tilespmem:s25+$0xFFFFFFC0] =	vst v35;
	v33 =	vmul.f32 v61, v33;
	(erf) = vpow2.f32 v62;
	v50 =	vadd.f32 $1.000000000e+00, v63;
	v51 =	vpop (erf)  }
0x2f0: {  	v49 =	vld [tilespmem:s9+$0xFFFFFFD0];
	v52 =	vmul.f32 $1.442695020e+00, v48;
	v39 =	vadd.f32 v59, v56;
	v53 =	vsub.f32 $0.0e+00, v42;
	v54 =	vpop (erf)  }
0x2f1: {  	[tilespmem:s0+$0xFFFFFF90] =	vst v33;
	(erf) = vrcp.f32 v50;
	v56 =	vsub.f32 $0.0e+00, v44;
	v57 =	vadd.f32 $1.000000000e+00, v54  }
0x2f2: {  	v55 =	vld [tilespmem:s1+$0xFFFFFFA0];
	(erf) = vpow2.f32 v52;
	v58 =	vsub.f32 $0.0e+00, v39;
	v40 =	vmul.f32 $1.442695020e+00, v53  }
0x2f3: {  	v59 =	vmul.f32 $1.442695020e+00, v56;
	(erf) = vrcp.f32 v57  }
0x2f4: {  	[tilespmem:s24+$0xFFFFFFD0] =	vst v60;
	v60 =	vmul.f32 $1.442695020e+00, v58;
	(erf) = vpow2.f32 v40  }
0x2f5: {  	v61 =	vld [tilespmem:s21+$0xFFFFFFE0];
	v31 =	vadd.f32 v49, v14;
	(erf) = vpow2.f32 v59  }
0x2f6: {  	v24 =	vpop (erf);
	(erf) = vpow2.f32 v60  }
0x2f7: {  	v62 =	vsub.f32 $0.0e+00, v31;
	v30 =	vadd.f32 v55, v30  }
0x2f8: {  	v14 =	vpop (erf)  }
0x2f9: {  	v33 =	vmul.f32 $1.442695020e+00, v62;
	v45 =	vpop (erf);
	v63 =	vsub.f32 $0.0e+00, v30  }
0x2fa: {  	v35 =	vmul.f32 v51, v36;
	v26 =	vadd.f32 v61, v8;
	v43 =	vadd.f32 $1.000000000e+00, v45;
	v47 =	vpop (erf)  }
0x2fb: {  	(erf) = vpow2.f32 v33;
	v46 =	vmul.f32 $1.442695020e+00, v63;
	v48 =	vpop (erf)  }
0x2fc: {  	v49 =	vsub.f32 $0.0e+00, v26;
	(erf) = vrcp.f32 v43;
	v33 =	vmul.f32 v47, v38;
	v50 =	vpop (erf)  }
0x2fd: {  	v54 =	vld [tilespmem:s24+$0x70];
	[tilespmem:s20+$0xFFFFFFE0] =	vst v35;
	(erf) = vpow2.f32 v46;
	v51 =	vadd.f32 $1.000000000e+00, v48;
	v52 =	vpop (erf)  }
0x2fe: {  	v59 =	vld [tilespmem:s22+$0xFFFFFFF0];
	v53 =	vmul.f32 $1.442695020e+00, v49;
	[tilespmem:s24+$0x60] =	vst v33;
	v55 =	vpop (erf)  }
0x2ff: {  	v56 =	vld [tilespmem:s21+$0x70];
	(erf) = vrcp.f32 v51;
	v57 =	vmul.f32 v50, v37;
	v33 =	vadd.f32 $1.000000000e+00, v52;
	v58 =	vpop (erf)  }
0x300: {  	(erf) = vpow2.f32 v53;
	v60 =	vadd.f32 $1.000000000e+00, v58  }
0x301: {  	v61 =	vld [tilespmem:s25+$0x60];
	[tilespmem:s25+$0x50] =	vst v57;
	(erf) = vrcp.f32 v33  }
0x302: {  	v62 =	vld [tilespmem:s9+$0x60];
	(erf) = vrcp.f32 v60  }
0x303: {  	v4 =	vadd.f32 v59, v4  }
0x304: {  	v63 =	vpop (erf);
	v8 =	vadd.f32 v56, v54  }
0x305: {  	v43 =	vsub.f32 $0.0e+00, v4;
	v38 =	vpop (erf)  }
0x306: {  	v45 =	vadd.f32 $1.000000000e+00, v55;
	v35 =	vmul.f32 v38, v41;
	v46 =	vpop (erf);
	v47 =	vsub.f32 $0.0e+00, v8  }
0x307: {  	v43 =	vmul.f32 $1.442695020e+00, v43;
	v40 =	vadd.f32 $1.000000000e+00, v46;
	v33 =	vadd.f32 v62, v61  }
0x308: {  	v48 =	vld [tilespmem:s7+$0x50];
	(erf) = vrcp.f32 v45;
	[tilespmem:s7+$0x40] =	vst v35;
	v49 =	vmul.f32 $1.442695020e+00, v47;
	v50 =	vpop (erf)  }
0x309: {  	v37 =	vadd.f32 $1.000000000e+00, v63;
	v51 =	vld [tilespmem:s8+$0x50];
	(erf) = vrcp.f32 v40;
	v52 =	vpop (erf);
	v53 =	vsub.f32 $0.0e+00, v33  }
0x30a: {  	v32 =	vmul.f32 v50, v32;
	(erf) = vpow2.f32 v49;
	v54 =	vpop (erf)  }
0x30b: {  	(erf) = vrcp.f32 v37;
	v38 =	vmul.f32 $1.442695020e+00, v53;
	v55 =	vpop (erf)  }
0x30c: {  	v56 =	vld [tilespmem:s5+$0x40];
	[tilespmem:s5+$0x30] =	vst v32;
	(erf) = vpow2.f32 v43;
	v32 =	vmul.f32 v55, v39  }
0x30d: {  	v57 =	vld [tilespmem:s17+$0x40];
	(erf) = vpow2.f32 v38  }
0x30e: {  	v58 =	vld [tilespmem:s0+$0x30];
	v35 =	vadd.f32 v51, v48;
	[tilespmem:s0+$0x20] =	vst v32  }
0x30f: {  	v60 =	vld [tilespmem:s1+$0x30]  }
0x310: {  	v59 =	vsub.f32 $0.0e+00, v35  }
0x311: {  	v36 =	vadd.f32 $1.000000000e+00, v52;
	v61 =	vpop (erf)  }
0x312: {  	v63 =	vmul.f32 v54, v42;
	v38 =	vmul.f32 $1.442695020e+00, v59;
	v62 =	vpop (erf);
	v37 =	vadd.f32 v57, v56  }
0x313: {  	v34 =	vadd.f32 $1.000000000e+00, v34;
	(erf) = vrcp.f32 v36;
	v30 =	vmul.f32 v62, v30;
	v45 =	vpop (erf)  }
0x314: {  	(erf) = vpow2.f32 v38;
	v46 =	vsub.f32 $0.0e+00, v37;
	v48 =	vpop (erf);
	v32 =	vadd.f32 v60, v58  }
0x315: {  	v47 =	vmul.f32 v61, v44;
	v39 =	vadd.f32 $1.000000000e+00, v45;
	[tilespmem:s0+$0xFFFFFFA0] =	vst v30;
	v36 =	vpop (erf)  }
0x316: {  	[tilespmem:s5+$0xFFFFFFB0] =	vst v63;
	(erf) = vrcp.f32 v34;
	v49 =	vld [tilespmem:s1+$0xFFFFFFB0];
	v38 =	vmul.f32 $1.442695020e+00, v46;
	v51 =	vpop (erf);
	v52 =	vsub.f32 $0.0e+00, v32  }
0x317: {  	v50 =	vld [tilespmem:s17+$0xFFFFFFC0];
	[tilespmem:s7+$0xFFFFFFC0] =	vst v47;
	(erf) = vrcp.f32 v39;
	v54 =	vadd.f32 $1.000000000e+00, v51  }
0x318: {  	v53 =	vld [tilespmem:s8+$0xFFFFFFD0];
	(erf) = vpow2.f32 v38;
	v55 =	vmul.f32 $1.442695020e+00, v52  }
0x319: {  	(erf) = vrcp.f32 v54  }
0x31a: {  	(erf) = vpow2.f32 v55  }
0x31b: {  	v28 =	vadd.f32 v49, v28  }
0x31c: {  	v34 =	vadd.f32 v50, v21;
	v56 =	vpop (erf)  }
0x31d: {  	v39 =	vadd.f32 v53, v17;
	v58 =	vpop (erf);
	v57 =	vsub.f32 $0.0e+00, v28  }
0x31e: {  	v40 =	vsub.f32 $0.0e+00, v34;
	v59 =	vadd.f32 $1.000000000e+00, v58  }
0x31f: {  	v30 =	vmul.f32 v48, v31;
	v60 =	vsub.f32 $0.0e+00, v39;
	v21 =	vpop (erf);
	v61 =	vmul.f32 $1.442695020e+00, v57  }
0x320: {  	v40 =	vmul.f32 $1.442695020e+00, v40;
	v17 =	vpop (erf);
	(erf) = vrcp.f32 v59  }
0x321: {  	v31 =	vmul.f32 $1.442695020e+00, v60;
	(erf) = vpow2.f32 v61;
	v62 =	vpop (erf)  }
0x322: {  	[tilespmem:s25+$0xFFFFFFD0] =	vst v30;
	(erf) = vpow2.f32 v40;
	v63 =	vadd.f32 $1.000000000e+00, v62;
	v44 =	vpop (erf)  }
0x323: {  	v45 =	vld [tilespmem:s9+$0xFFFFFFE0];
	(erf) = vpow2.f32 v31;
	v46 =	vpop (erf)  }
0x324: {  	(erf) = vrcp.f32 v63;
	v30 =	vmul.f32 v44, v33;
	v33 =	vadd.f32 $1.000000000e+00, v46;
	_ =	sdelay $0x1  }
0x325: {  	v47 =	vld [tilespmem:s25+$0x70];
	[tilespmem:s25+$0x60] =	vst v30;
	(erf) = vrcp.f32 v33  }
0x326: {  	v48 =	vld [tilespmem:s9+$0x70]  }
0x327: {  	v26 =	vmul.f32 v56, v26;
	v31 =	vadd.f32 v45, v10  }
0x328: {  	v49 =	vpop (erf)  }
0x329: {  	[tilespmem:s24+$0xFFFFFFE0] =	vst v26;
	v51 =	vsub.f32 $0.0e+00, v31;
	v10 =	vmul.f32 v49, v35;
	v50 =	vpop (erf)  }
0x32a: {  	v54 =	vld [tilespmem:s21+$0xFFFFFFF0];
	v52 =	vpop (erf)  }
0x32b: {  	v57 =	vld [tilespmem:s7+$0x60];
	v40 =	vmul.f32 $1.442695020e+00, v51;
	[tilespmem:s7+$0x50] =	vst v10;
	v53 =	vpop (erf);
	v10 =	vadd.f32 v48, v47  }
0x32c: {  	v56 =	vadd.f32 $1.000000000e+00, v50;
	v58 =	vld [tilespmem:s8+$0x60];
	v55 =	vpop (erf)  }
0x32d: {  	(erf) = vpow2.f32 v40;
	v30 =	vmul.f32 v55, v37;
	v59 =	vsub.f32 $0.0e+00, v10  }
0x32e: {  	v35 =	vadd.f32 $1.000000000e+00, v52;
	(erf) = vrcp.f32 v56;
	v60 =	vpop (erf)  }
0x32f: {  	v61 =	vld [tilespmem:s5+$0x50];
	[tilespmem:s5+$0x40] =	vst v30;
	v40 =	vmul.f32 $1.442695020e+00, v59;
	v30 =	vmul.f32 v60, v32  }
0x330: {  	v5 =	vadd.f32 v54, v5;
	(erf) = vrcp.f32 v35;
	v62 =	vld [tilespmem:s17+$0x50]  }
0x331: {  	(erf) = vpow2.f32 v40;
	[tilespmem:s0+$0x30] =	vst v30;
	v30 =	vadd.f32 v58, v57  }
0x332: {  	v63 =	vld [tilespmem:s0+$0x40];
	v44 =	vsub.f32 $0.0e+00, v5  }
0x333: {  	v26 =	vadd.f32 $1.000000000e+00, v53;
	v45 =	vld [tilespmem:s1+$0x40];
	v46 =	vsub.f32 $0.0e+00, v30  }
0x334: {  	v37 =	vmul.f32 $1.442695020e+00, v44  }
0x335: {  	(erf) = vrcp.f32 v26;
	v32 =	vadd.f32 v62, v61;
	v47 =	vmul.f32 $1.442695020e+00, v46  }
0x336: {  	(erf) = vpow2.f32 v37  }
0x337: {  	v48 =	vpop (erf);
	v49 =	vsub.f32 $0.0e+00, v32;
	(erf) = vpow2.f32 v47  }
0x338: {  	v33 =	vadd.f32 $1.000000000e+00, v48;
	v50 =	vpop (erf);
	v35 =	vadd.f32 v45, v63  }
0x339: {  	v51 =	vadd.f32 $1.000000000e+00, v36;
	v52 =	vpop (erf);
	v37 =	vmul.f32 $1.442695020e+00, v49  }
0x33a: {  	v28 =	vmul.f32 v50, v28;
	v53 =	vpop (erf);
	(erf) = vrcp.f32 v33;
	v38 =	vsub.f32 $0.0e+00, v35  }
0x33b: {  	v34 =	vmul.f32 v52, v34;
	v33 =	vadd.f32 $1.000000000e+00, v53;
	(erf) = vpow2.f32 v37  }
0x33c: {  	[tilespmem:s0+$0xFFFFFFB0] =	vst v28;
	(erf) = vrcp.f32 v51;
	v54 =	vmul.f32 $1.442695020e+00, v38  }
0x33d: {  	v28 =	vld [tilespmem:s1+$0xFFFFFFC0];
	[tilespmem:s5+$0xFFFFFFC0] =	vst v34;
	(erf) = vrcp.f32 v33  }
0x33e: {  	v55 =	vld [tilespmem:s17+$0xFFFFFFD0];
	v56 =	vpop (erf);
	(erf) = vpow2.f32 v54  }
0x33f: {  	v36 =	vpop (erf)  }
0x340: {  	v57 =	vpop (erf)  }
0x341: {  	v26 =	vadd.f32 $1.000000000e+00, v57  }
0x342: {  	v27 =	vadd.f32 v28, v27  }
0x343: {  	v28 =	vadd.f32 v55, v19;
	v58 =	vpop (erf)  }
0x344: {  	v59 =	vsub.f32 $0.0e+00, v27;
	v60 =	vpop (erf);
	(erf) = vrcp.f32 v26  }
0x345: {  	v61 =	vsub.f32 $0.0e+00, v28;
	v62 =	vadd.f32 $1.000000000e+00, v60;
	v26 =	vpop (erf)  }
0x346: {  	v34 =	vmul.f32 v56, v39;
	v63 =	vmul.f32 $1.442695020e+00, v59;
	v19 =	vpop (erf)  }
0x347: {  	v37 =	vmul.f32 $1.442695020e+00, v61;
	(erf) = vrcp.f32 v62;
	v41 =	vpop (erf)  }
0x348: {  	(erf) = vpow2.f32 v63;
	v38 =	vadd.f32 $1.000000000e+00, v41  }
0x349: {  	[tilespmem:s7+$0xFFFFFFD0] =	vst v34;
	(erf) = vpow2.f32 v37  }
0x34a: {  	v34 =	vld [tilespmem:s8+$0xFFFFFFE0];
	(erf) = vrcp.f32 v38;
	_ =	sdelay $0x2  }
0x34b: {  	v42 =	vpop (erf)  }
0x34c: {  	v30 =	vmul.f32 v42, v30  }
0x34d: {  	v33 =	vadd.f32 v34, v13  }
0x34e: {  	v44 =	vld [tilespmem:s7+$0x70];
	v31 =	vmul.f32 v58, v31;
	v43 =	vpop (erf);
	[tilespmem:s7+$0x60] =	vst v30  }
0x34f: {  	v46 =	vsub.f32 $0.0e+00, v33;
	v13 =	vmul.f32 v43, v32;
	v45 =	vpop (erf);
	v47 =	vld [tilespmem:s8+$0x70]  }
0x350: {  	v51 =	vld [tilespmem:s5+$0x60];
	[tilespmem:s25+$0xFFFFFFE0] =	vst v31;
	v48 =	vpop (erf)  }
0x351: {  	v49 =	vld [tilespmem:s9+$0xFFFFFFF0];
	v31 =	vmul.f32 $1.442695020e+00, v46;
	[tilespmem:s5+$0x50] =	vst v13;
	v50 =	vpop (erf)  }
0x352: {  	v52 =	vld [tilespmem:s17+$0x60];
	v13 =	vmul.f32 v50, v35  }
0x353: {  	(erf) = vpow2.f32 v31  }
0x354: {  	v53 =	vld [tilespmem:s0+$0x50];
	[tilespmem:s0+$0x40] =	vst v13;
	v13 =	vadd.f32 v47, v44  }
0x355: {  	v54 =	vld [tilespmem:s1+$0x50]  }
0x356: {  	v7 =	vadd.f32 v49, v7;
	v34 =	vsub.f32 $0.0e+00, v13  }
0x357: {  	v32 =	vadd.f32 $1.000000000e+00, v45;
	v35 =	vadd.f32 v52, v51  }
0x358: {  	v38 =	vsub.f32 $0.0e+00, v7;
	v34 =	vmul.f32 $1.442695020e+00, v34  }
0x359: {  	v37 =	vadd.f32 $1.000000000e+00, v48;
	(erf) = vrcp.f32 v32;
	v55 =	vsub.f32 $0.0e+00, v35  }
0x35a: {  	v38 =	vmul.f32 $1.442695020e+00, v38;
	(erf) = vpow2.f32 v34;
	v30 =	vadd.f32 v54, v53  }
0x35b: {  	v56 =	vmul.f32 $1.442695020e+00, v55;
	(erf) = vrcp.f32 v37  }
0x35c: {  	v57 =	vpop (erf);
	(erf) = vpow2.f32 v38;
	v58 =	vsub.f32 $0.0e+00, v30  }
0x35d: {  	v32 =	vadd.f32 $1.000000000e+00, v57;
	(erf) = vpow2.f32 v56  }
0x35e: {  	v59 =	vmul.f32 $1.442695020e+00, v58  }
0x35f: {  	(erf) = vrcp.f32 v32  }
0x360: {  	(erf) = vpow2.f32 v59;
	_ =	sdelay $0x1  }
0x361: {  	v60 =	vpop (erf)  }
0x362: {  	v61 =	vpop (erf)  }
0x363: {  	v62 =	vpop (erf)  }
0x364: {  	v36 =	vadd.f32 $1.000000000e+00, v36;
	v63 =	vpop (erf)  }
0x365: {  	v32 =	vadd.f32 $1.000000000e+00, v61;
	v40 =	vpop (erf)  }
0x366: {  	(erf) = vrcp.f32 v36;
	v41 =	vadd.f32 $1.000000000e+00, v40  }
0x367: {  	v27 =	vmul.f32 v60, v27;
	(erf) = vrcp.f32 v32;
	v42 =	vpop (erf)  }
0x368: {  	(erf) = vrcp.f32 v41;
	v43 =	vpop (erf)  }
0x369: {  	[tilespmem:s0+$0xFFFFFFC0] =	vst v27;
	v31 =	vadd.f32 $1.000000000e+00, v43  }
0x36a: {  	v27 =	vld [tilespmem:s1+$0xFFFFFFD0]  }
0x36b: {  	(erf) = vrcp.f32 v31;
	_ =	sdelay $0x3  }
0x36c: {  	v23 =	vadd.f32 v27, v23;
	v31 =	vpop (erf)  }
0x36d: {  	v27 =	vpop (erf)  }
0x36e: {  	v45 =	vsub.f32 $0.0e+00, v23;
	v28 =	vmul.f32 v62, v28;
	v44 =	vpop (erf)  }
0x36f: {  	v34 =	vmul.f32 v44, v35  }
0x370: {  	v48 =	vld [tilespmem:s5+$0x70];
	v46 =	vmul.f32 $1.442695020e+00, v45;
	[tilespmem:s5+$0xFFFFFFD0] =	vst v28  }
0x371: {  	v28 =	vld [tilespmem:s17+$0xFFFFFFE0];
	v32 =	vmul.f32 v42, v33;
	[tilespmem:s5+$0x60] =	vst v34;
	v47 =	vpop (erf)  }
0x372: {  	(erf) = vpow2.f32 v46;
	v30 =	vmul.f32 v47, v30;
	v49 =	vld [tilespmem:s17+$0x70]  }
0x373: {  	v51 =	vld [tilespmem:s0+$0x60];
	[tilespmem:s7+$0xFFFFFFE0] =	vst v32  }
0x374: {  	v50 =	vld [tilespmem:s8+$0xFFFFFFF0];
	[tilespmem:s0+$0x50] =	vst v30  }
0x375: {  	v52 =	vld [tilespmem:s1+$0x60]  }
0x376: {  	v15 =	vadd.f32 v28, v15  }
0x377: {  	v28 =	vadd.f32 v49, v48  }
0x378: {  	v53 =	vsub.f32 $0.0e+00, v15  }
0x379: {  	v11 =	vadd.f32 v50, v11;
	v54 =	vsub.f32 $0.0e+00, v28  }
0x37a: {  	v32 =	vmul.f32 $1.442695020e+00, v53;
	v30 =	vadd.f32 v52, v51  }
0x37b: {  	v55 =	vsub.f32 $0.0e+00, v11;
	v56 =	vpop (erf);
	v33 =	vmul.f32 $1.442695020e+00, v54  }
0x37c: {  	(erf) = vpow2.f32 v32;
	v57 =	vadd.f32 $1.000000000e+00, v56;
	v58 =	vsub.f32 $0.0e+00, v30  }
0x37d: {  	v34 =	vmul.f32 $1.442695020e+00, v55;
	(erf) = vpow2.f32 v33  }
0x37e: {  	(erf) = vrcp.f32 v57;
	v59 =	vmul.f32 $1.442695020e+00, v58  }
0x37f: {  	(erf) = vpow2.f32 v34  }
0x380: {  	(erf) = vpow2.f32 v59;
	_ =	sdelay $0x4  }
0x381: {  	v60 =	vpop (erf)  }
0x382: {  	v33 =	vpop (erf)  }
0x383: {  	v32 =	vadd.f32 $1.000000000e+00, v60;
	v61 =	vpop (erf)  }
0x384: {  	v62 =	vadd.f32 $1.000000000e+00, v63;
	v63 =	vpop (erf)  }
0x385: {  	(erf) = vrcp.f32 v32;
	v37 =	vadd.f32 $1.000000000e+00, v33;
	v38 =	vpop (erf)  }
0x386: {  	(erf) = vrcp.f32 v62;
	v33 =	vadd.f32 $1.000000000e+00, v38  }
0x387: {  	(erf) = vrcp.f32 v37  }
0x388: {  	v23 =	vmul.f32 v61, v23;
	(erf) = vrcp.f32 v33;
	_ =	sdelay $0x1  }
0x389: {  	[tilespmem:s0+$0xFFFFFFD0] =	vst v23  }
0x38a: {  	v23 =	vld [tilespmem:s1+$0xFFFFFFE0];
	_ =	sdelay $0x2  }
0x38b: {  	v39 =	vpop (erf)  }
0x38c: {  	v40 =	vpop (erf)  }
0x38d: {  	v22 =	vadd.f32 v23, v22;
	v41 =	vpop (erf)  }
0x38e: {  	v42 =	vpop (erf)  }
0x38f: {  	v43 =	vsub.f32 $0.0e+00, v22;
	v23 =	vmul.f32 v42, v30  }
0x390: {  	v15 =	vmul.f32 v39, v15  }
0x391: {  	v45 =	vld [tilespmem:s0+$0x70];
	v44 =	vmul.f32 $1.442695020e+00, v43;
	[tilespmem:s0+$0x60] =	vst v23  }
0x392: {  	[tilespmem:s5+$0xFFFFFFE0] =	vst v15;
	v46 =	vld [tilespmem:s1+$0x70]  }
0x393: {  	v47 =	vld [tilespmem:s17+$0xFFFFFFF0];
	(erf) = vpow2.f32 v44;
	_ =	sdelay $0x3  }
0x394: {  	v15 =	vadd.f32 v46, v45  }
0x395: {  	v16 =	vadd.f32 v47, v16  }
0x396: {  	v48 =	vsub.f32 $0.0e+00, v15  }
0x397: {  	v49 =	vsub.f32 $0.0e+00, v16  }
0x398: {  	v23 =	vmul.f32 $1.442695020e+00, v48  }
0x399: {  	v30 =	vmul.f32 $1.442695020e+00, v49;
	v50 =	vpop (erf)  }
0x39a: {  	v51 =	vadd.f32 $1.000000000e+00, v50;
	(erf) = vpow2.f32 v23  }
0x39b: {  	(erf) = vpow2.f32 v30  }
0x39c: {  	(erf) = vrcp.f32 v51;
	_ =	sdelay $0x6  }
0x39d: {  	v52 =	vpop (erf)  }
0x39e: {  	v30 =	vpop (erf)  }
0x39f: {  	v53 =	vpop (erf)  }
0x3a0: {  	v22 =	vmul.f32 v53, v22;
	_ =	sdelay $0x1  }
0x3a1: {  	[tilespmem:s0+$0xFFFFFFE0] =	vst v22  }
0x3a2: {  	v22 =	vld [tilespmem:s1+$0xFFFFFFF0];
	_ =	sdelay $0x4  }
0x3a3: {  	v20 =	vadd.f32 v22, v20;
	_ =	sdelay $0x1  }
0x3a4: {  	v54 =	vadd.f32 $1.000000000e+00, v63;
	v55 =	vsub.f32 $0.0e+00, v20  }
0x3a5: {  	v23 =	vadd.f32 $1.000000000e+00, v52  }
0x3a6: {  	(erf) = vrcp.f32 v54;
	v56 =	vmul.f32 $1.442695020e+00, v55  }
0x3a7: {  	(erf) = vrcp.f32 v23  }
0x3a8: {  	(erf) = vpow2.f32 v56;
	_ =	sdelay $0x6  }
0x3a9: {  	v57 =	vpop (erf)  }
0x3aa: {  	v9 =	vmul.f32 v25, v9;
	v23 =	vpop (erf)  }
0x3ab: {  	[tilespmem:s19+$0x70] =	vst v29;
	v18 =	vmul.f32 v24, v18;
	v58 =	vadd.f32 $1.000000000e+00, v30;
	v59 =	vpop (erf)  }
0x3ac: {  	[tilespmem:s14+$0xFFFFFFF0] =	vst v9;
	v12 =	vmul.f32 v14, v12;
	v60 =	vadd.f32 $1.000000000e+00, v59  }
0x3ad: {  	[tilespmem:s15+$0xFFFFFFF0] =	vst v18;
	v4 =	vmul.f32 v26, v4;
	(erf) = vrcp.f32 v58  }
0x3ae: {  	[tilespmem:s20+$0x70] =	vst v12;
	v6 =	vmul.f32 v21, v6;
	(erf) = vrcp.f32 v60  }
0x3af: {  	[tilespmem:s20+$0xFFFFFFF0] =	vst v4;
	v4 =	vmul.f32 v31, v5  }
0x3b0: {  	[tilespmem:s19+$0xFFFFFFF0] =	vst v6;
	v5 =	vmul.f32 v19, v10  }
0x3b1: {  	[tilespmem:s24+$0xFFFFFFF0] =	vst v4;
	v4 =	vmul.f32 v27, v13  }
0x3b2: {  	[tilespmem:s25+$0x70] =	vst v5;
	v61 =	vmul.f32 v17, v8  }
0x3b3: {  	[tilespmem:s7+$0x70] =	vst v4;
	v5 =	vmul.f32 v41, v28  }
0x3b4: {  	[tilespmem:s24+$0x70] =	vst v61;
	v4 =	vmul.f32 v40, v7  }
0x3b5: {  	[tilespmem:s5+$0x70] =	vst v5;
	v5 =	vmul.f32 v23, v15  }
0x3b6: {  	[tilespmem:s25+$0xFFFFFFF0] =	vst v4;
	v4 =	vmul.f32 v57, v11;
	v62 =	vpop (erf)  }
0x3b7: {  	[tilespmem:s0+$0x70] =	vst v5;
	v5 =	vmul.f32 v62, v16;
	v63 =	vpop (erf)  }
0x3b8: {  	[tilespmem:s7+$0xFFFFFFF0] =	vst v4;
	v4 =	vmul.f32 v63, v20  }
0x3b9: {  	[tilespmem:s5+$0xFFFFFFF0] =	vst v5  }
0x3ba: {  	s22 =	simm.s32 $0x9F80;
	[tilespmem:s0+$0xFFFFFFF0] =	vst v4  }
0x3bb: {  	[spmem:s4] =	stream.indirect.scatter.add.f32 [tilespmem:s11], [sflag:$0x7], $0x80, s22, s30, $0xb8;
	[tilespmem:$0x1F280] =	vst v63  }
0x3bc: {  	_ =	swait.ge [sflag:s18], $0x3000  }
0x3bd: {  	s14 =	sshll.u32 s13, $0x1;
	[sflag:s18] =	ssyncset.done $0x0  }
0x3be: {  	s24 =	simm.s32 $0x16100;
	s0 =	sadd.s32 $0x2, s14;
	[sflag:s18] =	ssyncadd.s32 $0xFFFFD000  }
0x3bf: {  	[spmem:s31] =	stream.indirect.scatter.add.f32 [tilespmem:s24], [sflag:$0x7], $0x80, s22, s30, $0xb8;
	[tilespmem:$0x1F280] =	vst v63  }
0x3c0: {  	p1 =	sge.s32 s0, s10;
	_ =	swait.ge [sflag:s18], $0x3000  }
0x3c1: {  	s0 =	smul.u32 @!p1 $0x60, s0;
	[sflag:s18] =	ssyncset.done $0x0  }
0x3c2: {  	[sflag:s18] =	ssyncadd.s32 $0xFFFFD000  }
0x3c3: {  	v4 =	vld @!p1 [tilespmem:s0+$0x4F00];
	_ =	sdelay $0x4  }
0x3c4: {  	[tilespmem:$0x9F00] =	vst @!p1 v4  }
0x3c5: {  	v4 =	vld @!p1 [tilespmem:s0+$0x7700];
	_ =	sdelay $0x4  }
0x3c6: {  	[tilespmem:$0x9F80] =	vst @!p1 v4  }
0x3c7: {  	v4 =	vld @!p1 [tilespmem:s0+$0x4F10];
	_ =	sdelay $0x4  }
0x3c8: {  	[tilespmem:$0x9F10] =	vst @!p1 v4  }
0x3c9: {  	v4 =	vld @!p1 [tilespmem:s0+$0x7710];
	_ =	sdelay $0x4  }
0x3ca: {  	[tilespmem:$0x9F90] =	vst @!p1 v4  }
0x3cb: {  	v4 =	vld @!p1 [tilespmem:s0+$0x4F20];
	_ =	sdelay $0x4  }
0x3cc: {  	[tilespmem:$0x9F20] =	vst @!p1 v4  }
0x3cd: {  	v4 =	vld @!p1 [tilespmem:s0+$0x7720];
	_ =	sdelay $0x4  }
0x3ce: {  	[tilespmem:$0x9FA0] =	vst @!p1 v4  }
0x3cf: {  	v4 =	vld @!p1 [tilespmem:s0+$0x4F30];
	_ =	sdelay $0x4  }
0x3d0: {  	[tilespmem:$0x9F30] =	vst @!p1 v4  }
0x3d1: {  	v4 =	vld @!p1 [tilespmem:s0+$0x7730];
	_ =	sdelay $0x4  }
0x3d2: {  	[tilespmem:$0x9FB0] =	vst @!p1 v4  }
0x3d3: {  	v4 =	vld @!p1 [tilespmem:s0+$0x4F40];
	_ =	sdelay $0x4  }
0x3d4: {  	[tilespmem:$0x9F40] =	vst @!p1 v4  }
0x3d5: {  	v4 =	vld @!p1 [tilespmem:s0+$0x7740];
	_ =	sdelay $0x4  }
0x3d6: {  	[tilespmem:$0x9FC0] =	vst @!p1 v4  }
0x3d7: {  	v4 =	vld @!p1 [tilespmem:s0+$0x4F50];
	_ =	sdelay $0x4  }
0x3d8: {  	[tilespmem:$0x9F50] =	vst @!p1 v4  }
0x3d9: {  	v4 =	vld @!p1 [tilespmem:s0+$0x7750];
	_ =	sdelay $0x4  }
0x3da: {  	s1 =	simm.s32 @!p1 $0x9F00;
	s2 =	simm.s32 @!p1 $0xA100;
	s0 =	simm.s32 @!p1 $0x60;
	[tilespmem:$0x9FD0] =	vst @!p1 v4  }
0x3db: {  	[tilespmem:s2], [sflag:$0x3] =	stream.indirect.gather @!p1 [hbm4b:s6+s0], $0x80, s1, s0, $0xb8;
	[tilespmem:$0x1F280] =	vst v63  }
0x3dc: {  	s25 =	rddreg [dreg:$0x15];
	s1 =	simm.s32 @!p1 $0x9F80;
	s2 =	simm.s32 @!p1 $0xD100  }
0x3dd: {  	[tilespmem:s2], [sflag:$0x4] =	stream.indirect.gather @!p1 [spmem:s12], $0x80, s1, s0, $0xb8;
	[tilespmem:$0x1F280] =	vst v63  }
0x3de: {  	p1 =	sge.s32 s14, s25  }
.Ltmp8:
0x3df: {  	_ = 	snop;
	(pc) =	sbr.rel @p1 .LBB2_13-.Ltmp8, $1  }
0x3e0: {  	_ =	sdelay $0x3  }
0x3e1: {  	s0 =	simm.s32 $0x5  }
0x3e2: {  	_ =	swait.ge [sflag:s0], $0x3000  }
0x3e3: {  	[sflag:s0] =	ssyncset.done $0x0  }
0x3e4: {  	s25 =	simm.s32 $0x6;
	[sflag:s0] =	ssyncadd.s32 $0xFFFFD000  }
0x3e5: {  	_ =	swait.ge [sflag:s25], $0x3000  }
0x3e6: {  	[sflag:s25] =	ssyncset.done $0x0  }
0x3e7: {  	s15 =	simm.s32 $0x10180;
	[sflag:s25] =	ssyncadd.s32 $0xFFFFD000  }
0x3e8: {  	s2 =	simm.s32 $0x13180;
	v4 =	vld [tilespmem:s15+$0x0]  }
0x3e9: {  	v5 =	vld [tilespmem:s2+$0x0];
	_ =	sdelay $0x3  }
0x3ea: {  	v6 =	vld [tilespmem:s2+$0xFFFFFF80]  }
0x3eb: {  	v7 =	vld [tilespmem:s15+$0xFFFFFF80];
	v4 =	vadd.f32 v5, v4;
	_ =	sdelay $0x1  }
0x3ec: {  	v5 =	vsub.f32 $0.0e+00, v4;
	_ =	sdelay $0x1  }
0x3ed: {  	v5 =	vmul.f32 $1.442695020e+00, v5  }
0x3ee: {  	v6 =	vadd.f32 v6, v7  }
0x3ef: {  	(erf) = vpow2.f32 v5  }
0x3f0: {  	v5 =	vsub.f32 $0.0e+00, v6;
	_ =	sdelay $0x1  }
0x3f1: {  	v5 =	vmul.f32 $1.442695020e+00, v5;
	_ =	sdelay $0x1  }
0x3f2: {  	(erf) = vpow2.f32 v5;
	_ =	sdelay $0x3  }
0x3f3: {  	v5 =	vpop (erf)  }
0x3f4: {  	v5 =	vadd.f32 $1.000000000e+00, v5;
	_ =	sdelay $0x1  }
0x3f5: {  	(erf) = vrcp.f32 v5;
	_ =	sdelay $0x1  }
0x3f6: {  	v5 =	vpop (erf)  }
0x3f7: {  	v5 =	vadd.f32 $1.000000000e+00, v5;
	_ =	sdelay $0x1  }
0x3f8: {  	(erf) = vrcp.f32 v5;
	_ =	sdelay $0x3  }
0x3f9: {  	v7 =	vpop (erf)  }
0x3fa: {  	v7 =	vmul.f32 v7, v4;
	_ =	sdelay $0x1  }
0x3fb: {  	[tilespmem:s15+$0x0] =	vst v7;
	v7 =	vld [tilespmem:s15+$0x10]  }
0x3fc: {  	v14 =	vld [tilespmem:s2+$0x10]  }
0x3fd: {  	v8 =	vpop (erf)  }
0x3fe: {  	v6 =	vmul.f32 v8, v6;
	_ =	sdelay $0x1  }
0x3ff: {  	v5 =	vld [tilespmem:s15+$0xFFFFFF90];
	[tilespmem:s15+$0xFFFFFF80] =	vst v6  }
0x400: {  	s19 =	simm.s32 $0x10280;
	v6 =	vld [tilespmem:s2+$0xFFFFFF90];
	v7 =	vadd.f32 v14, v7  }
0x401: {  	s3 =	simm.s32 $0x13280;
	v8 =	vld [tilespmem:s19+$0x0]  }
0x402: {  	v14 =	vld [tilespmem:s3+$0x0];
	v15 =	vsub.f32 $0.0e+00, v7;
	_ =	sdelay $0x1  }
0x403: {  	v16 =	vld [tilespmem:s3+$0xFFFFFF80];
	v15 =	vmul.f32 $1.442695020e+00, v15  }
0x404: {  	v17 =	vld [tilespmem:s19+$0xFFFFFF80];
	v6 =	vadd.f32 v6, v5  }
0x405: {  	(erf) = vpow2.f32 v15  }
0x406: {  	v14 =	vadd.f32 v14, v8;
	v5 =	vsub.f32 $0.0e+00, v6;
	_ =	sdelay $0x1  }
0x407: {  	v8 =	vsub.f32 $0.0e+00, v14;
	v5 =	vmul.f32 $1.442695020e+00, v5  }
0x408: {  	v16 =	vadd.f32 v16, v17  }
0x409: {  	v8 =	vmul.f32 $1.442695020e+00, v8;
	(erf) = vpow2.f32 v5  }
0x40a: {  	v5 =	vsub.f32 $0.0e+00, v16  }
0x40b: {  	(erf) = vpow2.f32 v8  }
0x40c: {  	v5 =	vmul.f32 $1.442695020e+00, v5  }
0x40d: {  	v8 =	vpop (erf)  }
0x40e: {  	(erf) = vpow2.f32 v5;
	v5 =	vadd.f32 $1.000000000e+00, v8;
	_ =	sdelay $0x2  }
0x40f: {  	(erf) = vrcp.f32 v5  }
0x410: {  	v5 =	vpop (erf)  }
0x411: {  	v5 =	vadd.f32 $1.000000000e+00, v5  }
0x412: {  	v8 =	vpop (erf)  }
0x413: {  	v8 =	vadd.f32 $1.000000000e+00, v8;
	(erf) = vrcp.f32 v5;
	_ =	sdelay $0x1  }
0x414: {  	(erf) = vrcp.f32 v8;
	v5 =	vpop (erf)  }
0x415: {  	v5 =	vadd.f32 $1.000000000e+00, v5;
	_ =	sdelay $0x1  }
0x416: {  	v8 =	vpop (erf);
	(erf) = vrcp.f32 v5  }
0x417: {  	v5 =	vmul.f32 v8, v7;
	_ =	sdelay $0x1  }
0x418: {  	v18 =	vld [tilespmem:s15+$0x20];
	[tilespmem:s15+$0x10] =	vst v5  }
0x419: {  	v20 =	vld [tilespmem:s2+$0x20];
	v7 =	vpop (erf)  }
0x41a: {  	v6 =	vmul.f32 v7, v6  }
0x41b: {  	v15 =	vpop (erf)  }
0x41c: {  	v11 =	vld [tilespmem:s15+$0xFFFFFFA0];
	v14 =	vmul.f32 v15, v14;
	[tilespmem:s15+$0xFFFFFF90] =	vst v6  }
0x41d: {  	v6 =	vld [tilespmem:s2+$0xFFFFFFA0]  }
0x41e: {  	[tilespmem:s19+$0x0] =	vst v14;
	v14 =	vld [tilespmem:s19+$0x10];
	v20 =	vadd.f32 v20, v18;
	v21 =	vpop (erf)  }
0x41f: {  	v16 =	vmul.f32 v21, v16;
	v21 =	vld [tilespmem:s3+$0x10]  }
0x420: {  	s1 =	simm.s32 $0x13380;
	v22 =	vsub.f32 $0.0e+00, v20  }
0x421: {  	v23 =	vld [tilespmem:s1+$0x0]  }
0x422: {  	v17 =	vld [tilespmem:s19+$0xFFFFFF90];
	[tilespmem:s19+$0xFFFFFF80] =	vst v16;
	v22 =	vmul.f32 $1.442695020e+00, v22  }
0x423: {  	s20 =	simm.s32 $0x10380;
	v16 =	vld [tilespmem:s3+$0xFFFFFF90];
	v6 =	vadd.f32 v6, v11  }
0x424: {  	v11 =	vld [tilespmem:s20+$0x0];
	(erf) = vpow2.f32 v22;
	v24 =	vadd.f32 v21, v14  }
0x425: {  	v25 =	vld [tilespmem:s20+$0xFFFFFF80];
	v14 =	vsub.f32 $0.0e+00, v6  }
0x426: {  	v21 =	vld [tilespmem:s1+$0xFFFFFF80];
	v22 =	vsub.f32 $0.0e+00, v24  }
0x427: {  	v14 =	vmul.f32 $1.442695020e+00, v14  }
0x428: {  	v16 =	vadd.f32 v16, v17;
	v17 =	vmul.f32 $1.442695020e+00, v22  }
0x429: {  	(erf) = vpow2.f32 v14;
	v22 =	vadd.f32 v23, v11  }
0x42a: {  	v11 =	vsub.f32 $0.0e+00, v16;
	(erf) = vpow2.f32 v17  }
0x42b: {  	v23 =	vadd.f32 v21, v25;
	v14 =	vsub.f32 $0.0e+00, v22  }
0x42c: {  	v11 =	vmul.f32 $1.442695020e+00, v11  }
0x42d: {  	v21 =	vsub.f32 $0.0e+00, v23;
	v14 =	vmul.f32 $1.442695020e+00, v14;
	v17 =	vpop (erf)  }
0x42e: {  	(erf) = vpow2.f32 v11;
	v11 =	vadd.f32 $1.000000000e+00, v17  }
0x42f: {  	(erf) = vpow2.f32 v14;
	v14 =	vmul.f32 $1.442695020e+00, v21  }
0x430: {  	(erf) = vrcp.f32 v11;
	_ =	sdelay $0x1  }
0x431: {  	v11 =	vpop (erf)  }
0x432: {  	(erf) = vpow2.f32 v14;
	v11 =	vadd.f32 $1.000000000e+00, v11;
	v14 =	vpop (erf)  }
0x433: {  	v14 =	vadd.f32 $1.000000000e+00, v14  }
0x434: {  	(erf) = vrcp.f32 v11;
	_ =	sdelay $0x1  }
0x435: {  	v11 =	vpop (erf)  }
0x436: {  	(erf) = vrcp.f32 v14;
	v11 =	vadd.f32 $1.000000000e+00, v11;
	v14 =	vpop (erf)  }
0x437: {  	v14 =	vadd.f32 $1.000000000e+00, v14;
	v17 =	vpop (erf)  }
0x438: {  	(erf) = vrcp.f32 v11;
	v11 =	vmul.f32 v17, v20  }
0x439: {  	(erf) = vrcp.f32 v14;
	_ =	sdelay $0x1  }
0x43a: {  	v17 =	vpop (erf)  }
0x43b: {  	v14 =	vadd.f32 $1.000000000e+00, v17;
	[tilespmem:s15+$0x20] =	vst v11;
	v11 =	vpop (erf)  }
0x43c: {  	v6 =	vmul.f32 v11, v6  }
0x43d: {  	(erf) = vrcp.f32 v14  }
0x43e: {  	v20 =	vld [tilespmem:s15+$0x30]  }
0x43f: {  	v26 =	vld [tilespmem:s2+$0x30];
	v11 =	vpop (erf)  }
0x440: {  	v12 =	vld [tilespmem:s15+$0xFFFFFFB0];
	v24 =	vmul.f32 v11, v24;
	[tilespmem:s15+$0xFFFFFFA0] =	vst v6;
	v6 =	vpop (erf)  }
0x441: {  	v27 =	vld [tilespmem:s2+$0xFFFFFFB0];
	v16 =	vmul.f32 v6, v16;
	v6 =	vpop (erf)  }
0x442: {  	[tilespmem:s19+$0x10] =	vst v24;
	v24 =	vld [tilespmem:s19+$0x20];
	v22 =	vmul.f32 v6, v22  }
0x443: {  	v28 =	vld [tilespmem:s3+$0x20]  }
0x444: {  	v26 =	vadd.f32 v26, v20  }
0x445: {  	v19 =	vld [tilespmem:s19+$0xFFFFFFA0];
	[tilespmem:s19+$0xFFFFFF90] =	vst v16  }
0x446: {  	v29 =	vsub.f32 $0.0e+00, v26;
	v16 =	vld [tilespmem:s3+$0xFFFFFFA0];
	[tilespmem:s20+$0x0] =	vst v22;
	v22 =	vpop (erf)  }
0x447: {  	v12 =	vadd.f32 v27, v12;
	v27 =	vld [tilespmem:s20+$0x10];
	v22 =	vmul.f32 v22, v23  }
0x448: {  	v29 =	vmul.f32 $1.442695020e+00, v29;
	v24 =	vadd.f32 v28, v24;
	v23 =	vld [tilespmem:s1+$0x10]  }
0x449: {  	v25 =	vld [tilespmem:s20+$0xFFFFFF90];
	v28 =	vsub.f32 $0.0e+00, v12;
	[tilespmem:s20+$0xFFFFFF80] =	vst v22  }
0x44a: {  	(erf) = vpow2.f32 v29;
	v22 =	vsub.f32 $0.0e+00, v24;
	v29 =	vld [tilespmem:s1+$0xFFFFFF90]  }
0x44b: {  	v28 =	vmul.f32 $1.442695020e+00, v28;
	v16 =	vadd.f32 v16, v19  }
0x44c: {  	s24 =	simm.s32 $0x10480;
	v19 =	vmul.f32 $1.442695020e+00, v22  }
0x44d: {  	s7 =	simm.s32 $0x13480;
	v30 =	vld [tilespmem:s24+$0x0];
	(erf) = vpow2.f32 v28;
	v27 =	vadd.f32 v23, v27;
	v23 =	vsub.f32 $0.0e+00, v16  }
0x44e: {  	v22 =	vld [tilespmem:s7+$0x0];
	(erf) = vpow2.f32 v19  }
0x44f: {  	v23 =	vmul.f32 $1.442695020e+00, v23;
	v25 =	vadd.f32 v29, v25  }
0x450: {  	v28 =	vld [tilespmem:s7+$0xFFFFFF80];
	v19 =	vsub.f32 $0.0e+00, v27  }
0x451: {  	v29 =	vld [tilespmem:s24+$0xFFFFFF80];
	(erf) = vpow2.f32 v23;
	v23 =	vsub.f32 $0.0e+00, v25  }
0x452: {  	v19 =	vmul.f32 $1.442695020e+00, v19  }
0x453: {  	v22 =	vadd.f32 v22, v30;
	v30 =	vpop (erf);
	v23 =	vmul.f32 $1.442695020e+00, v23  }
0x454: {  	v30 =	vadd.f32 $1.000000000e+00, v30;
	(erf) = vpow2.f32 v19  }
0x455: {  	v19 =	vsub.f32 $0.0e+00, v22  }
0x456: {  	(erf) = vrcp.f32 v30;
	v28 =	vadd.f32 v28, v29;
	v29 =	vpop (erf)  }
0x457: {  	v10 =	vld [tilespmem:s15+$0xFFFFFFD0];
	v19 =	vmul.f32 $1.442695020e+00, v19;
	(erf) = vpow2.f32 v23;
	v23 =	vpop (erf)  }
0x458: {  	v13 =	vld [tilespmem:s15+$0xFFFFFFE0];
	v23 =	vadd.f32 $1.000000000e+00, v23  }
0x459: {  	v9 =	vld [tilespmem:s15+$0xFFFFFFF0];
	v29 =	vadd.f32 $1.000000000e+00, v29;
	(erf) = vpow2.f32 v19;
	v19 =	vsub.f32 $0.0e+00, v28  }
0x45a: {  	v31 =	vld [tilespmem:s24+$0xFFFFFF90]  }
0x45b: {  	v34 =	vld [tilespmem:s20+$0x20];
	(erf) = vrcp.f32 v29;
	v19 =	vmul.f32 $1.442695020e+00, v19  }
0x45c: {  	v4 =	vld [tilespmem:s15+$0xFFFFFFC0];
	(erf) = vrcp.f32 v23;
	v23 =	vpop (erf)  }
0x45d: {  	v8 =	vld [tilespmem:s19+$0xFFFFFFB0];
	(erf) = vpow2.f32 v19;
	v19 =	vadd.f32 $1.000000000e+00, v23;
	v23 =	vpop (erf)  }
0x45e: {  	v5 =	vld [tilespmem:s19+$0xFFFFFFC0];
	v23 =	vadd.f32 $1.000000000e+00, v23  }
0x45f: {  	v7 =	vld [tilespmem:s19+$0xFFFFFFD0];
	v29 =	vpop (erf);
	(erf) = vrcp.f32 v19  }
0x460: {  	v15 =	vld [tilespmem:s19+$0xFFFFFFE0];
	(erf) = vrcp.f32 v23  }
0x461: {  	v18 =	vld [tilespmem:s19+$0xFFFFFFF0]  }
0x462: {  	v21 =	vld [tilespmem:s20+$0xFFFFFFA0];
	v19 =	vmul.f32 v29, v26;
	v26 =	vpop (erf)  }
0x463: {  	v17 =	vld [tilespmem:s20+$0xFFFFFFC0];
	v23 =	vadd.f32 $1.000000000e+00, v26  }
0x464: {  	v14 =	vld [tilespmem:s20+$0xFFFFFFB0];
	v26 =	vpop (erf)  }
0x465: {  	v29 =	vld [tilespmem:s15+$0x40];
	[tilespmem:s15+$0x30] =	vst v19;
	v19 =	vadd.f32 $1.000000000e+00, v26;
	v30 =	vpop (erf);
	(erf) = vrcp.f32 v23  }
0x466: {  	v26 =	vld [tilespmem:s2+$0x40];
	v32 =	vpop (erf)  }
0x467: {  	v11 =	vld [tilespmem:s20+$0xFFFFFFD0];
	(erf) = vrcp.f32 v19;
	v33 =	vpop (erf)  }
0x468: {  	v20 =	vld [tilespmem:s20+$0xFFFFFFE0];
	v12 =	vmul.f32 v30, v12;
	v33 =	vadd.f32 $1.000000000e+00, v33;
	v44 =	vpop (erf)  }
0x469: {  	v6 =	vld [tilespmem:s20+$0xFFFFFFF0];
	v32 =	vmul.f32 v32, v24;
	v46 =	vpop (erf)  }
0x46a: {  	v23 =	vld [tilespmem:s24+$0xFFFFFFA0];
	[tilespmem:s15+$0xFFFFFFB0] =	vst v12;
	(erf) = vrcp.f32 v33;
	v12 =	vmul.f32 v46, v27  }
0x46b: {  	v30 =	vld [tilespmem:s19+$0x30];
	[tilespmem:s19+$0x20] =	vst v32;
	v26 =	vadd.f32 v26, v29;
	v29 =	vmul.f32 v44, v16  }
0x46c: {  	v45 =	vld [tilespmem:s3+$0x30]  }
0x46d: {  	v19 =	vld [tilespmem:s24+$0xFFFFFFC0];
	v27 =	vsub.f32 $0.0e+00, v26;
	[tilespmem:s19+$0xFFFFFFA0] =	vst v29  }
0x46e: {  	v29 =	vld [tilespmem:s3+$0xFFFFFFB0];
	[tilespmem:s20+$0x10] =	vst v12;
	v12 =	vpop (erf)  }
0x46f: {  	v47 =	vld [tilespmem:s2+$0xFFFFFFC0];
	v27 =	vmul.f32 $1.442695020e+00, v27;
	v25 =	vmul.f32 v12, v25  }
0x470: {  	v35 =	vld [tilespmem:s1+$0x20];
	v12 =	vpop (erf)  }
0x471: {  	v24 =	vld [tilespmem:s24+$0xFFFFFFB0];
	v30 =	vadd.f32 v45, v30;
	(erf) = vpow2.f32 v27;
	v22 =	vmul.f32 v12, v22;
	[tilespmem:s20+$0xFFFFFF90] =	vst v25  }
0x472: {  	v27 =	vld [tilespmem:s1+$0xFFFFFFA0]  }
0x473: {  	v25 =	vsub.f32 $0.0e+00, v30;
	v8 =	vadd.f32 v29, v8;
	v48 =	vpop (erf);
	[tilespmem:s24+$0x0] =	vst v22;
	v22 =	vld [tilespmem:s24+$0x10]  }
0x474: {  	v29 =	vadd.f32 v47, v4;
	v28 =	vmul.f32 v48, v28;
	v49 =	vld [tilespmem:s7+$0x10]  }
0x475: {  	v16 =	vld [tilespmem:s24+$0xFFFFFFD0];
	v50 =	vadd.f32 v35, v34;
	v25 =	vmul.f32 $1.442695020e+00, v25;
	v51 =	vsub.f32 $0.0e+00, v8  }
0x476: {  	v12 =	vld [tilespmem:s24+$0xFFFFFFE0];
	v52 =	vsub.f32 $0.0e+00, v29  }
0x477: {  	v4 =	vld [tilespmem:s24+$0xFFFFFFF0];
	(erf) = vpow2.f32 v25;
	[tilespmem:s24+$0xFFFFFF80] =	vst v28;
	v25 =	vsub.f32 $0.0e+00, v50;
	v28 =	vmul.f32 $1.442695020e+00, v51  }
0x478: {  	s25 =	simm.s32 $0x10580;
	v53 =	vmul.f32 $1.442695020e+00, v52;
	v54 =	vld [tilespmem:s7+$0xFFFFFF90];
	v36 =	vadd.f32 v27, v21  }
0x479: {  	s22 =	simm.s32 $0x13580;
	v21 =	vld [tilespmem:s25+$0x0];
	v25 =	vmul.f32 $1.442695020e+00, v25;
	(erf) = vpow2.f32 v28;
	v28 =	vadd.f32 v49, v22  }
0x47a: {  	v27 =	vld [tilespmem:s22+$0x0];
	v22 =	vpop (erf);
	(erf) = vpow2.f32 v53;
	v55 =	vsub.f32 $0.0e+00, v36  }
0x47b: {  	v22 =	vadd.f32 $1.000000000e+00, v22;
	(erf) = vpow2.f32 v25;
	v25 =	vsub.f32 $0.0e+00, v28  }
0x47c: {  	v33 =	vmul.f32 $1.442695020e+00, v55  }
0x47d: {  	v56 =	vld [tilespmem:s22+$0xFFFFFF80];
	(erf) = vrcp.f32 v22;
	v31 =	vadd.f32 v54, v31;
	v22 =	vmul.f32 $1.442695020e+00, v25  }
0x47e: {  	v37 =	vld [tilespmem:s25+$0xFFFFFF80];
	(erf) = vpow2.f32 v33  }
0x47f: {  	v57 =	vadd.f32 v27, v21;
	(erf) = vpow2.f32 v22;
	v22 =	vsub.f32 $0.0e+00, v31  }
0x480: {  	v21 =	vpop (erf)  }
0x481: {  	v25 =	vsub.f32 $0.0e+00, v57;
	v21 =	vadd.f32 $1.000000000e+00, v21;
	v22 =	vmul.f32 $1.442695020e+00, v22;
	_ =	sdelay $0x1  }
0x482: {  	v34 =	vadd.f32 v56, v37;
	v27 =	vpop (erf);
	v25 =	vmul.f32 $1.442695020e+00, v25;
	(erf) = vrcp.f32 v21  }
0x483: {  	v58 =	vpop (erf);
	v27 =	vadd.f32 $1.000000000e+00, v27;
	(erf) = vpow2.f32 v22  }
0x484: {  	v21 =	vsub.f32 $0.0e+00, v34;
	v22 =	vpop (erf)  }
0x485: {  	(erf) = vpow2.f32 v25;
	v22 =	vadd.f32 $1.000000000e+00, v22  }
0x486: {  	v21 =	vmul.f32 $1.442695020e+00, v21;
	(erf) = vrcp.f32 v27;
	v25 =	vpop (erf)  }
0x487: {  	v25 =	vmul.f32 v25, v26;
	v26 =	vadd.f32 $1.000000000e+00, v58;
	v27 =	vpop (erf);
	(erf) = vrcp.f32 v22  }
0x488: {  	(erf) = vpow2.f32 v21;
	v21 =	vadd.f32 $1.000000000e+00, v27  }
0x489: {  	[tilespmem:s15+$0x40] =	vst v25;
	v25 =	vld [tilespmem:s15+$0x50];
	v22 =	vpop (erf);
	(erf) = vrcp.f32 v26  }
0x48a: {  	v22 =	vadd.f32 $1.000000000e+00, v22;
	(erf) = vrcp.f32 v21;
	v21 =	vld [tilespmem:s2+$0x50]  }
0x48b: {  	v26 =	vpop (erf)  }
0x48c: {  	(erf) = vrcp.f32 v22;
	v22 =	vmul.f32 v26, v30;
	v26 =	vpop (erf)  }
0x48d: {  	v26 =	vadd.f32 $1.000000000e+00, v26  }
0x48e: {  	v27 =	vpop (erf)  }
0x48f: {  	v59 =	vld [tilespmem:s19+$0x40];
	[tilespmem:s19+$0x30] =	vst v22;
	v60 =	vpop (erf);
	v38 =	vadd.f32 v21, v25  }
0x490: {  	v22 =	vadd.f32 $1.000000000e+00, v27;
	(erf) = vrcp.f32 v26;
	v25 =	vld [tilespmem:s3+$0x40];
	v21 =	vpop (erf)  }
0x491: {  	v26 =	vpop (erf);
	v39 =	vsub.f32 $0.0e+00, v38  }
0x492: {  	(erf) = vrcp.f32 v22;
	v32 =	vmul.f32 v21, v50;
	v26 =	vadd.f32 $1.000000000e+00, v26  }
0x493: {  	v63 =	vld [tilespmem:s20+$0x30];
	v8 =	vmul.f32 v60, v8;
	v40 =	vpop (erf);
	v62 =	vmul.f32 $1.442695020e+00, v39  }
0x494: {  	v46 =	vld [tilespmem:s24+$0x20];
	[tilespmem:s20+$0x20] =	vst v32;
	v61 =	vpop (erf);
	v29 =	vmul.f32 v40, v29;
	(erf) = vrcp.f32 v26  }
0x495: {  	[tilespmem:s19+$0xFFFFFFB0] =	vst v8;
	v26 =	vmul.f32 v61, v36;
	v8 =	vld [tilespmem:s1+$0x30];
	v35 =	vadd.f32 v25, v59;
	v44 =	vpop (erf)  }
0x496: {  	(erf) = vpow2.f32 v62;
	[tilespmem:s15+$0xFFFFFFC0] =	vst v29;
	v25 =	vmul.f32 v44, v28;
	v28 =	vld [tilespmem:s3+$0xFFFFFFC0]  }
0x497: {  	[tilespmem:s20+$0xFFFFFFA0] =	vst v26;
	v26 =	vsub.f32 $0.0e+00, v35;
	v49 =	vld [tilespmem:s2+$0xFFFFFFD0]  }
0x498: {  	v45 =	vld [tilespmem:s1+$0xFFFFFFB0];
	[tilespmem:s24+$0x10] =	vst v25  }
0x499: {  	v47 =	vpop (erf);
	v26 =	vmul.f32 $1.442695020e+00, v26;
	v48 =	vld [tilespmem:s7+$0x20]  }
0x49a: {  	v29 =	vmul.f32 v47, v31;
	v31 =	vadd.f32 v8, v63  }
0x49b: {  	v8 =	vpop (erf);
	(erf) = vpow2.f32 v26  }
0x49c: {  	v26 =	vmul.f32 v8, v57;
	[tilespmem:s24+$0xFFFFFF90] =	vst v29;
	v29 =	vsub.f32 $0.0e+00, v31;
	v28 =	vadd.f32 v28, v5  }
0x49d: {  	v10 =	vadd.f32 v49, v10;
	v50 =	vld [tilespmem:s7+$0xFFFFFFA0];
	v32 =	vadd.f32 v45, v14;
	v14 =	vpop (erf)  }
0x49e: {  	[tilespmem:s25+$0x0] =	vst v26;
	v26 =	vld [tilespmem:s25+$0x10];
	v29 =	vmul.f32 $1.442695020e+00, v29;
	v36 =	vadd.f32 v48, v46;
	v14 =	vmul.f32 v14, v34  }
0x49f: {  	v51 =	vld [tilespmem:s22+$0x10];
	v54 =	vsub.f32 $0.0e+00, v28;
	v5 =	vpop (erf);
	v52 =	vsub.f32 $0.0e+00, v32  }
0x4a0: {  	v30 =	vld [tilespmem:s25+$0xFFFFFF90];
	v53 =	vadd.f32 $1.000000000e+00, v5;
	(erf) = vpow2.f32 v29;
	[tilespmem:s25+$0xFFFFFF80] =	vst v14;
	v14 =	vsub.f32 $0.0e+00, v36  }
0x4a1: {  	s8 =	simm.s32 $0x13680;
	v55 =	vsub.f32 $0.0e+00, v10;
	v37 =	vmul.f32 $1.442695020e+00, v54;
	v29 =	vmul.f32 $1.442695020e+00, v52;
	v56 =	vld [tilespmem:s22+$0xFFFFFF90]  }
0x4a2: {  	s21 =	simm.s32 $0x10680;
	v57 =	vld [tilespmem:s8+$0x0];
	(erf) = vrcp.f32 v53;
	v33 =	vadd.f32 v50, v23;
	v14 =	vmul.f32 $1.442695020e+00, v14  }
0x4a3: {  	v23 =	vld [tilespmem:s21+$0x0];
	(erf) = vpow2.f32 v29;
	v29 =	vmul.f32 $1.442695020e+00, v55  }
0x4a4: {  	v34 =	vadd.f32 v51, v26;
	(erf) = vpow2.f32 v37;
	v26 =	vpop (erf);
	v58 =	vsub.f32 $0.0e+00, v33  }
0x4a5: {  	(erf) = vpow2.f32 v14;
	v14 =	vadd.f32 $1.000000000e+00, v26  }
0x4a6: {  	v26 =	vld [tilespmem:s8+$0xFFFFFF80];
	(erf) = vpow2.f32 v29;
	v37 =	vmul.f32 $1.442695020e+00, v58;
	v30 =	vadd.f32 v56, v30  }
0x4a7: {  	v41 =	vsub.f32 $0.0e+00, v34;
	v29 =	vld [tilespmem:s21+$0xFFFFFF80];
	(erf) = vrcp.f32 v14  }
0x4a8: {  	(erf) = vpow2.f32 v37;
	v37 =	vadd.f32 v57, v23;
	v23 =	vsub.f32 $0.0e+00, v30  }
0x4a9: {  	v14 =	vmul.f32 $1.442695020e+00, v41  }
0x4aa: {  	v59 =	vpop (erf);
	v23 =	vmul.f32 $1.442695020e+00, v23  }
0x4ab: {  	(erf) = vpow2.f32 v14;
	v14 =	vadd.f32 $1.000000000e+00, v59;
	v60 =	vpop (erf)  }
0x4ac: {  	v61 =	vsub.f32 $0.0e+00, v37;
	v39 =	vadd.f32 v26, v29;
	v26 =	vpop (erf)  }
0x4ad: {  	v38 =	vmul.f32 v60, v38;
	(erf) = vrcp.f32 v14;
	v26 =	vadd.f32 $1.000000000e+00, v26  }
0x4ae: {  	v14 =	vmul.f32 $1.442695020e+00, v61;
	(erf) = vpow2.f32 v23;
	v29 =	vsub.f32 $0.0e+00, v39;
	v23 =	vpop (erf)  }
0x4af: {  	v62 =	vpop (erf)  }
0x4b0: {  	v63 =	vld [tilespmem:s15+$0x60];
	[tilespmem:s15+$0x50] =	vst v38;
	(erf) = vpow2.f32 v14;
	v29 =	vmul.f32 $1.442695020e+00, v29;
	v14 =	vadd.f32 $1.000000000e+00, v62;
	v45 =	vpop (erf)  }
0x4b1: {  	v44 =	vld [tilespmem:s2+$0x60];
	(erf) = vrcp.f32 v26;
	v26 =	vpop (erf)  }
0x4b2: {  	(erf) = vrcp.f32 v14;
	v14 =	vmul.f32 v26, v35;
	v26 =	vpop (erf)  }
0x4b3: {  	v23 =	vadd.f32 $1.000000000e+00, v23;
	v26 =	vadd.f32 $1.000000000e+00, v26  }
0x4b4: {  	(erf) = vpow2.f32 v29;
	v29 =	vpop (erf)  }
0x4b5: {  	(erf) = vrcp.f32 v23;
	v23 =	vadd.f32 $1.000000000e+00, v29  }
0x4b6: {  	v35 =	vadd.f32 v44, v63;
	[tilespmem:s19+$0x40] =	vst v14;
	v14 =	vld [tilespmem:s19+$0x50];
	v29 =	vadd.f32 $1.000000000e+00, v45;
	(erf) = vrcp.f32 v26  }
0x4b7: {  	v46 =	vld [tilespmem:s3+$0x50];
	v26 =	vpop (erf);
	(erf) = vrcp.f32 v23  }
0x4b8: {  	v23 =	vmul.f32 v26, v31;
	v31 =	vsub.f32 $0.0e+00, v35  }
0x4b9: {  	v47 =	vpop (erf)  }
0x4ba: {  	(erf) = vrcp.f32 v29;
	v40 =	vadd.f32 $1.000000000e+00, v47;
	v29 =	vpop (erf);
	[tilespmem:s20+$0x30] =	vst v23;
	v23 =	vmul.f32 $1.442695020e+00, v31;
	v31 =	vld [tilespmem:s20+$0x40]  }
0x4bb: {  	v48 =	vpop (erf);
	v42 =	vld [tilespmem:s1+$0x40]  }
0x4bc: {  	v38 =	vadd.f32 v46, v14;
	(erf) = vrcp.f32 v40;
	v14 =	vpop (erf)  }
0x4bd: {  	v29 =	vadd.f32 $1.000000000e+00, v29;
	(erf) = vpow2.f32 v23;
	v43 =	vpop (erf)  }
0x4be: {  	v36 =	vmul.f32 v14, v36;
	v44 =	vsub.f32 $0.0e+00, v38;
	v50 =	vpop (erf)  }
0x4bf: {  	(erf) = vrcp.f32 v29;
	v49 =	vadd.f32 $1.000000000e+00, v43;
	v45 =	vpop (erf);
	v28 =	vmul.f32 v50, v28  }
0x4c0: {  	v32 =	vmul.f32 v48, v32;
	[tilespmem:s24+$0x20] =	vst v36;
	v52 =	vmul.f32 $1.442695020e+00, v44;
	v40 =	vadd.f32 v42, v31;
	v31 =	vpop (erf)  }
0x4c1: {  	v51 =	vld [tilespmem:s24+$0x30];
	(erf) = vrcp.f32 v49;
	[tilespmem:s19+$0xFFFFFFC0] =	vst v28;
	v28 =	vmul.f32 v31, v34  }
0x4c2: {  	[tilespmem:s20+$0xFFFFFFB0] =	vst v32;
	v53 =	vmul.f32 v45, v33;
	v54 =	vld [tilespmem:s7+$0x30]  }
0x4c3: {  	v55 =	vld [tilespmem:s1+$0xFFFFFFC0];
	(erf) = vpow2.f32 v52  }
0x4c4: {  	[tilespmem:s24+$0xFFFFFFA0] =	vst v53;
	v56 =	vld [tilespmem:s3+$0xFFFFFFD0];
	v57 =	vpop (erf);
	v31 =	vsub.f32 $0.0e+00, v40  }
0x4c5: {  	v58 =	vld [tilespmem:s7+$0xFFFFFFB0];
	[tilespmem:s25+$0x10] =	vst v28;
	v28 =	vpop (erf)  }
0x4c6: {  	v59 =	vld [tilespmem:s25+$0x20];
	v31 =	vmul.f32 $1.442695020e+00, v31;
	v28 =	vmul.f32 v28, v30;
	v30 =	vpop (erf)  }
0x4c7: {  	v34 =	vmul.f32 v57, v10;
	v60 =	vld [tilespmem:s22+$0x20];
	v33 =	vadd.f32 v54, v51;
	v30 =	vadd.f32 $1.000000000e+00, v30  }
0x4c8: {  	v27 =	vld [tilespmem:s25+$0xFFFFFFA0];
	v17 =	vadd.f32 v55, v17;
	(erf) = vpow2.f32 v31;
	v61 =	vpop (erf)  }
0x4c9: {  	v41 =	vld [tilespmem:s21+$0xFFFFFF90];
	[tilespmem:s15+$0xFFFFFFD0] =	vst v34;
	v62 =	vsub.f32 $0.0e+00, v33;
	v31 =	vmul.f32 v61, v37;
	(erf) = vrcp.f32 v30  }
0x4ca: {  	v48 =	vld [tilespmem:s21+$0x10];
	v24 =	vadd.f32 v58, v24;
	[tilespmem:s25+$0xFFFFFF90] =	vst v28;
	v28 =	vadd.f32 v56, v7;
	v7 =	vpop (erf)  }
0x4cb: {  	v63 =	vld [tilespmem:s22+$0xFFFFFFA0];
	v39 =	vmul.f32 v7, v39;
	[tilespmem:s21+$0x0] =	vst v31;
	v31 =	vsub.f32 $0.0e+00, v17  }
0x4cc: {  	v34 =	vmul.f32 $1.442695020e+00, v62;
	v30 =	vld [tilespmem:s2+$0xFFFFFFE0];
	v43 =	vadd.f32 v60, v59;
	v51 =	vsub.f32 $0.0e+00, v24;
	v52 =	vpop (erf)  }
0x4cd: {  	v53 =	vadd.f32 $1.000000000e+00, v52;
	v50 =	vld [tilespmem:s8+$0x10];
	[tilespmem:s21+$0xFFFFFF80] =	vst v39;
	v31 =	vmul.f32 $1.442695020e+00, v31  }
0x4ce: {  	(erf) = vpow2.f32 v34;
	v54 =	vsub.f32 $0.0e+00, v43;
	v44 =	vmul.f32 $1.442695020e+00, v51;
	v55 =	vld [tilespmem:s8+$0xFFFFFF90]  }
0x4cf: {  	v49 =	vsub.f32 $0.0e+00, v28;
	(erf) = vrcp.f32 v53  }
0x4d0: {  	s9 =	simm.s32 $0x10780;
	v57 =	vmul.f32 $1.442695020e+00, v54;
	(erf) = vpow2.f32 v44;
	v45 =	vadd.f32 v63, v27  }
0x4d1: {  	s5 =	simm.s32 $0x13780;
	v56 =	vld [tilespmem:s9+$0x0];
	v27 =	vmul.f32 $1.442695020e+00, v49;
	v30 =	vadd.f32 v30, v13;
	(erf) = vpow2.f32 v31;
	v31 =	vpop (erf)  }
0x4d2: {  	v13 =	vld [tilespmem:s5+$0x0];
	(erf) = vpow2.f32 v57;
	v58 =	vsub.f32 $0.0e+00, v45;
	v36 =	vadd.f32 v50, v48;
	v60 =	vpop (erf)  }
0x4d3: {  	v61 =	vld [tilespmem:s5+$0xFFFFFF80];
	(erf) = vpow2.f32 v27;
	v39 =	vadd.f32 v55, v41;
	v27 =	vmul.f32 v60, v35  }
0x4d4: {  	v63 =	vld [tilespmem:s9+$0xFFFFFF80];
	v31 =	vadd.f32 $1.000000000e+00, v31;
	v62 =	vsub.f32 $0.0e+00, v36  }
0x4d5: {  	v59 =	vmul.f32 $1.442695020e+00, v58;
	[tilespmem:s15+$0x60] =	vst v27;
	v27 =	vsub.f32 $0.0e+00, v39  }
0x4d6: {  	(erf) = vrcp.f32 v31;
	v46 =	vmul.f32 $1.442695020e+00, v62  }
0x4d7: {  	v48 =	vld [tilespmem:s15+$0x70];
	v13 =	vadd.f32 v13, v56;
	v47 =	vpop (erf);
	(erf) = vpow2.f32 v59;
	v27 =	vmul.f32 $1.442695020e+00, v27  }
0x4d8: {  	v31 =	vsub.f32 $0.0e+00, v30;
	v49 =	vadd.f32 $1.000000000e+00, v47;
	v50 =	vld [tilespmem:s2+$0x70]  }
0x4d9: {  	v35 =	vadd.f32 v61, v63;
	v51 =	vsub.f32 $0.0e+00, v13;
	v52 =	vpop (erf);
	(erf) = vpow2.f32 v46  }
0x4da: {  	v31 =	vmul.f32 $1.442695020e+00, v31;
	v53 =	vpop (erf);
	(erf) = vrcp.f32 v49  }
0x4db: {  	v56 =	vsub.f32 $0.0e+00, v35;
	v55 =	vmul.f32 $1.442695020e+00, v51;
	(erf) = vpow2.f32 v27;
	v27 =	vpop (erf)  }
0x4dc: {  	v54 =	vmul.f32 v52, v38;
	v42 =	vadd.f32 $1.000000000e+00, v53;
	v57 =	vpop (erf);
	(erf) = vpow2.f32 v31  }
0x4dd: {  	v31 =	vadd.f32 v50, v48;
	(erf) = vpow2.f32 v55;
	v59 =	vadd.f32 $1.000000000e+00, v57  }
0x4de: {  	v58 =	vld [tilespmem:s19+$0x60];
	v62 =	vmul.f32 $1.442695020e+00, v56;
	[tilespmem:s19+$0x50] =	vst v54;
	v60 =	vpop (erf);
	(erf) = vrcp.f32 v42  }
0x4df: {  	v61 =	vld [tilespmem:s3+$0x60];
	v27 =	vadd.f32 $1.000000000e+00, v27;
	v63 =	vpop (erf);
	v48 =	vsub.f32 $0.0e+00, v31;
	(erf) = vrcp.f32 v59  }
0x4e0: {  	v46 =	vpop (erf);
	v47 =	vmul.f32 v63, v40;
	(erf) = vpow2.f32 v62  }
0x4e1: {  	(erf) = vrcp.f32 v27;
	v27 =	vmul.f32 $1.442695020e+00, v48  }
0x4e2: {  	v49 =	vadd.f32 $1.000000000e+00, v46  }
0x4e3: {  	v51 =	vld [tilespmem:s20+$0x50];
	v50 =	vpop (erf);
	[tilespmem:s20+$0x40] =	vst v47  }
0x4e4: {  	v41 =	vadd.f32 v61, v58;
	v52 =	vadd.f32 $1.000000000e+00, v50;
	v54 =	vpop (erf);
	(erf) = vrcp.f32 v49;
	v53 =	vld [tilespmem:s1+$0x50]  }
0x4e5: {  	v55 =	vadd.f32 $1.000000000e+00, v60;
	(erf) = vpow2.f32 v27;
	v27 =	vpop (erf)  }
0x4e6: {  	v56 =	vsub.f32 $0.0e+00, v41;
	(erf) = vrcp.f32 v52;
	v27 =	vadd.f32 $1.000000000e+00, v27  }
0x4e7: {  	v22 =	vld [tilespmem:s25+$0xFFFFFFC0];
	v32 =	vmul.f32 v54, v33;
	v57 =	vpop (erf)  }
0x4e8: {  	v21 =	vld [tilespmem:s25+$0xFFFFFFB0];
	v59 =	vmul.f32 $1.442695020e+00, v56;
	(erf) = vrcp.f32 v55;
	v58 =	vpop (erf)  }
0x4e9: {  	v61 =	vld [tilespmem:s24+$0x40];
	[tilespmem:s24+$0x30] =	vst v32;
	v46 =	vadd.f32 v53, v51;
	v60 =	vpop (erf);
	(erf) = vrcp.f32 v27  }
0x4ea: {  	v63 =	vld [tilespmem:s7+$0x40];
	v42 =	vadd.f32 $1.000000000e+00, v58;
	(erf) = vpow2.f32 v59;
	v27 =	vpop (erf)  }
0x4eb: {  	v25 =	vld [tilespmem:s25+$0xFFFFFFD0];
	v62 =	vadd.f32 $1.000000000e+00, v57;
	v49 =	vsub.f32 $0.0e+00, v46;
	v24 =	vmul.f32 v60, v24;
	v48 =	vpop (erf)  }
0x4ec: {  	v8 =	vld [tilespmem:s25+$0xFFFFFFE0];
	(erf) = vrcp.f32 v42;
	v43 =	vmul.f32 v27, v43;
	v47 =	vpop (erf);
	v50 =	vadd.f32 $1.000000000e+00, v48  }
0x4ed: {  	v5 =	vld [tilespmem:s25+$0xFFFFFFF0];
	(erf) = vrcp.f32 v62;
	v42 =	vmul.f32 $1.442695020e+00, v49;
	v51 =	vpop (erf)  }
0x4ee: {  	v52 =	vld [tilespmem:s25+$0x30];
	[tilespmem:s25+$0x20] =	vst v43;
	v17 =	vmul.f32 v47, v17;
	v53 =	vpop (erf);
	(erf) = vrcp.f32 v50  }
0x4ef: {  	[tilespmem:s24+$0xFFFFFFB0] =	vst v24;
	v24 =	vmul.f32 v51, v45;
	v54 =	vld [tilespmem:s22+$0x30];
	v45 =	vadd.f32 v63, v61;
	v55 =	vpop (erf)  }
0x4f0: {  	v56 =	vld [tilespmem:s7+$0xFFFFFFC0];
	[tilespmem:s20+$0xFFFFFFC0] =	vst v17;
	(erf) = vpow2.f32 v42;
	v17 =	vmul.f32 v55, v36  }
0x4f1: {  	v60 =	vld [tilespmem:s21+$0x20];
	[tilespmem:s25+$0xFFFFFFA0] =	vst v24;
	v24 =	vsub.f32 $0.0e+00, v45;
	v58 =	vpop (erf)  }
0x4f2: {  	v59 =	vld [tilespmem:s22+$0xFFFFFFB0];
	v61 =	vpop (erf);
	[tilespmem:s21+$0x10] =	vst v17;
	v17 =	vadd.f32 $1.000000000e+00, v53  }
0x4f3: {  	v57 =	vld [tilespmem:s1+$0xFFFFFFD0];
	v62 =	vmul.f32 $1.442695020e+00, v24;
	v39 =	vmul.f32 v61, v39;
	v48 =	vpop (erf)  }
0x4f4: {  	v63 =	vld [tilespmem:s8+$0x20];
	v40 =	vadd.f32 v54, v52;
	v48 =	vadd.f32 $1.000000000e+00, v48;
	(erf) = vrcp.f32 v17  }
0x4f5: {  	v26 =	vld [tilespmem:s21+$0xFFFFFFA0];
	v28 =	vmul.f32 v58, v28;
	v36 =	vadd.f32 v56, v19;
	v52 =	vpop (erf);
	[tilespmem:s21+$0xFFFFFF90] =	vst v39;
	(erf) = vpow2.f32 v62  }
0x4f6: {  	v33 =	vmul.f32 v52, v13;
	v54 =	vpop (erf);
	v53 =	vsub.f32 $0.0e+00, v40;
	v49 =	vld [tilespmem:s8+$0xFFFFFFA0];
	(erf) = vrcp.f32 v48  }
0x4f7: {  	[tilespmem:s19+$0xFFFFFFD0] =	vst v28;
	v28 =	vsub.f32 $0.0e+00, v36;
	v37 =	vadd.f32 v59, v21;
	v21 =	vpop (erf)  }
0x4f8: {  	v55 =	vld [tilespmem:s9+$0x10];
	[tilespmem:s9+$0x0] =	vst v33;
	v33 =	vadd.f32 v57, v11;
	v56 =	vmul.f32 $1.442695020e+00, v53;
	v21 =	vmul.f32 v21, v35  }
0x4f9: {  	v57 =	vld [tilespmem:s5+$0x10];
	v19 =	vadd.f32 v63, v60;
	v11 =	vpop (erf);
	v58 =	vsub.f32 $0.0e+00, v37  }
0x4fa: {  	v44 =	vld [tilespmem:s9+$0xFFFFFF90];
	v28 =	vmul.f32 $1.442695020e+00, v28;
	v59 =	vadd.f32 $1.000000000e+00, v11;
	(erf) = vpow2.f32 v56;
	[tilespmem:s9+$0xFFFFFF80] =	vst v21  }
0x4fb: {  	v42 =	vsub.f32 $0.0e+00, v19;
	v21 =	vmul.f32 $1.442695020e+00, v58;
	v38 =	vadd.f32 v49, v26;
	v61 =	vld [tilespmem:s5+$0xFFFFFF90]  }
0x4fc: {  	s17 =	simm.s32 $0x10880;
	v26 =	vsub.f32 $0.0e+00, v33;
	(erf) = vrcp.f32 v59  }
0x4fd: {  	v62 =	vld [tilespmem:s17+$0x0];
	v42 =	vmul.f32 $1.442695020e+00, v42;
	(erf) = vpow2.f32 v21;
	v21 =	vsub.f32 $0.0e+00, v38;
	v34 =	vpop (erf)  }
0x4fe: {  	s0 =	simm.s32 $0x13880;
	v60 =	vld [tilespmem:s3+$0xFFFFFFE0];
	v26 =	vmul.f32 $1.442695020e+00, v26;
	v48 =	vadd.f32 v57, v55;
	(erf) = vpow2.f32 v28;
	v28 =	vpop (erf)  }
0x4ff: {  	v63 =	vld [tilespmem:s0+$0x0];
	(erf) = vpow2.f32 v42;
	v21 =	vmul.f32 $1.442695020e+00, v21;
	v28 =	vadd.f32 $1.000000000e+00, v28;
	v52 =	vpop (erf)  }
0x500: {  	(erf) = vpow2.f32 v26;
	v26 =	vmul.f32 v52, v41;
	v39 =	vadd.f32 v61, v44  }
0x501: {  	v30 =	vmul.f32 v54, v30;
	v50 =	vsub.f32 $0.0e+00, v48;
	(erf) = vrcp.f32 v28  }
0x502: {  	v53 =	vld [tilespmem:s0+$0xFFFFFF80];
	(erf) = vpow2.f32 v21;
	v21 =	vsub.f32 $0.0e+00, v39  }
0x503: {  	[tilespmem:s15+$0xFFFFFFE0] =	vst v30;
	v30 =	vld [tilespmem:s17+$0xFFFFFF80];
	v28 =	vadd.f32 v60, v15;
	v15 =	vmul.f32 $1.442695020e+00, v50  }
0x504: {  	v55 =	vld [tilespmem:s19+$0x70];
	v43 =	vadd.f32 v63, v62;
	[tilespmem:s19+$0x60] =	vst v26;
	v26 =	vpop (erf);
	v21 =	vmul.f32 $1.442695020e+00, v21  }
0x505: {  	v56 =	vsub.f32 $0.0e+00, v28;
	(erf) = vpow2.f32 v15;
	v15 =	vadd.f32 $1.000000000e+00, v26;
	v26 =	vld [tilespmem:s3+$0x70]  }
0x506: {  	v49 =	vsub.f32 $0.0e+00, v43;
	v57 =	vpop (erf)  }
0x507: {  	v44 =	vmul.f32 $1.442695020e+00, v56;
	v58 =	vpop (erf);
	(erf) = vrcp.f32 v15  }
0x508: {  	v15 =	vmul.f32 $1.442695020e+00, v49;
	(erf) = vpow2.f32 v21;
	v21 =	vpop (erf)  }
0x509: {  	v30 =	vadd.f32 v53, v30;
	v42 =	vadd.f32 $1.000000000e+00, v58;
	v60 =	vpop (erf);
	(erf) = vpow2.f32 v44  }
0x50a: {  	v54 =	vld [tilespmem:s2+$0xFFFFFFF0];
	(erf) = vpow2.f32 v15;
	v15 =	vadd.f32 $1.000000000e+00, v60;
	v63 =	vpop (erf);
	v35 =	vadd.f32 v26, v55  }
0x50b: {  	v59 =	vsub.f32 $0.0e+00, v30;
	v46 =	vmul.f32 v57, v46;
	(erf) = vrcp.f32 v42;
	v50 =	vpop (erf)  }
0x50c: {  	(erf) = vrcp.f32 v15;
	v15 =	vmul.f32 v50, v45;
	v52 =	vsub.f32 $0.0e+00, v35  }
0x50d: {  	v61 =	vld [tilespmem:s20+$0x60];
	[tilespmem:s20+$0x50] =	vst v46;
	v26 =	vmul.f32 $1.442695020e+00, v59  }
0x50e: {  	v62 =	vld [tilespmem:s1+$0x60];
	v21 =	vadd.f32 $1.000000000e+00, v21;
	v51 =	vpop (erf);
	[tilespmem:s24+$0x40] =	vst v15;
	v15 =	vmul.f32 $1.442695020e+00, v52  }
0x50f: {  	v9 =	vadd.f32 v54, v9;
	(erf) = vpow2.f32 v26;
	v26 =	vadd.f32 $1.000000000e+00, v51  }
0x510: {  	v54 =	vpop (erf);
	(erf) = vrcp.f32 v21;
	v21 =	vld [tilespmem:s24+$0x50]  }
0x511: {  	v53 =	vsub.f32 $0.0e+00, v9;
	(erf) = vrcp.f32 v26;
	v56 =	vld [tilespmem:s7+$0x50];
	v57 =	vpop (erf)  }
0x512: {  	v55 =	vadd.f32 $1.000000000e+00, v54;
	v26 =	vadd.f32 $1.000000000e+00, v63;
	(erf) = vpow2.f32 v15;
	v15 =	vpop (erf)  }
0x513: {  	v42 =	vmul.f32 $1.442695020e+00, v53;
	v44 =	vadd.f32 v62, v61;
	v15 =	vadd.f32 $1.000000000e+00, v15  }
0x514: {  	(erf) = vrcp.f32 v55;
	v40 =	vmul.f32 v57, v40  }
0x515: {  	v58 =	vsub.f32 $0.0e+00, v44;
	(erf) = vrcp.f32 v26;
	v59 =	vpop (erf)  }
0x516: {  	[tilespmem:s25+$0x30] =	vst v40;
	(erf) = vpow2.f32 v42;
	v42 =	vld [tilespmem:s25+$0x40];
	v26 =	vpop (erf);
	v51 =	vadd.f32 v56, v21  }
0x517: {  	v60 =	vmul.f32 $1.442695020e+00, v58;
	v50 =	vld [tilespmem:s22+$0x40];
	(erf) = vrcp.f32 v15;
	v15 =	vpop (erf)  }
0x518: {  	v23 =	vld [tilespmem:s21+$0xFFFFFFB0];
	v57 =	vsub.f32 $0.0e+00, v51;
	v21 =	vpop (erf)  }
0x519: {  	v14 =	vld [tilespmem:s21+$0xFFFFFFD0];
	v61 =	vadd.f32 $1.000000000e+00, v26;
	(erf) = vpow2.f32 v60;
	v63 =	vpop (erf)  }
0x51a: {  	v29 =	vld [tilespmem:s21+$0xFFFFFFC0];
	v62 =	vadd.f32 $1.000000000e+00, v59;
	v15 =	vmul.f32 v15, v37;
	v60 =	vmul.f32 $1.442695020e+00, v57;
	v52 =	vpop (erf)  }
0x51b: {  	v10 =	vld [tilespmem:s21+$0xFFFFFFE0];
	(erf) = vrcp.f32 v61;
	v56 =	vmul.f32 v21, v19;
	v58 =	vadd.f32 $1.000000000e+00, v63;
	v59 =	vpop (erf)  }
0x51c: {  	v7 =	vld [tilespmem:s21+$0xFFFFFFF0];
	v50 =	vadd.f32 v50, v42;
	(erf) = vrcp.f32 v62;
	[tilespmem:s25+$0xFFFFFFB0] =	vst v15;
	v15 =	vmul.f32 v59, v38  }
0x51d: {  	v45 =	vld [tilespmem:s21+$0x30];
	[tilespmem:s21+$0x20] =	vst v56;
	v36 =	vmul.f32 v52, v36;
	v61 =	vpop (erf);
	(erf) = vrcp.f32 v58  }
0x51e: {  	v37 =	vld [tilespmem:s8+$0x30];
	v62 =	vpop (erf);
	[tilespmem:s21+$0xFFFFFFA0] =	vst v15;
	v15 =	vsub.f32 $0.0e+00, v50  }
0x51f: {  	v63 =	vld [tilespmem:s22+$0xFFFFFFC0];
	[tilespmem:s24+$0xFFFFFFC0] =	vst v36;
	(erf) = vpow2.f32 v60;
	v56 =	vpop (erf)  }
0x520: {  	v55 =	vmul.f32 v62, v48;
	v46 =	vld [tilespmem:s7+$0xFFFFFFD0];
	v38 =	vpop (erf)  }
0x521: {  	v47 =	vadd.f32 $1.000000000e+00, v61;
	v57 =	vld [tilespmem:s8+$0xFFFFFFB0];
	v33 =	vmul.f32 v56, v33;
	v58 =	vpop (erf)  }
0x522: {  	v59 =	vld [tilespmem:s9+$0x20];
	[tilespmem:s9+$0x10] =	vst v55;
	v60 =	vmul.f32 $1.442695020e+00, v15;
	v36 =	vmul.f32 v58, v39;
	v15 =	vpop (erf)  }
0x523: {  	(erf) = vrcp.f32 v47;
	v61 =	vld [tilespmem:s5+$0x20];
	v37 =	vadd.f32 v37, v45;
	v53 =	vadd.f32 $1.000000000e+00, v15  }
0x524: {  	v27 =	vld [tilespmem:s9+$0xFFFFFFA0];
	v39 =	vadd.f32 v63, v22;
	(erf) = vpow2.f32 v60;
	v62 =	vpop (erf);
	[tilespmem:s9+$0xFFFFFF90] =	vst v36  }
0x525: {  	[tilespmem:s20+$0xFFFFFFD0] =	vst v33;
	v56 =	vsub.f32 $0.0e+00, v37;
	v63 =	vmul.f32 v62, v43;
	v36 =	vld [tilespmem:s5+$0xFFFFFFA0];
	v52 =	vpop (erf);
	(erf) = vrcp.f32 v53  }
0x526: {  	v22 =	vadd.f32 v46, v16;
	v46 =	vld [tilespmem:s1+$0xFFFFFFE0];
	v45 =	vadd.f32 v57, v23;
	v16 =	vpop (erf)  }
0x527: {  	v48 =	vld [tilespmem:s17+$0x10];
	v23 =	vsub.f32 $0.0e+00, v39;
	v33 =	vmul.f32 $1.442695020e+00, v56;
	[tilespmem:s17+$0x0] =	vst v63;
	v30 =	vmul.f32 v16, v30  }
0x528: {  	v54 =	vadd.f32 v61, v59;
	v59 =	vsub.f32 $0.0e+00, v45;
	v60 =	vpop (erf);
	v58 =	vld [tilespmem:s0+$0x10]  }
0x529: {  	v49 =	vld [tilespmem:s17+$0xFFFFFF90];
	v57 =	vsub.f32 $0.0e+00, v22;
	(erf) = vpow2.f32 v33;
	v61 =	vadd.f32 $1.000000000e+00, v60;
	[tilespmem:s17+$0xFFFFFF80] =	vst v30  }
0x52a: {  	v30 =	vsub.f32 $0.0e+00, v54;
	v42 =	vmul.f32 $1.442695020e+00, v59;
	v47 =	vadd.f32 v36, v27;
	v62 =	vld [tilespmem:s0+$0xFFFFFF90]  }
0x52b: {  	v23 =	vmul.f32 $1.442695020e+00, v23;
	v40 =	vadd.f32 v46, v20;
	(erf) = vrcp.f32 v61  }
0x52c: {  	s16 =	simm.s32 $0x13980;
	v43 =	vpop (erf);
	v30 =	vmul.f32 $1.442695020e+00, v30;
	(erf) = vpow2.f32 v42;
	v55 =	vsub.f32 $0.0e+00, v47  }
0x52d: {  	s2 =	simm.s32 $0x10980;
	v56 =	vld [tilespmem:s16+$0x0];
	v27 =	vmul.f32 $1.442695020e+00, v57;
	(erf) = vpow2.f32 v23;
	v20 =	vpop (erf);
	v48 =	vadd.f32 v58, v48  }
0x52e: {  	v63 =	vld [tilespmem:s2+$0x0];
	(erf) = vpow2.f32 v30;
	v23 =	vadd.f32 $1.000000000e+00, v20;
	v30 =	vmul.f32 $1.442695020e+00, v55;
	v20 =	vpop (erf)  }
0x52f: {  	(erf) = vpow2.f32 v27;
	v27 =	vmul.f32 v20, v44;
	v20 =	vadd.f32 v62, v49  }
0x530: {  	v57 =	vld [tilespmem:s16+$0xFFFFFF80];
	v53 =	vsub.f32 $0.0e+00, v48  }
0x531: {  	v58 =	vld [tilespmem:s2+$0xFFFFFF80];
	(erf) = vrcp.f32 v23;
	[tilespmem:s20+$0x60] =	vst v27;
	v27 =	vsub.f32 $0.0e+00, v20  }
0x532: {  	(erf) = vpow2.f32 v30;
	v59 =	vmul.f32 $1.442695020e+00, v53;
	v30 =	vpop (erf)  }
0x533: {  	v33 =	vld [tilespmem:s20+$0x70];
	v46 =	vadd.f32 v56, v63;
	v30 =	vadd.f32 $1.000000000e+00, v30;
	v27 =	vmul.f32 $1.442695020e+00, v27  }
0x534: {  	v28 =	vmul.f32 v52, v28;
	v23 =	vsub.f32 $0.0e+00, v40;
	(erf) = vpow2.f32 v59;
	v60 =	vld [tilespmem:s1+$0x70];
	v62 =	vpop (erf)  }
0x535: {  	v32 =	vld [tilespmem:s9+$0xFFFFFFB0];
	v61 =	vsub.f32 $0.0e+00, v46;
	v63 =	vpop (erf);
	(erf) = vrcp.f32 v30;
	v30 =	vmul.f32 v62, v51  }
0x536: {  	v24 =	vld [tilespmem:s9+$0xFFFFFFC0];
	[tilespmem:s19+$0xFFFFFFE0] =	vst v28;
	v23 =	vmul.f32 $1.442695020e+00, v23;
	v44 =	vadd.f32 v57, v58  }
0x537: {  	v56 =	vld [tilespmem:s3+$0xFFFFFFF0];
	v28 =	vmul.f32 $1.442695020e+00, v61;
	(erf) = vpow2.f32 v27;
	v27 =	vpop (erf)  }
0x538: {  	v17 =	vld [tilespmem:s9+$0xFFFFFFD0];
	v57 =	vsub.f32 $0.0e+00, v44;
	v59 =	vadd.f32 $1.000000000e+00, v63;
	[tilespmem:s24+$0x50] =	vst v30;
	v58 =	vpop (erf);
	(erf) = vpow2.f32 v23  }
0x539: {  	v42 =	vadd.f32 v60, v33;
	v60 =	vld [tilespmem:s7+$0x60];
	(erf) = vpow2.f32 v28;
	v28 =	vadd.f32 $1.000000000e+00, v58;
	v30 =	vpop (erf)  }
0x53a: {  	v61 =	vmul.f32 $1.442695020e+00, v57;
	v23 =	vld [tilespmem:s24+$0x60];
	(erf) = vrcp.f32 v59;
	v62 =	vpop (erf)  }
0x53b: {  	v13 =	vld [tilespmem:s9+$0xFFFFFFE0];
	v27 =	vadd.f32 $1.000000000e+00, v27;
	v53 =	vsub.f32 $0.0e+00, v42;
	v63 =	vpop (erf);
	(erf) = vrcp.f32 v28  }
0x53c: {  	v11 =	vld [tilespmem:s9+$0xFFFFFFF0];
	v18 =	vadd.f32 v56, v18;
	(erf) = vpow2.f32 v61;
	v55 =	vadd.f32 $1.000000000e+00, v63  }
0x53d: {  	v41 =	vld [tilespmem:s17+$0xFFFFFFA0];
	(erf) = vrcp.f32 v27;
	v27 =	vmul.f32 $1.442695020e+00, v53  }
0x53e: {  	v26 =	vld [tilespmem:s17+$0xFFFFFFB0];
	v57 =	vsub.f32 $0.0e+00, v18;
	v28 =	vmul.f32 v62, v50;
	v56 =	vpop (erf);
	(erf) = vrcp.f32 v55  }
0x53f: {  	v21 =	vld [tilespmem:s17+$0xFFFFFFC0];
	v36 =	vadd.f32 v60, v23;
	v23 =	vpop (erf);
	(erf) = vpow2.f32 v27;
	v27 =	vadd.f32 $1.000000000e+00, v30  }
0x540: {  	[tilespmem:s25+$0x40] =	vst v28;
	v28 =	vld [tilespmem:s25+$0x50];
	v49 =	vadd.f32 $1.000000000e+00, v56  }
0x541: {  	v60 =	vmul.f32 $1.442695020e+00, v57;
	v58 =	vld [tilespmem:s22+$0x50];
	v59 =	vpop (erf)  }
0x542: {  	v19 =	vld [tilespmem:s17+$0xFFFFFFD0];
	v23 =	vmul.f32 v23, v37;
	v61 =	vsub.f32 $0.0e+00, v36;
	(erf) = vrcp.f32 v49;
	v62 =	vpop (erf)  }
0x543: {  	v15 =	vld [tilespmem:s17+$0xFFFFFFE0];
	v52 =	vadd.f32 $1.000000000e+00, v59;
	(erf) = vrcp.f32 v27;
	v27 =	vpop (erf)  }
0x544: {  	v16 =	vld [tilespmem:s17+$0xFFFFFFF0];
	[tilespmem:s21+$0x30] =	vst v23;
	v23 =	vmul.f32 $1.442695020e+00, v61;
	(erf) = vpow2.f32 v60;
	v63 =	vpop (erf)  }
0x545: {  	v33 =	vld [tilespmem:s2+$0xFFFFFF90];
	v55 =	vadd.f32 $1.000000000e+00, v27;
	(erf) = vrcp.f32 v52;
	v27 =	vpop (erf)  }
0x546: {  	v53 =	vld [tilespmem:s21+$0x40];
	v37 =	vadd.f32 v58, v28;
	(erf) = vpow2.f32 v23;
	v60 =	vpop (erf)  }
0x547: {  	v30 =	vld [tilespmem:s2+$0xFFFFFFA0];
	v50 =	vadd.f32 $1.000000000e+00, v62;
	v62 =	vadd.f32 $1.000000000e+00, v60  }
0x548: {  	v52 =	vld [tilespmem:s8+$0x40];
	v61 =	vsub.f32 $0.0e+00, v37;
	v45 =	vmul.f32 v63, v45;
	(erf) = vrcp.f32 v55;
	v56 =	vpop (erf)  }
0x549: {  	v28 =	vld [tilespmem:s2+$0xFFFFFFB0];
	v54 =	vmul.f32 v27, v54;
	(erf) = vrcp.f32 v50;
	v63 =	vpop (erf)  }
0x54a: {  	v23 =	vld [tilespmem:s2+$0xFFFFFFD0];
	v55 =	vmul.f32 $1.442695020e+00, v61;
	[tilespmem:s21+$0xFFFFFFB0] =	vst v45;
	v39 =	vmul.f32 v56, v39;
	v60 =	vpop (erf)  }
0x54b: {  	(erf) = vrcp.f32 v62;
	v61 =	vmul.f32 v63, v47;
	v63 =	vld [tilespmem:s8+$0xFFFFFFC0];
	v62 =	vpop (erf)  }
0x54c: {  	v51 =	vadd.f32 $1.000000000e+00, v38;
	v49 =	vmul.f32 v34, v31;
	[tilespmem:s9+$0x20] =	vst v54;
	v54 =	vld [tilespmem:s9+$0x30];
	v57 =	vpop (erf)  }
0x54d: {  	v47 =	vld [tilespmem:s5+$0x30];
	v38 =	vadd.f32 v52, v53;
	[tilespmem:s25+$0xFFFFFFC0] =	vst v39;
	(erf) = vpow2.f32 v55;
	v48 =	vmul.f32 v62, v48;
	v58 =	vpop (erf)  }
0x54e: {  	v56 =	vadd.f32 $1.000000000e+00, v60;
	v34 =	vld [tilespmem:s22+$0xFFFFFFD0];
	(erf) = vrcp.f32 v51;
	v45 =	vmul.f32 v57, v22;
	v22 =	vpop (erf)  }
0x54f: {  	v27 =	vld [tilespmem:s2+$0xFFFFFFC0];
	[tilespmem:s9+$0xFFFFFFA0] =	vst v61;
	v31 =	vsub.f32 $0.0e+00, v38;
	v51 =	vmul.f32 v43, v35;
	v60 =	vmul.f32 v22, v20;
	v20 =	vpop (erf)  }
0x550: {  	v43 =	vld [tilespmem:s5+$0xFFFFFFB0];
	(erf) = vrcp.f32 v56;
	v35 =	vadd.f32 v63, v29;
	v29 =	vadd.f32 $1.000000000e+00, v20  }
0x551: {  	v52 =	vld [tilespmem:s17+$0x20];
	v59 =	vmul.f32 $1.442695020e+00, v31;
	[tilespmem:s17+$0x10] =	vst v48  }
0x552: {  	v39 =	vadd.f32 v47, v54;
	v61 =	vld [tilespmem:s0+$0x20];
	v62 =	vpop (erf)  }
0x553: {  	v48 =	vld [tilespmem:s2+$0x10];
	(erf) = vpow2.f32 v59;
	v34 =	vadd.f32 v34, v25;
	v47 =	vmul.f32 v62, v46;
	v25 =	vpop (erf)  }
0x554: {  	v22 =	vld [tilespmem:s2+$0xFFFFFFE0];
	v63 =	vsub.f32 $0.0e+00, v39;
	[tilespmem:s17+$0xFFFFFF90] =	vst v60;
	(erf) = vrcp.f32 v29;
	v25 =	vmul.f32 v25, v40;
	v29 =	vpop (erf)  }
0x555: {  	v31 =	vadd.f32 $1.000000000e+00, v58;
	[tilespmem:s24+$0xFFFFFFD0] =	vst v45;
	v32 =	vadd.f32 v43, v32;
	v57 =	vld [tilespmem:s0+$0xFFFFFFA0];
	v29 =	vmul.f32 v29, v44  }
0x556: {  	v58 =	vsub.f32 $0.0e+00, v35;
	v46 =	vld [tilespmem:s7+$0xFFFFFFE0];
	v59 =	vmul.f32 $1.442695020e+00, v63;
	v60 =	vsub.f32 $0.0e+00, v34;
	[tilespmem:s2+$0x0] =	vst v47  }
0x557: {  	[tilespmem:s15+$0x70] =	vst v49;
	v40 =	vadd.f32 v61, v52;
	v61 =	vsub.f32 $0.0e+00, v32;
	v50 =	vld [tilespmem:s16+$0x10];
	v62 =	vpop (erf)  }
0x558: {  	v20 =	vld [tilespmem:s2+$0xFFFFFFF0];
	v52 =	vmul.f32 $1.442695020e+00, v58;
	[tilespmem:s20+$0xFFFFFFE0] =	vst v25;
	(erf) = vpow2.f32 v59;
	v63 =	vadd.f32 $1.000000000e+00, v62;
	v25 =	vpop (erf)  }
0x559: {  	s11 =	smov.u32 s12;
	s12 =	smov.u32 s31;
	v49 =	vmul.f32 $1.442695020e+00, v60;
	v45 =	vld [tilespmem:s1+$0xFFFFFFF0];
	v43 =	vsub.f32 $0.0e+00, v40;
	v53 =	vmul.f32 $1.442695020e+00, v61;
	[tilespmem:s2+$0xFFFFFF80] =	vst v29;
	v29 =	vpop (erf)  }
0x55a: {  	s31 =	smov.u32 s4;
	s3 =	simm.s32 $0x10A80;
	[tilespmem:s19+$0x70] =	vst v51;
	s1 =	simm.s32 $0x10;
	v41 =	vadd.f32 v57, v41;
	v51 =	vld [tilespmem:s16+$0xFFFFFF90];
	(erf) = vrcp.f32 v63;
	v29 =	vmul.f32 v29, v42  }
.LBB2_11:
0x55b: {  	v47 =	vld [tilespmem:s3+$0x0];
	v44 =	vmul.f32 $1.442695020e+00, v43;
	(erf) = vpow2.f32 v53;
	v43 =	vadd.f32 v46, v12;
	v42 =	vmovc v21;
	v21 =	vmovc v27;
	s4 =	smov.u32 s16;
	s16 =	sadd.s32 $0x100, s16  }
0x55c: {  	s1 =	sadd.s32 $0x2, s1;
	v27 =	vld [tilespmem:s16+$0x0];
	v46 =	vadd.f32 v50, v48;
	v12 =	vsub.f32 $0.0e+00, v41;
	(erf) = vpow2.f32 v52;
	v48 =	vpop (erf);
	[tilespmem:s20+$0x70] =	vst v29  }
0x55d: {  	p1 =	slt.u32 s1, $0x5E;
	v29 =	vmovc v14;
	v14 =	vmovc v17;
	v50 =	vld [tilespmem:s16+$0xFFFFFF80];
	(erf) = vpow2.f32 v44;
	v44 =	vadd.f32 $1.000000000e+00, v48;
	v52 =	vsub.f32 $0.0e+00, v43  }
0x55e: {  	v53 =	vld [tilespmem:s3+$0xFFFFFF80];
	v54 =	vsub.f32 $0.0e+00, v46;
	v55 =	vmul.f32 $1.442695020e+00, v12;
	(erf) = vpow2.f32 v49;
	v17 =	vpop (erf)  }
0x55f: {  	v48 =	vadd.f32 v51, v33;
	v33 =	vld [tilespmem:s3+$0xFFFFFF90];
	(erf) = vrcp.f32 v44;
	v36 =	vmul.f32 v17, v36;
	v17 =	vmovc v19;
	v19 =	vmovc v23  }
0x560: {  	v51 =	vadd.f32 v45, v6;
	v44 =	vld [tilespmem:s3+$0xFFFFFFA0];
	v23 =	vmul.f32 $1.442695020e+00, v54;
	(erf) = vpow2.f32 v55;
	v12 =	vmovc v8;
	v8 =	vmovc v10  }
0x561: {  	v49 =	vadd.f32 v27, v47;
	v6 =	vsub.f32 $0.0e+00, v48;
	v10 =	vpop (erf);
	v47 =	vmul.f32 $1.442695020e+00, v52;
	[tilespmem:s24+$0x60] =	vst v36;
	v36 =	vld [tilespmem:s24+$0x70]  }
0x562: {  	v54 =	vsub.f32 $0.0e+00, v51;
	(erf) = vpow2.f32 v23;
	v23 =	vadd.f32 $1.000000000e+00, v10;
	v52 =	vld [tilespmem:s7+$0x70];
	v10 =	vmovc v13;
	v13 =	vmovc v15  }
0x563: {  	v45 =	vadd.f32 v50, v53;
	v50 =	vld [tilespmem:s3+$0xFFFFFFB0];
	v53 =	vsub.f32 $0.0e+00, v49;
	v57 =	vmul.f32 $1.442695020e+00, v6;
	v15 =	vpop (erf)  }
0x564: {  	v27 =	vld [tilespmem:s3+$0xFFFFFFC0];
	v55 =	vpop (erf);
	(erf) = vrcp.f32 v23;
	v37 =	vmul.f32 v15, v37;
	v15 =	vmov v22  }
0x565: {  	v22 =	vsub.f32 $0.0e+00, v45;
	v23 =	vld [tilespmem:s3+$0xFFFFFFD0];
	v53 =	vmul.f32 $1.442695020e+00, v53;
	(erf) = vpow2.f32 v57;
	v6 =	vpop (erf)  }
0x566: {  	v55 =	vadd.f32 $1.000000000e+00, v55;
	v56 =	vpop (erf);
	v57 =	vadd.f32 $1.000000000e+00, v6;
	[tilespmem:s25+$0x50] =	vst v37;
	v37 =	vld [tilespmem:s25+$0x60];
	(erf) = vpow2.f32 v47  }
0x567: {  	(erf) = vpow2.f32 v53;
	v59 =	vadd.f32 $1.000000000e+00, v56;
	v53 =	vld [tilespmem:s22+$0x60];
	v56 =	vpop (erf);
	v47 =	vadd.f32 v52, v36  }
0x568: {  	v36 =	vmul.f32 $1.442695020e+00, v22;
	v22 =	vld [tilespmem:s3+$0xFFFFFFE0];
	(erf) = vrcp.f32 v55;
	v52 =	vpop (erf);
	v55 =	vadd.f32 $1.000000000e+00, v56  }
0x569: {  	v56 =	vld [tilespmem:s3+$0xFFFFFFF0];
	v58 =	vpop (erf);
	(erf) = vrcp.f32 v59;
	v38 =	vmul.f32 v52, v38;
	v52 =	vsub.f32 $0.0e+00, v47  }
0x56a: {  	v54 =	vmul.f32 $1.442695020e+00, v54;
	v6 =	vmovc v4;
	v4 =	vmovc v5;
	(erf) = vpow2.f32 v36;
	v36 =	vadd.f32 $1.000000000e+00, v58  }
0x56b: {  	v5 =	vmov v7;
	v58 =	vpop (erf);
	[tilespmem:s21+$0x40] =	vst v38;
	v38 =	vld [tilespmem:s21+$0x50];
	(erf) = vrcp.f32 v57;
	v52 =	vmul.f32 $1.442695020e+00, v52  }
0x56c: {  	v7 =	vmovc v11;
	v11 =	vmovc v16;
	v57 =	vadd.f32 $1.000000000e+00, v58;
	(erf) = vrcp.f32 v36;
	v58 =	vld [tilespmem:s8+$0x50];
	v36 =	vadd.f32 v53, v37  }
0x56d: {  	v53 =	vmul.f32 v25, v9;
	v9 =	vmov v18;
	v16 =	vpop (erf);
	(erf) = vpow2.f32 v52  }
0x56e: {  	v18 =	vpop (erf);
	(erf) = vrcp.f32 v57;
	v16 =	vmul.f32 v16, v39;
	v37 =	vsub.f32 $0.0e+00, v36  }
0x56f: {  	v39 =	vadd.f32 $1.000000000e+00, v18;
	(erf) = vrcp.f32 v55;
	v52 =	vpop (erf);
	[tilespmem:s15+$0xFFFFFFF0] =	vst v53;
	v18 =	vmov v51;
	s15 =	smov.u32 s19;
	s19 =	smov.u32 s20;
	s20 =	smov.u32 s24  }
0x570: {  	s24 =	smov.u32 s25;
	s25 =	smov.u32 s21;
	s21 =	smov.u32 s9;
	v25 =	vpop (erf);
	[tilespmem:s9+$0x30] =	vst v16;
	v51 =	vld [tilespmem:s9+$0x40];
	v55 =	vmul.f32 $1.442695020e+00, v37;
	v52 =	vadd.f32 $1.000000000e+00, v52;
	(erf) = vpow2.f32 v54  }
0x571: {  	s9 =	smov.u32 s17;
	s17 =	smov.u32 s2;
	s2 =	smov.u32 s3;
	v25 =	vadd.f32 $1.000000000e+00, v25;
	(erf) = vrcp.f32 v39;
	v39 =	vld [tilespmem:s5+$0x40];
	v53 =	vpop (erf);
	v37 =	vadd.f32 v58, v38  }
0x572: {  	v38 =	vpop (erf);
	v53 =	vmul.f32 v53, v32;
	(erf) = vpow2.f32 v55;
	v16 =	vmov v20  }
0x573: {  	v20 =	vpop (erf);
	(erf) = vrcp.f32 v25;
	v25 =	vmul.f32 v38, v40;
	v38 =	vsub.f32 $0.0e+00, v37  }
0x574: {  	v40 =	vadd.f32 $1.000000000e+00, v20;
	[tilespmem:s21+$0xFFFFFFB0] =	vst v53;
	v32 =	vpop (erf);
	(erf) = vrcp.f32 v52;
	v20 =	vmov v56  }
0x575: {  	[tilespmem:s9+$0x20] =	vst v25;
	v25 =	vld [tilespmem:s9+$0x30];
	v52 =	vpop (erf);
	v32 =	vmul.f32 v32, v35;
	v35 =	vmul.f32 $1.442695020e+00, v38  }
0x576: {  	(erf) = vrcp.f32 v40;
	v40 =	vmul.f32 v52, v41;
	v41 =	vld [tilespmem:s0+$0x30];
	v38 =	vadd.f32 v39, v51;
	v39 =	vpop (erf)  }
0x577: {  	v51 =	vpop (erf);
	v52 =	vld [tilespmem:s5+$0xFFFFFFC0];
	[tilespmem:s25+$0xFFFFFFC0] =	vst v32;
	(erf) = vpow2.f32 v35;
	v54 =	vadd.f32 $1.000000000e+00, v39  }
0x578: {  	v35 =	vmul.f32 v51, v46;
	[tilespmem:s9+$0xFFFFFFA0] =	vst v40;
	v39 =	vsub.f32 $0.0e+00, v38;
	v40 =	vld [tilespmem:s8+$0xFFFFFFD0];
	v46 =	vpop (erf);
	(erf) = vrcp.f32 v31  }
0x579: {  	v51 =	vld [tilespmem:s0+$0xFFFFFFB0];
	v55 =	vmul.f32 v46, v34;
	(erf) = vrcp.f32 v54;
	v31 =	vpop (erf)  }
0x57a: {  	[tilespmem:s17+$0x10] =	vst v35;
	v53 =	vld [tilespmem:s17+$0x20];
	v32 =	vpop (erf);
	v46 =	vmul.f32 $1.442695020e+00, v39;
	v31 =	vadd.f32 $1.000000000e+00, v31  }
0x57b: {  	v32 =	vmul.f32 v32, v48;
	v54 =	vld [tilespmem:s4+$0x20];
	v39 =	vadd.f32 v41, v25;
	[tilespmem:s24+$0xFFFFFFD0] =	vst v55;
	v25 =	vpop (erf)  }
0x57c: {  	v34 =	vpop (erf);
	v35 =	vadd.f32 v52, v24;
	(erf) = vpow2.f32 v46;
	v46 =	vld [tilespmem:s22+$0xFFFFFFE0];
	v52 =	vadd.f32 $1.000000000e+00, v25  }
0x57d: {  	v25 =	vmul.f32 v34, v49;
	[tilespmem:s17+$0xFFFFFF90] =	vst v32;
	v41 =	vsub.f32 $0.0e+00, v39;
	v34 =	vadd.f32 v40, v29;
	v29 =	vpop (erf)  }
0x57e: {  	v55 =	vld [tilespmem:s4+$0xFFFFFFA0];
	v32 =	vadd.f32 v51, v26;
	v49 =	vsub.f32 $0.0e+00, v35;
	(erf) = vrcp.f32 v52;
	v26 =	vmovc v28;
	v28 =	vmovc v50  }
.Ltmp9:
0x57f: {  	v29 =	vmul.f32 v29, v43;
	[tilespmem:s3+$0x0] =	vst v25;
	v48 =	vld [tilespmem:s3+$0x10];
	v24 =	vpop (erf);
	v51 =	vmul.f32 $1.442695020e+00, v41;
	v41 =	vsub.f32 $0.0e+00, v34;
	(pc) =	sbr.rel @p1 .LBB2_11-.Ltmp9, $4  }
0x580: {  	v56 =	vmul.f32 v24, v45;
	v50 =	vld [tilespmem:s16+$0x10];
	v40 =	vadd.f32 v54, v53;
	v45 =	vsub.f32 $0.0e+00, v32;
	v43 =	vpop (erf)  }
0x581: {  	v52 =	vmul.f32 $1.442695020e+00, v49;
	(erf) = vpow2.f32 v51;
	v54 =	vadd.f32 $1.000000000e+00, v43;
	[tilespmem:s20+$0xFFFFFFE0] =	vst v29;
	v25 =	vpop (erf)  }
0x582: {  	v49 =	vmul.f32 $1.442695020e+00, v41;
	[tilespmem:s3+$0xFFFFFF80] =	vst v56;
	v43 =	vsub.f32 $0.0e+00, v40;
	v53 =	vmul.f32 $1.442695020e+00, v45;
	v45 =	vld [tilespmem:s7+$0xFFFFFFF0];
	v24 =	vpop (erf);
	s7 =	smov.u32 s22;
	s22 =	smov.u32 s8;
	s8 =	smov.u32 s5  }
0x583: {  	s3 =	sadd.s32 $0x100, s3;
	s5 =	smov.u32 s0;
	s0 =	smov.u32 s4;
	v51 =	vld [tilespmem:s16+$0xFFFFFF90];
	v41 =	vadd.f32 v55, v30;
	(erf) = vrcp.f32 v54;
	v29 =	vmul.f32 v24, v47;
	v30 =	vmovc v44;
	v24 =	vmovc v42  }
0x584: {  	v42 =	vmul.f32 $1.442695020e+00, v43;
	(erf) = vpow2.f32 v53  }
0x585: {  	v57 =	vsub.f32 $0.0e+00, v41;
	v44 =	vadd.f32 v50, v48;
	(erf) = vpow2.f32 v52;
	v47 =	vpop (erf)  }
0x586: {  	(erf) = vpow2.f32 v42;
	v58 =	vadd.f32 $1.000000000e+00, v47  }
0x587: {  	v43 =	vmul.f32 $1.442695020e+00, v57;
	v59 =	vpop (erf);
	v48 =	vsub.f32 $0.0e+00, v44;
	(erf) = vpow2.f32 v49  }
0x588: {  	v36 =	vmul.f32 v59, v36;
	(erf) = vrcp.f32 v58  }
0x589: {  	v60 =	vmul.f32 $1.442695020e+00, v48;
	(erf) = vpow2.f32 v43  }
0x58a: {  	v61 =	vld [tilespmem:s24+$0x70];
	v33 =	vadd.f32 v51, v33;
	[tilespmem:s24+$0x60] =	vst v36  }
0x58b: {  	v36 =	vadd.f32 v46, v12;
	v62 =	vpop (erf);
	(erf) = vpow2.f32 v60;
	v63 =	vld [tilespmem:s7+$0x70]  }
0x58c: {  	v52 =	vsub.f32 $0.0e+00, v33;
	v43 =	vadd.f32 $1.000000000e+00, v62;
	v53 =	vpop (erf)  }
0x58d: {  	v46 =	vsub.f32 $0.0e+00, v36;
	v54 =	vpop (erf)  }
0x58e: {  	v47 =	vmul.f32 $1.442695020e+00, v52;
	(erf) = vrcp.f32 v43;
	v55 =	vpop (erf)  }
0x58f: {  	v37 =	vmul.f32 v53, v37;
	v46 =	vmul.f32 $1.442695020e+00, v46;
	v56 =	vpop (erf)  }
0x590: {  	v57 =	vadd.f32 $1.000000000e+00, v54;
	(erf) = vpow2.f32 v47;
	v48 =	vpop (erf);
	v12 =	vadd.f32 v63, v61  }
0x591: {  	v58 =	vadd.f32 $1.000000000e+00, v55;
	[tilespmem:s25+$0x50] =	vst v37;
	(erf) = vpow2.f32 v46;
	v59 =	vadd.f32 $1.000000000e+00, v56;
	v61 =	vld [tilespmem:s25+$0x60];
	v60 =	vpop (erf)  }
0x592: {  	v52 =	vld [tilespmem:s22+$0x60];
	(erf) = vrcp.f32 v57;
	v62 =	vpop (erf);
	v38 =	vmul.f32 v60, v38;
	v63 =	vsub.f32 $0.0e+00, v12  }
0x593: {  	(erf) = vrcp.f32 v59;
	v53 =	vadd.f32 $1.000000000e+00, v62  }
0x594: {  	v56 =	vld [tilespmem:s21+$0x50];
	(erf) = vrcp.f32 v58;
	v54 =	vpop (erf);
	[tilespmem:s21+$0x40] =	vst v38;
	v55 =	vmul.f32 $1.442695020e+00, v63  }
0x595: {  	v6 =	vadd.f32 v45, v6;
	v57 =	vadd.f32 $1.000000000e+00, v54;
	(erf) = vrcp.f32 v53;
	v58 =	vld [tilespmem:s8+$0x50]  }
0x596: {  	(erf) = vpow2.f32 v55  }
0x597: {  	v45 =	vsub.f32 $0.0e+00, v6;
	v38 =	vadd.f32 v52, v61;
	(erf) = vrcp.f32 v57  }
0x598: {  	v61 =	vadd.f32 $1.000000000e+00, v48;
	v59 =	vpop (erf)  }
0x599: {  	v45 =	vmul.f32 $1.442695020e+00, v45;
	v39 =	vmul.f32 v59, v39;
	v62 =	vsub.f32 $0.0e+00, v38;
	v60 =	vpop (erf)  }
0x59a: {  	v63 =	vpop (erf);
	v53 =	vadd.f32 $1.000000000e+00, v60;
	(erf) = vrcp.f32 v61;
	v37 =	vadd.f32 v58, v56  }
0x59b: {  	v52 =	vpop (erf);
	(erf) = vpow2.f32 v45  }
0x59c: {  	[tilespmem:s9+$0x30] =	vst v39;
	v54 =	vmul.f32 $1.442695020e+00, v62;
	v56 =	vld [tilespmem:s9+$0x40];
	v55 =	vpop (erf);
	(erf) = vrcp.f32 v53;
	v57 =	vsub.f32 $0.0e+00, v37  }
0x59d: {  	v59 =	vadd.f32 $1.000000000e+00, v63;
	v60 =	vld [tilespmem:s5+$0x40];
	v32 =	vmul.f32 v52, v32;
	v40 =	vmul.f32 v55, v40;
	v58 =	vpop (erf)  }
0x59e: {  	(erf) = vpow2.f32 v54;
	v61 =	vpop (erf);
	v62 =	vmul.f32 $1.442695020e+00, v57  }
0x59f: {  	v49 =	vld [tilespmem:s17+$0x30];
	[tilespmem:s17+$0x20] =	vst v40;
	(erf) = vrcp.f32 v59;
	v63 =	vpop (erf);
	v50 =	vmul.f32 v61, v41  }
0x5a0: {  	[tilespmem:s9+$0xFFFFFFB0] =	vst v32;
	v52 =	vld [tilespmem:s0+$0x30];
	v51 =	vpop (erf);
	(erf) = vpow2.f32 v62  }
0x5a1: {  	v54 =	vld [tilespmem:s5+$0xFFFFFFC0];
	v53 =	vmul.f32 v51, v44;
	[tilespmem:s17+$0xFFFFFFA0] =	vst v50  }
0x5a2: {  	v41 =	vadd.f32 v60, v56;
	v55 =	vld [tilespmem:s0+$0xFFFFFFB0]  }
0x5a3: {  	v56 =	vld [tilespmem:s2+$0x20];
	[tilespmem:s2+$0x10] =	vst v53  }
0x5a4: {  	v35 =	vmul.f32 v58, v35;
	v40 =	vadd.f32 $1.000000000e+00, v63;
	v57 =	vsub.f32 $0.0e+00, v41;
	v58 =	vpop (erf);
	v59 =	vld [tilespmem:s16+$0x20]  }
0x5a5: {  	(erf) = vrcp.f32 v31;
	v60 =	vmul.f32 v58, v34;
	v34 =	vpop (erf);
	v32 =	vadd.f32 v52, v49  }
0x5a6: {  	(erf) = vrcp.f32 v40;
	v62 =	vmul.f32 $1.442695020e+00, v57;
	v61 =	vpop (erf)  }
0x5a7: {  	[tilespmem:s21+$0xFFFFFFC0] =	vst v35;
	v33 =	vmul.f32 v61, v33;
	v63 =	vpop (erf);
	v48 =	vsub.f32 $0.0e+00, v32;
	v42 =	vadd.f32 v55, v26  }
0x5a8: {  	v44 =	vadd.f32 v54, v24;
	v49 =	vld [tilespmem:s8+$0xFFFFFFD0];
	(erf) = vpow2.f32 v62;
	v50 =	vadd.f32 $1.000000000e+00, v63;
	v51 =	vpop (erf)  }
0x5a9: {  	[tilespmem:s2+$0xFFFFFF90] =	vst v33;
	v52 =	vmul.f32 $1.442695020e+00, v48;
	v39 =	vadd.f32 v59, v56;
	v53 =	vsub.f32 $0.0e+00, v42;
	v54 =	vpop (erf)  }
0x5aa: {  	v55 =	vld [tilespmem:s16+$0xFFFFFFA0];
	(erf) = vrcp.f32 v50;
	v56 =	vsub.f32 $0.0e+00, v44;
	v57 =	vadd.f32 $1.000000000e+00, v54  }
0x5ab: {  	(erf) = vpow2.f32 v52;
	v58 =	vsub.f32 $0.0e+00, v39;
	v40 =	vmul.f32 $1.442695020e+00, v53  }
0x5ac: {  	v59 =	vmul.f32 $1.442695020e+00, v56;
	(erf) = vrcp.f32 v57  }
0x5ad: {  	[tilespmem:s25+$0xFFFFFFD0] =	vst v60;
	v31 =	vadd.f32 v49, v14;
	v60 =	vmul.f32 $1.442695020e+00, v58;
	(erf) = vpow2.f32 v40  }
0x5ae: {  	v61 =	vld [tilespmem:s22+$0xFFFFFFE0];
	(erf) = vpow2.f32 v59  }
0x5af: {  	v14 =	vpop (erf);
	v62 =	vsub.f32 $0.0e+00, v31;
	v30 =	vadd.f32 v55, v30;
	(erf) = vpow2.f32 v60  }
0x5b0: {  	v24 =	vpop (erf)  }
0x5b1: {  	v33 =	vmul.f32 $1.442695020e+00, v62;
	v45 =	vpop (erf);
	v63 =	vsub.f32 $0.0e+00, v30  }
0x5b2: {  	v43 =	vadd.f32 $1.000000000e+00, v45  }
0x5b3: {  	v26 =	vadd.f32 v61, v8;
	(erf) = vpow2.f32 v33;
	v46 =	vmul.f32 $1.442695020e+00, v63;
	v47 =	vpop (erf)  }
0x5b4: {  	(erf) = vrcp.f32 v43;
	v48 =	vpop (erf)  }
0x5b5: {  	v49 =	vsub.f32 $0.0e+00, v26;
	v33 =	vmul.f32 v47, v38;
	(erf) = vpow2.f32 v46;
	v50 =	vpop (erf)  }
0x5b6: {  	v35 =	vmul.f32 v51, v36;
	v51 =	vadd.f32 $1.000000000e+00, v48;
	v52 =	vpop (erf)  }
0x5b7: {  	v54 =	vld [tilespmem:s25+$0x70];
	v53 =	vmul.f32 $1.442695020e+00, v49;
	[tilespmem:s25+$0x60] =	vst v33;
	v55 =	vpop (erf)  }
0x5b8: {  	[tilespmem:s24+$0xFFFFFFE0] =	vst v35;
	v56 =	vld [tilespmem:s22+$0x70];
	(erf) = vrcp.f32 v51;
	v57 =	vmul.f32 v50, v37;
	v33 =	vadd.f32 $1.000000000e+00, v52;
	v58 =	vpop (erf)  }
0x5b9: {  	v59 =	vld [tilespmem:s7+$0xFFFFFFF0];
	(erf) = vpow2.f32 v53;
	v60 =	vadd.f32 $1.000000000e+00, v58  }
0x5ba: {  	v61 =	vld [tilespmem:s21+$0x60];
	[tilespmem:s21+$0x50] =	vst v57;
	(erf) = vrcp.f32 v33  }
0x5bb: {  	v62 =	vld [tilespmem:s8+$0x60];
	(erf) = vrcp.f32 v60  }
0x5bc: {  	v63 =	vpop (erf)  }
0x5bd: {  	v8 =	vadd.f32 v56, v54;
	v38 =	vpop (erf)  }
0x5be: {  	v4 =	vadd.f32 v59, v4;
	v45 =	vadd.f32 $1.000000000e+00, v55;
	v35 =	vmul.f32 v38, v41;
	v46 =	vpop (erf)  }
0x5bf: {  	v47 =	vsub.f32 $0.0e+00, v8;
	v40 =	vadd.f32 $1.000000000e+00, v46  }
0x5c0: {  	v48 =	vld [tilespmem:s9+$0x50];
	(erf) = vrcp.f32 v45;
	[tilespmem:s9+$0x40] =	vst v35;
	v33 =	vadd.f32 v62, v61  }
0x5c1: {  	v43 =	vsub.f32 $0.0e+00, v4;
	v49 =	vmul.f32 $1.442695020e+00, v47;
	v51 =	vld [tilespmem:s5+$0x50];
	v50 =	vpop (erf);
	(erf) = vrcp.f32 v40  }
0x5c2: {  	v37 =	vadd.f32 $1.000000000e+00, v63;
	v32 =	vmul.f32 v50, v32;
	v52 =	vpop (erf);
	v53 =	vsub.f32 $0.0e+00, v33  }
0x5c3: {  	v43 =	vmul.f32 $1.442695020e+00, v43;
	(erf) = vpow2.f32 v49;
	v54 =	vpop (erf)  }
0x5c4: {  	v56 =	vld [tilespmem:s17+$0x40];
	(erf) = vrcp.f32 v37;
	[tilespmem:s17+$0x30] =	vst v32;
	v38 =	vmul.f32 $1.442695020e+00, v53;
	v55 =	vpop (erf)  }
0x5c5: {  	(erf) = vpow2.f32 v43;
	v57 =	vld [tilespmem:s0+$0x40];
	v32 =	vmul.f32 v55, v39  }
0x5c6: {  	v35 =	vadd.f32 v51, v48;
	(erf) = vpow2.f32 v38  }
0x5c7: {  	v58 =	vld [tilespmem:s2+$0x30];
	[tilespmem:s2+$0x20] =	vst v32  }
0x5c8: {  	v59 =	vsub.f32 $0.0e+00, v35;
	v60 =	vld [tilespmem:s16+$0x30]  }
0x5c9: {  	v36 =	vadd.f32 $1.000000000e+00, v52;
	v61 =	vpop (erf)  }
0x5ca: {  	v38 =	vmul.f32 $1.442695020e+00, v59;
	v62 =	vpop (erf);
	v37 =	vadd.f32 v57, v56  }
0x5cb: {  	v34 =	vadd.f32 $1.000000000e+00, v34;
	(erf) = vrcp.f32 v36;
	v30 =	vmul.f32 v62, v30  }
0x5cc: {  	v63 =	vmul.f32 v54, v42;
	v45 =	vpop (erf);
	(erf) = vpow2.f32 v38;
	v46 =	vsub.f32 $0.0e+00, v37  }
0x5cd: {  	v47 =	vmul.f32 v61, v44;
	v39 =	vadd.f32 $1.000000000e+00, v45;
	v48 =	vpop (erf);
	[tilespmem:s2+$0xFFFFFFA0] =	vst v30;
	v32 =	vadd.f32 v60, v58  }
0x5ce: {  	[tilespmem:s17+$0xFFFFFFB0] =	vst v63;
	(erf) = vrcp.f32 v34;
	v36 =	vpop (erf);
	v49 =	vld [tilespmem:s16+$0xFFFFFFB0];
	v38 =	vmul.f32 $1.442695020e+00, v46  }
0x5cf: {  	v50 =	vld [tilespmem:s0+$0xFFFFFFC0];
	[tilespmem:s9+$0xFFFFFFC0] =	vst v47;
	(erf) = vrcp.f32 v39;
	v51 =	vpop (erf);
	v52 =	vsub.f32 $0.0e+00, v32  }
0x5d0: {  	v53 =	vld [tilespmem:s5+$0xFFFFFFD0];
	(erf) = vpow2.f32 v38;
	v54 =	vadd.f32 $1.000000000e+00, v51  }
0x5d1: {  	v55 =	vmul.f32 $1.442695020e+00, v52  }
0x5d2: {  	(erf) = vrcp.f32 v54  }
0x5d3: {  	v28 =	vadd.f32 v49, v28;
	(erf) = vpow2.f32 v55  }
0x5d4: {  	v34 =	vadd.f32 v50, v21;
	v56 =	vpop (erf)  }
0x5d5: {  	v39 =	vadd.f32 v53, v17;
	v58 =	vpop (erf);
	v57 =	vsub.f32 $0.0e+00, v28  }
0x5d6: {  	v40 =	vsub.f32 $0.0e+00, v34;
	v59 =	vadd.f32 $1.000000000e+00, v58  }
0x5d7: {  	v30 =	vmul.f32 v48, v31;
	v60 =	vsub.f32 $0.0e+00, v39;
	v17 =	vpop (erf);
	v61 =	vmul.f32 $1.442695020e+00, v57  }
0x5d8: {  	v40 =	vmul.f32 $1.442695020e+00, v40;
	v21 =	vpop (erf);
	(erf) = vrcp.f32 v59  }
0x5d9: {  	v31 =	vmul.f32 $1.442695020e+00, v60;
	(erf) = vpow2.f32 v61;
	v62 =	vpop (erf)  }
0x5da: {  	(erf) = vpow2.f32 v40;
	v63 =	vadd.f32 $1.000000000e+00, v62  }
0x5db: {  	[tilespmem:s21+$0xFFFFFFD0] =	vst v30;
	(erf) = vpow2.f32 v31;
	v43 =	vpop (erf)  }
0x5dc: {  	v44 =	vld [tilespmem:s8+$0xFFFFFFE0];
	(erf) = vrcp.f32 v63;
	v30 =	vmul.f32 v43, v33;
	v45 =	vpop (erf)  }
0x5dd: {  	v33 =	vadd.f32 $1.000000000e+00, v45  }
0x5de: {  	v46 =	vld [tilespmem:s21+$0x70];
	[tilespmem:s21+$0x60] =	vst v30  }
0x5df: {  	v47 =	vld [tilespmem:s8+$0x70];
	(erf) = vrcp.f32 v33;
	_ =	sdelay $0x1  }
0x5e0: {  	v26 =	vmul.f32 v56, v26;
	v31 =	vadd.f32 v44, v10;
	v48 =	vpop (erf)  }
0x5e1: {  	v10 =	vmul.f32 v48, v35;
	v49 =	vpop (erf)  }
0x5e2: {  	[tilespmem:s25+$0xFFFFFFE0] =	vst v26;
	v50 =	vsub.f32 $0.0e+00, v31;
	v51 =	vpop (erf)  }
0x5e3: {  	v56 =	vld [tilespmem:s9+$0x60];
	[tilespmem:s9+$0x50] =	vst v10;
	v52 =	vpop (erf);
	v10 =	vadd.f32 v47, v46  }
0x5e4: {  	v53 =	vld [tilespmem:s22+$0xFFFFFFF0];
	v40 =	vmul.f32 $1.442695020e+00, v50;
	v54 =	vpop (erf)  }
0x5e5: {  	v55 =	vadd.f32 $1.000000000e+00, v49;
	v57 =	vld [tilespmem:s5+$0x60];
	v30 =	vmul.f32 v54, v37;
	v58 =	vsub.f32 $0.0e+00, v10  }
0x5e6: {  	(erf) = vpow2.f32 v40;
	v35 =	vadd.f32 $1.000000000e+00, v51  }
0x5e7: {  	v60 =	vld [tilespmem:s17+$0x50];
	(erf) = vrcp.f32 v55;
	[tilespmem:s17+$0x40] =	vst v30;
	v40 =	vmul.f32 $1.442695020e+00, v58;
	v59 =	vpop (erf)  }
0x5e8: {  	(erf) = vrcp.f32 v35;
	v61 =	vld [tilespmem:s0+$0x50];
	v30 =	vmul.f32 v59, v32  }
0x5e9: {  	v5 =	vadd.f32 v53, v5;
	(erf) = vpow2.f32 v40  }
0x5ea: {  	v62 =	vld [tilespmem:s2+$0x40];
	[tilespmem:s2+$0x30] =	vst v30;
	v30 =	vadd.f32 v57, v56  }
0x5eb: {  	v63 =	vsub.f32 $0.0e+00, v5;
	v44 =	vld [tilespmem:s16+$0x40]  }
0x5ec: {  	v26 =	vadd.f32 $1.000000000e+00, v52;
	v45 =	vsub.f32 $0.0e+00, v30  }
0x5ed: {  	v37 =	vmul.f32 $1.442695020e+00, v63;
	v32 =	vadd.f32 v61, v60  }
0x5ee: {  	(erf) = vrcp.f32 v26;
	v46 =	vmul.f32 $1.442695020e+00, v45  }
0x5ef: {  	v47 =	vpop (erf);
	(erf) = vpow2.f32 v37;
	v48 =	vsub.f32 $0.0e+00, v32  }
0x5f0: {  	v33 =	vadd.f32 $1.000000000e+00, v47;
	v49 =	vpop (erf);
	(erf) = vpow2.f32 v46;
	v35 =	vadd.f32 v44, v62  }
0x5f1: {  	v50 =	vadd.f32 $1.000000000e+00, v36;
	v51 =	vpop (erf);
	v37 =	vmul.f32 $1.442695020e+00, v48  }
0x5f2: {  	v28 =	vmul.f32 v49, v28;
	v52 =	vpop (erf);
	(erf) = vrcp.f32 v33;
	v38 =	vsub.f32 $0.0e+00, v35  }
0x5f3: {  	v34 =	vmul.f32 v51, v34;
	v33 =	vadd.f32 $1.000000000e+00, v52;
	(erf) = vpow2.f32 v37  }
0x5f4: {  	[tilespmem:s2+$0xFFFFFFB0] =	vst v28;
	(erf) = vrcp.f32 v50;
	v53 =	vmul.f32 $1.442695020e+00, v38  }
0x5f5: {  	v28 =	vld [tilespmem:s16+$0xFFFFFFC0];
	[tilespmem:s17+$0xFFFFFFC0] =	vst v34;
	(erf) = vrcp.f32 v33  }
0x5f6: {  	v54 =	vld [tilespmem:s0+$0xFFFFFFD0];
	(erf) = vpow2.f32 v53  }
0x5f7: {  	v55 =	vpop (erf)  }
0x5f8: {  	v36 =	vpop (erf)  }
0x5f9: {  	v56 =	vpop (erf)  }
0x5fa: {  	v27 =	vadd.f32 v28, v27;
	v26 =	vadd.f32 $1.000000000e+00, v56  }
0x5fb: {  	v28 =	vadd.f32 v54, v19;
	v57 =	vpop (erf)  }
0x5fc: {  	v58 =	vsub.f32 $0.0e+00, v27;
	v59 =	vpop (erf);
	(erf) = vrcp.f32 v26  }
0x5fd: {  	v60 =	vsub.f32 $0.0e+00, v28;
	v61 =	vadd.f32 $1.000000000e+00, v59;
	v19 =	vpop (erf)  }
0x5fe: {  	v34 =	vmul.f32 v55, v39;
	v37 =	vmul.f32 $1.442695020e+00, v58;
	v26 =	vpop (erf)  }
0x5ff: {  	v38 =	vmul.f32 $1.442695020e+00, v60;
	(erf) = vrcp.f32 v61;
	v62 =	vpop (erf)  }
0x600: {  	(erf) = vpow2.f32 v37;
	v63 =	vadd.f32 $1.000000000e+00, v62  }
0x601: {  	[tilespmem:s9+$0xFFFFFFD0] =	vst v34;
	(erf) = vpow2.f32 v38  }
0x602: {  	v34 =	vld [tilespmem:s5+$0xFFFFFFE0];
	(erf) = vrcp.f32 v63;
	_ =	sdelay $0x2  }
0x603: {  	v40 =	vpop (erf)  }
0x604: {  	v30 =	vmul.f32 v40, v30  }
0x605: {  	v33 =	vadd.f32 v34, v13  }
0x606: {  	v42 =	vld [tilespmem:s9+$0x70];
	v31 =	vmul.f32 v57, v31;
	v41 =	vpop (erf);
	[tilespmem:s9+$0x60] =	vst v30  }
0x607: {  	v44 =	vsub.f32 $0.0e+00, v33;
	v13 =	vmul.f32 v41, v32;
	v43 =	vpop (erf);
	v45 =	vld [tilespmem:s5+$0x70]  }
0x608: {  	v49 =	vld [tilespmem:s17+$0x60];
	[tilespmem:s21+$0xFFFFFFE0] =	vst v31;
	v46 =	vpop (erf)  }
0x609: {  	v47 =	vld [tilespmem:s8+$0xFFFFFFF0];
	v31 =	vmul.f32 $1.442695020e+00, v44;
	[tilespmem:s17+$0x50] =	vst v13;
	v48 =	vpop (erf)  }
0x60a: {  	v50 =	vld [tilespmem:s0+$0x60];
	v13 =	vmul.f32 v48, v35  }
0x60b: {  	(erf) = vpow2.f32 v31  }
0x60c: {  	v51 =	vld [tilespmem:s2+$0x50];
	[tilespmem:s2+$0x40] =	vst v13;
	v13 =	vadd.f32 v45, v42  }
0x60d: {  	v52 =	vld [tilespmem:s16+$0x50]  }
0x60e: {  	v7 =	vadd.f32 v47, v7;
	v34 =	vsub.f32 $0.0e+00, v13  }
0x60f: {  	v32 =	vadd.f32 $1.000000000e+00, v43;
	v35 =	vadd.f32 v50, v49  }
0x610: {  	v38 =	vsub.f32 $0.0e+00, v7;
	v34 =	vmul.f32 $1.442695020e+00, v34  }
0x611: {  	v37 =	vadd.f32 $1.000000000e+00, v46;
	(erf) = vrcp.f32 v32;
	v53 =	vsub.f32 $0.0e+00, v35  }
0x612: {  	v38 =	vmul.f32 $1.442695020e+00, v38;
	(erf) = vpow2.f32 v34;
	v30 =	vadd.f32 v52, v51  }
0x613: {  	v54 =	vmul.f32 $1.442695020e+00, v53;
	(erf) = vrcp.f32 v37  }
0x614: {  	v55 =	vpop (erf);
	(erf) = vpow2.f32 v38;
	v56 =	vsub.f32 $0.0e+00, v30  }
0x615: {  	v32 =	vadd.f32 $1.000000000e+00, v55;
	(erf) = vpow2.f32 v54  }
0x616: {  	v57 =	vmul.f32 $1.442695020e+00, v56  }
0x617: {  	(erf) = vrcp.f32 v32  }
0x618: {  	(erf) = vpow2.f32 v57;
	_ =	sdelay $0x1  }
0x619: {  	v58 =	vpop (erf)  }
0x61a: {  	v59 =	vpop (erf)  }
0x61b: {  	v60 =	vpop (erf)  }
0x61c: {  	v36 =	vadd.f32 $1.000000000e+00, v36;
	v61 =	vpop (erf)  }
0x61d: {  	v32 =	vadd.f32 $1.000000000e+00, v59;
	v62 =	vpop (erf)  }
0x61e: {  	(erf) = vrcp.f32 v36;
	v63 =	vadd.f32 $1.000000000e+00, v62  }
0x61f: {  	v27 =	vmul.f32 v58, v27;
	(erf) = vrcp.f32 v32;
	v40 =	vpop (erf)  }
0x620: {  	(erf) = vrcp.f32 v63;
	v41 =	vpop (erf)  }
0x621: {  	[tilespmem:s2+$0xFFFFFFC0] =	vst v27;
	v31 =	vadd.f32 $1.000000000e+00, v41  }
0x622: {  	v27 =	vld [tilespmem:s16+$0xFFFFFFD0]  }
0x623: {  	(erf) = vrcp.f32 v31;
	_ =	sdelay $0x3  }
0x624: {  	v23 =	vadd.f32 v27, v23;
	v31 =	vpop (erf)  }
0x625: {  	v27 =	vpop (erf)  }
0x626: {  	v28 =	vmul.f32 v60, v28;
	v43 =	vsub.f32 $0.0e+00, v23;
	v42 =	vpop (erf)  }
0x627: {  	v34 =	vmul.f32 v42, v35  }
0x628: {  	v46 =	vld [tilespmem:s17+$0x70];
	[tilespmem:s17+$0xFFFFFFD0] =	vst v28;
	v44 =	vmul.f32 $1.442695020e+00, v43  }
0x629: {  	v28 =	vld [tilespmem:s0+$0xFFFFFFE0];
	v32 =	vmul.f32 v40, v33;
	[tilespmem:s17+$0x60] =	vst v34;
	v45 =	vpop (erf)  }
0x62a: {  	(erf) = vpow2.f32 v44;
	v30 =	vmul.f32 v45, v30;
	v47 =	vld [tilespmem:s0+$0x70]  }
0x62b: {  	v49 =	vld [tilespmem:s2+$0x60];
	[tilespmem:s9+$0xFFFFFFE0] =	vst v32  }
0x62c: {  	v48 =	vld [tilespmem:s5+$0xFFFFFFF0];
	[tilespmem:s2+$0x50] =	vst v30  }
0x62d: {  	v50 =	vld [tilespmem:s16+$0x60]  }
0x62e: {  	v15 =	vadd.f32 v28, v15  }
0x62f: {  	v28 =	vadd.f32 v47, v46  }
0x630: {  	v51 =	vsub.f32 $0.0e+00, v15  }
0x631: {  	v11 =	vadd.f32 v48, v11;
	v52 =	vsub.f32 $0.0e+00, v28  }
0x632: {  	v32 =	vmul.f32 $1.442695020e+00, v51;
	v30 =	vadd.f32 v50, v49  }
0x633: {  	v53 =	vsub.f32 $0.0e+00, v11;
	v54 =	vpop (erf);
	v33 =	vmul.f32 $1.442695020e+00, v52  }
0x634: {  	(erf) = vpow2.f32 v32;
	v55 =	vadd.f32 $1.000000000e+00, v54;
	v56 =	vsub.f32 $0.0e+00, v30  }
0x635: {  	v34 =	vmul.f32 $1.442695020e+00, v53;
	(erf) = vpow2.f32 v33  }
0x636: {  	(erf) = vrcp.f32 v55;
	v57 =	vmul.f32 $1.442695020e+00, v56  }
0x637: {  	(erf) = vpow2.f32 v34  }
0x638: {  	(erf) = vpow2.f32 v57;
	_ =	sdelay $0x4  }
0x639: {  	v58 =	vpop (erf)  }
0x63a: {  	v33 =	vpop (erf)  }
0x63b: {  	v32 =	vadd.f32 $1.000000000e+00, v58;
	v59 =	vpop (erf)  }
0x63c: {  	v60 =	vadd.f32 $1.000000000e+00, v61;
	v61 =	vpop (erf)  }
0x63d: {  	(erf) = vrcp.f32 v32;
	v62 =	vadd.f32 $1.000000000e+00, v33;
	v63 =	vpop (erf)  }
0x63e: {  	(erf) = vrcp.f32 v60;
	v33 =	vadd.f32 $1.000000000e+00, v63  }
0x63f: {  	(erf) = vrcp.f32 v62  }
0x640: {  	v23 =	vmul.f32 v59, v23;
	(erf) = vrcp.f32 v33;
	_ =	sdelay $0x1  }
0x641: {  	[tilespmem:s2+$0xFFFFFFD0] =	vst v23  }
0x642: {  	v23 =	vld [tilespmem:s16+$0xFFFFFFE0];
	_ =	sdelay $0x2  }
0x643: {  	v37 =	vpop (erf)  }
0x644: {  	v38 =	vpop (erf)  }
0x645: {  	v22 =	vadd.f32 v23, v22;
	v39 =	vpop (erf)  }
0x646: {  	v40 =	vpop (erf)  }
0x647: {  	v41 =	vsub.f32 $0.0e+00, v22;
	v23 =	vmul.f32 v40, v30  }
0x648: {  	v15 =	vmul.f32 v37, v15  }
0x649: {  	v43 =	vld [tilespmem:s2+$0x70];
	v42 =	vmul.f32 $1.442695020e+00, v41;
	[tilespmem:s2+$0x60] =	vst v23  }
0x64a: {  	[tilespmem:s17+$0xFFFFFFE0] =	vst v15;
	v44 =	vld [tilespmem:s16+$0x70]  }
0x64b: {  	v45 =	vld [tilespmem:s0+$0xFFFFFFF0];
	(erf) = vpow2.f32 v42;
	_ =	sdelay $0x3  }
0x64c: {  	v15 =	vadd.f32 v44, v43  }
0x64d: {  	v16 =	vadd.f32 v45, v16  }
0x64e: {  	v46 =	vsub.f32 $0.0e+00, v15  }
0x64f: {  	v47 =	vsub.f32 $0.0e+00, v16  }
0x650: {  	v23 =	vmul.f32 $1.442695020e+00, v46  }
0x651: {  	v30 =	vmul.f32 $1.442695020e+00, v47;
	v48 =	vpop (erf)  }
0x652: {  	v49 =	vadd.f32 $1.000000000e+00, v48;
	(erf) = vpow2.f32 v23  }
0x653: {  	(erf) = vpow2.f32 v30  }
0x654: {  	(erf) = vrcp.f32 v49;
	_ =	sdelay $0x6  }
0x655: {  	v50 =	vpop (erf)  }
0x656: {  	v30 =	vpop (erf)  }
0x657: {  	v51 =	vpop (erf)  }
0x658: {  	v22 =	vmul.f32 v51, v22;
	_ =	sdelay $0x1  }
0x659: {  	[tilespmem:s2+$0xFFFFFFE0] =	vst v22  }
0x65a: {  	v22 =	vld [tilespmem:s16+$0xFFFFFFF0];
	_ =	sdelay $0x4  }
0x65b: {  	v20 =	vadd.f32 v22, v20;
	_ =	sdelay $0x1  }
0x65c: {  	v52 =	vadd.f32 $1.000000000e+00, v61;
	v53 =	vsub.f32 $0.0e+00, v20  }
0x65d: {  	v23 =	vadd.f32 $1.000000000e+00, v50  }
0x65e: {  	(erf) = vrcp.f32 v52;
	v54 =	vmul.f32 $1.442695020e+00, v53  }
0x65f: {  	(erf) = vrcp.f32 v23  }
0x660: {  	(erf) = vpow2.f32 v54;
	_ =	sdelay $0x6  }
0x661: {  	v55 =	vpop (erf)  }
0x662: {  	v9 =	vmul.f32 v25, v9;
	v23 =	vpop (erf)  }
0x663: {  	[tilespmem:s20+$0x70] =	vst v29;
	v12 =	vmul.f32 v24, v12;
	v56 =	vadd.f32 $1.000000000e+00, v30;
	v57 =	vpop (erf)  }
0x664: {  	[tilespmem:s15+$0xFFFFFFF0] =	vst v9;
	v6 =	vmul.f32 v17, v6;
	v59 =	vadd.f32 $1.000000000e+00, v57  }
0x665: {  	[tilespmem:s24+$0x70] =	vst v12;
	v4 =	vmul.f32 v19, v4;
	(erf) = vrcp.f32 v56  }
0x666: {  	v8 =	vmul.f32 v21, v8;
	[tilespmem:s20+$0xFFFFFFF0] =	vst v6;
	(erf) = vrcp.f32 v59  }
0x667: {  	[tilespmem:s24+$0xFFFFFFF0] =	vst v4;
	v4 =	vmul.f32 v31, v5  }
0x668: {  	[tilespmem:s25+$0x70] =	vst v8;
	v58 =	vmul.f32 v14, v18  }
0x669: {  	[tilespmem:s25+$0xFFFFFFF0] =	vst v4;
	v60 =	vmul.f32 v26, v10  }
0x66a: {  	[tilespmem:s19+$0xFFFFFFF0] =	vst v58;
	v61 =	vmul.f32 v27, v13  }
0x66b: {  	[tilespmem:s21+$0x70] =	vst v60;
	v5 =	vmul.f32 v39, v28  }
0x66c: {  	[tilespmem:s9+$0x70] =	vst v61;
	v4 =	vmul.f32 v38, v7  }
0x66d: {  	[tilespmem:s17+$0x70] =	vst v5;
	v5 =	vmul.f32 v23, v15  }
0x66e: {  	[tilespmem:s21+$0xFFFFFFF0] =	vst v4;
	v4 =	vmul.f32 v55, v11;
	v62 =	vpop (erf)  }
0x66f: {  	[tilespmem:s2+$0x70] =	vst v5;
	v5 =	vmul.f32 v62, v16;
	v63 =	vpop (erf)  }
0x670: {  	[tilespmem:s9+$0xFFFFFFF0] =	vst v4;
	v4 =	vmul.f32 v63, v20  }
0x671: {  	[tilespmem:s17+$0xFFFFFFF0] =	vst v5  }
0x672: {  	s1 =	simm.s32 $0xA080;
	s24 =	simm.s32 $0x10100;
	[tilespmem:s2+$0xFFFFFFF0] =	vst v4  }
0x673: {  	[spmem:s31] =	stream.indirect.scatter.add.f32 [tilespmem:s24], [sflag:$0x7], $0x80, s1, s30, $0xb8;
	[tilespmem:$0x1F280] =	vst v63  }
0x674: {  	_ =	swait.ge [sflag:s18], $0x3000  }
0x675: {  	[sflag:s18] =	ssyncset.done $0x0  }
0x676: {  	s25 =	simm.s32 $0x16100;
	s0 =	sadd.s32 $0x3, s14;
	[sflag:s18] =	ssyncadd.s32 $0xFFFFD000  }
0x677: {  	[spmem:s12] =	stream.indirect.scatter.add.f32 [tilespmem:s25], [sflag:$0x7], $0x80, s1, s30, $0xb8;
	[tilespmem:$0x1F280] =	vst v63  }
0x678: {  	p1 =	sge.s32 s0, s10;
	_ =	swait.ge [sflag:s18], $0x3000  }
0x679: {  	s0 =	smul.u32 @!p1 $0x60, s0;
	[sflag:s18] =	ssyncset.done $0x0  }
0x67a: {  	[sflag:s18] =	ssyncadd.s32 $0xFFFFD000  }
0x67b: {  	v4 =	vld @!p1 [tilespmem:s0+$0x4F00];
	_ =	sdelay $0x4  }
0x67c: {  	[tilespmem:$0xA000] =	vst @!p1 v4  }
0x67d: {  	v4 =	vld @!p1 [tilespmem:s0+$0x7700];
	_ =	sdelay $0x4  }
0x67e: {  	[tilespmem:$0xA080] =	vst @!p1 v4  }
0x67f: {  	v4 =	vld @!p1 [tilespmem:s0+$0x4F10];
	_ =	sdelay $0x4  }
0x680: {  	[tilespmem:$0xA010] =	vst @!p1 v4  }
0x681: {  	v4 =	vld @!p1 [tilespmem:s0+$0x7710];
	_ =	sdelay $0x4  }
0x682: {  	[tilespmem:$0xA090] =	vst @!p1 v4  }
0x683: {  	v4 =	vld @!p1 [tilespmem:s0+$0x4F20];
	_ =	sdelay $0x4  }
0x684: {  	[tilespmem:$0xA020] =	vst @!p1 v4  }
0x685: {  	v4 =	vld @!p1 [tilespmem:s0+$0x7720];
	_ =	sdelay $0x4  }
0x686: {  	[tilespmem:$0xA0A0] =	vst @!p1 v4  }
0x687: {  	v4 =	vld @!p1 [tilespmem:s0+$0x4F30];
	_ =	sdelay $0x4  }
0x688: {  	[tilespmem:$0xA030] =	vst @!p1 v4  }
0x689: {  	v4 =	vld @!p1 [tilespmem:s0+$0x7730];
	_ =	sdelay $0x4  }
0x68a: {  	[tilespmem:$0xA0B0] =	vst @!p1 v4  }
0x68b: {  	v4 =	vld @!p1 [tilespmem:s0+$0x4F40];
	_ =	sdelay $0x4  }
0x68c: {  	[tilespmem:$0xA040] =	vst @!p1 v4  }
0x68d: {  	v4 =	vld @!p1 [tilespmem:s0+$0x7740];
	_ =	sdelay $0x4  }
0x68e: {  	[tilespmem:$0xA0C0] =	vst @!p1 v4  }
0x68f: {  	v4 =	vld @!p1 [tilespmem:s0+$0x4F50];
	_ =	sdelay $0x4  }
0x690: {  	[tilespmem:$0xA050] =	vst @!p1 v4  }
0x691: {  	v4 =	vld @!p1 [tilespmem:s0+$0x7750];
	_ =	sdelay $0x3  }
0x692: {  	s2 =	simm.s32 @!p1 $0x10100  }
.Ltmp10:
0x693: {  	s1 =	simm.s32 @!p1 $0xA000;
	s0 =	simm.s32 @!p1 $0x60;
	[tilespmem:$0xA0D0] =	vst @!p1 v4;
	(pc) =	sbr.rel .LBB2_13-.Ltmp10, $4  }
0x694: {  	[tilespmem:s2], [sflag:$0x5] =	stream.indirect.gather @!p1 [hbm4b:s6+s0], $0x80, s1, s0, $0xb8;
	[tilespmem:$0x1F280] =	vst v63  }
0x695: {  	s4 =	smov.u32 s31;
	s1 =	simm.s32 @!p1 $0xA080;
	s2 =	simm.s32 @!p1 $0x13100  }
0x696: {  	[tilespmem:s2], [sflag:$0x6] =	stream.indirect.gather @!p1 [spmem:s11], $0x80, s1, s0, $0xb8;
	[tilespmem:$0x1F280] =	vst v63  }
0x697: {  	s31 =	smov.u32 s12;
	s12 =	smov.u32 s11;
	s11 =	simm.s32 $0xA100  }
.LBB2_15:
0x698: {  	_ =	sfence.sel $0x180000  }
0x699: {  	[bflag:$0x0] =	sbarrier.arrive $0xFFFF  }
0x69a: {  	_ =	strace $0x90000047  }
0x69b: {  	[bflag:$0x2] =	sbarrier.arrive $0xFFFF  }
0x69c: {  	s0 =	rddreg [dreg:$0x4]  }
0x69d: {  	s0 =	sadd.s32 @!p0 $0x100000, s0  }
0x69e: {  	[sflag:s0] =	ssyncadd.tile.s32 @!p0 $0x1;
	_ =	shalt  }
.Lfunc_end2:
_tile_overlayer_lowered:
.L_overlay_start_2:
0x69f: {  	(tag) =	ssettag $0x2  }
0x6a0: {  	s0 =	rddreg [dreg:$0x0];
	s2 =	stileid.u32  }
0x6a1: {  	s1 =	rddreg [dreg:$0x1];
	p0 =	sne.s32 s2, $0x0  }
0x6a2: {  	s3 =	rddreg [dreg:$0x2];
	[bflag:$0x3] =	sbarrier.arrive $0xFFFF;
	s2 =	simm.s32 @!p0 $0x1C07  }
0x6a3: {  	[timem:s3], [sflag:s2] =	dma.local @!p0 [hbm:s0], s1  }
0x6a4: {  	s0 =	simm.s32 @!p0 $0x7  }
0x6a5: {  	_ =	swait.ge @!p0 [sflag:s0], s1  }
0x6a6: {  	s1 =	ssub.s32 @!p0 $0x0, s1;
	[sflag:s0] =	ssyncset.done @!p0 $0x0  }
0x6a7: {  	[sflag:s0] =	ssyncadd.s32 @!p0 s1  }
0x6a8: {  	[bflag:$0x3] =	sbarrier.arrive $0xFFFF  }
0x6a9: {  	_ =	shalt  }

</sc_bundles>
